<compile_context>
chip_gen: v7x
topology: tpu7x:2x2x1
jax: 0.10.2.dev20260603
libtpu: 0.0.44.dev20260713+nightly
codegen_flags: <defaults>
</compile_context>

<pallas_src>
import jax
import jax.numpy as jnp
from jax import lax
from jax.experimental import pallas as pl
from jax.experimental.pallas import tpu as pltpu
from jax.experimental.pallas import tpu_sc as plsc

ALPHA = 0.4
BETA = 0.3
C0 = 1.0 - ALPHA - BETA
V = 1000
S = 2048
B = 4
T_HASH = 8192
N = S * B
NW = 32
PER_W = N // NW
CB = 16
NCH = PER_W // CB
ROWP = 1024
NSL = 63
EP_R = 1024


def _sc_body(text_h, uni_h, big_h, tri_h, out_h,
             txt_v, curi_v, trii_v, unis_v, big_v, tri_v, out_v,
             sem_g0, sem_g1, sem_o0, sem_o1):
    sem_g = (sem_g0, sem_g1)
    sem_o = (sem_o0, sem_o1)
    cid = lax.axis_index("c")
    sid = lax.axis_index("s")
    wid = sid * 2 + cid
    base = wid * PER_W

    pltpu.sync_copy(text_h, txt_v)
    pltpu.sync_copy(uni_h, unis_v.at[pl.ds(0, V)])

    @plsc.parallel_loop(0, NSL, unroll=4)
    def scale_uni(j):
        off = j * 16
        unis_v[pl.ds(off, 16)] = C0 * unis_v[pl.ds(off, 16)]

    def idx_body(s_, _):
        cur = txt_v[pl.ds(base + s_ * 16 + 8, 16)]
        prev = txt_v[pl.ds(base + s_ * 16 + 4, 16)]
        tri = (prev * V + cur) & (T_HASH - 1)
        curi_v[s_, :] = cur
        trii_v[s_, :] = tri
        return 0
    lax.fori_loop(0, PER_W // 16, idx_body, 0)

    def gathers(c, buf):
        cb = pltpu.make_async_copy(big_h.at[curi_v.at[c]], big_v.at[buf],
                                   sem_g[buf])
        ct = pltpu.make_async_copy(tri_h.at[trii_v.at[c]], tri_v.at[buf],
                                   sem_g[buf])
        return cb, ct

    def out_copy(c, buf):
        return pltpu.make_async_copy(out_v.at[buf],
                                     out_h.at[pl.ds(base + c * CB, CB)],
                                     sem_o[buf])

    def chunk_body(c, buf):
        bv = big_v.at[buf]
        tv = tri_v.at[buf]
        ov = out_v.at[buf]

        def row_body(r, _):
            k = base + c * CB + r
            betak = jnp.where(jnp.broadcast_to(k, (16,)) >= 2 * B,
                              jnp.float32(BETA), jnp.float32(0.0))

            @plsc.parallel_loop(0, NSL, unroll=4)
            def p1(j):
                ct_ = j // 8
                cl = (j % 8) * 16
                off = j * 16
                p = (unis_v[pl.ds(off, 16)]
                     + ALPHA * bv[r, ct_, pl.ds(cl, 16)]
                     + betak * tv[r, ct_, pl.ds(cl, 16)])
                ov[r, ct_, pl.ds(cl, 16)] = p
            return 0
        lax.fori_loop(0, CB, row_body, 0)

    g0b, g0t = gathers(0, 0)
    g0b.start()
    g0t.start()
    for c in range(NCH):
        buf = c % 2
        if c + 1 < NCH:
            nb, nt = gathers(c + 1, 1 - buf)
            nb.start()
            nt.start()
        gb, gt = gathers(c, buf)
        gb.wait()
        gt.wait()
        if c >= 2:
            out_copy(c - 2, buf).wait()
        chunk_body(c, buf)
        out_copy(c, buf).start()
    out_copy(NCH - 2, NCH % 2).wait()
    out_copy(NCH - 1, (NCH - 1) % 2).wait()


def _tc_epilogue(p_ref, o_ref):
    x = p_ref[...]
    ct_ = lax.broadcasted_iota(jnp.int32, x.shape, 1)
    cl = lax.broadcasted_iota(jnp.int32, x.shape, 2)
    valid = (ct_ * 128 + cl) < V
    xz = jnp.where(valid, x, 0.0)
    s = jnp.sum(xz, axis=(1, 2), keepdims=True) + 1e-10
    q = jnp.log(1e-10 + xz / s)
    y = q.reshape(EP_R, ROWP)[:, :V].reshape(EP_R // B, B, V)
    o_ref[...] = y


@jax.jit
def kernel(text, unigram, bigram_table, trigram_table):
    textf = jnp.pad(text.reshape(N), (8, 0))
    big3 = jnp.pad(bigram_table, ((0, 0), (0, 24))).reshape(V, 8, 128)
    tri3 = jnp.pad(trigram_table, ((0, 0), (0, 24))).reshape(T_HASH, 8, 128)

    mesh = plsc.VectorSubcoreMesh(core_axis_name="c", subcore_axis_name="s")
    p3 = pl.kernel(
        _sc_body,
        out_type=jax.ShapeDtypeStruct((N, 8, 128), jnp.float32),
        mesh=mesh,
        compiler_params=pltpu.CompilerParams(
            needs_layout_passes=False, use_tc_tiling_on_sc=False),
        scratch_types=[
            pltpu.VMEM((N + 8,), jnp.int32),
            pltpu.VMEM((NCH, CB), jnp.int32),
            pltpu.VMEM((NCH, CB), jnp.int32),
            pltpu.VMEM((ROWP,), jnp.float32),
            pltpu.VMEM((2, CB, 8, 128), jnp.float32),
            pltpu.VMEM((2, CB, 8, 128), jnp.float32),
            pltpu.VMEM((2, CB, 8, 128), jnp.float32),
            pltpu.SemaphoreType.DMA,
            pltpu.SemaphoreType.DMA,
            pltpu.SemaphoreType.DMA,
            pltpu.SemaphoreType.DMA,
        ],
    )(textf, unigram, big3, tri3)

    out = pl.pallas_call(
        _tc_epilogue,
        grid=(N // EP_R,),
        in_specs=[pl.BlockSpec((EP_R, 8, 128), lambda i: (i, 0, 0))],
        out_specs=pl.BlockSpec((EP_R // B, B, V), lambda i: (i, 0, 0)),
        out_shape=jax.ShapeDtypeStruct((S, B, V), jnp.float32),
        compiler_params=pltpu.CompilerParams(
            dimension_semantics=("arbitrary",)),
    )(p3)
    return out

# --- scband reference (transcript-rebuilt; emitter-appended) ---
"""Pipeline reference for scband-bigram-model-23828478558312 (READ-ONLY COPY).

The authoritative reference and input builder live on the scoring server;
editing this copy changes nothing except your own understanding.
"""

import jax, jax.numpy as jnp
import numpy as np

ALPHA = 0.4
BETA = 0.3
V = 1000
S = 2048
B = 4
T_HASH = 8192


def setup_inputs(seed: int = 0) -> dict:
    key = jax.random.key(seed)
    k1, k2, k3, k4 = jax.random.split(key, 4)
    text = jax.random.randint(k1, (S, B), 0, V)
    unigram = jax.random.uniform(k2, (V,), dtype=jnp.float32) + 1e-3
    unigram = unigram / unigram.sum()
    bigram_table = jax.random.uniform(k3, (V, V), dtype=jnp.float32) + 1e-3
    bigram_table = bigram_table / (1e-10 + bigram_table.sum(axis=1, keepdims=True))
    trigram_table = jax.random.uniform(k4, (T_HASH, V), dtype=jnp.float32) + 1e-3
    trigram_table = trigram_table / (1e-10 + trigram_table.sum(axis=1, keepdims=True))
    return {"text": text, "unigram": unigram, "bigram_table": bigram_table, "trigram_table": trigram_table}


def reference(text, unigram, bigram_table, trigram_table):
    # unigram probs broadcast to every position: [S, B, V]
    unigram_probs = jnp.broadcast_to(unigram[None, None, :], (S, B, V))
    # bigram: gather the conditional distribution row for the current word
    bigram_probs = jnp.take(bigram_table, text, axis=0)  # [S, B, V]
    # trigram: context is (text[i-1][j], text[i][j]); hashed into T_HASH rows
    prev = jnp.concatenate([text[:1], text[:-1]], axis=0)
    tri_idx = (prev * V + text) % T_HASH
    trigram_probs = jnp.take(trigram_table, tri_idx, axis=0)  # [S, B, V]
    # original code only fills trigram probs for i > 1
    row_mask = (jnp.arange(S) > 1).astype(jnp.float32)[:, None, None]
    trigram_probs = trigram_probs * row_mask
    probs = (1.0 - ALPHA - BETA) * unigram_probs + ALPHA * bigram_probs + BETA * trigram_probs
    probs = probs / (1e-10 + probs.sum(axis=2, keepdims=True))
    return jnp.log(1e-10 + probs)

if __name__ == "__main__":
    import jax
    _d = setup_inputs()
    print(jax.jit(kernel)(*tuple(_d.values())))

</pallas_src>

<mosaic_0001>
#map = affine_map<(d0, d1) -> (0)>
#map1 = affine_map<(d0, d1) -> (0, 0, 0)>
module attributes {stable_mosaic.version = 14 : i64} {
  func.func @_sc_body(%arg0: i32, %arg1: i32, %arg2: memref<8200xi32, #tpu.memory_space<hbm>>, %arg3: memref<1000xf32, #tpu.memory_space<hbm>>, %arg4: memref<1000x8x128xf32, #tpu.memory_space<hbm>>, %arg5: memref<8192x8x128xf32, #tpu.memory_space<hbm>>, %arg6: memref<8192x8x128xf32, #tpu.memory_space<hbm>>, %arg7: memref<8200xi32, #tpu.memory_space<vmem>>, %arg8: memref<16x16xi32, #tpu.memory_space<vmem>>, %arg9: memref<16x16xi32, #tpu.memory_space<vmem>>, %arg10: memref<1024xf32, #tpu.memory_space<vmem>>, %arg11: memref<2x16x8x128xf32, #tpu.memory_space<vmem>>, %arg12: memref<2x16x8x128xf32, #tpu.memory_space<vmem>>, %arg13: memref<2x16x8x128xf32, #tpu.memory_space<vmem>>, %arg14: memref<!tpu.dma_semaphore, #tpu.memory_space<semaphore_mem>>, %arg15: memref<!tpu.dma_semaphore, #tpu.memory_space<semaphore_mem>>, %arg16: memref<!tpu.dma_semaphore, #tpu.memory_space<semaphore_mem>>, %arg17: memref<!tpu.dma_semaphore, #tpu.memory_space<semaphore_mem>>) attributes {dimension_semantics = [#tpu.dimension_semantics<core_parallel>, #tpu.dimension_semantics<subcore_parallel>], iteration_bounds = array<i64: 2, 16>, scalar_prefetch = 0 : i64, scratch_operands = 11 : i64, tpu.core_type = #tpu.core_type<sc_vector_subcore>, window_params = [{transform_indices = #map}, {transform_indices = #map}, {transform_indices = #map1}, {transform_indices = #map1}, {transform_indices = #map1}]} {
    %mul3A = arith.constant 2 : i32
    %mul3A_0 = arith.muli %arg1, %mul3A : i32
    %add3A = arith.addi %mul3A_0, %arg0 : i32
    %mul3A_1 = arith.constant 256 : i32
    %mul3A_2 = arith.muli %add3A, %mul3A_1 : i32
    "tpu.region"() ({
      %run_scoped3A = tpu.sem_alloc : memref<!tpu.dma_semaphore, #tpu.memory_space<semaphore_mem>>
      tpu.enqueue_dma source(%arg2 : memref<8200xi32, #tpu.memory_space<hbm>>) target(%arg7 : memref<8200xi32, #tpu.memory_space<vmem>>) target_semaphore(%run_scoped3A : memref<!tpu.dma_semaphore, #tpu.memory_space<semaphore_mem>>)
      tpu.wait_dma2 semaphore(%run_scoped3A : memref<!tpu.dma_semaphore, #tpu.memory_space<semaphore_mem>>) src(%arg2 : memref<8200xi32, #tpu.memory_space<hbm>>) dst(%arg7 : memref<8200xi32, #tpu.memory_space<vmem>>)
      tpu.yield
    }) : () -> ()
    "tpu.region"() ({
      %run_scoped3A = tpu.sem_alloc : memref<!tpu.dma_semaphore, #tpu.memory_space<semaphore_mem>>
      %dma_start3A_1673 = arith.constant 0 : i32
      %dma_start3A_1674 = tpu.memref_slice %arg10[%dma_start3A_1673] : memref<1024xf32, #tpu.memory_space<vmem>> -> memref<1000xf32, #tpu.memory_space<vmem>>
      %dma_start3A_1675 = arith.constant 0 : i32
      %dma_start3A_1676 = tpu.memref_slice %arg10[%dma_start3A_1675] : memref<1024xf32, #tpu.memory_space<vmem>> -> memref<1000xf32, #tpu.memory_space<vmem>>
      tpu.enqueue_dma source(%arg3 : memref<1000xf32, #tpu.memory_space<hbm>>) target(%dma_start3A_1676 : memref<1000xf32, #tpu.memory_space<vmem>>) target_semaphore(%run_scoped3A : memref<!tpu.dma_semaphore, #tpu.memory_space<semaphore_mem>>)
      %dma_wait3A_1677 = arith.constant 0 : i32
      %dma_wait3A_1678 = tpu.memref_slice %arg10[%dma_wait3A_1677] : memref<1024xf32, #tpu.memory_space<vmem>> -> memref<1000xf32, #tpu.memory_space<vmem>>
      %dma_wait3A_1679 = arith.constant 0 : i32
      %dma_wait3A_1680 = tpu.memref_slice %arg10[%dma_wait3A_1679] : memref<1024xf32, #tpu.memory_space<vmem>> -> memref<1000xf32, #tpu.memory_space<vmem>>
      tpu.wait_dma2 semaphore(%run_scoped3A : memref<!tpu.dma_semaphore, #tpu.memory_space<semaphore_mem>>) src(%arg3 : memref<1000xf32, #tpu.memory_space<hbm>>) dst(%dma_wait3A_1680 : memref<1000xf32, #tpu.memory_space<vmem>>)
      tpu.yield
    }) : () -> ()
    %parallel_loop3A = arith.constant 0 : i32
    %parallel_loop3A_3 = arith.constant 63 : i32
    %parallel_loop3A_4 = arith.constant 1 : i32
    scf.for %parallel_loop3A_1673 = %parallel_loop3A to %parallel_loop3A_3 step %parallel_loop3A_4  : i32 {
      %parallel_loop3A_1674 = arith.constant 16 : i32
      %parallel_loop3A_1675 = arith.muli %parallel_loop3A_1673, %parallel_loop3A_1674 : i32
      %parallel_loop3A_1676 = arith.index_cast %parallel_loop3A_1675 : i32 to index
      %parallel_loop3A_1677 = tpu.vector_load %arg10[%parallel_loop3A_1676] {strides = array<i32>} : memref<1024xf32, #tpu.memory_space<vmem>>, vector<16xf32>,
      %parallel_loop3A_1678 = arith.constant 3.000000e-01 : f32
      %parallel_loop3A_1679 = vector.broadcast %parallel_loop3A_1678 : f32 to vector<16xf32>
      %parallel_loop3A_1680 = arith.mulf %parallel_loop3A_1679, %parallel_loop3A_1677 : vector<16xf32>
      %parallel_loop3A_1681 = arith.index_cast %parallel_loop3A_1675 : i32 to index
      %parallel_loop3A_1682 = tpu.vector_load %arg10[%parallel_loop3A_1681] {strides = array<i32>} : memref<1024xf32, #tpu.memory_space<vmem>>, vector<16xf32>,
      tpu.vector_store %arg10[%parallel_loop3A_1681], %parallel_loop3A_1680 {strides = array<i32>} : memref<1024xf32, #tpu.memory_space<vmem>>, vector<16xf32>,
    } {sc.loop_unroll_factor = 4 : i64, sc.parallel_access}
    %scan3A = arith.constant 0 : i32
    %scan3A_5 = arith.constant 0 : i32
    %scan3A_6 = arith.constant 16 : i32
    %scan3A_7 = arith.addi %scan3A_5, %scan3A_6 : i32
    %scan3A_8 = arith.constant 1 : i32
    %scan3A_9 = scf.for %scan3A_1673 = %scan3A_5 to %scan3A_7 step %scan3A_8 iter_args(%scan3A_1674 = %scan3A) -> (i32)  : i32 {
      %mul3A_1675 = arith.constant 16 : i32
      %mul3A_1676 = arith.muli %scan3A_1673, %mul3A_1675 : i32
      %add3A_1677 = arith.addi %mul3A_2, %mul3A_1676 : i32
      %add3A_1678 = arith.constant 8 : i32
      %add3A_1679 = arith.addi %add3A_1677, %add3A_1678 : i32
      %get3A = arith.index_cast %add3A_1679 : i32 to index
      %get3A_1680 = tpu.vector_load %arg7[%get3A] {strides = array<i32>} : memref<8200xi32, #tpu.memory_space<vmem>>, vector<16xi32>,
      %mul3A_1681 = arith.constant 16 : i32
      %mul3A_1682 = arith.muli %scan3A_1673, %mul3A_1681 : i32
      %add3A_1683 = arith.addi %mul3A_2, %mul3A_1682 : i32
      %add3A_1684 = arith.constant 4 : i32
      %add3A_1685 = arith.addi %add3A_1683, %add3A_1684 : i32
      %get3A_1686 = arith.index_cast %add3A_1685 : i32 to index
      %get3A_1687 = tpu.vector_load %arg7[%get3A_1686] {strides = array<i32>} : memref<8200xi32, #tpu.memory_space<vmem>>, vector<16xi32>,
      %mul3A_1688 = arith.constant 1000 : i32
      %mul3A_1689 = vector.broadcast %mul3A_1688 : i32 to vector<16xi32>
      %mul3A_1690 = arith.muli %get3A_1687, %mul3A_1689 : vector<16xi32>
      %add3A_1691 = arith.addi %mul3A_1690, %get3A_1680 : vector<16xi32>
      %and3A = arith.constant 8191 : i32
      %and3A_1692 = vector.broadcast %and3A : i32 to vector<16xi32>
      %and3A_1693 = arith.andi %add3A_1691, %and3A_1692 : vector<16xi32>
      %swap3A = arith.index_cast %scan3A_1673 : i32 to index
      %swap3A_1694 = arith.constant 0 : index
      %swap3A_1695 = tpu.vector_load %arg8[%swap3A, %swap3A_1694] {strides = array<i32>} : memref<16x16xi32, #tpu.memory_space<vmem>>, vector<16xi32>,
      tpu.vector_store %arg8[%swap3A, %swap3A_1694], %get3A_1680 {strides = array<i32>} : memref<16x16xi32, #tpu.memory_space<vmem>>, vector<16xi32>,
      %swap3A_1696 = arith.index_cast %scan3A_1673 : i32 to index
      %swap3A_1697 = arith.constant 0 : index
      %swap3A_1698 = tpu.vector_load %arg9[%swap3A_1696, %swap3A_1697] {strides = array<i32>} : memref<16x16xi32, #tpu.memory_space<vmem>>, vector<16xi32>,
      tpu.vector_store %arg9[%swap3A_1696, %swap3A_1697], %and3A_1693 {strides = array<i32>} : memref<16x16xi32, #tpu.memory_space<vmem>>, vector<16xi32>,
      %scan3A_1699 = arith.constant 0 : i32
      scf.yield %scan3A_1699 : i32
    }
    %scan3A_10 = arith.constant 16 : i32
    %dma_start3A = arith.constant 0 : i32
    %dma_start3A_11 = arith.constant 0 : i32
    %dma_start3A_12 = arith.constant 0 : i32
    %dma_start3A_13 = arith.constant 0 : i32
    %dma_start3A_14 = arith.constant 0 : i32
    %dma_start3A_15 = tpu.memref_slice %arg11[%dma_start3A_11, %dma_start3A_12, %dma_start3A_13, %dma_start3A_14] : memref<2x16x8x128xf32, #tpu.memory_space<vmem>> -> memref<1x16x8x128xf32, #tpu.memory_space<vmem>>
    %dma_start3A_16 = tpu.memref_squeeze %dma_start3A_15 : memref<1x16x8x128xf32, #tpu.memory_space<vmem>> -> memref<16x8x128xf32, #tpu.memory_space<vmem>>
    %dma_start3A_17 = arith.constant 0 : i32
    %dma_start3A_18 = tpu.memref_slice %arg8[%dma_start3A, %dma_start3A_17] : memref<16x16xi32, #tpu.memory_space<vmem>> -> memref<1x16xi32, #tpu.memory_space<vmem>>
    %dma_start3A_19 = tpu.memref_squeeze %dma_start3A_18 : memref<1x16xi32, #tpu.memory_space<vmem>> -> memref<16xi32, #tpu.memory_space<vmem>>
    %dma_start3A_20 = arith.constant 0 : i32
    %dma_start3A_21 = arith.constant 0 : i32
    %dma_start3A_22 = arith.constant 0 : i32
    %dma_start3A_23 = tpu.memref_slice %arg4[%dma_start3A_20, %dma_start3A_21, %dma_start3A_22] : memref<1000x8x128xf32, #tpu.memory_space<hbm>> -> memref<1000x8x128xf32, #tpu.memory_space<hbm>>
    tpu.enqueue_indirect_dma source(%dma_start3A_23 : memref<1000x8x128xf32, #tpu.memory_space<hbm>>) target(%dma_start3A_16 : memref<16x8x128xf32, #tpu.memory_space<vmem>>) offsets(%dma_start3A_19 : memref<16xi32, #tpu.memory_space<vmem>>) semaphore(%arg14 : memref<!tpu.dma_semaphore, #tpu.memory_space<semaphore_mem>>)
    %dma_start3A_24 = arith.constant 0 : i32
    %dma_start3A_25 = arith.constant 0 : i32
    %dma_start3A_26 = arith.constant 0 : i32
    %dma_start3A_27 = arith.constant 0 : i32
    %dma_start3A_28 = arith.constant 0 : i32
    %dma_start3A_29 = tpu.memref_slice %arg12[%dma_start3A_25, %dma_start3A_26, %dma_start3A_27, %dma_start3A_28] : memref<2x16x8x128xf32, #tpu.memory_space<vmem>> -> memref<1x16x8x128xf32, #tpu.memory_space<vmem>>
    %dma_start3A_30 = tpu.memref_squeeze %dma_start3A_29 : memref<1x16x8x128xf32, #tpu.memory_space<vmem>> -> memref<16x8x128xf32, #tpu.memory_space<vmem>>
    %dma_start3A_31 = arith.constant 0 : i32
    %dma_start3A_32 = tpu.memref_slice %arg9[%dma_start3A_24, %dma_start3A_31] : memref<16x16xi32, #tpu.memory_space<vmem>> -> memref<1x16xi32, #tpu.memory_space<vmem>>
    %dma_start3A_33 = tpu.memref_squeeze %dma_start3A_32 : memref<1x16xi32, #tpu.memory_space<vmem>> -> memref<16xi32, #tpu.memory_space<vmem>>
    %dma_start3A_34 = arith.constant 0 : i32
    %dma_start3A_35 = arith.constant 0 : i32
    %dma_start3A_36 = arith.constant 0 : i32
    %dma_start3A_37 = tpu.memref_slice %arg5[%dma_start3A_34, %dma_start3A_35, %dma_start3A_36] : memref<8192x8x128xf32, #tpu.memory_space<hbm>> -> memref<8192x8x128xf32, #tpu.memory_space<hbm>>
    tpu.enqueue_indirect_dma source(%dma_start3A_37 : memref<8192x8x128xf32, #tpu.memory_space<hbm>>) target(%dma_start3A_30 : memref<16x8x128xf32, #tpu.memory_space<vmem>>) offsets(%dma_start3A_33 : memref<16xi32, #tpu.memory_space<vmem>>) semaphore(%arg14 : memref<!tpu.dma_semaphore, #tpu.memory_space<semaphore_mem>>)
    %dma_start3A_38 = arith.constant 1 : i32
    %dma_start3A_39 = arith.constant 1 : i32
    %dma_start3A_40 = arith.constant 0 : i32
    %dma_start3A_41 = arith.constant 0 : i32
    %dma_start3A_42 = arith.constant 0 : i32
    %dma_start3A_43 = tpu.memref_slice %arg11[%dma_start3A_39, %dma_start3A_40, %dma_start3A_41, %dma_start3A_42] : memref<2x16x8x128xf32, #tpu.memory_space<vmem>> -> memref<1x16x8x128xf32, #tpu.memory_space<vmem>>
    %dma_start3A_44 = tpu.memref_squeeze %dma_start3A_43 : memref<1x16x8x128xf32, #tpu.memory_space<vmem>> -> memref<16x8x128xf32, #tpu.memory_space<vmem>>
    %dma_start3A_45 = arith.constant 0 : i32
    %dma_start3A_46 = tpu.memref_slice %arg8[%dma_start3A_38, %dma_start3A_45] : memref<16x16xi32, #tpu.memory_space<vmem>> -> memref<1x16xi32, #tpu.memory_space<vmem>>
    %dma_start3A_47 = tpu.memref_squeeze %dma_start3A_46 : memref<1x16xi32, #tpu.memory_space<vmem>> -> memref<16xi32, #tpu.memory_space<vmem>>
    %dma_start3A_48 = arith.constant 0 : i32
    %dma_start3A_49 = arith.constant 0 : i32
    %dma_start3A_50 = arith.constant 0 : i32
    %dma_start3A_51 = tpu.memref_slice %arg4[%dma_start3A_48, %dma_start3A_49, %dma_start3A_50] : memref<1000x8x128xf32, #tpu.memory_space<hbm>> -> memref<1000x8x128xf32, #tpu.memory_space<hbm>>
    tpu.enqueue_indirect_dma source(%dma_start3A_51 : memref<1000x8x128xf32, #tpu.memory_space<hbm>>) target(%dma_start3A_44 : memref<16x8x128xf32, #tpu.memory_space<vmem>>) offsets(%dma_start3A_47 : memref<16xi32, #tpu.memory_space<vmem>>) semaphore(%arg15 : memref<!tpu.dma_semaphore, #tpu.memory_space<semaphore_mem>>)
    %dma_start3A_52 = arith.constant 1 : i32
    %dma_start3A_53 = arith.constant 1 : i32
    %dma_start3A_54 = arith.constant 0 : i32
    %dma_start3A_55 = arith.constant 0 : i32
    %dma_start3A_56 = arith.constant 0 : i32
    %dma_start3A_57 = tpu.memref_slice %arg12[%dma_start3A_53, %dma_start3A_54, %dma_start3A_55, %dma_start3A_56] : memref<2x16x8x128xf32, #tpu.memory_space<vmem>> -> memref<1x16x8x128xf32, #tpu.memory_space<vmem>>
    %dma_start3A_58 = tpu.memref_squeeze %dma_start3A_57 : memref<1x16x8x128xf32, #tpu.memory_space<vmem>> -> memref<16x8x128xf32, #tpu.memory_space<vmem>>
    %dma_start3A_59 = arith.constant 0 : i32
    %dma_start3A_60 = tpu.memref_slice %arg9[%dma_start3A_52, %dma_start3A_59] : memref<16x16xi32, #tpu.memory_space<vmem>> -> memref<1x16xi32, #tpu.memory_space<vmem>>
    %dma_start3A_61 = tpu.memref_squeeze %dma_start3A_60 : memref<1x16xi32, #tpu.memory_space<vmem>> -> memref<16xi32, #tpu.memory_space<vmem>>
    %dma_start3A_62 = arith.constant 0 : i32
    %dma_start3A_63 = arith.constant 0 : i32
    %dma_start3A_64 = arith.constant 0 : i32
    %dma_start3A_65 = tpu.memref_slice %arg5[%dma_start3A_62, %dma_start3A_63, %dma_start3A_64] : memref<8192x8x128xf32, #tpu.memory_space<hbm>> -> memref<8192x8x128xf32, #tpu.memory_space<hbm>>
    tpu.enqueue_indirect_dma source(%dma_start3A_65 : memref<8192x8x128xf32, #tpu.memory_space<hbm>>) target(%dma_start3A_58 : memref<16x8x128xf32, #tpu.memory_space<vmem>>) offsets(%dma_start3A_61 : memref<16xi32, #tpu.memory_space<vmem>>) semaphore(%arg15 : memref<!tpu.dma_semaphore, #tpu.memory_space<semaphore_mem>>)
    %dma_wait3A = arith.constant 0 : i32
    %dma_wait3A_66 = arith.constant 0 : i32
    %dma_wait3A_67 = arith.constant 0 : i32
    %dma_wait3A_68 = arith.constant 0 : i32
    %dma_wait3A_69 = arith.constant 0 : i32
    %dma_wait3A_70 = tpu.memref_slice %arg11[%dma_wait3A_66, %dma_wait3A_67, %dma_wait3A_68, %dma_wait3A_69] : memref<2x16x8x128xf32, #tpu.memory_space<vmem>> -> memref<1x16x8x128xf32, #tpu.memory_space<vmem>>
    %dma_wait3A_71 = tpu.memref_squeeze %dma_wait3A_70 : memref<1x16x8x128xf32, #tpu.memory_space<vmem>> -> memref<16x8x128xf32, #tpu.memory_space<vmem>>
    %dma_wait3A_72 = arith.constant 0 : i32
    %dma_wait3A_73 = tpu.memref_slice %arg8[%dma_wait3A, %dma_wait3A_72] : memref<16x16xi32, #tpu.memory_space<vmem>> -> memref<1x16xi32, #tpu.memory_space<vmem>>
    %dma_wait3A_74 = tpu.memref_squeeze %dma_wait3A_73 : memref<1x16xi32, #tpu.memory_space<vmem>> -> memref<16xi32, #tpu.memory_space<vmem>>
    %dma_wait3A_75 = arith.constant 0 : i32
    %dma_wait3A_76 = arith.constant 0 : i32
    %dma_wait3A_77 = arith.constant 0 : i32
    %dma_wait3A_78 = tpu.memref_slice %arg4[%dma_wait3A_75, %dma_wait3A_76, %dma_wait3A_77] : memref<1000x8x128xf32, #tpu.memory_space<hbm>> -> memref<1000x8x128xf32, #tpu.memory_space<hbm>>
    tpu.wait_indirect_dma semaphore(%arg14 : memref<!tpu.dma_semaphore, #tpu.memory_space<semaphore_mem>>) src(%dma_wait3A_78 : memref<1000x8x128xf32, #tpu.memory_space<hbm>>) dst(%dma_wait3A_71 : memref<16x8x128xf32, #tpu.memory_space<vmem>>)
    %dma_wait3A_79 = arith.constant 0 : i32
    %dma_wait3A_80 = arith.constant 0 : i32
    %dma_wait3A_81 = arith.constant 0 : i32
    %dma_wait3A_82 = arith.constant 0 : i32
    %dma_wait3A_83 = arith.constant 0 : i32
    %dma_wait3A_84 = tpu.memref_slice %arg12[%dma_wait3A_80, %dma_wait3A_81, %dma_wait3A_82, %dma_wait3A_83] : memref<2x16x8x128xf32, #tpu.memory_space<vmem>> -> memref<1x16x8x128xf32, #tpu.memory_space<vmem>>
    %dma_wait3A_85 = tpu.memref_squeeze %dma_wait3A_84 : memref<1x16x8x128xf32, #tpu.memory_space<vmem>> -> memref<16x8x128xf32, #tpu.memory_space<vmem>>
    %dma_wait3A_86 = arith.constant 0 : i32
    %dma_wait3A_87 = tpu.memref_slice %arg9[%dma_wait3A_79, %dma_wait3A_86] : memref<16x16xi32, #tpu.memory_space<vmem>> -> memref<1x16xi32, #tpu.memory_space<vmem>>
    %dma_wait3A_88 = tpu.memref_squeeze %dma_wait3A_87 : memref<1x16xi32, #tpu.memory_space<vmem>> -> memref<16xi32, #tpu.memory_space<vmem>>
    %dma_wait3A_89 = arith.constant 0 : i32
    %dma_wait3A_90 = arith.constant 0 : i32
    %dma_wait3A_91 = arith.constant 0 : i32
    %dma_wait3A_92 = tpu.memref_slice %arg5[%dma_wait3A_89, %dma_wait3A_90, %dma_wait3A_91] : memref<8192x8x128xf32, #tpu.memory_space<hbm>> -> memref<8192x8x128xf32, #tpu.memory_space<hbm>>
    tpu.wait_indirect_dma semaphore(%arg14 : memref<!tpu.dma_semaphore, #tpu.memory_space<semaphore_mem>>) src(%dma_wait3A_92 : memref<8192x8x128xf32, #tpu.memory_space<hbm>>) dst(%dma_wait3A_85 : memref<16x8x128xf32, #tpu.memory_space<vmem>>)
    %scan3A_93 = arith.constant 0 : i32
    %scan3A_94 = arith.constant 0 : i32
    %scan3A_95 = arith.constant 0 : i32
    %scan3A_96 = arith.constant 0 : i32
    %scan3A_97 = arith.constant 0 : i32
    %scan3A_98 = arith.constant 16 : i32
    %scan3A_99 = arith.addi %scan3A_97, %scan3A_98 : i32
    %scan3A_100 = arith.constant 1 : i32
    %scan3A_101 = scf.for %scan3A_1673 = %scan3A_97 to %scan3A_99 step %scan3A_100 iter_args(%scan3A_1674 = %scan3A_96) -> (i32)  : i32 {
      %add3A_1675 = arith.constant 0 : i32
      %add3A_1676 = arith.addi %mul3A_2, %add3A_1675 : i32
      %add3A_1677 = arith.addi %add3A_1676, %scan3A_1673 : i32
      %broadcast_in_dim3A = vector.broadcast %add3A_1677 : i32 to vector<16xi32>
      %ge3A = arith.constant 8 : i32
      %ge3A_1678 = vector.broadcast %ge3A : i32 to vector<16xi32>
      %ge3A_1679 = arith.cmpi sge, %broadcast_in_dim3A, %ge3A_1678 : vector<16xi32>
      %jit3A = arith.constant 3.000000e-01 : f32
      %jit3A_1680 = arith.constant 0.000000e+00 : f32
      %broadcast_in_dim3A_1681 = vector.broadcast %jit3A : f32 to vector<16xf32>
      %broadcast_in_dim3A_1682 = vector.broadcast %jit3A_1680 : f32 to vector<16xf32>
      %select_n3A = arith.select %ge3A_1679, %broadcast_in_dim3A_1681, %broadcast_in_dim3A_1682 : vector<16xi1>, vector<16xf32>
      %parallel_loop3A_1683 = arith.constant 0 : i32
      %parallel_loop3A_1684 = arith.constant 63 : i32
      %parallel_loop3A_1685 = arith.constant 1 : i32
      scf.for %parallel_loop3A_1687 = %parallel_loop3A_1683 to %parallel_loop3A_1684 step %parallel_loop3A_1685  : i32 {
        %parallel_loop3A_1688 = arith.constant 8 : i32
        %parallel_loop3A_1689 = arith.divsi %parallel_loop3A_1687, %parallel_loop3A_1688 : i32
        %parallel_loop3A_1690 = arith.constant 0 : i32
        %parallel_loop3A_1691 = arith.cmpi sgt, %parallel_loop3A_1687, %parallel_loop3A_1690 : i32
        %parallel_loop3A_1692 = arith.extui %parallel_loop3A_1691 : i1 to i32
        %parallel_loop3A_1693 = arith.constant 0 : i32
        %parallel_loop3A_1694 = arith.cmpi slt, %parallel_loop3A_1687, %parallel_loop3A_1693 : i32
        %parallel_loop3A_1695 = arith.extui %parallel_loop3A_1694 : i1 to i32
        %parallel_loop3A_1696 = arith.subi %parallel_loop3A_1692, %parallel_loop3A_1695 : i32
        %parallel_loop3A_1697 = arith.constant 0 : i32
        %parallel_loop3A_1698 = arith.cmpi sgt, %parallel_loop3A_1688, %parallel_loop3A_1697 : i32
        %parallel_loop3A_1699 = arith.extui %parallel_loop3A_1698 : i1 to i32
        %parallel_loop3A_1700 = arith.constant 0 : i32
        %parallel_loop3A_1701 = arith.cmpi slt, %parallel_loop3A_1688, %parallel_loop3A_1700 : i32
        %parallel_loop3A_1702 = arith.extui %parallel_loop3A_1701 : i1 to i32
        %parallel_loop3A_1703 = arith.subi %parallel_loop3A_1699, %parallel_loop3A_1702 : i32
        %parallel_loop3A_1704 = arith.cmpi ne, %parallel_loop3A_1696, %parallel_loop3A_1703 : i32
        %parallel_loop3A_1705 = arith.remsi %parallel_loop3A_1687, %parallel_loop3A_1688 : i32
        %parallel_loop3A_1706 = arith.constant 0 : i32
        %parallel_loop3A_1707 = arith.cmpi ne, %parallel_loop3A_1705, %parallel_loop3A_1706 : i32
        %parallel_loop3A_1708 = arith.andi %parallel_loop3A_1704, %parallel_loop3A_1707 : i1
        %parallel_loop3A_1709 = arith.constant 1 : i32
        %parallel_loop3A_1710 = arith.subi %parallel_loop3A_1689, %parallel_loop3A_1709 : i32
        %parallel_loop3A_1711 = arith.select %parallel_loop3A_1708, %parallel_loop3A_1710, %parallel_loop3A_1689 : i32
        %parallel_loop3A_1712 = arith.constant 8 : i32
        %parallel_loop3A_1713 = arith.constant 0 : i32
        %parallel_loop3A_1714 = arith.cmpi eq, %parallel_loop3A_1712, %parallel_loop3A_1713 : i32
        %parallel_loop3A_1715 = arith.constant 1 : i32
        %parallel_loop3A_1716 = arith.select %parallel_loop3A_1714, %parallel_loop3A_1715, %parallel_loop3A_1712 : i32
        %parallel_loop3A_1717 = arith.remsi %parallel_loop3A_1687, %parallel_loop3A_1716 : i32
        %parallel_loop3A_1718 = arith.constant 0 : i32
        %parallel_loop3A_1719 = arith.cmpi ne, %parallel_loop3A_1717, %parallel_loop3A_1718 : i32
        %parallel_loop3A_1720 = arith.constant 0 : i32
        %parallel_loop3A_1721 = arith.cmpi slt, %parallel_loop3A_1717, %parallel_loop3A_1720 : i32
        %parallel_loop3A_1722 = arith.constant 0 : i32
        %parallel_loop3A_1723 = arith.cmpi slt, %parallel_loop3A_1716, %parallel_loop3A_1722 : i32
        %parallel_loop3A_1724 = arith.xori %parallel_loop3A_1721, %parallel_loop3A_1723 : i1
        %parallel_loop3A_1725 = arith.andi %parallel_loop3A_1724, %parallel_loop3A_1719 : i1
        %parallel_loop3A_1726 = arith.addi %parallel_loop3A_1717, %parallel_loop3A_1716 : i32
        %parallel_loop3A_1727 = arith.select %parallel_loop3A_1725, %parallel_loop3A_1726, %parallel_loop3A_1717 : i32
        %parallel_loop3A_1728 = arith.constant 16 : i32
        %parallel_loop3A_1729 = arith.muli %parallel_loop3A_1727, %parallel_loop3A_1728 : i32
        %parallel_loop3A_1730 = arith.constant 16 : i32
        %parallel_loop3A_1731 = arith.muli %parallel_loop3A_1687, %parallel_loop3A_1730 : i32
        %parallel_loop3A_1732 = arith.index_cast %parallel_loop3A_1731 : i32 to index
        %parallel_loop3A_1733 = tpu.vector_load %arg10[%parallel_loop3A_1732] {strides = array<i32>} : memref<1024xf32, #tpu.memory_space<vmem>>, vector<16xf32>,
        %parallel_loop3A_1734 = arith.constant 0 : i32
        %parallel_loop3A_1735 = arith.constant 0 : i32
        %parallel_loop3A_1736 = arith.constant 0 : i32
        %parallel_loop3A_1737 = tpu.memref_slice %arg11[%scan3A_93, %parallel_loop3A_1734, %parallel_loop3A_1735, %parallel_loop3A_1736] : memref<2x16x8x128xf32, #tpu.memory_space<vmem>> -> memref<1x16x8x128xf32, #tpu.memory_space<vmem>>
        %parallel_loop3A_1738 = tpu.memref_squeeze %parallel_loop3A_1737 : memref<1x16x8x128xf32, #tpu.memory_space<vmem>> -> memref<16x8x128xf32, #tpu.memory_space<vmem>>
        %parallel_loop3A_1739 = arith.index_cast %scan3A_1673 : i32 to index
        %parallel_loop3A_1740 = arith.index_cast %parallel_loop3A_1711 : i32 to index
        %parallel_loop3A_1741 = arith.index_cast %parallel_loop3A_1729 : i32 to index
        %parallel_loop3A_1742 = tpu.vector_load %parallel_loop3A_1738[%parallel_loop3A_1739, %parallel_loop3A_1740, %parallel_loop3A_1741] {strides = array<i32>} : memref<16x8x128xf32, #tpu.memory_space<vmem>>, vector<16xf32>,
        %parallel_loop3A_1743 = arith.constant 4.000000e-01 : f32
        %parallel_loop3A_1744 = vector.broadcast %parallel_loop3A_1743 : f32 to vector<16xf32>
        %parallel_loop3A_1745 = arith.mulf %parallel_loop3A_1744, %parallel_loop3A_1742 : vector<16xf32>
        %parallel_loop3A_1746 = arith.addf %parallel_loop3A_1733, %parallel_loop3A_1745 : vector<16xf32>
        %parallel_loop3A_1747 = arith.constant 0 : i32
        %parallel_loop3A_1748 = arith.constant 0 : i32
        %parallel_loop3A_1749 = arith.constant 0 : i32
        %parallel_loop3A_1750 = tpu.memref_slice %arg12[%scan3A_94, %parallel_loop3A_1747, %parallel_loop3A_1748, %parallel_loop3A_1749] : memref<2x16x8x128xf32, #tpu.memory_space<vmem>> -> memref<1x16x8x128xf32, #tpu.memory_space<vmem>>
        %parallel_loop3A_1751 = tpu.memref_squeeze %parallel_loop3A_1750 : memref<1x16x8x128xf32, #tpu.memory_space<vmem>> -> memref<16x8x128xf32, #tpu.memory_space<vmem>>
        %parallel_loop3A_1752 = arith.index_cast %scan3A_1673 : i32 to index
        %parallel_loop3A_1753 = arith.index_cast %parallel_loop3A_1711 : i32 to index
        %parallel_loop3A_1754 = arith.index_cast %parallel_loop3A_1729 : i32 to index
        %parallel_loop3A_1755 = tpu.vector_load %parallel_loop3A_1751[%parallel_loop3A_1752, %parallel_loop3A_1753, %parallel_loop3A_1754] {strides = array<i32>} : memref<16x8x128xf32, #tpu.memory_space<vmem>>, vector<16xf32>,
        %parallel_loop3A_1756 = arith.mulf %select_n3A, %parallel_loop3A_1755 : vector<16xf32>
        %parallel_loop3A_1757 = arith.addf %parallel_loop3A_1746, %parallel_loop3A_1756 : vector<16xf32>
        %parallel_loop3A_1758 = arith.constant 0 : i32
        %parallel_loop3A_1759 = arith.constant 0 : i32
        %parallel_loop3A_1760 = arith.constant 0 : i32
        %parallel_loop3A_1761 = tpu.memref_slice %arg13[%scan3A_95, %parallel_loop3A_1758, %parallel_loop3A_1759, %parallel_loop3A_1760] : memref<2x16x8x128xf32, #tpu.memory_space<vmem>> -> memref<1x16x8x128xf32, #tpu.memory_space<vmem>>
        %parallel_loop3A_1762 = tpu.memref_squeeze %parallel_loop3A_1761 : memref<1x16x8x128xf32, #tpu.memory_space<vmem>> -> memref<16x8x128xf32, #tpu.memory_space<vmem>>
        %parallel_loop3A_1763 = arith.index_cast %scan3A_1673 : i32 to index
        %parallel_loop3A_1764 = arith.index_cast %parallel_loop3A_1711 : i32 to index
        %parallel_loop3A_1765 = arith.index_cast %parallel_loop3A_1729 : i32 to index
        %parallel_loop3A_1766 = tpu.vector_load %parallel_loop3A_1762[%parallel_loop3A_1763, %parallel_loop3A_1764, %parallel_loop3A_1765] {strides = array<i32>} : memref<16x8x128xf32, #tpu.memory_space<vmem>>, vector<16xf32>,
        tpu.vector_store %parallel_loop3A_1762[%parallel_loop3A_1763, %parallel_loop3A_1764, %parallel_loop3A_1765], %parallel_loop3A_1757 {strides = array<i32>} : memref<16x8x128xf32, #tpu.memory_space<vmem>>, vector<16xf32>,
      } {sc.loop_unroll_factor = 4 : i64, sc.parallel_access}
      %scan3A_1686 = arith.constant 0 : i32
      scf.yield %scan3A_1686 : i32
    }
    %scan3A_102 = arith.constant 16 : i32
    %add3A_103 = arith.constant 0 : i32
    %add3A_104 = arith.addi %mul3A_2, %add3A_103 : i32
    %dma_start3A_105 = arith.constant 0 : i32
    %dma_start3A_106 = arith.constant 0 : i32
    %dma_start3A_107 = arith.constant 0 : i32
    %dma_start3A_108 = arith.constant 0 : i32
    %dma_start3A_109 = tpu.memref_slice %arg13[%dma_start3A_105, %dma_start3A_106, %dma_start3A_107, %dma_start3A_108] : memref<2x16x8x128xf32, #tpu.memory_space<vmem>> -> memref<1x16x8x128xf32, #tpu.memory_space<vmem>>
    %dma_start3A_110 = tpu.memref_squeeze %dma_start3A_109 : memref<1x16x8x128xf32, #tpu.memory_space<vmem>> -> memref<16x8x128xf32, #tpu.memory_space<vmem>>
    %dma_start3A_111 = arith.constant 0 : i32
    %dma_start3A_112 = arith.constant 0 : i32
    %dma_start3A_113 = tpu.memref_slice %arg6[%add3A_104, %dma_start3A_111, %dma_start3A_112] : memref<8192x8x128xf32, #tpu.memory_space<hbm>> -> memref<16x8x128xf32, #tpu.memory_space<hbm>>
    %dma_start3A_114 = arith.constant 0 : i32
    %dma_start3A_115 = arith.constant 0 : i32
    %dma_start3A_116 = tpu.memref_slice %arg6[%add3A_104, %dma_start3A_114, %dma_start3A_115] : memref<8192x8x128xf32, #tpu.memory_space<hbm>> -> memref<16x8x128xf32, #tpu.memory_space<hbm>>
    %dma_start3A_117 = arith.constant 0 : i32
    %dma_start3A_118 = arith.constant 0 : i32
    %dma_start3A_119 = arith.constant 0 : i32
    %dma_start3A_120 = tpu.memref_slice %arg13[%dma_start3A_105, %dma_start3A_117, %dma_start3A_118, %dma_start3A_119] : memref<2x16x8x128xf32, #tpu.memory_space<vmem>> -> memref<1x16x8x128xf32, #tpu.memory_space<vmem>>
    %dma_start3A_121 = tpu.memref_squeeze %dma_start3A_120 : memref<1x16x8x128xf32, #tpu.memory_space<vmem>> -> memref<16x8x128xf32, #tpu.memory_space<vmem>>
    tpu.enqueue_dma source(%dma_start3A_121 : memref<16x8x128xf32, #tpu.memory_space<vmem>>) target(%dma_start3A_116 : memref<16x8x128xf32, #tpu.memory_space<hbm>>) target_semaphore(%arg16 : memref<!tpu.dma_semaphore, #tpu.memory_space<semaphore_mem>>)
    %dma_start3A_122 = arith.constant 2 : i32
    %dma_start3A_123 = arith.constant 0 : i32
    %dma_start3A_124 = arith.constant 0 : i32
    %dma_start3A_125 = arith.constant 0 : i32
    %dma_start3A_126 = arith.constant 0 : i32
    %dma_start3A_127 = tpu.memref_slice %arg11[%dma_start3A_123, %dma_start3A_124, %dma_start3A_125, %dma_start3A_126] : memref<2x16x8x128xf32, #tpu.memory_space<vmem>> -> memref<1x16x8x128xf32, #tpu.memory_space<vmem>>
    %dma_start3A_128 = tpu.memref_squeeze %dma_start3A_127 : memref<1x16x8x128xf32, #tpu.memory_space<vmem>> -> memref<16x8x128xf32, #tpu.memory_space<vmem>>
    %dma_start3A_129 = arith.constant 0 : i32
    %dma_start3A_130 = tpu.memref_slice %arg8[%dma_start3A_122, %dma_start3A_129] : memref<16x16xi32, #tpu.memory_space<vmem>> -> memref<1x16xi32, #tpu.memory_space<vmem>>
    %dma_start3A_131 = tpu.memref_squeeze %dma_start3A_130 : memref<1x16xi32, #tpu.memory_space<vmem>> -> memref<16xi32, #tpu.memory_space<vmem>>
    %dma_start3A_132 = arith.constant 0 : i32
    %dma_start3A_133 = arith.constant 0 : i32
    %dma_start3A_134 = arith.constant 0 : i32
    %dma_start3A_135 = tpu.memref_slice %arg4[%dma_start3A_132, %dma_start3A_133, %dma_start3A_134] : memref<1000x8x128xf32, #tpu.memory_space<hbm>> -> memref<1000x8x128xf32, #tpu.memory_space<hbm>>
    tpu.enqueue_indirect_dma source(%dma_start3A_135 : memref<1000x8x128xf32, #tpu.memory_space<hbm>>) target(%dma_start3A_128 : memref<16x8x128xf32, #tpu.memory_space<vmem>>) offsets(%dma_start3A_131 : memref<16xi32, #tpu.memory_space<vmem>>) semaphore(%arg14 : memref<!tpu.dma_semaphore, #tpu.memory_space<semaphore_mem>>)
    %dma_start3A_136 = arith.constant 2 : i32
    %dma_start3A_137 = arith.constant 0 : i32
    %dma_start3A_138 = arith.constant 0 : i32
    %dma_start3A_139 = arith.constant 0 : i32
    %dma_start3A_140 = arith.constant 0 : i32
    %dma_start3A_141 = tpu.memref_slice %arg12[%dma_start3A_137, %dma_start3A_138, %dma_start3A_139, %dma_start3A_140] : memref<2x16x8x128xf32, #tpu.memory_space<vmem>> -> memref<1x16x8x128xf32, #tpu.memory_space<vmem>>
    %dma_start3A_142 = tpu.memref_squeeze %dma_start3A_141 : memref<1x16x8x128xf32, #tpu.memory_space<vmem>> -> memref<16x8x128xf32, #tpu.memory_space<vmem>>
    %dma_start3A_143 = arith.constant 0 : i32
    %dma_start3A_144 = tpu.memref_slice %arg9[%dma_start3A_136, %dma_start3A_143] : memref<16x16xi32, #tpu.memory_space<vmem>> -> memref<1x16xi32, #tpu.memory_space<vmem>>
    %dma_start3A_145 = tpu.memref_squeeze %dma_start3A_144 : memref<1x16xi32, #tpu.memory_space<vmem>> -> memref<16xi32, #tpu.memory_space<vmem>>
    %dma_start3A_146 = arith.constant 0 : i32
    %dma_start3A_147 = arith.constant 0 : i32
    %dma_start3A_148 = arith.constant 0 : i32
    %dma_start3A_149 = tpu.memref_slice %arg5[%dma_start3A_146, %dma_start3A_147, %dma_start3A_148] : memref<8192x8x128xf32, #tpu.memory_space<hbm>> -> memref<8192x8x128xf32, #tpu.memory_space<hbm>>
    tpu.enqueue_indirect_dma source(%dma_start3A_149 : memref<8192x8x128xf32, #tpu.memory_space<hbm>>) target(%dma_start3A_142 : memref<16x8x128xf32, #tpu.memory_space<vmem>>) offsets(%dma_start3A_145 : memref<16xi32, #tpu.memory_space<vmem>>) semaphore(%arg14 : memref<!tpu.dma_semaphore, #tpu.memory_space<semaphore_mem>>)
    %dma_wait3A_150 = arith.constant 1 : i32
    %dma_wait3A_151 = arith.constant 1 : i32
    %dma_wait3A_152 = arith.constant 0 : i32
    %dma_wait3A_153 = arith.constant 0 : i32
    %dma_wait3A_154 = arith.constant 0 : i32
    %dma_wait3A_155 = tpu.memref_slice %arg11[%dma_wait3A_151, %dma_wait3A_152, %dma_wait3A_153, %dma_wait3A_154] : memref<2x16x8x128xf32, #tpu.memory_space<vmem>> -> memref<1x16x8x128xf32, #tpu.memory_space<vmem>>
    %dma_wait3A_156 = tpu.memref_squeeze %dma_wait3A_155 : memref<1x16x8x128xf32, #tpu.memory_space<vmem>> -> memref<16x8x128xf32, #tpu.memory_space<vmem>>
    %dma_wait3A_157 = arith.constant 0 : i32
    %dma_wait3A_158 = tpu.memref_slice %arg8[%dma_wait3A_150, %dma_wait3A_157] : memref<16x16xi32, #tpu.memory_space<vmem>> -> memref<1x16xi32, #tpu.memory_space<vmem>>
    %dma_wait3A_159 = tpu.memref_squeeze %dma_wait3A_158 : memref<1x16xi32, #tpu.memory_space<vmem>> -> memref<16xi32, #tpu.memory_space<vmem>>
    %dma_wait3A_160 = arith.constant 0 : i32
    %dma_wait3A_161 = arith.constant 0 : i32
    %dma_wait3A_162 = arith.constant 0 : i32
    %dma_wait3A_163 = tpu.memref_slice %arg4[%dma_wait3A_160, %dma_wait3A_161, %dma_wait3A_162] : memref<1000x8x128xf32, #tpu.memory_space<hbm>> -> memref<1000x8x128xf32, #tpu.memory_space<hbm>>
    tpu.wait_indirect_dma semaphore(%arg15 : memref<!tpu.dma_semaphore, #tpu.memory_space<semaphore_mem>>) src(%dma_wait3A_163 : memref<1000x8x128xf32, #tpu.memory_space<hbm>>) dst(%dma_wait3A_156 : memref<16x8x128xf32, #tpu.memory_space<vmem>>)
    %dma_wait3A_164 = arith.constant 1 : i32
    %dma_wait3A_165 = arith.constant 1 : i32
    %dma_wait3A_166 = arith.constant 0 : i32
    %dma_wait3A_167 = arith.constant 0 : i32
    %dma_wait3A_168 = arith.constant 0 : i32
    %dma_wait3A_169 = tpu.memref_slice %arg12[%dma_wait3A_165, %dma_wait3A_166, %dma_wait3A_167, %dma_wait3A_168] : memref<2x16x8x128xf32, #tpu.memory_space<vmem>> -> memref<1x16x8x128xf32, #tpu.memory_space<vmem>>
    %dma_wait3A_170 = tpu.memref_squeeze %dma_wait3A_169 : memref<1x16x8x128xf32, #tpu.memory_space<vmem>> -> memref<16x8x128xf32, #tpu.memory_space<vmem>>
    %dma_wait3A_171 = arith.constant 0 : i32
    %dma_wait3A_172 = tpu.memref_slice %arg9[%dma_wait3A_164, %dma_wait3A_171] : memref<16x16xi32, #tpu.memory_space<vmem>> -> memref<1x16xi32, #tpu.memory_space<vmem>>
    %dma_wait3A_173 = tpu.memref_squeeze %dma_wait3A_172 : memref<1x16xi32, #tpu.memory_space<vmem>> -> memref<16xi32, #tpu.memory_space<vmem>>
    %dma_wait3A_174 = arith.constant 0 : i32
    %dma_wait3A_175 = arith.constant 0 : i32
    %dma_wait3A_176 = arith.constant 0 : i32
    %dma_wait3A_177 = tpu.memref_slice %arg5[%dma_wait3A_174, %dma_wait3A_175, %dma_wait3A_176] : memref<8192x8x128xf32, #tpu.memory_space<hbm>> -> memref<8192x8x128xf32, #tpu.memory_space<hbm>>
    tpu.wait_indirect_dma semaphore(%arg15 : memref<!tpu.dma_semaphore, #tpu.memory_space<semaphore_mem>>) src(%dma_wait3A_177 : memref<8192x8x128xf32, #tpu.memory_space<hbm>>) dst(%dma_wait3A_170 : memref<16x8x128xf32, #tpu.memory_space<vmem>>)
    %scan3A_178 = arith.constant 1 : i32
    %scan3A_179 = arith.constant 1 : i32
    %scan3A_180 = arith.constant 1 : i32
    %scan3A_181 = arith.constant 0 : i32
    %scan3A_182 = arith.constant 0 : i32
    %scan3A_183 = arith.constant 16 : i32
    %scan3A_184 = arith.addi %scan3A_182, %scan3A_183 : i32
    %scan3A_185 = arith.constant 1 : i32
    %scan3A_186 = scf.for %scan3A_1673 = %scan3A_182 to %scan3A_184 step %scan3A_185 iter_args(%scan3A_1674 = %scan3A_181) -> (i32)  : i32 {
      %add3A_1675 = arith.constant 16 : i32
      %add3A_1676 = arith.addi %mul3A_2, %add3A_1675 : i32
      %add3A_1677 = arith.addi %add3A_1676, %scan3A_1673 : i32
      %broadcast_in_dim3A = vector.broadcast %add3A_1677 : i32 to vector<16xi32>
      %ge3A = arith.constant 8 : i32
      %ge3A_1678 = vector.broadcast %ge3A : i32 to vector<16xi32>
      %ge3A_1679 = arith.cmpi sge, %broadcast_in_dim3A, %ge3A_1678 : vector<16xi32>
      %jit3A = arith.constant 3.000000e-01 : f32
      %jit3A_1680 = arith.constant 0.000000e+00 : f32
      %broadcast_in_dim3A_1681 = vector.broadcast %jit3A : f32 to vector<16xf32>
      %broadcast_in_dim3A_1682 = vector.broadcast %jit3A_1680 : f32 to vector<16xf32>
      %select_n3A = arith.select %ge3A_1679, %broadcast_in_dim3A_1681, %broadcast_in_dim3A_1682 : vector<16xi1>, vector<16xf32>
      %parallel_loop3A_1683 = arith.constant 0 : i32
      %parallel_loop3A_1684 = arith.constant 63 : i32
      %parallel_loop3A_1685 = arith.constant 1 : i32
      scf.for %parallel_loop3A_1687 = %parallel_loop3A_1683 to %parallel_loop3A_1684 step %parallel_loop3A_1685  : i32 {
        %parallel_loop3A_1688 = arith.constant 8 : i32
        %parallel_loop3A_1689 = arith.divsi %parallel_loop3A_1687, %parallel_loop3A_1688 : i32
        %parallel_loop3A_1690 = arith.constant 0 : i32
        %parallel_loop3A_1691 = arith.cmpi sgt, %parallel_loop3A_1687, %parallel_loop3A_1690 : i32
        %parallel_loop3A_1692 = arith.extui %parallel_loop3A_1691 : i1 to i32
        %parallel_loop3A_1693 = arith.constant 0 : i32
        %parallel_loop3A_1694 = arith.cmpi slt, %parallel_loop3A_1687, %parallel_loop3A_1693 : i32
        %parallel_loop3A_1695 = arith.extui %parallel_loop3A_1694 : i1 to i32
        %parallel_loop3A_1696 = arith.subi %parallel_loop3A_1692, %parallel_loop3A_1695 : i32
        %parallel_loop3A_1697 = arith.constant 0 : i32
        %parallel_loop3A_1698 = arith.cmpi sgt, %parallel_loop3A_1688, %parallel_loop3A_1697 : i32
        %parallel_loop3A_1699 = arith.extui %parallel_loop3A_1698 : i1 to i32
        %parallel_loop3A_1700 = arith.constant 0 : i32
        %parallel_loop3A_1701 = arith.cmpi slt, %parallel_loop3A_1688, %parallel_loop3A_1700 : i32
        %parallel_loop3A_1702 = arith.extui %parallel_loop3A_1701 : i1 to i32
        %parallel_loop3A_1703 = arith.subi %parallel_loop3A_1699, %parallel_loop3A_1702 : i32
        %parallel_loop3A_1704 = arith.cmpi ne, %parallel_loop3A_1696, %parallel_loop3A_1703 : i32
        %parallel_loop3A_1705 = arith.remsi %parallel_loop3A_1687, %parallel_loop3A_1688 : i32
        %parallel_loop3A_1706 = arith.constant 0 : i32
        %parallel_loop3A_1707 = arith.cmpi ne, %parallel_loop3A_1705, %parallel_loop3A_1706 : i32
        %parallel_loop3A_1708 = arith.andi %parallel_loop3A_1704, %parallel_loop3A_1707 : i1
        %parallel_loop3A_1709 = arith.constant 1 : i32
        %parallel_loop3A_1710 = arith.subi %parallel_loop3A_1689, %parallel_loop3A_1709 : i32
        %parallel_loop3A_1711 = arith.select %parallel_loop3A_1708, %parallel_loop3A_1710, %parallel_loop3A_1689 : i32
        %parallel_loop3A_1712 = arith.constant 8 : i32
        %parallel_loop3A_1713 = arith.constant 0 : i32
        %parallel_loop3A_1714 = arith.cmpi eq, %parallel_loop3A_1712, %parallel_loop3A_1713 : i32
        %parallel_loop3A_1715 = arith.constant 1 : i32
        %parallel_loop3A_1716 = arith.select %parallel_loop3A_1714, %parallel_loop3A_1715, %parallel_loop3A_1712 : i32
        %parallel_loop3A_1717 = arith.remsi %parallel_loop3A_1687, %parallel_loop3A_1716 : i32
        %parallel_loop3A_1718 = arith.constant 0 : i32
        %parallel_loop3A_1719 = arith.cmpi ne, %parallel_loop3A_1717, %parallel_loop3A_1718 : i32
        %parallel_loop3A_1720 = arith.constant 0 : i32
        %parallel_loop3A_1721 = arith.cmpi slt, %parallel_loop3A_1717, %parallel_loop3A_1720 : i32
        %parallel_loop3A_1722 = arith.constant 0 : i32
        %parallel_loop3A_1723 = arith.cmpi slt, %parallel_loop3A_1716, %parallel_loop3A_1722 : i32
        %parallel_loop3A_1724 = arith.xori %parallel_loop3A_1721, %parallel_loop3A_1723 : i1
        %parallel_loop3A_1725 = arith.andi %parallel_loop3A_1724, %parallel_loop3A_1719 : i1
        %parallel_loop3A_1726 = arith.addi %parallel_loop3A_1717, %parallel_loop3A_1716 : i32
        %parallel_loop3A_1727 = arith.select %parallel_loop3A_1725, %parallel_loop3A_1726, %parallel_loop3A_1717 : i32
        %parallel_loop3A_1728 = arith.constant 16 : i32
        %parallel_loop3A_1729 = arith.muli %parallel_loop3A_1727, %parallel_loop3A_1728 : i32
        %parallel_loop3A_1730 = arith.constant 16 : i32
        %parallel_loop3A_1731 = arith.muli %parallel_loop3A_1687, %parallel_loop3A_1730 : i32
        %parallel_loop3A_1732 = arith.index_cast %parallel_loop3A_1731 : i32 to index
        %parallel_loop3A_1733 = tpu.vector_load %arg10[%parallel_loop3A_1732] {strides = array<i32>} : memref<1024xf32, #tpu.memory_space<vmem>>, vector<16xf32>,
        %parallel_loop3A_1734 = arith.constant 0 : i32
        %parallel_loop3A_1735 = arith.constant 0 : i32
        %parallel_loop3A_1736 = arith.constant 0 : i32
        %parallel_loop3A_1737 = tpu.memref_slice %arg11[%scan3A_178, %parallel_loop3A_1734, %parallel_loop3A_1735, %parallel_loop3A_1736] : memref<2x16x8x128xf32, #tpu.memory_space<vmem>> -> memref<1x16x8x128xf32, #tpu.memory_space<vmem>>
        %parallel_loop3A_1738 = tpu.memref_squeeze %parallel_loop3A_1737 : memref<1x16x8x128xf32, #tpu.memory_space<vmem>> -> memref<16x8x128xf32, #tpu.memory_space<vmem>>
        %parallel_loop3A_1739 = arith.index_cast %scan3A_1673 : i32 to index
        %parallel_loop3A_1740 = arith.index_cast %parallel_loop3A_1711 : i32 to index
        %parallel_loop3A_1741 = arith.index_cast %parallel_loop3A_1729 : i32 to index
        %parallel_loop3A_1742 = tpu.vector_load %parallel_loop3A_1738[%parallel_loop3A_1739, %parallel_loop3A_1740, %parallel_loop3A_1741] {strides = array<i32>} : memref<16x8x128xf32, #tpu.memory_space<vmem>>, vector<16xf32>,
        %parallel_loop3A_1743 = arith.constant 4.000000e-01 : f32
        %parallel_loop3A_1744 = vector.broadcast %parallel_loop3A_1743 : f32 to vector<16xf32>
        %parallel_loop3A_1745 = arith.mulf %parallel_loop3A_1744, %parallel_loop3A_1742 : vector<16xf32>
        %parallel_loop3A_1746 = arith.addf %parallel_loop3A_1733, %parallel_loop3A_1745 : vector<16xf32>
        %parallel_loop3A_1747 = arith.constant 0 : i32
        %parallel_loop3A_1748 = arith.constant 0 : i32
        %parallel_loop3A_1749 = arith.constant 0 : i32
        %parallel_loop3A_1750 = tpu.memref_slice %arg12[%scan3A_179, %parallel_loop3A_1747, %parallel_loop3A_1748, %parallel_loop3A_1749] : memref<2x16x8x128xf32, #tpu.memory_space<vmem>> -> memref<1x16x8x128xf32, #tpu.memory_space<vmem>>
        %parallel_loop3A_1751 = tpu.memref_squeeze %parallel_loop3A_1750 : memref<1x16x8x128xf32, #tpu.memory_space<vmem>> -> memref<16x8x128xf32, #tpu.memory_space<vmem>>
        %parallel_loop3A_1752 = arith.index_cast %scan3A_1673 : i32 to index
        %parallel_loop3A_1753 = arith.index_cast %parallel_loop3A_1711 : i32 to index
        %parallel_loop3A_1754 = arith.index_cast %parallel_loop3A_1729 : i32 to index
        %parallel_loop3A_1755 = tpu.vector_load %parallel_loop3A_1751[%parallel_loop3A_1752, %parallel_loop3A_1753, %parallel_loop3A_1754] {strides = array<i32>} : memref<16x8x128xf32, #tpu.memory_space<vmem>>, vector<16xf32>,
        %parallel_loop3A_1756 = arith.mulf %select_n3A, %parallel_loop3A_1755 : vector<16xf32>
        %parallel_loop3A_1757 = arith.addf %parallel_loop3A_1746, %parallel_loop3A_1756 : vector<16xf32>
        %parallel_loop3A_1758 = arith.constant 0 : i32
        %parallel_loop3A_1759 = arith.constant 0 : i32
        %parallel_loop3A_1760 = arith.constant 0 : i32
        %parallel_loop3A_1761 = tpu.memref_slice %arg13[%scan3A_180, %parallel_loop3A_1758, %parallel_loop3A_1759, %parallel_loop3A_1760] : memref<2x16x8x128xf32, #tpu.memory_space<vmem>> -> memref<1x16x8x128xf32, #tpu.memory_space<vmem>>
        %parallel_loop3A_1762 = tpu.memref_squeeze %parallel_loop3A_1761 : memref<1x16x8x128xf32, #tpu.memory_space<vmem>> -> memref<16x8x128xf32, #tpu.memory_space<vmem>>
        %parallel_loop3A_1763 = arith.index_cast %scan3A_1673 : i32 to index
        %parallel_loop3A_1764 = arith.index_cast %parallel_loop3A_1711 : i32 to index
        %parallel_loop3A_1765 = arith.index_cast %parallel_loop3A_1729 : i32 to index
        %parallel_loop3A_1766 = tpu.vector_load %parallel_loop3A_1762[%parallel_loop3A_1763, %parallel_loop3A_1764, %parallel_loop3A_1765] {strides = array<i32>} : memref<16x8x128xf32, #tpu.memory_space<vmem>>, vector<16xf32>,
        tpu.vector_store %parallel_loop3A_1762[%parallel_loop3A_1763, %parallel_loop3A_1764, %parallel_loop3A_1765], %parallel_loop3A_1757 {strides = array<i32>} : memref<16x8x128xf32, #tpu.memory_space<vmem>>, vector<16xf32>,
      } {sc.loop_unroll_factor = 4 : i64, sc.parallel_access}
      %scan3A_1686 = arith.constant 0 : i32
      scf.yield %scan3A_1686 : i32
    }
    %scan3A_187 = arith.constant 16 : i32
    %add3A_188 = arith.constant 16 : i32
    %add3A_189 = arith.addi %mul3A_2, %add3A_188 : i32
    %dma_start3A_190 = arith.constant 1 : i32
    %dma_start3A_191 = arith.constant 0 : i32
    %dma_start3A_192 = arith.constant 0 : i32
    %dma_start3A_193 = arith.constant 0 : i32
    %dma_start3A_194 = tpu.memref_slice %arg13[%dma_start3A_190, %dma_start3A_191, %dma_start3A_192, %dma_start3A_193] : memref<2x16x8x128xf32, #tpu.memory_space<vmem>> -> memref<1x16x8x128xf32, #tpu.memory_space<vmem>>
    %dma_start3A_195 = tpu.memref_squeeze %dma_start3A_194 : memref<1x16x8x128xf32, #tpu.memory_space<vmem>> -> memref<16x8x128xf32, #tpu.memory_space<vmem>>
    %dma_start3A_196 = arith.constant 0 : i32
    %dma_start3A_197 = arith.constant 0 : i32
    %dma_start3A_198 = tpu.memref_slice %arg6[%add3A_189, %dma_start3A_196, %dma_start3A_197] : memref<8192x8x128xf32, #tpu.memory_space<hbm>> -> memref<16x8x128xf32, #tpu.memory_space<hbm>>
    %dma_start3A_199 = arith.constant 0 : i32
    %dma_start3A_200 = arith.constant 0 : i32
    %dma_start3A_201 = tpu.memref_slice %arg6[%add3A_189, %dma_start3A_199, %dma_start3A_200] : memref<8192x8x128xf32, #tpu.memory_space<hbm>> -> memref<16x8x128xf32, #tpu.memory_space<hbm>>
    %dma_start3A_202 = arith.constant 0 : i32
    %dma_start3A_203 = arith.constant 0 : i32
    %dma_start3A_204 = arith.constant 0 : i32
    %dma_start3A_205 = tpu.memref_slice %arg13[%dma_start3A_190, %dma_start3A_202, %dma_start3A_203, %dma_start3A_204] : memref<2x16x8x128xf32, #tpu.memory_space<vmem>> -> memref<1x16x8x128xf32, #tpu.memory_space<vmem>>
    %dma_start3A_206 = tpu.memref_squeeze %dma_start3A_205 : memref<1x16x8x128xf32, #tpu.memory_space<vmem>> -> memref<16x8x128xf32, #tpu.memory_space<vmem>>
    tpu.enqueue_dma source(%dma_start3A_206 : memref<16x8x128xf32, #tpu.memory_space<vmem>>) target(%dma_start3A_201 : memref<16x8x128xf32, #tpu.memory_space<hbm>>) target_semaphore(%arg17 : memref<!tpu.dma_semaphore, #tpu.memory_space<semaphore_mem>>)
    %dma_start3A_207 = arith.constant 3 : i32
    %dma_start3A_208 = arith.constant 1 : i32
    %dma_start3A_209 = arith.constant 0 : i32
    %dma_start3A_210 = arith.constant 0 : i32
    %dma_start3A_211 = arith.constant 0 : i32
    %dma_start3A_212 = tpu.memref_slice %arg11[%dma_start3A_208, %dma_start3A_209, %dma_start3A_210, %dma_start3A_211] : memref<2x16x8x128xf32, #tpu.memory_space<vmem>> -> memref<1x16x8x128xf32, #tpu.memory_space<vmem>>
    %dma_start3A_213 = tpu.memref_squeeze %dma_start3A_212 : memref<1x16x8x128xf32, #tpu.memory_space<vmem>> -> memref<16x8x128xf32, #tpu.memory_space<vmem>>
    %dma_start3A_214 = arith.constant 0 : i32
    %dma_start3A_215 = tpu.memref_slice %arg8[%dma_start3A_207, %dma_start3A_214] : memref<16x16xi32, #tpu.memory_space<vmem>> -> memref<1x16xi32, #tpu.memory_space<vmem>>
    %dma_start3A_216 = tpu.memref_squeeze %dma_start3A_215 : memref<1x16xi32, #tpu.memory_space<vmem>> -> memref<16xi32, #tpu.memory_space<vmem>>
    %dma_start3A_217 = arith.constant 0 : i32
    %dma_start3A_218 = arith.constant 0 : i32
    %dma_start3A_219 = arith.constant 0 : i32
    %dma_start3A_220 = tpu.memref_slice %arg4[%dma_start3A_217, %dma_start3A_218, %dma_start3A_219] : memref<1000x8x128xf32, #tpu.memory_space<hbm>> -> memref<1000x8x128xf32, #tpu.memory_space<hbm>>
    tpu.enqueue_indirect_dma source(%dma_start3A_220 : memref<1000x8x128xf32, #tpu.memory_space<hbm>>) target(%dma_start3A_213 : memref<16x8x128xf32, #tpu.memory_space<vmem>>) offsets(%dma_start3A_216 : memref<16xi32, #tpu.memory_space<vmem>>) semaphore(%arg15 : memref<!tpu.dma_semaphore, #tpu.memory_space<semaphore_mem>>)
    %dma_start3A_221 = arith.constant 3 : i32
    %dma_start3A_222 = arith.constant 1 : i32
    %dma_start3A_223 = arith.constant 0 : i32
    %dma_start3A_224 = arith.constant 0 : i32
    %dma_start3A_225 = arith.constant 0 : i32
    %dma_start3A_226 = tpu.memref_slice %arg12[%dma_start3A_222, %dma_start3A_223, %dma_start3A_224, %dma_start3A_225] : memref<2x16x8x128xf32, #tpu.memory_space<vmem>> -> memref<1x16x8x128xf32, #tpu.memory_space<vmem>>
    %dma_start3A_227 = tpu.memref_squeeze %dma_start3A_226 : memref<1x16x8x128xf32, #tpu.memory_space<vmem>> -> memref<16x8x128xf32, #tpu.memory_space<vmem>>
    %dma_start3A_228 = arith.constant 0 : i32
    %dma_start3A_229 = tpu.memref_slice %arg9[%dma_start3A_221, %dma_start3A_228] : memref<16x16xi32, #tpu.memory_space<vmem>> -> memref<1x16xi32, #tpu.memory_space<vmem>>
    %dma_start3A_230 = tpu.memref_squeeze %dma_start3A_229 : memref<1x16xi32, #tpu.memory_space<vmem>> -> memref<16xi32, #tpu.memory_space<vmem>>
    %dma_start3A_231 = arith.constant 0 : i32
    %dma_start3A_232 = arith.constant 0 : i32
    %dma_start3A_233 = arith.constant 0 : i32
    %dma_start3A_234 = tpu.memref_slice %arg5[%dma_start3A_231, %dma_start3A_232, %dma_start3A_233] : memref<8192x8x128xf32, #tpu.memory_space<hbm>> -> memref<8192x8x128xf32, #tpu.memory_space<hbm>>
    tpu.enqueue_indirect_dma source(%dma_start3A_234 : memref<8192x8x128xf32, #tpu.memory_space<hbm>>) target(%dma_start3A_227 : memref<16x8x128xf32, #tpu.memory_space<vmem>>) offsets(%dma_start3A_230 : memref<16xi32, #tpu.memory_space<vmem>>) semaphore(%arg15 : memref<!tpu.dma_semaphore, #tpu.memory_space<semaphore_mem>>)
    %dma_wait3A_235 = arith.constant 2 : i32
    %dma_wait3A_236 = arith.constant 0 : i32
    %dma_wait3A_237 = arith.constant 0 : i32
    %dma_wait3A_238 = arith.constant 0 : i32
    %dma_wait3A_239 = arith.constant 0 : i32
    %dma_wait3A_240 = tpu.memref_slice %arg11[%dma_wait3A_236, %dma_wait3A_237, %dma_wait3A_238, %dma_wait3A_239] : memref<2x16x8x128xf32, #tpu.memory_space<vmem>> -> memref<1x16x8x128xf32, #tpu.memory_space<vmem>>
    %dma_wait3A_241 = tpu.memref_squeeze %dma_wait3A_240 : memref<1x16x8x128xf32, #tpu.memory_space<vmem>> -> memref<16x8x128xf32, #tpu.memory_space<vmem>>
    %dma_wait3A_242 = arith.constant 0 : i32
    %dma_wait3A_243 = tpu.memref_slice %arg8[%dma_wait3A_235, %dma_wait3A_242] : memref<16x16xi32, #tpu.memory_space<vmem>> -> memref<1x16xi32, #tpu.memory_space<vmem>>
    %dma_wait3A_244 = tpu.memref_squeeze %dma_wait3A_243 : memref<1x16xi32, #tpu.memory_space<vmem>> -> memref<16xi32, #tpu.memory_space<vmem>>
    %dma_wait3A_245 = arith.constant 0 : i32
    %dma_wait3A_246 = arith.constant 0 : i32
    %dma_wait3A_247 = arith.constant 0 : i32
    %dma_wait3A_248 = tpu.memref_slice %arg4[%dma_wait3A_245, %dma_wait3A_246, %dma_wait3A_247] : memref<1000x8x128xf32, #tpu.memory_space<hbm>> -> memref<1000x8x128xf32, #tpu.memory_space<hbm>>
    tpu.wait_indirect_dma semaphore(%arg14 : memref<!tpu.dma_semaphore, #tpu.memory_space<semaphore_mem>>) src(%dma_wait3A_248 : memref<1000x8x128xf32, #tpu.memory_space<hbm>>) dst(%dma_wait3A_241 : memref<16x8x128xf32, #tpu.memory_space<vmem>>)
    %dma_wait3A_249 = arith.constant 2 : i32
    %dma_wait3A_250 = arith.constant 0 : i32
    %dma_wait3A_251 = arith.constant 0 : i32
    %dma_wait3A_252 = arith.constant 0 : i32
    %dma_wait3A_253 = arith.constant 0 : i32
    %dma_wait3A_254 = tpu.memref_slice %arg12[%dma_wait3A_250, %dma_wait3A_251, %dma_wait3A_252, %dma_wait3A_253] : memref<2x16x8x128xf32, #tpu.memory_space<vmem>> -> memref<1x16x8x128xf32, #tpu.memory_space<vmem>>
    %dma_wait3A_255 = tpu.memref_squeeze %dma_wait3A_254 : memref<1x16x8x128xf32, #tpu.memory_space<vmem>> -> memref<16x8x128xf32, #tpu.memory_space<vmem>>
    %dma_wait3A_256 = arith.constant 0 : i32
    %dma_wait3A_257 = tpu.memref_slice %arg9[%dma_wait3A_249, %dma_wait3A_256] : memref<16x16xi32, #tpu.memory_space<vmem>> -> memref<1x16xi32, #tpu.memory_space<vmem>>
    %dma_wait3A_258 = tpu.memref_squeeze %dma_wait3A_257 : memref<1x16xi32, #tpu.memory_space<vmem>> -> memref<16xi32, #tpu.memory_space<vmem>>
    %dma_wait3A_259 = arith.constant 0 : i32
    %dma_wait3A_260 = arith.constant 0 : i32
    %dma_wait3A_261 = arith.constant 0 : i32
    %dma_wait3A_262 = tpu.memref_slice %arg5[%dma_wait3A_259, %dma_wait3A_260, %dma_wait3A_261] : memref<8192x8x128xf32, #tpu.memory_space<hbm>> -> memref<8192x8x128xf32, #tpu.memory_space<hbm>>
    tpu.wait_indirect_dma semaphore(%arg14 : memref<!tpu.dma_semaphore, #tpu.memory_space<semaphore_mem>>) src(%dma_wait3A_262 : memref<8192x8x128xf32, #tpu.memory_space<hbm>>) dst(%dma_wait3A_255 : memref<16x8x128xf32, #tpu.memory_space<vmem>>)
    %add3A_263 = arith.constant 0 : i32
    %add3A_264 = arith.addi %mul3A_2, %add3A_263 : i32
    %dma_wait3A_265 = arith.constant 0 : i32
    %dma_wait3A_266 = arith.constant 0 : i32
    %dma_wait3A_267 = arith.constant 0 : i32
    %dma_wait3A_268 = arith.constant 0 : i32
    %dma_wait3A_269 = tpu.memref_slice %arg13[%dma_wait3A_265, %dma_wait3A_266, %dma_wait3A_267, %dma_wait3A_268] : memref<2x16x8x128xf32, #tpu.memory_space<vmem>> -> memref<1x16x8x128xf32, #tpu.memory_space<vmem>>
    %dma_wait3A_270 = tpu.memref_squeeze %dma_wait3A_269 : memref<1x16x8x128xf32, #tpu.memory_space<vmem>> -> memref<16x8x128xf32, #tpu.memory_space<vmem>>
    %dma_wait3A_271 = arith.constant 0 : i32
    %dma_wait3A_272 = arith.constant 0 : i32
    %dma_wait3A_273 = tpu.memref_slice %arg6[%add3A_264, %dma_wait3A_271, %dma_wait3A_272] : memref<8192x8x128xf32, #tpu.memory_space<hbm>> -> memref<16x8x128xf32, #tpu.memory_space<hbm>>
    %dma_wait3A_274 = arith.constant 0 : i32
    %dma_wait3A_275 = arith.constant 0 : i32
    %dma_wait3A_276 = tpu.memref_slice %arg6[%add3A_264, %dma_wait3A_274, %dma_wait3A_275] : memref<8192x8x128xf32, #tpu.memory_space<hbm>> -> memref<16x8x128xf32, #tpu.memory_space<hbm>>
    %dma_wait3A_277 = arith.constant 0 : i32
    %dma_wait3A_278 = arith.constant 0 : i32
    %dma_wait3A_279 = arith.constant 0 : i32
    %dma_wait3A_280 = tpu.memref_slice %arg13[%dma_wait3A_265, %dma_wait3A_277, %dma_wait3A_278, %dma_wait3A_279] : memref<2x16x8x128xf32, #tpu.memory_space<vmem>> -> memref<1x16x8x128xf32, #tpu.memory_space<vmem>>
    %dma_wait3A_281 = tpu.memref_squeeze %dma_wait3A_280 : memref<1x16x8x128xf32, #tpu.memory_space<vmem>> -> memref<16x8x128xf32, #tpu.memory_space<vmem>>
    tpu.wait_dma2 semaphore(%arg16 : memref<!tpu.dma_semaphore, #tpu.memory_space<semaphore_mem>>) src(%dma_wait3A_281 : memref<16x8x128xf32, #tpu.memory_space<vmem>>) dst(%dma_wait3A_276 : memref<16x8x128xf32, #tpu.memory_space<hbm>>)
    %scan3A_282 = arith.constant 0 : i32
    %scan3A_283 = arith.constant 0 : i32
    %scan3A_284 = arith.constant 0 : i32
    %scan3A_285 = arith.constant 0 : i32
    %scan3A_286 = arith.constant 0 : i32
    %scan3A_287 = arith.constant 16 : i32
    %scan3A_288 = arith.addi %scan3A_286, %scan3A_287 : i32
    %scan3A_289 = arith.constant 1 : i32
    %scan3A_290 = scf.for %scan3A_1673 = %scan3A_286 to %scan3A_288 step %scan3A_289 iter_args(%scan3A_1674 = %scan3A_285) -> (i32)  : i32 {
      %add3A_1675 = arith.constant 32 : i32
      %add3A_1676 = arith.addi %mul3A_2, %add3A_1675 : i32
      %add3A_1677 = arith.addi %add3A_1676, %scan3A_1673 : i32
      %broadcast_in_dim3A = vector.broadcast %add3A_1677 : i32 to vector<16xi32>
      %ge3A = arith.constant 8 : i32
      %ge3A_1678 = vector.broadcast %ge3A : i32 to vector<16xi32>
      %ge3A_1679 = arith.cmpi sge, %broadcast_in_dim3A, %ge3A_1678 : vector<16xi32>
      %jit3A = arith.constant 3.000000e-01 : f32
      %jit3A_1680 = arith.constant 0.000000e+00 : f32
      %broadcast_in_dim3A_1681 = vector.broadcast %jit3A : f32 to vector<16xf32>
      %broadcast_in_dim3A_1682 = vector.broadcast %jit3A_1680 : f32 to vector<16xf32>
      %select_n3A = arith.select %ge3A_1679, %broadcast_in_dim3A_1681, %broadcast_in_dim3A_1682 : vector<16xi1>, vector<16xf32>
      %parallel_loop3A_1683 = arith.constant 0 : i32
      %parallel_loop3A_1684 = arith.constant 63 : i32
      %parallel_loop3A_1685 = arith.constant 1 : i32
      scf.for %parallel_loop3A_1687 = %parallel_loop3A_1683 to %parallel_loop3A_1684 step %parallel_loop3A_1685  : i32 {
        %parallel_loop3A_1688 = arith.constant 8 : i32
        %parallel_loop3A_1689 = arith.divsi %parallel_loop3A_1687, %parallel_loop3A_1688 : i32
        %parallel_loop3A_1690 = arith.constant 0 : i32
        %parallel_loop3A_1691 = arith.cmpi sgt, %parallel_loop3A_1687, %parallel_loop3A_1690 : i32
        %parallel_loop3A_1692 = arith.extui %parallel_loop3A_1691 : i1 to i32
        %parallel_loop3A_1693 = arith.constant 0 : i32
        %parallel_loop3A_1694 = arith.cmpi slt, %parallel_loop3A_1687, %parallel_loop3A_1693 : i32
        %parallel_loop3A_1695 = arith.extui %parallel_loop3A_1694 : i1 to i32
        %parallel_loop3A_1696 = arith.subi %parallel_loop3A_1692, %parallel_loop3A_1695 : i32
        %parallel_loop3A_1697 = arith.constant 0 : i32
        %parallel_loop3A_1698 = arith.cmpi sgt, %parallel_loop3A_1688, %parallel_loop3A_1697 : i32
        %parallel_loop3A_1699 = arith.extui %parallel_loop3A_1698 : i1 to i32
        %parallel_loop3A_1700 = arith.constant 0 : i32
        %parallel_loop3A_1701 = arith.cmpi slt, %parallel_loop3A_1688, %parallel_loop3A_1700 : i32
        %parallel_loop3A_1702 = arith.extui %parallel_loop3A_1701 : i1 to i32
        %parallel_loop3A_1703 = arith.subi %parallel_loop3A_1699, %parallel_loop3A_1702 : i32
        %parallel_loop3A_1704 = arith.cmpi ne, %parallel_loop3A_1696, %parallel_loop3A_1703 : i32
        %parallel_loop3A_1705 = arith.remsi %parallel_loop3A_1687, %parallel_loop3A_1688 : i32
        %parallel_loop3A_1706 = arith.constant 0 : i32
        %parallel_loop3A_1707 = arith.cmpi ne, %parallel_loop3A_1705, %parallel_loop3A_1706 : i32
        %parallel_loop3A_1708 = arith.andi %parallel_loop3A_1704, %parallel_loop3A_1707 : i1
        %parallel_loop3A_1709 = arith.constant 1 : i32
        %parallel_loop3A_1710 = arith.subi %parallel_loop3A_1689, %parallel_loop3A_1709 : i32
        %parallel_loop3A_1711 = arith.select %parallel_loop3A_1708, %parallel_loop3A_1710, %parallel_loop3A_1689 : i32
        %parallel_loop3A_1712 = arith.constant 8 : i32
        %parallel_loop3A_1713 = arith.constant 0 : i32
        %parallel_loop3A_1714 = arith.cmpi eq, %parallel_loop3A_1712, %parallel_loop3A_1713 : i32
        %parallel_loop3A_1715 = arith.constant 1 : i32
        %parallel_loop3A_1716 = arith.select %parallel_loop3A_1714, %parallel_loop3A_1715, %parallel_loop3A_1712 : i32
        %parallel_loop3A_1717 = arith.remsi %parallel_loop3A_1687, %parallel_loop3A_1716 : i32
        %parallel_loop3A_1718 = arith.constant 0 : i32
        %parallel_loop3A_1719 = arith.cmpi ne, %parallel_loop3A_1717, %parallel_loop3A_1718 : i32
        %parallel_loop3A_1720 = arith.constant 0 : i32
        %parallel_loop3A_1721 = arith.cmpi slt, %parallel_loop3A_1717, %parallel_loop3A_1720 : i32
        %parallel_loop3A_1722 = arith.constant 0 : i32
        %parallel_loop3A_1723 = arith.cmpi slt, %parallel_loop3A_1716, %parallel_loop3A_1722 : i32
        %parallel_loop3A_1724 = arith.xori %parallel_loop3A_1721, %parallel_loop3A_1723 : i1
        %parallel_loop3A_1725 = arith.andi %parallel_loop3A_1724, %parallel_loop3A_1719 : i1
        %parallel_loop3A_1726 = arith.addi %parallel_loop3A_1717, %parallel_loop3A_1716 : i32
        %parallel_loop3A_1727 = arith.select %parallel_loop3A_1725, %parallel_loop3A_1726, %parallel_loop3A_1717 : i32
        %parallel_loop3A_1728 = arith.constant 16 : i32
        %parallel_loop3A_1729 = arith.muli %parallel_loop3A_1727, %parallel_loop3A_1728 : i32
        %parallel_loop3A_1730 = arith.constant 16 : i32
        %parallel_loop3A_1731 = arith.muli %parallel_loop3A_1687, %parallel_loop3A_1730 : i32
        %parallel_loop3A_1732 = arith.index_cast %parallel_loop3A_1731 : i32 to index
        %parallel_loop3A_1733 = tpu.vector_load %arg10[%parallel_loop3A_1732] {strides = array<i32>} : memref<1024xf32, #tpu.memory_space<vmem>>, vector<16xf32>,
        %parallel_loop3A_1734 = arith.constant 0 : i32
        %parallel_loop3A_1735 = arith.constant 0 : i32
        %parallel_loop3A_1736 = arith.constant 0 : i32
        %parallel_loop3A_1737 = tpu.memref_slice %arg11[%scan3A_282, %parallel_loop3A_1734, %parallel_loop3A_1735, %parallel_loop3A_1736] : memref<2x16x8x128xf32, #tpu.memory_space<vmem>> -> memref<1x16x8x128xf32, #tpu.memory_space<vmem>>
        %parallel_loop3A_1738 = tpu.memref_squeeze %parallel_loop3A_1737 : memref<1x16x8x128xf32, #tpu.memory_space<vmem>> -> memref<16x8x128xf32, #tpu.memory_space<vmem>>
        %parallel_loop3A_1739 = arith.index_cast %scan3A_1673 : i32 to index
        %parallel_loop3A_1740 = arith.index_cast %parallel_loop3A_1711 : i32 to index
        %parallel_loop3A_1741 = arith.index_cast %parallel_loop3A_1729 : i32 to index
        %parallel_loop3A_1742 = tpu.vector_load %parallel_loop3A_1738[%parallel_loop3A_1739, %parallel_loop3A_1740, %parallel_loop3A_1741] {strides = array<i32>} : memref<16x8x128xf32, #tpu.memory_space<vmem>>, vector<16xf32>,
        %parallel_loop3A_1743 = arith.constant 4.000000e-01 : f32
        %parallel_loop3A_1744 = vector.broadcast %parallel_loop3A_1743 : f32 to vector<16xf32>
        %parallel_loop3A_1745 = arith.mulf %parallel_loop3A_1744, %parallel_loop3A_1742 : vector<16xf32>
        %parallel_loop3A_1746 = arith.addf %parallel_loop3A_1733, %parallel_loop3A_1745 : vector<16xf32>
        %parallel_loop3A_1747 = arith.constant 0 : i32
        %parallel_loop3A_1748 = arith.constant 0 : i32
        %parallel_loop3A_1749 = arith.constant 0 : i32
        %parallel_loop3A_1750 = tpu.memref_slice %arg12[%scan3A_283, %parallel_loop3A_1747, %parallel_loop3A_1748, %parallel_loop3A_1749] : memref<2x16x8x128xf32, #tpu.memory_space<vmem>> -> memref<1x16x8x128xf32, #tpu.memory_space<vmem>>
        %parallel_loop3A_1751 = tpu.memref_squeeze %parallel_loop3A_1750 : memref<1x16x8x128xf32, #tpu.memory_space<vmem>> -> memref<16x8x128xf32, #tpu.memory_space<vmem>>
        %parallel_loop3A_1752 = arith.index_cast %scan3A_1673 : i32 to index
        %parallel_loop3A_1753 = arith.index_cast %parallel_loop3A_1711 : i32 to index
        %parallel_loop3A_1754 = arith.index_cast %parallel_loop3A_1729 : i32 to index
        %parallel_loop3A_1755 = tpu.vector_load %parallel_loop3A_1751[%parallel_loop3A_1752, %parallel_loop3A_1753, %parallel_loop3A_1754] {strides = array<i32>} : memref<16x8x128xf32, #tpu.memory_space<vmem>>, vector<16xf32>,
        %parallel_loop3A_1756 = arith.mulf %select_n3A, %parallel_loop3A_1755 : vector<16xf32>
        %parallel_loop3A_1757 = arith.addf %parallel_loop3A_1746, %parallel_loop3A_1756 : vector<16xf32>
        %parallel_loop3A_1758 = arith.constant 0 : i32
        %parallel_loop3A_1759 = arith.constant 0 : i32
        %parallel_loop3A_1760 = arith.constant 0 : i32
        %parallel_loop3A_1761 = tpu.memref_slice %arg13[%scan3A_284, %parallel_loop3A_1758, %parallel_loop3A_1759, %parallel_loop3A_1760] : memref<2x16x8x128xf32, #tpu.memory_space<vmem>> -> memref<1x16x8x128xf32, #tpu.memory_space<vmem>>
        %parallel_loop3A_1762 = tpu.memref_squeeze %parallel_loop3A_1761 : memref<1x16x8x128xf32, #tpu.memory_space<vmem>> -> memref<16x8x128xf32, #tpu.memory_space<vmem>>
        %parallel_loop3A_1763 = arith.index_cast %scan3A_1673 : i32 to index
        %parallel_loop3A_1764 = arith.index_cast %parallel_loop3A_1711 : i32 to index
        %parallel_loop3A_1765 = arith.index_cast %parallel_loop3A_1729 : i32 to index
        %parallel_loop3A_1766 = tpu.vector_load %parallel_loop3A_1762[%parallel_loop3A_1763, %parallel_loop3A_1764, %parallel_loop3A_1765] {strides = array<i32>} : memref<16x8x128xf32, #tpu.memory_space<vmem>>, vector<16xf32>,
        tpu.vector_store %parallel_loop3A_1762[%parallel_loop3A_1763, %parallel_loop3A_1764, %parallel_loop3A_1765], %parallel_loop3A_1757 {strides = array<i32>} : memref<16x8x128xf32, #tpu.memory_space<vmem>>, vector<16xf32>,
      } {sc.loop_unroll_factor = 4 : i64, sc.parallel_access}
      %scan3A_1686 = arith.constant 0 : i32
      scf.yield %scan3A_1686 : i32
    }
    %scan3A_291 = arith.constant 16 : i32
    %add3A_292 = arith.constant 32 : i32
    %add3A_293 = arith.addi %mul3A_2, %add3A_292 : i32
    %dma_start3A_294 = arith.constant 0 : i32
    %dma_start3A_295 = arith.constant 0 : i32
    %dma_start3A_296 = arith.constant 0 : i32
    %dma_start3A_297 = arith.constant 0 : i32
    %dma_start3A_298 = tpu.memref_slice %arg13[%dma_start3A_294, %dma_start3A_295, %dma_start3A_296, %dma_start3A_297] : memref<2x16x8x128xf32, #tpu.memory_space<vmem>> -> memref<1x16x8x128xf32, #tpu.memory_space<vmem>>
    %dma_start3A_299 = tpu.memref_squeeze %dma_start3A_298 : memref<1x16x8x128xf32, #tpu.memory_space<vmem>> -> memref<16x8x128xf32, #tpu.memory_space<vmem>>
    %dma_start3A_300 = arith.constant 0 : i32
    %dma_start3A_301 = arith.constant 0 : i32
    %dma_start3A_302 = tpu.memref_slice %arg6[%add3A_293, %dma_start3A_300, %dma_start3A_301] : memref<8192x8x128xf32, #tpu.memory_space<hbm>> -> memref<16x8x128xf32, #tpu.memory_space<hbm>>
    %dma_start3A_303 = arith.constant 0 : i32
    %dma_start3A_304 = arith.constant 0 : i32
    %dma_start3A_305 = tpu.memref_slice %arg6[%add3A_293, %dma_start3A_303, %dma_start3A_304] : memref<8192x8x128xf32, #tpu.memory_space<hbm>> -> memref<16x8x128xf32, #tpu.memory_space<hbm>>
    %dma_start3A_306 = arith.constant 0 : i32
    %dma_start3A_307 = arith.constant 0 : i32
    %dma_start3A_308 = arith.constant 0 : i32
    %dma_start3A_309 = tpu.memref_slice %arg13[%dma_start3A_294, %dma_start3A_306, %dma_start3A_307, %dma_start3A_308] : memref<2x16x8x128xf32, #tpu.memory_space<vmem>> -> memref<1x16x8x128xf32, #tpu.memory_space<vmem>>
    %dma_start3A_310 = tpu.memref_squeeze %dma_start3A_309 : memref<1x16x8x128xf32, #tpu.memory_space<vmem>> -> memref<16x8x128xf32, #tpu.memory_space<vmem>>
    tpu.enqueue_dma source(%dma_start3A_310 : memref<16x8x128xf32, #tpu.memory_space<vmem>>) target(%dma_start3A_305 : memref<16x8x128xf32, #tpu.memory_space<hbm>>) target_semaphore(%arg16 : memref<!tpu.dma_semaphore, #tpu.memory_space<semaphore_mem>>)
    %dma_start3A_311 = arith.constant 4 : i32
    %dma_start3A_312 = arith.constant 0 : i32
    %dma_start3A_313 = arith.constant 0 : i32
    %dma_start3A_314 = arith.constant 0 : i32
    %dma_start3A_315 = arith.constant 0 : i32
    %dma_start3A_316 = tpu.memref_slice %arg11[%dma_start3A_312, %dma_start3A_313, %dma_start3A_314, %dma_start3A_315] : memref<2x16x8x128xf32, #tpu.memory_space<vmem>> -> memref<1x16x8x128xf32, #tpu.memory_space<vmem>>
    %dma_start3A_317 = tpu.memref_squeeze %dma_start3A_316 : memref<1x16x8x128xf32, #tpu.memory_space<vmem>> -> memref<16x8x128xf32, #tpu.memory_space<vmem>>
    %dma_start3A_318 = arith.constant 0 : i32
    %dma_start3A_319 = tpu.memref_slice %arg8[%dma_start3A_311, %dma_start3A_318] : memref<16x16xi32, #tpu.memory_space<vmem>> -> memref<1x16xi32, #tpu.memory_space<vmem>>
    %dma_start3A_320 = tpu.memref_squeeze %dma_start3A_319 : memref<1x16xi32, #tpu.memory_space<vmem>> -> memref<16xi32, #tpu.memory_space<vmem>>
    %dma_start3A_321 = arith.constant 0 : i32
    %dma_start3A_322 = arith.constant 0 : i32
    %dma_start3A_323 = arith.constant 0 : i32
    %dma_start3A_324 = tpu.memref_slice %arg4[%dma_start3A_321, %dma_start3A_322, %dma_start3A_323] : memref<1000x8x128xf32, #tpu.memory_space<hbm>> -> memref<1000x8x128xf32, #tpu.memory_space<hbm>>
    tpu.enqueue_indirect_dma source(%dma_start3A_324 : memref<1000x8x128xf32, #tpu.memory_space<hbm>>) target(%dma_start3A_317 : memref<16x8x128xf32, #tpu.memory_space<vmem>>) offsets(%dma_start3A_320 : memref<16xi32, #tpu.memory_space<vmem>>) semaphore(%arg14 : memref<!tpu.dma_semaphore, #tpu.memory_space<semaphore_mem>>)
    %dma_start3A_325 = arith.constant 4 : i32
    %dma_start3A_326 = arith.constant 0 : i32
    %dma_start3A_327 = arith.constant 0 : i32
    %dma_start3A_328 = arith.constant 0 : i32
    %dma_start3A_329 = arith.constant 0 : i32
    %dma_start3A_330 = tpu.memref_slice %arg12[%dma_start3A_326, %dma_start3A_327, %dma_start3A_328, %dma_start3A_329] : memref<2x16x8x128xf32, #tpu.memory_space<vmem>> -> memref<1x16x8x128xf32, #tpu.memory_space<vmem>>
    %dma_start3A_331 = tpu.memref_squeeze %dma_start3A_330 : memref<1x16x8x128xf32, #tpu.memory_space<vmem>> -> memref<16x8x128xf32, #tpu.memory_space<vmem>>
    %dma_start3A_332 = arith.constant 0 : i32
    %dma_start3A_333 = tpu.memref_slice %arg9[%dma_start3A_325, %dma_start3A_332] : memref<16x16xi32, #tpu.memory_space<vmem>> -> memref<1x16xi32, #tpu.memory_space<vmem>>
    %dma_start3A_334 = tpu.memref_squeeze %dma_start3A_333 : memref<1x16xi32, #tpu.memory_space<vmem>> -> memref<16xi32, #tpu.memory_space<vmem>>
    %dma_start3A_335 = arith.constant 0 : i32
    %dma_start3A_336 = arith.constant 0 : i32
    %dma_start3A_337 = arith.constant 0 : i32
    %dma_start3A_338 = tpu.memref_slice %arg5[%dma_start3A_335, %dma_start3A_336, %dma_start3A_337] : memref<8192x8x128xf32, #tpu.memory_space<hbm>> -> memref<8192x8x128xf32, #tpu.memory_space<hbm>>
    tpu.enqueue_indirect_dma source(%dma_start3A_338 : memref<8192x8x128xf32, #tpu.memory_space<hbm>>) target(%dma_start3A_331 : memref<16x8x128xf32, #tpu.memory_space<vmem>>) offsets(%dma_start3A_334 : memref<16xi32, #tpu.memory_space<vmem>>) semaphore(%arg14 : memref<!tpu.dma_semaphore, #tpu.memory_space<semaphore_mem>>)
    %dma_wait3A_339 = arith.constant 3 : i32
    %dma_wait3A_340 = arith.constant 1 : i32
    %dma_wait3A_341 = arith.constant 0 : i32
    %dma_wait3A_342 = arith.constant 0 : i32
    %dma_wait3A_343 = arith.constant 0 : i32
    %dma_wait3A_344 = tpu.memref_slice %arg11[%dma_wait3A_340, %dma_wait3A_341, %dma_wait3A_342, %dma_wait3A_343] : memref<2x16x8x128xf32, #tpu.memory_space<vmem>> -> memref<1x16x8x128xf32, #tpu.memory_space<vmem>>
    %dma_wait3A_345 = tpu.memref_squeeze %dma_wait3A_344 : memref<1x16x8x128xf32, #tpu.memory_space<vmem>> -> memref<16x8x128xf32, #tpu.memory_space<vmem>>
    %dma_wait3A_346 = arith.constant 0 : i32
    %dma_wait3A_347 = tpu.memref_slice %arg8[%dma_wait3A_339, %dma_wait3A_346] : memref<16x16xi32, #tpu.memory_space<vmem>> -> memref<1x16xi32, #tpu.memory_space<vmem>>
    %dma_wait3A_348 = tpu.memref_squeeze %dma_wait3A_347 : memref<1x16xi32, #tpu.memory_space<vmem>> -> memref<16xi32, #tpu.memory_space<vmem>>
    %dma_wait3A_349 = arith.constant 0 : i32
    %dma_wait3A_350 = arith.constant 0 : i32
    %dma_wait3A_351 = arith.constant 0 : i32
    %dma_wait3A_352 = tpu.memref_slice %arg4[%dma_wait3A_349, %dma_wait3A_350, %dma_wait3A_351] : memref<1000x8x128xf32, #tpu.memory_space<hbm>> -> memref<1000x8x128xf32, #tpu.memory_space<hbm>>
    tpu.wait_indirect_dma semaphore(%arg15 : memref<!tpu.dma_semaphore, #tpu.memory_space<semaphore_mem>>) src(%dma_wait3A_352 : memref<1000x8x128xf32, #tpu.memory_space<hbm>>) dst(%dma_wait3A_345 : memref<16x8x128xf32, #tpu.memory_space<vmem>>)
    %dma_wait3A_353 = arith.constant 3 : i32
    %dma_wait3A_354 = arith.constant 1 : i32
    %dma_wait3A_355 = arith.constant 0 : i32
    %dma_wait3A_356 = arith.constant 0 : i32
    %dma_wait3A_357 = arith.constant 0 : i32
    %dma_wait3A_358 = tpu.memref_slice %arg12[%dma_wait3A_354, %dma_wait3A_355, %dma_wait3A_356, %dma_wait3A_357] : memref<2x16x8x128xf32, #tpu.memory_space<vmem>> -> memref<1x16x8x128xf32, #tpu.memory_space<vmem>>
    %dma_wait3A_359 = tpu.memref_squeeze %dma_wait3A_358 : memref<1x16x8x128xf32, #tpu.memory_space<vmem>> -> memref<16x8x128xf32, #tpu.memory_space<vmem>>
    %dma_wait3A_360 = arith.constant 0 : i32
    %dma_wait3A_361 = tpu.memref_slice %arg9[%dma_wait3A_353, %dma_wait3A_360] : memref<16x16xi32, #tpu.memory_space<vmem>> -> memref<1x16xi32, #tpu.memory_space<vmem>>
    %dma_wait3A_362 = tpu.memref_squeeze %dma_wait3A_361 : memref<1x16xi32, #tpu.memory_space<vmem>> -> memref<16xi32, #tpu.memory_space<vmem>>
    %dma_wait3A_363 = arith.constant 0 : i32
    %dma_wait3A_364 = arith.constant 0 : i32
    %dma_wait3A_365 = arith.constant 0 : i32
    %dma_wait3A_366 = tpu.memref_slice %arg5[%dma_wait3A_363, %dma_wait3A_364, %dma_wait3A_365] : memref<8192x8x128xf32, #tpu.memory_space<hbm>> -> memref<8192x8x128xf32, #tpu.memory_space<hbm>>
    tpu.wait_indirect_dma semaphore(%arg15 : memref<!tpu.dma_semaphore, #tpu.memory_space<semaphore_mem>>) src(%dma_wait3A_366 : memref<8192x8x128xf32, #tpu.memory_space<hbm>>) dst(%dma_wait3A_359 : memref<16x8x128xf32, #tpu.memory_space<vmem>>)
    %add3A_367 = arith.constant 16 : i32
    %add3A_368 = arith.addi %mul3A_2, %add3A_367 : i32
    %dma_wait3A_369 = arith.constant 1 : i32
    %dma_wait3A_370 = arith.constant 0 : i32
    %dma_wait3A_371 = arith.constant 0 : i32
    %dma_wait3A_372 = arith.constant 0 : i32
    %dma_wait3A_373 = tpu.memref_slice %arg13[%dma_wait3A_369, %dma_wait3A_370, %dma_wait3A_371, %dma_wait3A_372] : memref<2x16x8x128xf32, #tpu.memory_space<vmem>> -> memref<1x16x8x128xf32, #tpu.memory_space<vmem>>
    %dma_wait3A_374 = tpu.memref_squeeze %dma_wait3A_373 : memref<1x16x8x128xf32, #tpu.memory_space<vmem>> -> memref<16x8x128xf32, #tpu.memory_space<vmem>>
    %dma_wait3A_375 = arith.constant 0 : i32
    %dma_wait3A_376 = arith.constant 0 : i32
    %dma_wait3A_377 = tpu.memref_slice %arg6[%add3A_368, %dma_wait3A_375, %dma_wait3A_376] : memref<8192x8x128xf32, #tpu.memory_space<hbm>> -> memref<16x8x128xf32, #tpu.memory_space<hbm>>
    %dma_wait3A_378 = arith.constant 0 : i32
    %dma_wait3A_379 = arith.constant 0 : i32
    %dma_wait3A_380 = tpu.memref_slice %arg6[%add3A_368, %dma_wait3A_378, %dma_wait3A_379] : memref<8192x8x128xf32, #tpu.memory_space<hbm>> -> memref<16x8x128xf32, #tpu.memory_space<hbm>>
    %dma_wait3A_381 = arith.constant 0 : i32
    %dma_wait3A_382 = arith.constant 0 : i32
    %dma_wait3A_383 = arith.constant 0 : i32
    %dma_wait3A_384 = tpu.memref_slice %arg13[%dma_wait3A_369, %dma_wait3A_381, %dma_wait3A_382, %dma_wait3A_383] : memref<2x16x8x128xf32, #tpu.memory_space<vmem>> -> memref<1x16x8x128xf32, #tpu.memory_space<vmem>>
    %dma_wait3A_385 = tpu.memref_squeeze %dma_wait3A_384 : memref<1x16x8x128xf32, #tpu.memory_space<vmem>> -> memref<16x8x128xf32, #tpu.memory_space<vmem>>
    tpu.wait_dma2 semaphore(%arg17 : memref<!tpu.dma_semaphore, #tpu.memory_space<semaphore_mem>>) src(%dma_wait3A_385 : memref<16x8x128xf32, #tpu.memory_space<vmem>>) dst(%dma_wait3A_380 : memref<16x8x128xf32, #tpu.memory_space<hbm>>)
    %scan3A_386 = arith.constant 1 : i32
    %scan3A_387 = arith.constant 1 : i32
    %scan3A_388 = arith.constant 1 : i32
    %scan3A_389 = arith.constant 0 : i32
    %scan3A_390 = arith.constant 0 : i32
    %scan3A_391 = arith.constant 16 : i32
    %scan3A_392 = arith.addi %scan3A_390, %scan3A_391 : i32
    %scan3A_393 = arith.constant 1 : i32
    %scan3A_394 = scf.for %scan3A_1673 = %scan3A_390 to %scan3A_392 step %scan3A_393 iter_args(%scan3A_1674 = %scan3A_389) -> (i32)  : i32 {
      %add3A_1675 = arith.constant 48 : i32
      %add3A_1676 = arith.addi %mul3A_2, %add3A_1675 : i32
      %add3A_1677 = arith.addi %add3A_1676, %scan3A_1673 : i32
      %broadcast_in_dim3A = vector.broadcast %add3A_1677 : i32 to vector<16xi32>
      %ge3A = arith.constant 8 : i32
      %ge3A_1678 = vector.broadcast %ge3A : i32 to vector<16xi32>
      %ge3A_1679 = arith.cmpi sge, %broadcast_in_dim3A, %ge3A_1678 : vector<16xi32>
      %jit3A = arith.constant 3.000000e-01 : f32
      %jit3A_1680 = arith.constant 0.000000e+00 : f32
      %broadcast_in_dim3A_1681 = vector.broadcast %jit3A : f32 to vector<16xf32>
      %broadcast_in_dim3A_1682 = vector.broadcast %jit3A_1680 : f32 to vector<16xf32>
      %select_n3A = arith.select %ge3A_1679, %broadcast_in_dim3A_1681, %broadcast_in_dim3A_1682 : vector<16xi1>, vector<16xf32>
      %parallel_loop3A_1683 = arith.constant 0 : i32
      %parallel_loop3A_1684 = arith.constant 63 : i32
      %parallel_loop3A_1685 = arith.constant 1 : i32
      scf.for %parallel_loop3A_1687 = %parallel_loop3A_1683 to %parallel_loop3A_1684 step %parallel_loop3A_1685  : i32 {
        %parallel_loop3A_1688 = arith.constant 8 : i32
        %parallel_loop3A_1689 = arith.divsi %parallel_loop3A_1687, %parallel_loop3A_1688 : i32
        %parallel_loop3A_1690 = arith.constant 0 : i32
        %parallel_loop3A_1691 = arith.cmpi sgt, %parallel_loop3A_1687, %parallel_loop3A_1690 : i32
        %parallel_loop3A_1692 = arith.extui %parallel_loop3A_1691 : i1 to i32
        %parallel_loop3A_1693 = arith.constant 0 : i32
        %parallel_loop3A_1694 = arith.cmpi slt, %parallel_loop3A_1687, %parallel_loop3A_1693 : i32
        %parallel_loop3A_1695 = arith.extui %parallel_loop3A_1694 : i1 to i32
        %parallel_loop3A_1696 = arith.subi %parallel_loop3A_1692, %parallel_loop3A_1695 : i32
        %parallel_loop3A_1697 = arith.constant 0 : i32
        %parallel_loop3A_1698 = arith.cmpi sgt, %parallel_loop3A_1688, %parallel_loop3A_1697 : i32
        %parallel_loop3A_1699 = arith.extui %parallel_loop3A_1698 : i1 to i32
        %parallel_loop3A_1700 = arith.constant 0 : i32
        %parallel_loop3A_1701 = arith.cmpi slt, %parallel_loop3A_1688, %parallel_loop3A_1700 : i32
        %parallel_loop3A_1702 = arith.extui %parallel_loop3A_1701 : i1 to i32
        %parallel_loop3A_1703 = arith.subi %parallel_loop3A_1699, %parallel_loop3A_1702 : i32
        %parallel_loop3A_1704 = arith.cmpi ne, %parallel_loop3A_1696, %parallel_loop3A_1703 : i32
        %parallel_loop3A_1705 = arith.remsi %parallel_loop3A_1687, %parallel_loop3A_1688 : i32
        %parallel_loop3A_1706 = arith.constant 0 : i32
        %parallel_loop3A_1707 = arith.cmpi ne, %parallel_loop3A_1705, %parallel_loop3A_1706 : i32
        %parallel_loop3A_1708 = arith.andi %parallel_loop3A_1704, %parallel_loop3A_1707 : i1
        %parallel_loop3A_1709 = arith.constant 1 : i32
        %parallel_loop3A_1710 = arith.subi %parallel_loop3A_1689, %parallel_loop3A_1709 : i32
        %parallel_loop3A_1711 = arith.select %parallel_loop3A_1708, %parallel_loop3A_1710, %parallel_loop3A_1689 : i32
        %parallel_loop3A_1712 = arith.constant 8 : i32
        %parallel_loop3A_1713 = arith.constant 0 : i32
        %parallel_loop3A_1714 = arith.cmpi eq, %parallel_loop3A_1712, %parallel_loop3A_1713 : i32
        %parallel_loop3A_1715 = arith.constant 1 : i32
        %parallel_loop3A_1716 = arith.select %parallel_loop3A_1714, %parallel_loop3A_1715, %parallel_loop3A_1712 : i32
        %parallel_loop3A_1717 = arith.remsi %parallel_loop3A_1687, %parallel_loop3A_1716 : i32
        %parallel_loop3A_1718 = arith.constant 0 : i32
        %parallel_loop3A_1719 = arith.cmpi ne, %parallel_loop3A_1717, %parallel_loop3A_1718 : i32
        %parallel_loop3A_1720 = arith.constant 0 : i32
        %parallel_loop3A_1721 = arith.cmpi slt, %parallel_loop3A_1717, %parallel_loop3A_1720 : i32
        %parallel_loop3A_1722 = arith.constant 0 : i32
        %parallel_loop3A_1723 = arith.cmpi slt, %parallel_loop3A_1716, %parallel_loop3A_1722 : i32
        %parallel_loop3A_1724 = arith.xori %parallel_loop3A_1721, %parallel_loop3A_1723 : i1
        %parallel_loop3A_1725 = arith.andi %parallel_loop3A_1724, %parallel_loop3A_1719 : i1
        %parallel_loop3A_1726 = arith.addi %parallel_loop3A_1717, %parallel_loop3A_1716 : i32
        %parallel_loop3A_1727 = arith.select %parallel_loop3A_1725, %parallel_loop3A_1726, %parallel_loop3A_1717 : i32
        %parallel_loop3A_1728 = arith.constant 16 : i32
        %parallel_loop3A_1729 = arith.muli %parallel_loop3A_1727, %parallel_loop3A_1728 : i32
        %parallel_loop3A_1730 = arith.constant 16 : i32
        %parallel_loop3A_1731 = arith.muli %parallel_loop3A_1687, %parallel_loop3A_1730 : i32
        %parallel_loop3A_1732 = arith.index_cast %parallel_loop3A_1731 : i32 to index
        %parallel_loop3A_1733 = tpu.vector_load %arg10[%parallel_loop3A_1732] {strides = array<i32>} : memref<1024xf32, #tpu.memory_space<vmem>>, vector<16xf32>,
        %parallel_loop3A_1734 = arith.constant 0 : i32
        %parallel_loop3A_1735 = arith.constant 0 : i32
        %parallel_loop3A_1736 = arith.constant 0 : i32
        %parallel_loop3A_1737 = tpu.memref_slice %arg11[%scan3A_386, %parallel_loop3A_1734, %parallel_loop3A_1735, %parallel_loop3A_1736] : memref<2x16x8x128xf32, #tpu.memory_space<vmem>> -> memref<1x16x8x128xf32, #tpu.memory_space<vmem>>
        %parallel_loop3A_1738 = tpu.memref_squeeze %parallel_loop3A_1737 : memref<1x16x8x128xf32, #tpu.memory_space<vmem>> -> memref<16x8x128xf32, #tpu.memory_space<vmem>>
        %parallel_loop3A_1739 = arith.index_cast %scan3A_1673 : i32 to index
        %parallel_loop3A_1740 = arith.index_cast %parallel_loop3A_1711 : i32 to index
        %parallel_loop3A_1741 = arith.index_cast %parallel_loop3A_1729 : i32 to index
        %parallel_loop3A_1742 = tpu.vector_load %parallel_loop3A_1738[%parallel_loop3A_1739, %parallel_loop3A_1740, %parallel_loop3A_1741] {strides = array<i32>} : memref<16x8x128xf32, #tpu.memory_space<vmem>>, vector<16xf32>,
        %parallel_loop3A_1743 = arith.constant 4.000000e-01 : f32
        %parallel_loop3A_1744 = vector.broadcast %parallel_loop3A_1743 : f32 to vector<16xf32>
        %parallel_loop3A_1745 = arith.mulf %parallel_loop3A_1744, %parallel_loop3A_1742 : vector<16xf32>
        %parallel_loop3A_1746 = arith.addf %parallel_loop3A_1733, %parallel_loop3A_1745 : vector<16xf32>
        %parallel_loop3A_1747 = arith.constant 0 : i32
        %parallel_loop3A_1748 = arith.constant 0 : i32
        %parallel_loop3A_1749 = arith.constant 0 : i32
        %parallel_loop3A_1750 = tpu.memref_slice %arg12[%scan3A_387, %parallel_loop3A_1747, %parallel_loop3A_1748, %parallel_loop3A_1749] : memref<2x16x8x128xf32, #tpu.memory_space<vmem>> -> memref<1x16x8x128xf32, #tpu.memory_space<vmem>>
        %parallel_loop3A_1751 = tpu.memref_squeeze %parallel_loop3A_1750 : memref<1x16x8x128xf32, #tpu.memory_space<vmem>> -> memref<16x8x128xf32, #tpu.memory_space<vmem>>
        %parallel_loop3A_1752 = arith.index_cast %scan3A_1673 : i32 to index
        %parallel_loop3A_1753 = arith.index_cast %parallel_loop3A_1711 : i32 to index
        %parallel_loop3A_1754 = arith.index_cast %parallel_loop3A_1729 : i32 to index
        %parallel_loop3A_1755 = tpu.vector_load %parallel_loop3A_1751[%parallel_loop3A_1752, %parallel_loop3A_1753, %parallel_loop3A_1754] {strides = array<i32>} : memref<16x8x128xf32, #tpu.memory_space<vmem>>, vector<16xf32>,
        %parallel_loop3A_1756 = arith.mulf %select_n3A, %parallel_loop3A_1755 : vector<16xf32>
        %parallel_loop3A_1757 = arith.addf %parallel_loop3A_1746, %parallel_loop3A_1756 : vector<16xf32>
        %parallel_loop3A_1758 = arith.constant 0 : i32
        %parallel_loop3A_1759 = arith.constant 0 : i32
        %parallel_loop3A_1760 = arith.constant 0 : i32
        %parallel_loop3A_1761 = tpu.memref_slice %arg13[%scan3A_388, %parallel_loop3A_1758, %parallel_loop3A_1759, %parallel_loop3A_1760] : memref<2x16x8x128xf32, #tpu.memory_space<vmem>> -> memref<1x16x8x128xf32, #tpu.memory_space<vmem>>
        %parallel_loop3A_1762 = tpu.memref_squeeze %parallel_loop3A_1761 : memref<1x16x8x128xf32, #tpu.memory_space<vmem>> -> memref<16x8x128xf32, #tpu.memory_space<vmem>>
        %parallel_loop3A_1763 = arith.index_cast %scan3A_1673 : i32 to index
        %parallel_loop3A_1764 = arith.index_cast %parallel_loop3A_1711 : i32 to index
        %parallel_loop3A_1765 = arith.index_cast %parallel_loop3A_1729 : i32 to index
        %parallel_loop3A_1766 = tpu.vector_load %parallel_loop3A_1762[%parallel_loop3A_1763, %parallel_loop3A_1764, %parallel_loop3A_1765] {strides = array<i32>} : memref<16x8x128xf32, #tpu.memory_space<vmem>>, vector<16xf32>,
        tpu.vector_store %parallel_loop3A_1762[%parallel_loop3A_1763, %parallel_loop3A_1764, %parallel_loop3A_1765], %parallel_loop3A_1757 {strides = array<i32>} : memref<16x8x128xf32, #tpu.memory_space<vmem>>, vector<16xf32>,
      } {sc.loop_unroll_factor = 4 : i64, sc.parallel_access}
      %scan3A_1686 = arith.constant 0 : i32
      scf.yield %scan3A_1686 : i32
    }
    %scan3A_395 = arith.constant 16 : i32
    %add3A_396 = arith.constant 48 : i32
    %add3A_397 = arith.addi %mul3A_2, %add3A_396 : i32
    %dma_start3A_398 = arith.constant 1 : i32
    %dma_start3A_399 = arith.constant 0 : i32
    %dma_start3A_400 = arith.constant 0 : i32
    %dma_start3A_401 = arith.constant 0 : i32
    %dma_start3A_402 = tpu.memref_slice %arg13[%dma_start3A_398, %dma_start3A_399, %dma_start3A_400, %dma_start3A_401] : memref<2x16x8x128xf32, #tpu.memory_space<vmem>> -> memref<1x16x8x128xf32, #tpu.memory_space<vmem>>
    %dma_start3A_403 = tpu.memref_squeeze %dma_start3A_402 : memref<1x16x8x128xf32, #tpu.memory_space<vmem>> -> memref<16x8x128xf32, #tpu.memory_space<vmem>>
    %dma_start3A_404 = arith.constant 0 : i32
    %dma_start3A_405 = arith.constant 0 : i32
    %dma_start3A_406 = tpu.memref_slice %arg6[%add3A_397, %dma_start3A_404, %dma_start3A_405] : memref<8192x8x128xf32, #tpu.memory_space<hbm>> -> memref<16x8x128xf32, #tpu.memory_space<hbm>>
    %dma_start3A_407 = arith.constant 0 : i32
    %dma_start3A_408 = arith.constant 0 : i32
    %dma_start3A_409 = tpu.memref_slice %arg6[%add3A_397, %dma_start3A_407, %dma_start3A_408] : memref<8192x8x128xf32, #tpu.memory_space<hbm>> -> memref<16x8x128xf32, #tpu.memory_space<hbm>>
    %dma_start3A_410 = arith.constant 0 : i32
    %dma_start3A_411 = arith.constant 0 : i32
    %dma_start3A_412 = arith.constant 0 : i32
    %dma_start3A_413 = tpu.memref_slice %arg13[%dma_start3A_398, %dma_start3A_410, %dma_start3A_411, %dma_start3A_412] : memref<2x16x8x128xf32, #tpu.memory_space<vmem>> -> memref<1x16x8x128xf32, #tpu.memory_space<vmem>>
    %dma_start3A_414 = tpu.memref_squeeze %dma_start3A_413 : memref<1x16x8x128xf32, #tpu.memory_space<vmem>> -> memref<16x8x128xf32, #tpu.memory_space<vmem>>
    tpu.enqueue_dma source(%dma_start3A_414 : memref<16x8x128xf32, #tpu.memory_space<vmem>>) target(%dma_start3A_409 : memref<16x8x128xf32, #tpu.memory_space<hbm>>) target_semaphore(%arg17 : memref<!tpu.dma_semaphore, #tpu.memory_space<semaphore_mem>>)
    %dma_start3A_415 = arith.constant 5 : i32
    %dma_start3A_416 = arith.constant 1 : i32
    %dma_start3A_417 = arith.constant 0 : i32
    %dma_start3A_418 = arith.constant 0 : i32
    %dma_start3A_419 = arith.constant 0 : i32
    %dma_start3A_420 = tpu.memref_slice %arg11[%dma_start3A_416, %dma_start3A_417, %dma_start3A_418, %dma_start3A_419] : memref<2x16x8x128xf32, #tpu.memory_space<vmem>> -> memref<1x16x8x128xf32, #tpu.memory_space<vmem>>
    %dma_start3A_421 = tpu.memref_squeeze %dma_start3A_420 : memref<1x16x8x128xf32, #tpu.memory_space<vmem>> -> memref<16x8x128xf32, #tpu.memory_space<vmem>>
    %dma_start3A_422 = arith.constant 0 : i32
    %dma_start3A_423 = tpu.memref_slice %arg8[%dma_start3A_415, %dma_start3A_422] : memref<16x16xi32, #tpu.memory_space<vmem>> -> memref<1x16xi32, #tpu.memory_space<vmem>>
    %dma_start3A_424 = tpu.memref_squeeze %dma_start3A_423 : memref<1x16xi32, #tpu.memory_space<vmem>> -> memref<16xi32, #tpu.memory_space<vmem>>
    %dma_start3A_425 = arith.constant 0 : i32
    %dma_start3A_426 = arith.constant 0 : i32
    %dma_start3A_427 = arith.constant 0 : i32
    %dma_start3A_428 = tpu.memref_slice %arg4[%dma_start3A_425, %dma_start3A_426, %dma_start3A_427] : memref<1000x8x128xf32, #tpu.memory_space<hbm>> -> memref<1000x8x128xf32, #tpu.memory_space<hbm>>
    tpu.enqueue_indirect_dma source(%dma_start3A_428 : memref<1000x8x128xf32, #tpu.memory_space<hbm>>) target(%dma_start3A_421 : memref<16x8x128xf32, #tpu.memory_space<vmem>>) offsets(%dma_start3A_424 : memref<16xi32, #tpu.memory_space<vmem>>) semaphore(%arg15 : memref<!tpu.dma_semaphore, #tpu.memory_space<semaphore_mem>>)
    %dma_start3A_429 = arith.constant 5 : i32
    %dma_start3A_430 = arith.constant 1 : i32
    %dma_start3A_431 = arith.constant 0 : i32
    %dma_start3A_432 = arith.constant 0 : i32
    %dma_start3A_433 = arith.constant 0 : i32
    %dma_start3A_434 = tpu.memref_slice %arg12[%dma_start3A_430, %dma_start3A_431, %dma_start3A_432, %dma_start3A_433] : memref<2x16x8x128xf32, #tpu.memory_space<vmem>> -> memref<1x16x8x128xf32, #tpu.memory_space<vmem>>
    %dma_start3A_435 = tpu.memref_squeeze %dma_start3A_434 : memref<1x16x8x128xf32, #tpu.memory_space<vmem>> -> memref<16x8x128xf32, #tpu.memory_space<vmem>>
    %dma_start3A_436 = arith.constant 0 : i32
    %dma_start3A_437 = tpu.memref_slice %arg9[%dma_start3A_429, %dma_start3A_436] : memref<16x16xi32, #tpu.memory_space<vmem>> -> memref<1x16xi32, #tpu.memory_space<vmem>>
    %dma_start3A_438 = tpu.memref_squeeze %dma_start3A_437 : memref<1x16xi32, #tpu.memory_space<vmem>> -> memref<16xi32, #tpu.memory_space<vmem>>
    %dma_start3A_439 = arith.constant 0 : i32
    %dma_start3A_440 = arith.constant 0 : i32
    %dma_start3A_441 = arith.constant 0 : i32
    %dma_start3A_442 = tpu.memref_slice %arg5[%dma_start3A_439, %dma_start3A_440, %dma_start3A_441] : memref<8192x8x128xf32, #tpu.memory_space<hbm>> -> memref<8192x8x128xf32, #tpu.memory_space<hbm>>
    tpu.enqueue_indirect_dma source(%dma_start3A_442 : memref<8192x8x128xf32, #tpu.memory_space<hbm>>) target(%dma_start3A_435 : memref<16x8x128xf32, #tpu.memory_space<vmem>>) offsets(%dma_start3A_438 : memref<16xi32, #tpu.memory_space<vmem>>) semaphore(%arg15 : memref<!tpu.dma_semaphore, #tpu.memory_space<semaphore_mem>>)
    %dma_wait3A_443 = arith.constant 4 : i32
    %dma_wait3A_444 = arith.constant 0 : i32
    %dma_wait3A_445 = arith.constant 0 : i32
    %dma_wait3A_446 = arith.constant 0 : i32
    %dma_wait3A_447 = arith.constant 0 : i32
    %dma_wait3A_448 = tpu.memref_slice %arg11[%dma_wait3A_444, %dma_wait3A_445, %dma_wait3A_446, %dma_wait3A_447] : memref<2x16x8x128xf32, #tpu.memory_space<vmem>> -> memref<1x16x8x128xf32, #tpu.memory_space<vmem>>
    %dma_wait3A_449 = tpu.memref_squeeze %dma_wait3A_448 : memref<1x16x8x128xf32, #tpu.memory_space<vmem>> -> memref<16x8x128xf32, #tpu.memory_space<vmem>>
    %dma_wait3A_450 = arith.constant 0 : i32
    %dma_wait3A_451 = tpu.memref_slice %arg8[%dma_wait3A_443, %dma_wait3A_450] : memref<16x16xi32, #tpu.memory_space<vmem>> -> memref<1x16xi32, #tpu.memory_space<vmem>>
    %dma_wait3A_452 = tpu.memref_squeeze %dma_wait3A_451 : memref<1x16xi32, #tpu.memory_space<vmem>> -> memref<16xi32, #tpu.memory_space<vmem>>
    %dma_wait3A_453 = arith.constant 0 : i32
    %dma_wait3A_454 = arith.constant 0 : i32
    %dma_wait3A_455 = arith.constant 0 : i32
    %dma_wait3A_456 = tpu.memref_slice %arg4[%dma_wait3A_453, %dma_wait3A_454, %dma_wait3A_455] : memref<1000x8x128xf32, #tpu.memory_space<hbm>> -> memref<1000x8x128xf32, #tpu.memory_space<hbm>>
    tpu.wait_indirect_dma semaphore(%arg14 : memref<!tpu.dma_semaphore, #tpu.memory_space<semaphore_mem>>) src(%dma_wait3A_456 : memref<1000x8x128xf32, #tpu.memory_space<hbm>>) dst(%dma_wait3A_449 : memref<16x8x128xf32, #tpu.memory_space<vmem>>)
    %dma_wait3A_457 = arith.constant 4 : i32
    %dma_wait3A_458 = arith.constant 0 : i32
    %dma_wait3A_459 = arith.constant 0 : i32
    %dma_wait3A_460 = arith.constant 0 : i32
    %dma_wait3A_461 = arith.constant 0 : i32
    %dma_wait3A_462 = tpu.memref_slice %arg12[%dma_wait3A_458, %dma_wait3A_459, %dma_wait3A_460, %dma_wait3A_461] : memref<2x16x8x128xf32, #tpu.memory_space<vmem>> -> memref<1x16x8x128xf32, #tpu.memory_space<vmem>>
    %dma_wait3A_463 = tpu.memref_squeeze %dma_wait3A_462 : memref<1x16x8x128xf32, #tpu.memory_space<vmem>> -> memref<16x8x128xf32, #tpu.memory_space<vmem>>
    %dma_wait3A_464 = arith.constant 0 : i32
    %dma_wait3A_465 = tpu.memref_slice %arg9[%dma_wait3A_457, %dma_wait3A_464] : memref<16x16xi32, #tpu.memory_space<vmem>> -> memref<1x16xi32, #tpu.memory_space<vmem>>
    %dma_wait3A_466 = tpu.memref_squeeze %dma_wait3A_465 : memref<1x16xi32, #tpu.memory_space<vmem>> -> memref<16xi32, #tpu.memory_space<vmem>>
    %dma_wait3A_467 = arith.constant 0 : i32
    %dma_wait3A_468 = arith.constant 0 : i32
    %dma_wait3A_469 = arith.constant 0 : i32
    %dma_wait3A_470 = tpu.memref_slice %arg5[%dma_wait3A_467, %dma_wait3A_468, %dma_wait3A_469] : memref<8192x8x128xf32, #tpu.memory_space<hbm>> -> memref<8192x8x128xf32, #tpu.memory_space<hbm>>
    tpu.wait_indirect_dma semaphore(%arg14 : memref<!tpu.dma_semaphore, #tpu.memory_space<semaphore_mem>>) src(%dma_wait3A_470 : memref<8192x8x128xf32, #tpu.memory_space<hbm>>) dst(%dma_wait3A_463 : memref<16x8x128xf32, #tpu.memory_space<vmem>>)
    %add3A_471 = arith.constant 32 : i32
    %add3A_472 = arith.addi %mul3A_2, %add3A_471 : i32
    %dma_wait3A_473 = arith.constant 0 : i32
    %dma_wait3A_474 = arith.constant 0 : i32
    %dma_wait3A_475 = arith.constant 0 : i32
    %dma_wait3A_476 = arith.constant 0 : i32
    %dma_wait3A_477 = tpu.memref_slice %arg13[%dma_wait3A_473, %dma_wait3A_474, %dma_wait3A_475, %dma_wait3A_476] : memref<2x16x8x128xf32, #tpu.memory_space<vmem>> -> memref<1x16x8x128xf32, #tpu.memory_space<vmem>>
    %dma_wait3A_478 = tpu.memref_squeeze %dma_wait3A_477 : memref<1x16x8x128xf32, #tpu.memory_space<vmem>> -> memref<16x8x128xf32, #tpu.memory_space<vmem>>
    %dma_wait3A_479 = arith.constant 0 : i32
    %dma_wait3A_480 = arith.constant 0 : i32
    %dma_wait3A_481 = tpu.memref_slice %arg6[%add3A_472, %dma_wait3A_479, %dma_wait3A_480] : memref<8192x8x128xf32, #tpu.memory_space<hbm>> -> memref<16x8x128xf32, #tpu.memory_space<hbm>>
    %dma_wait3A_482 = arith.constant 0 : i32
    %dma_wait3A_483 = arith.constant 0 : i32
    %dma_wait3A_484 = tpu.memref_slice %arg6[%add3A_472, %dma_wait3A_482, %dma_wait3A_483] : memref<8192x8x128xf32, #tpu.memory_space<hbm>> -> memref<16x8x128xf32, #tpu.memory_space<hbm>>
    %dma_wait3A_485 = arith.constant 0 : i32
    %dma_wait3A_486 = arith.constant 0 : i32
    %dma_wait3A_487 = arith.constant 0 : i32
    %dma_wait3A_488 = tpu.memref_slice %arg13[%dma_wait3A_473, %dma_wait3A_485, %dma_wait3A_486, %dma_wait3A_487] : memref<2x16x8x128xf32, #tpu.memory_space<vmem>> -> memref<1x16x8x128xf32, #tpu.memory_space<vmem>>
    %dma_wait3A_489 = tpu.memref_squeeze %dma_wait3A_488 : memref<1x16x8x128xf32, #tpu.memory_space<vmem>> -> memref<16x8x128xf32, #tpu.memory_space<vmem>>
    tpu.wait_dma2 semaphore(%arg16 : memref<!tpu.dma_semaphore, #tpu.memory_space<semaphore_mem>>) src(%dma_wait3A_489 : memref<16x8x128xf32, #tpu.memory_space<vmem>>) dst(%dma_wait3A_484 : memref<16x8x128xf32, #tpu.memory_space<hbm>>)
    %scan3A_490 = arith.constant 0 : i32
    %scan3A_491 = arith.constant 0 : i32
    %scan3A_492 = arith.constant 0 : i32
    %scan3A_493 = arith.constant 0 : i32
    %scan3A_494 = arith.constant 0 : i32
    %scan3A_495 = arith.constant 16 : i32
    %scan3A_496 = arith.addi %scan3A_494, %scan3A_495 : i32
    %scan3A_497 = arith.constant 1 : i32
    %scan3A_498 = scf.for %scan3A_1673 = %scan3A_494 to %scan3A_496 step %scan3A_497 iter_args(%scan3A_1674 = %scan3A_493) -> (i32)  : i32 {
      %add3A_1675 = arith.constant 64 : i32
      %add3A_1676 = arith.addi %mul3A_2, %add3A_1675 : i32
      %add3A_1677 = arith.addi %add3A_1676, %scan3A_1673 : i32
      %broadcast_in_dim3A = vector.broadcast %add3A_1677 : i32 to vector<16xi32>
      %ge3A = arith.constant 8 : i32
      %ge3A_1678 = vector.broadcast %ge3A : i32 to vector<16xi32>
      %ge3A_1679 = arith.cmpi sge, %broadcast_in_dim3A, %ge3A_1678 : vector<16xi32>
      %jit3A = arith.constant 3.000000e-01 : f32
      %jit3A_1680 = arith.constant 0.000000e+00 : f32
      %broadcast_in_dim3A_1681 = vector.broadcast %jit3A : f32 to vector<16xf32>
      %broadcast_in_dim3A_1682 = vector.broadcast %jit3A_1680 : f32 to vector<16xf32>
      %select_n3A = arith.select %ge3A_1679, %broadcast_in_dim3A_1681, %broadcast_in_dim3A_1682 : vector<16xi1>, vector<16xf32>
      %parallel_loop3A_1683 = arith.constant 0 : i32
      %parallel_loop3A_1684 = arith.constant 63 : i32
      %parallel_loop3A_1685 = arith.constant 1 : i32
      scf.for %parallel_loop3A_1687 = %parallel_loop3A_1683 to %parallel_loop3A_1684 step %parallel_loop3A_1685  : i32 {
        %parallel_loop3A_1688 = arith.constant 8 : i32
        %parallel_loop3A_1689 = arith.divsi %parallel_loop3A_1687, %parallel_loop3A_1688 : i32
        %parallel_loop3A_1690 = arith.constant 0 : i32
        %parallel_loop3A_1691 = arith.cmpi sgt, %parallel_loop3A_1687, %parallel_loop3A_1690 : i32
        %parallel_loop3A_1692 = arith.extui %parallel_loop3A_1691 : i1 to i32
        %parallel_loop3A_1693 = arith.constant 0 : i32
        %parallel_loop3A_1694 = arith.cmpi slt, %parallel_loop3A_1687, %parallel_loop3A_1693 : i32
        %parallel_loop3A_1695 = arith.extui %parallel_loop3A_1694 : i1 to i32
        %parallel_loop3A_1696 = arith.subi %parallel_loop3A_1692, %parallel_loop3A_1695 : i32
        %parallel_loop3A_1697 = arith.constant 0 : i32
        %parallel_loop3A_1698 = arith.cmpi sgt, %parallel_loop3A_1688, %parallel_loop3A_1697 : i32
        %parallel_loop3A_1699 = arith.extui %parallel_loop3A_1698 : i1 to i32
        %parallel_loop3A_1700 = arith.constant 0 : i32
        %parallel_loop3A_1701 = arith.cmpi slt, %parallel_loop3A_1688, %parallel_loop3A_1700 : i32
        %parallel_loop3A_1702 = arith.extui %parallel_loop3A_1701 : i1 to i32
        %parallel_loop3A_1703 = arith.subi %parallel_loop3A_1699, %parallel_loop3A_1702 : i32
        %parallel_loop3A_1704 = arith.cmpi ne, %parallel_loop3A_1696, %parallel_loop3A_1703 : i32
        %parallel_loop3A_1705 = arith.remsi %parallel_loop3A_1687, %parallel_loop3A_1688 : i32
        %parallel_loop3A_1706 = arith.constant 0 : i32
        %parallel_loop3A_1707 = arith.cmpi ne, %parallel_loop3A_1705, %parallel_loop3A_1706 : i32
        %parallel_loop3A_1708 = arith.andi %parallel_loop3A_1704, %parallel_loop3A_1707 : i1
        %parallel_loop3A_1709 = arith.constant 1 : i32
        %parallel_loop3A_1710 = arith.subi %parallel_loop3A_1689, %parallel_loop3A_1709 : i32
        %parallel_loop3A_1711 = arith.select %parallel_loop3A_1708, %parallel_loop3A_1710, %parallel_loop3A_1689 : i32
        %parallel_loop3A_1712 = arith.constant 8 : i32
        %parallel_loop3A_1713 = arith.constant 0 : i32
        %parallel_loop3A_1714 = arith.cmpi eq, %parallel_loop3A_1712, %parallel_loop3A_1713 : i32
        %parallel_loop3A_1715 = arith.constant 1 : i32
        %parallel_loop3A_1716 = arith.select %parallel_loop3A_1714, %parallel_loop3A_1715, %parallel_loop3A_1712 : i32
        %parallel_loop3A_1717 = arith.remsi %parallel_loop3A_1687, %parallel_loop3A_1716 : i32
        %parallel_loop3A_1718 = arith.constant 0 : i32
        %parallel_loop3A_1719 = arith.cmpi ne, %parallel_loop3A_1717, %parallel_loop3A_1718 : i32
        %parallel_loop3A_1720 = arith.constant 0 : i32
        %parallel_loop3A_1721 = arith.cmpi slt, %parallel_loop3A_1717, %parallel_loop3A_1720 : i32
        %parallel_loop3A_1722 = arith.constant 0 : i32
        %parallel_loop3A_1723 = arith.cmpi slt, %parallel_loop3A_1716, %parallel_loop3A_1722 : i32
        %parallel_loop3A_1724 = arith.xori %parallel_loop3A_1721, %parallel_loop3A_1723 : i1
        %parallel_loop3A_1725 = arith.andi %parallel_loop3A_1724, %parallel_loop3A_1719 : i1
        %parallel_loop3A_1726 = arith.addi %parallel_loop3A_1717, %parallel_loop3A_1716 : i32
        %parallel_loop3A_1727 = arith.select %parallel_loop3A_1725, %parallel_loop3A_1726, %parallel_loop3A_1717 : i32
        %parallel_loop3A_1728 = arith.constant 16 : i32
        %parallel_loop3A_1729 = arith.muli %parallel_loop3A_1727, %parallel_loop3A_1728 : i32
        %parallel_loop3A_1730 = arith.constant 16 : i32
        %parallel_loop3A_1731 = arith.muli %parallel_loop3A_1687, %parallel_loop3A_1730 : i32
        %parallel_loop3A_1732 = arith.index_cast %parallel_loop3A_1731 : i32 to index
        %parallel_loop3A_1733 = tpu.vector_load %arg10[%parallel_loop3A_1732] {strides = array<i32>} : memref<1024xf32, #tpu.memory_space<vmem>>, vector<16xf32>,
        %parallel_loop3A_1734 = arith.constant 0 : i32
        %parallel_loop3A_1735 = arith.constant 0 : i32
        %parallel_loop3A_1736 = arith.constant 0 : i32
        %parallel_loop3A_1737 = tpu.memref_slice %arg11[%scan3A_490, %parallel_loop3A_1734, %parallel_loop3A_1735, %parallel_loop3A_1736] : memref<2x16x8x128xf32, #tpu.memory_space<vmem>> -> memref<1x16x8x128xf32, #tpu.memory_space<vmem>>
        %parallel_loop3A_1738 = tpu.memref_squeeze %parallel_loop3A_1737 : memref<1x16x8x128xf32, #tpu.memory_space<vmem>> -> memref<16x8x128xf32, #tpu.memory_space<vmem>>
        %parallel_loop3A_1739 = arith.index_cast %scan3A_1673 : i32 to index
        %parallel_loop3A_1740 = arith.index_cast %parallel_loop3A_1711 : i32 to index
        %parallel_loop3A_1741 = arith.index_cast %parallel_loop3A_1729 : i32 to index
        %parallel_loop3A_1742 = tpu.vector_load %parallel_loop3A_1738[%parallel_loop3A_1739, %parallel_loop3A_1740, %parallel_loop3A_1741] {strides = array<i32>} : memref<16x8x128xf32, #tpu.memory_space<vmem>>, vector<16xf32>,
        %parallel_loop3A_1743 = arith.constant 4.000000e-01 : f32
        %parallel_loop3A_1744 = vector.broadcast %parallel_loop3A_1743 : f32 to vector<16xf32>
        %parallel_loop3A_1745 = arith.mulf %parallel_loop3A_1744, %parallel_loop3A_1742 : vector<16xf32>
        %parallel_loop3A_1746 = arith.addf %parallel_loop3A_1733, %parallel_loop3A_1745 : vector<16xf32>
        %parallel_loop3A_1747 = arith.constant 0 : i32
        %parallel_loop3A_1748 = arith.constant 0 : i32
        %parallel_loop3A_1749 = arith.constant 0 : i32
        %parallel_loop3A_1750 = tpu.memref_slice %arg12[%scan3A_491, %parallel_loop3A_1747, %parallel_loop3A_1748, %parallel_loop3A_1749] : memref<2x16x8x128xf32, #tpu.memory_space<vmem>> -> memref<1x16x8x128xf32, #tpu.memory_space<vmem>>
        %parallel_loop3A_1751 = tpu.memref_squeeze %parallel_loop3A_1750 : memref<1x16x8x128xf32, #tpu.memory_space<vmem>> -> memref<16x8x128xf32, #tpu.memory_space<vmem>>
        %parallel_loop3A_1752 = arith.index_cast %scan3A_1673 : i32 to index
        %parallel_loop3A_1753 = arith.index_cast %parallel_loop3A_1711 : i32 to index
        %parallel_loop3A_1754 = arith.index_cast %parallel_loop3A_1729 : i32 to index
        %parallel_loop3A_1755 = tpu.vector_load %parallel_loop3A_1751[%parallel_loop3A_1752, %parallel_loop3A_1753, %parallel_loop3A_1754] {strides = array<i32>} : memref<16x8x128xf32, #tpu.memory_space<vmem>>, vector<16xf32>,
        %parallel_loop3A_1756 = arith.mulf %select_n3A, %parallel_loop3A_1755 : vector<16xf32>
        %parallel_loop3A_1757 = arith.addf %parallel_loop3A_1746, %parallel_loop3A_1756 : vector<16xf32>
        %parallel_loop3A_1758 = arith.constant 0 : i32
        %parallel_loop3A_1759 = arith.constant 0 : i32
        %parallel_loop3A_1760 = arith.constant 0 : i32
        %parallel_loop3A_1761 = tpu.memref_slice %arg13[%scan3A_492, %parallel_loop3A_1758, %parallel_loop3A_1759, %parallel_loop3A_1760] : memref<2x16x8x128xf32, #tpu.memory_space<vmem>> -> memref<1x16x8x128xf32, #tpu.memory_space<vmem>>
        %parallel_loop3A_1762 = tpu.memref_squeeze %parallel_loop3A_1761 : memref<1x16x8x128xf32, #tpu.memory_space<vmem>> -> memref<16x8x128xf32, #tpu.memory_space<vmem>>
        %parallel_loop3A_1763 = arith.index_cast %scan3A_1673 : i32 to index
        %parallel_loop3A_1764 = arith.index_cast %parallel_loop3A_1711 : i32 to index
        %parallel_loop3A_1765 = arith.index_cast %parallel_loop3A_1729 : i32 to index
        %parallel_loop3A_1766 = tpu.vector_load %parallel_loop3A_1762[%parallel_loop3A_1763, %parallel_loop3A_1764, %parallel_loop3A_1765] {strides = array<i32>} : memref<16x8x128xf32, #tpu.memory_space<vmem>>, vector<16xf32>,
        tpu.vector_store %parallel_loop3A_1762[%parallel_loop3A_1763, %parallel_loop3A_1764, %parallel_loop3A_1765], %parallel_loop3A_1757 {strides = array<i32>} : memref<16x8x128xf32, #tpu.memory_space<vmem>>, vector<16xf32>,
      } {sc.loop_unroll_factor = 4 : i64, sc.parallel_access}
      %scan3A_1686 = arith.constant 0 : i32
      scf.yield %scan3A_1686 : i32
    }
    %scan3A_499 = arith.constant 16 : i32
    %add3A_500 = arith.constant 64 : i32
    %add3A_501 = arith.addi %mul3A_2, %add3A_500 : i32
    %dma_start3A_502 = arith.constant 0 : i32
    %dma_start3A_503 = arith.constant 0 : i32
    %dma_start3A_504 = arith.constant 0 : i32
    %dma_start3A_505 = arith.constant 0 : i32
    %dma_start3A_506 = tpu.memref_slice %arg13[%dma_start3A_502, %dma_start3A_503, %dma_start3A_504, %dma_start3A_505] : memref<2x16x8x128xf32, #tpu.memory_space<vmem>> -> memref<1x16x8x128xf32, #tpu.memory_space<vmem>>
    %dma_start3A_507 = tpu.memref_squeeze %dma_start3A_506 : memref<1x16x8x128xf32, #tpu.memory_space<vmem>> -> memref<16x8x128xf32, #tpu.memory_space<vmem>>
    %dma_start3A_508 = arith.constant 0 : i32
    %dma_start3A_509 = arith.constant 0 : i32
    %dma_start3A_510 = tpu.memref_slice %arg6[%add3A_501, %dma_start3A_508, %dma_start3A_509] : memref<8192x8x128xf32, #tpu.memory_space<hbm>> -> memref<16x8x128xf32, #tpu.memory_space<hbm>>
    %dma_start3A_511 = arith.constant 0 : i32
    %dma_start3A_512 = arith.constant 0 : i32
    %dma_start3A_513 = tpu.memref_slice %arg6[%add3A_501, %dma_start3A_511, %dma_start3A_512] : memref<8192x8x128xf32, #tpu.memory_space<hbm>> -> memref<16x8x128xf32, #tpu.memory_space<hbm>>
    %dma_start3A_514 = arith.constant 0 : i32
    %dma_start3A_515 = arith.constant 0 : i32
    %dma_start3A_516 = arith.constant 0 : i32
    %dma_start3A_517 = tpu.memref_slice %arg13[%dma_start3A_502, %dma_start3A_514, %dma_start3A_515, %dma_start3A_516] : memref<2x16x8x128xf32, #tpu.memory_space<vmem>> -> memref<1x16x8x128xf32, #tpu.memory_space<vmem>>
    %dma_start3A_518 = tpu.memref_squeeze %dma_start3A_517 : memref<1x16x8x128xf32, #tpu.memory_space<vmem>> -> memref<16x8x128xf32, #tpu.memory_space<vmem>>
    tpu.enqueue_dma source(%dma_start3A_518 : memref<16x8x128xf32, #tpu.memory_space<vmem>>) target(%dma_start3A_513 : memref<16x8x128xf32, #tpu.memory_space<hbm>>) target_semaphore(%arg16 : memref<!tpu.dma_semaphore, #tpu.memory_space<semaphore_mem>>)
    %dma_start3A_519 = arith.constant 6 : i32
    %dma_start3A_520 = arith.constant 0 : i32
    %dma_start3A_521 = arith.constant 0 : i32
    %dma_start3A_522 = arith.constant 0 : i32
    %dma_start3A_523 = arith.constant 0 : i32
    %dma_start3A_524 = tpu.memref_slice %arg11[%dma_start3A_520, %dma_start3A_521, %dma_start3A_522, %dma_start3A_523] : memref<2x16x8x128xf32, #tpu.memory_space<vmem>> -> memref<1x16x8x128xf32, #tpu.memory_space<vmem>>
    %dma_start3A_525 = tpu.memref_squeeze %dma_start3A_524 : memref<1x16x8x128xf32, #tpu.memory_space<vmem>> -> memref<16x8x128xf32, #tpu.memory_space<vmem>>
    %dma_start3A_526 = arith.constant 0 : i32
    %dma_start3A_527 = tpu.memref_slice %arg8[%dma_start3A_519, %dma_start3A_526] : memref<16x16xi32, #tpu.memory_space<vmem>> -> memref<1x16xi32, #tpu.memory_space<vmem>>
    %dma_start3A_528 = tpu.memref_squeeze %dma_start3A_527 : memref<1x16xi32, #tpu.memory_space<vmem>> -> memref<16xi32, #tpu.memory_space<vmem>>
    %dma_start3A_529 = arith.constant 0 : i32
    %dma_start3A_530 = arith.constant 0 : i32
    %dma_start3A_531 = arith.constant 0 : i32
    %dma_start3A_532 = tpu.memref_slice %arg4[%dma_start3A_529, %dma_start3A_530, %dma_start3A_531] : memref<1000x8x128xf32, #tpu.memory_space<hbm>> -> memref<1000x8x128xf32, #tpu.memory_space<hbm>>
    tpu.enqueue_indirect_dma source(%dma_start3A_532 : memref<1000x8x128xf32, #tpu.memory_space<hbm>>) target(%dma_start3A_525 : memref<16x8x128xf32, #tpu.memory_space<vmem>>) offsets(%dma_start3A_528 : memref<16xi32, #tpu.memory_space<vmem>>) semaphore(%arg14 : memref<!tpu.dma_semaphore, #tpu.memory_space<semaphore_mem>>)
    %dma_start3A_533 = arith.constant 6 : i32
    %dma_start3A_534 = arith.constant 0 : i32
    %dma_start3A_535 = arith.constant 0 : i32
    %dma_start3A_536 = arith.constant 0 : i32
    %dma_start3A_537 = arith.constant 0 : i32
    %dma_start3A_538 = tpu.memref_slice %arg12[%dma_start3A_534, %dma_start3A_535, %dma_start3A_536, %dma_start3A_537] : memref<2x16x8x128xf32, #tpu.memory_space<vmem>> -> memref<1x16x8x128xf32, #tpu.memory_space<vmem>>
    %dma_start3A_539 = tpu.memref_squeeze %dma_start3A_538 : memref<1x16x8x128xf32, #tpu.memory_space<vmem>> -> memref<16x8x128xf32, #tpu.memory_space<vmem>>
    %dma_start3A_540 = arith.constant 0 : i32
    %dma_start3A_541 = tpu.memref_slice %arg9[%dma_start3A_533, %dma_start3A_540] : memref<16x16xi32, #tpu.memory_space<vmem>> -> memref<1x16xi32, #tpu.memory_space<vmem>>
    %dma_start3A_542 = tpu.memref_squeeze %dma_start3A_541 : memref<1x16xi32, #tpu.memory_space<vmem>> -> memref<16xi32, #tpu.memory_space<vmem>>
    %dma_start3A_543 = arith.constant 0 : i32
    %dma_start3A_544 = arith.constant 0 : i32
    %dma_start3A_545 = arith.constant 0 : i32
    %dma_start3A_546 = tpu.memref_slice %arg5[%dma_start3A_543, %dma_start3A_544, %dma_start3A_545] : memref<8192x8x128xf32, #tpu.memory_space<hbm>> -> memref<8192x8x128xf32, #tpu.memory_space<hbm>>
    tpu.enqueue_indirect_dma source(%dma_start3A_546 : memref<8192x8x128xf32, #tpu.memory_space<hbm>>) target(%dma_start3A_539 : memref<16x8x128xf32, #tpu.memory_space<vmem>>) offsets(%dma_start3A_542 : memref<16xi32, #tpu.memory_space<vmem>>) semaphore(%arg14 : memref<!tpu.dma_semaphore, #tpu.memory_space<semaphore_mem>>)
    %dma_wait3A_547 = arith.constant 5 : i32
    %dma_wait3A_548 = arith.constant 1 : i32
    %dma_wait3A_549 = arith.constant 0 : i32
    %dma_wait3A_550 = arith.constant 0 : i32
    %dma_wait3A_551 = arith.constant 0 : i32
    %dma_wait3A_552 = tpu.memref_slice %arg11[%dma_wait3A_548, %dma_wait3A_549, %dma_wait3A_550, %dma_wait3A_551] : memref<2x16x8x128xf32, #tpu.memory_space<vmem>> -> memref<1x16x8x128xf32, #tpu.memory_space<vmem>>
    %dma_wait3A_553 = tpu.memref_squeeze %dma_wait3A_552 : memref<1x16x8x128xf32, #tpu.memory_space<vmem>> -> memref<16x8x128xf32, #tpu.memory_space<vmem>>
    %dma_wait3A_554 = arith.constant 0 : i32
    %dma_wait3A_555 = tpu.memref_slice %arg8[%dma_wait3A_547, %dma_wait3A_554] : memref<16x16xi32, #tpu.memory_space<vmem>> -> memref<1x16xi32, #tpu.memory_space<vmem>>
    %dma_wait3A_556 = tpu.memref_squeeze %dma_wait3A_555 : memref<1x16xi32, #tpu.memory_space<vmem>> -> memref<16xi32, #tpu.memory_space<vmem>>
    %dma_wait3A_557 = arith.constant 0 : i32
    %dma_wait3A_558 = arith.constant 0 : i32
    %dma_wait3A_559 = arith.constant 0 : i32
    %dma_wait3A_560 = tpu.memref_slice %arg4[%dma_wait3A_557, %dma_wait3A_558, %dma_wait3A_559] : memref<1000x8x128xf32, #tpu.memory_space<hbm>> -> memref<1000x8x128xf32, #tpu.memory_space<hbm>>
    tpu.wait_indirect_dma semaphore(%arg15 : memref<!tpu.dma_semaphore, #tpu.memory_space<semaphore_mem>>) src(%dma_wait3A_560 : memref<1000x8x128xf32, #tpu.memory_space<hbm>>) dst(%dma_wait3A_553 : memref<16x8x128xf32, #tpu.memory_space<vmem>>)
    %dma_wait3A_561 = arith.constant 5 : i32
    %dma_wait3A_562 = arith.constant 1 : i32
    %dma_wait3A_563 = arith.constant 0 : i32
    %dma_wait3A_564 = arith.constant 0 : i32
    %dma_wait3A_565 = arith.constant 0 : i32
    %dma_wait3A_566 = tpu.memref_slice %arg12[%dma_wait3A_562, %dma_wait3A_563, %dma_wait3A_564, %dma_wait3A_565] : memref<2x16x8x128xf32, #tpu.memory_space<vmem>> -> memref<1x16x8x128xf32, #tpu.memory_space<vmem>>
    %dma_wait3A_567 = tpu.memref_squeeze %dma_wait3A_566 : memref<1x16x8x128xf32, #tpu.memory_space<vmem>> -> memref<16x8x128xf32, #tpu.memory_space<vmem>>
    %dma_wait3A_568 = arith.constant 0 : i32
    %dma_wait3A_569 = tpu.memref_slice %arg9[%dma_wait3A_561, %dma_wait3A_568] : memref<16x16xi32, #tpu.memory_space<vmem>> -> memref<1x16xi32, #tpu.memory_space<vmem>>
    %dma_wait3A_570 = tpu.memref_squeeze %dma_wait3A_569 : memref<1x16xi32, #tpu.memory_space<vmem>> -> memref<16xi32, #tpu.memory_space<vmem>>
    %dma_wait3A_571 = arith.constant 0 : i32
    %dma_wait3A_572 = arith.constant 0 : i32
    %dma_wait3A_573 = arith.constant 0 : i32
    %dma_wait3A_574 = tpu.memref_slice %arg5[%dma_wait3A_571, %dma_wait3A_572, %dma_wait3A_573] : memref<8192x8x128xf32, #tpu.memory_space<hbm>> -> memref<8192x8x128xf32, #tpu.memory_space<hbm>>
    tpu.wait_indirect_dma semaphore(%arg15 : memref<!tpu.dma_semaphore, #tpu.memory_space<semaphore_mem>>) src(%dma_wait3A_574 : memref<8192x8x128xf32, #tpu.memory_space<hbm>>) dst(%dma_wait3A_567 : memref<16x8x128xf32, #tpu.memory_space<vmem>>)
    %add3A_575 = arith.constant 48 : i32
    %add3A_576 = arith.addi %mul3A_2, %add3A_575 : i32
    %dma_wait3A_577 = arith.constant 1 : i32
    %dma_wait3A_578 = arith.constant 0 : i32
    %dma_wait3A_579 = arith.constant 0 : i32
    %dma_wait3A_580 = arith.constant 0 : i32
    %dma_wait3A_581 = tpu.memref_slice %arg13[%dma_wait3A_577, %dma_wait3A_578, %dma_wait3A_579, %dma_wait3A_580] : memref<2x16x8x128xf32, #tpu.memory_space<vmem>> -> memref<1x16x8x128xf32, #tpu.memory_space<vmem>>
    %dma_wait3A_582 = tpu.memref_squeeze %dma_wait3A_581 : memref<1x16x8x128xf32, #tpu.memory_space<vmem>> -> memref<16x8x128xf32, #tpu.memory_space<vmem>>
    %dma_wait3A_583 = arith.constant 0 : i32
    %dma_wait3A_584 = arith.constant 0 : i32
    %dma_wait3A_585 = tpu.memref_slice %arg6[%add3A_576, %dma_wait3A_583, %dma_wait3A_584] : memref<8192x8x128xf32, #tpu.memory_space<hbm>> -> memref<16x8x128xf32, #tpu.memory_space<hbm>>
    %dma_wait3A_586 = arith.constant 0 : i32
    %dma_wait3A_587 = arith.constant 0 : i32
    %dma_wait3A_588 = tpu.memref_slice %arg6[%add3A_576, %dma_wait3A_586, %dma_wait3A_587] : memref<8192x8x128xf32, #tpu.memory_space<hbm>> -> memref<16x8x128xf32, #tpu.memory_space<hbm>>
    %dma_wait3A_589 = arith.constant 0 : i32
    %dma_wait3A_590 = arith.constant 0 : i32
    %dma_wait3A_591 = arith.constant 0 : i32
    %dma_wait3A_592 = tpu.memref_slice %arg13[%dma_wait3A_577, %dma_wait3A_589, %dma_wait3A_590, %dma_wait3A_591] : memref<2x16x8x128xf32, #tpu.memory_space<vmem>> -> memref<1x16x8x128xf32, #tpu.memory_space<vmem>>
    %dma_wait3A_593 = tpu.memref_squeeze %dma_wait3A_592 : memref<1x16x8x128xf32, #tpu.memory_space<vmem>> -> memref<16x8x128xf32, #tpu.memory_space<vmem>>
    tpu.wait_dma2 semaphore(%arg17 : memref<!tpu.dma_semaphore, #tpu.memory_space<semaphore_mem>>) src(%dma_wait3A_593 : memref<16x8x128xf32, #tpu.memory_space<vmem>>) dst(%dma_wait3A_588 : memref<16x8x128xf32, #tpu.memory_space<hbm>>)
    %scan3A_594 = arith.constant 1 : i32
    %scan3A_595 = arith.constant 1 : i32
    %scan3A_596 = arith.constant 1 : i32
    %scan3A_597 = arith.constant 0 : i32
    %scan3A_598 = arith.constant 0 : i32
    %scan3A_599 = arith.constant 16 : i32
    %scan3A_600 = arith.addi %scan3A_598, %scan3A_599 : i32
    %scan3A_601 = arith.constant 1 : i32
    %scan3A_602 = scf.for %scan3A_1673 = %scan3A_598 to %scan3A_600 step %scan3A_601 iter_args(%scan3A_1674 = %scan3A_597) -> (i32)  : i32 {
      %add3A_1675 = arith.constant 80 : i32
      %add3A_1676 = arith.addi %mul3A_2, %add3A_1675 : i32
      %add3A_1677 = arith.addi %add3A_1676, %scan3A_1673 : i32
      %broadcast_in_dim3A = vector.broadcast %add3A_1677 : i32 to vector<16xi32>
      %ge3A = arith.constant 8 : i32
      %ge3A_1678 = vector.broadcast %ge3A : i32 to vector<16xi32>
      %ge3A_1679 = arith.cmpi sge, %broadcast_in_dim3A, %ge3A_1678 : vector<16xi32>
      %jit3A = arith.constant 3.000000e-01 : f32
      %jit3A_1680 = arith.constant 0.000000e+00 : f32
      %broadcast_in_dim3A_1681 = vector.broadcast %jit3A : f32 to vector<16xf32>
      %broadcast_in_dim3A_1682 = vector.broadcast %jit3A_1680 : f32 to vector<16xf32>
      %select_n3A = arith.select %ge3A_1679, %broadcast_in_dim3A_1681, %broadcast_in_dim3A_1682 : vector<16xi1>, vector<16xf32>
      %parallel_loop3A_1683 = arith.constant 0 : i32
      %parallel_loop3A_1684 = arith.constant 63 : i32
      %parallel_loop3A_1685 = arith.constant 1 : i32
      scf.for %parallel_loop3A_1687 = %parallel_loop3A_1683 to %parallel_loop3A_1684 step %parallel_loop3A_1685  : i32 {
        %parallel_loop3A_1688 = arith.constant 8 : i32
        %parallel_loop3A_1689 = arith.divsi %parallel_loop3A_1687, %parallel_loop3A_1688 : i32
        %parallel_loop3A_1690 = arith.constant 0 : i32
        %parallel_loop3A_1691 = arith.cmpi sgt, %parallel_loop3A_1687, %parallel_loop3A_1690 : i32
        %parallel_loop3A_1692 = arith.extui %parallel_loop3A_1691 : i1 to i32
        %parallel_loop3A_1693 = arith.constant 0 : i32
        %parallel_loop3A_1694 = arith.cmpi slt, %parallel_loop3A_1687, %parallel_loop3A_1693 : i32
        %parallel_loop3A_1695 = arith.extui %parallel_loop3A_1694 : i1 to i32
        %parallel_loop3A_1696 = arith.subi %parallel_loop3A_1692, %parallel_loop3A_1695 : i32
        %parallel_loop3A_1697 = arith.constant 0 : i32
        %parallel_loop3A_1698 = arith.cmpi sgt, %parallel_loop3A_1688, %parallel_loop3A_1697 : i32
        %parallel_loop3A_1699 = arith.extui %parallel_loop3A_1698 : i1 to i32
        %parallel_loop3A_1700 = arith.constant 0 : i32
        %parallel_loop3A_1701 = arith.cmpi slt, %parallel_loop3A_1688, %parallel_loop3A_1700 : i32
        %parallel_loop3A_1702 = arith.extui %parallel_loop3A_1701 : i1 to i32
        %parallel_loop3A_1703 = arith.subi %parallel_loop3A_1699, %parallel_loop3A_1702 : i32
        %parallel_loop3A_1704 = arith.cmpi ne, %parallel_loop3A_1696, %parallel_loop3A_1703 : i32
        %parallel_loop3A_1705 = arith.remsi %parallel_loop3A_1687, %parallel_loop3A_1688 : i32
        %parallel_loop3A_1706 = arith.constant 0 : i32
        %parallel_loop3A_1707 = arith.cmpi ne, %parallel_loop3A_1705, %parallel_loop3A_1706 : i32
        %parallel_loop3A_1708 = arith.andi %parallel_loop3A_1704, %parallel_loop3A_1707 : i1
        %parallel_loop3A_1709 = arith.constant 1 : i32
        %parallel_loop3A_1710 = arith.subi %parallel_loop3A_1689, %parallel_loop3A_1709 : i32
        %parallel_loop3A_1711 = arith.select %parallel_loop3A_1708, %parallel_loop3A_1710, %parallel_loop3A_1689 : i32
        %parallel_loop3A_1712 = arith.constant 8 : i32
        %parallel_loop3A_1713 = arith.constant 0 : i32
        %parallel_loop3A_1714 = arith.cmpi eq, %parallel_loop3A_1712, %parallel_loop3A_1713 : i32
        %parallel_loop3A_1715 = arith.constant 1 : i32
        %parallel_loop3A_1716 = arith.select %parallel_loop3A_1714, %parallel_loop3A_1715, %parallel_loop3A_1712 : i32
        %parallel_loop3A_1717 = arith.remsi %parallel_loop3A_1687, %parallel_loop3A_1716 : i32
        %parallel_loop3A_1718 = arith.constant 0 : i32
        %parallel_loop3A_1719 = arith.cmpi ne, %parallel_loop3A_1717, %parallel_loop3A_1718 : i32
        %parallel_loop3A_1720 = arith.constant 0 : i32
        %parallel_loop3A_1721 = arith.cmpi slt, %parallel_loop3A_1717, %parallel_loop3A_1720 : i32
        %parallel_loop3A_1722 = arith.constant 0 : i32
        %parallel_loop3A_1723 = arith.cmpi slt, %parallel_loop3A_1716, %parallel_loop3A_1722 : i32
        %parallel_loop3A_1724 = arith.xori %parallel_loop3A_1721, %parallel_loop3A_1723 : i1
        %parallel_loop3A_1725 = arith.andi %parallel_loop3A_1724, %parallel_loop3A_1719 : i1
        %parallel_loop3A_1726 = arith.addi %parallel_loop3A_1717, %parallel_loop3A_1716 : i32
        %parallel_loop3A_1727 = arith.select %parallel_loop3A_1725, %parallel_loop3A_1726, %parallel_loop3A_1717 : i32
        %parallel_loop3A_1728 = arith.constant 16 : i32
        %parallel_loop3A_1729 = arith.muli %parallel_loop3A_1727, %parallel_loop3A_1728 : i32
        %parallel_loop3A_1730 = arith.constant 16 : i32
        %parallel_loop3A_1731 = arith.muli %parallel_loop3A_1687, %parallel_loop3A_1730 : i32
        %parallel_loop3A_1732 = arith.index_cast %parallel_loop3A_1731 : i32 to index
        %parallel_loop3A_1733 = tpu.vector_load %arg10[%parallel_loop3A_1732] {strides = array<i32>} : memref<1024xf32, #tpu.memory_space<vmem>>, vector<16xf32>,
        %parallel_loop3A_1734 = arith.constant 0 : i32
        %parallel_loop3A_1735 = arith.constant 0 : i32
        %parallel_loop3A_1736 = arith.constant 0 : i32
        %parallel_loop3A_1737 = tpu.memref_slice %arg11[%scan3A_594, %parallel_loop3A_1734, %parallel_loop3A_1735, %parallel_loop3A_1736] : memref<2x16x8x128xf32, #tpu.memory_space<vmem>> -> memref<1x16x8x128xf32, #tpu.memory_space<vmem>>
        %parallel_loop3A_1738 = tpu.memref_squeeze %parallel_loop3A_1737 : memref<1x16x8x128xf32, #tpu.memory_space<vmem>> -> memref<16x8x128xf32, #tpu.memory_space<vmem>>
        %parallel_loop3A_1739 = arith.index_cast %scan3A_1673 : i32 to index
        %parallel_loop3A_1740 = arith.index_cast %parallel_loop3A_1711 : i32 to index
        %parallel_loop3A_1741 = arith.index_cast %parallel_loop3A_1729 : i32 to index
        %parallel_loop3A_1742 = tpu.vector_load %parallel_loop3A_1738[%parallel_loop3A_1739, %parallel_loop3A_1740, %parallel_loop3A_1741] {strides = array<i32>} : memref<16x8x128xf32, #tpu.memory_space<vmem>>, vector<16xf32>,
        %parallel_loop3A_1743 = arith.constant 4.000000e-01 : f32
        %parallel_loop3A_1744 = vector.broadcast %parallel_loop3A_1743 : f32 to vector<16xf32>
        %parallel_loop3A_1745 = arith.mulf %parallel_loop3A_1744, %parallel_loop3A_1742 : vector<16xf32>
        %parallel_loop3A_1746 = arith.addf %parallel_loop3A_1733, %parallel_loop3A_1745 : vector<16xf32>
        %parallel_loop3A_1747 = arith.constant 0 : i32
        %parallel_loop3A_1748 = arith.constant 0 : i32
        %parallel_loop3A_1749 = arith.constant 0 : i32
        %parallel_loop3A_1750 = tpu.memref_slice %arg12[%scan3A_595, %parallel_loop3A_1747, %parallel_loop3A_1748, %parallel_loop3A_1749] : memref<2x16x8x128xf32, #tpu.memory_space<vmem>> -> memref<1x16x8x128xf32, #tpu.memory_space<vmem>>
        %parallel_loop3A_1751 = tpu.memref_squeeze %parallel_loop3A_1750 : memref<1x16x8x128xf32, #tpu.memory_space<vmem>> -> memref<16x8x128xf32, #tpu.memory_space<vmem>>
        %parallel_loop3A_1752 = arith.index_cast %scan3A_1673 : i32 to index
        %parallel_loop3A_1753 = arith.index_cast %parallel_loop3A_1711 : i32 to index
        %parallel_loop3A_1754 = arith.index_cast %parallel_loop3A_1729 : i32 to index
        %parallel_loop3A_1755 = tpu.vector_load %parallel_loop3A_1751[%parallel_loop3A_1752, %parallel_loop3A_1753, %parallel_loop3A_1754] {strides = array<i32>} : memref<16x8x128xf32, #tpu.memory_space<vmem>>, vector<16xf32>,
        %parallel_loop3A_1756 = arith.mulf %select_n3A, %parallel_loop3A_1755 : vector<16xf32>
        %parallel_loop3A_1757 = arith.addf %parallel_loop3A_1746, %parallel_loop3A_1756 : vector<16xf32>
        %parallel_loop3A_1758 = arith.constant 0 : i32
        %parallel_loop3A_1759 = arith.constant 0 : i32
        %parallel_loop3A_1760 = arith.constant 0 : i32
        %parallel_loop3A_1761 = tpu.memref_slice %arg13[%scan3A_596, %parallel_loop3A_1758, %parallel_loop3A_1759, %parallel_loop3A_1760] : memref<2x16x8x128xf32, #tpu.memory_space<vmem>> -> memref<1x16x8x128xf32, #tpu.memory_space<vmem>>
        %parallel_loop3A_1762 = tpu.memref_squeeze %parallel_loop3A_1761 : memref<1x16x8x128xf32, #tpu.memory_space<vmem>> -> memref<16x8x128xf32, #tpu.memory_space<vmem>>
        %parallel_loop3A_1763 = arith.index_cast %scan3A_1673 : i32 to index
        %parallel_loop3A_1764 = arith.index_cast %parallel_loop3A_1711 : i32 to index
        %parallel_loop3A_1765 = arith.index_cast %parallel_loop3A_1729 : i32 to index
        %parallel_loop3A_1766 = tpu.vector_load %parallel_loop3A_1762[%parallel_loop3A_1763, %parallel_loop3A_1764, %parallel_loop3A_1765] {strides = array<i32>} : memref<16x8x128xf32, #tpu.memory_space<vmem>>, vector<16xf32>,
        tpu.vector_store %parallel_loop3A_1762[%parallel_loop3A_1763, %parallel_loop3A_1764, %parallel_loop3A_1765], %parallel_loop3A_1757 {strides = array<i32>} : memref<16x8x128xf32, #tpu.memory_space<vmem>>, vector<16xf32>,
      } {sc.loop_unroll_factor = 4 : i64, sc.parallel_access}
      %scan3A_1686 = arith.constant 0 : i32
      scf.yield %scan3A_1686 : i32
    }
    %scan3A_603 = arith.constant 16 : i32
    %add3A_604 = arith.constant 80 : i32
    %add3A_605 = arith.addi %mul3A_2, %add3A_604 : i32
    %dma_start3A_606 = arith.constant 1 : i32
    %dma_start3A_607 = arith.constant 0 : i32
    %dma_start3A_608 = arith.constant 0 : i32
    %dma_start3A_609 = arith.constant 0 : i32
    %dma_start3A_610 = tpu.memref_slice %arg13[%dma_start3A_606, %dma_start3A_607, %dma_start3A_608, %dma_start3A_609] : memref<2x16x8x128xf32, #tpu.memory_space<vmem>> -> memref<1x16x8x128xf32, #tpu.memory_space<vmem>>
    %dma_start3A_611 = tpu.memref_squeeze %dma_start3A_610 : memref<1x16x8x128xf32, #tpu.memory_space<vmem>> -> memref<16x8x128xf32, #tpu.memory_space<vmem>>
    %dma_start3A_612 = arith.constant 0 : i32
    %dma_start3A_613 = arith.constant 0 : i32
    %dma_start3A_614 = tpu.memref_slice %arg6[%add3A_605, %dma_start3A_612, %dma_start3A_613] : memref<8192x8x128xf32, #tpu.memory_space<hbm>> -> memref<16x8x128xf32, #tpu.memory_space<hbm>>
    %dma_start3A_615 = arith.constant 0 : i32
    %dma_start3A_616 = arith.constant 0 : i32
    %dma_start3A_617 = tpu.memref_slice %arg6[%add3A_605, %dma_start3A_615, %dma_start3A_616] : memref<8192x8x128xf32, #tpu.memory_space<hbm>> -> memref<16x8x128xf32, #tpu.memory_space<hbm>>
    %dma_start3A_618 = arith.constant 0 : i32
    %dma_start3A_619 = arith.constant 0 : i32
    %dma_start3A_620 = arith.constant 0 : i32
    %dma_start3A_621 = tpu.memref_slice %arg13[%dma_start3A_606, %dma_start3A_618, %dma_start3A_619, %dma_start3A_620] : memref<2x16x8x128xf32, #tpu.memory_space<vmem>> -> memref<1x16x8x128xf32, #tpu.memory_space<vmem>>
    %dma_start3A_622 = tpu.memref_squeeze %dma_start3A_621 : memref<1x16x8x128xf32, #tpu.memory_space<vmem>> -> memref<16x8x128xf32, #tpu.memory_space<vmem>>
    tpu.enqueue_dma source(%dma_start3A_622 : memref<16x8x128xf32, #tpu.memory_space<vmem>>) target(%dma_start3A_617 : memref<16x8x128xf32, #tpu.memory_space<hbm>>) target_semaphore(%arg17 : memref<!tpu.dma_semaphore, #tpu.memory_space<semaphore_mem>>)
    %dma_start3A_623 = arith.constant 7 : i32
    %dma_start3A_624 = arith.constant 1 : i32
    %dma_start3A_625 = arith.constant 0 : i32
    %dma_start3A_626 = arith.constant 0 : i32
    %dma_start3A_627 = arith.constant 0 : i32
    %dma_start3A_628 = tpu.memref_slice %arg11[%dma_start3A_624, %dma_start3A_625, %dma_start3A_626, %dma_start3A_627] : memref<2x16x8x128xf32, #tpu.memory_space<vmem>> -> memref<1x16x8x128xf32, #tpu.memory_space<vmem>>
    %dma_start3A_629 = tpu.memref_squeeze %dma_start3A_628 : memref<1x16x8x128xf32, #tpu.memory_space<vmem>> -> memref<16x8x128xf32, #tpu.memory_space<vmem>>
    %dma_start3A_630 = arith.constant 0 : i32
    %dma_start3A_631 = tpu.memref_slice %arg8[%dma_start3A_623, %dma_start3A_630] : memref<16x16xi32, #tpu.memory_space<vmem>> -> memref<1x16xi32, #tpu.memory_space<vmem>>
    %dma_start3A_632 = tpu.memref_squeeze %dma_start3A_631 : memref<1x16xi32, #tpu.memory_space<vmem>> -> memref<16xi32, #tpu.memory_space<vmem>>
    %dma_start3A_633 = arith.constant 0 : i32
    %dma_start3A_634 = arith.constant 0 : i32
    %dma_start3A_635 = arith.constant 0 : i32
    %dma_start3A_636 = tpu.memref_slice %arg4[%dma_start3A_633, %dma_start3A_634, %dma_start3A_635] : memref<1000x8x128xf32, #tpu.memory_space<hbm>> -> memref<1000x8x128xf32, #tpu.memory_space<hbm>>
    tpu.enqueue_indirect_dma source(%dma_start3A_636 : memref<1000x8x128xf32, #tpu.memory_space<hbm>>) target(%dma_start3A_629 : memref<16x8x128xf32, #tpu.memory_space<vmem>>) offsets(%dma_start3A_632 : memref<16xi32, #tpu.memory_space<vmem>>) semaphore(%arg15 : memref<!tpu.dma_semaphore, #tpu.memory_space<semaphore_mem>>)
    %dma_start3A_637 = arith.constant 7 : i32
    %dma_start3A_638 = arith.constant 1 : i32
    %dma_start3A_639 = arith.constant 0 : i32
    %dma_start3A_640 = arith.constant 0 : i32
    %dma_start3A_641 = arith.constant 0 : i32
    %dma_start3A_642 = tpu.memref_slice %arg12[%dma_start3A_638, %dma_start3A_639, %dma_start3A_640, %dma_start3A_641] : memref<2x16x8x128xf32, #tpu.memory_space<vmem>> -> memref<1x16x8x128xf32, #tpu.memory_space<vmem>>
    %dma_start3A_643 = tpu.memref_squeeze %dma_start3A_642 : memref<1x16x8x128xf32, #tpu.memory_space<vmem>> -> memref<16x8x128xf32, #tpu.memory_space<vmem>>
    %dma_start3A_644 = arith.constant 0 : i32
    %dma_start3A_645 = tpu.memref_slice %arg9[%dma_start3A_637, %dma_start3A_644] : memref<16x16xi32, #tpu.memory_space<vmem>> -> memref<1x16xi32, #tpu.memory_space<vmem>>
    %dma_start3A_646 = tpu.memref_squeeze %dma_start3A_645 : memref<1x16xi32, #tpu.memory_space<vmem>> -> memref<16xi32, #tpu.memory_space<vmem>>
    %dma_start3A_647 = arith.constant 0 : i32
    %dma_start3A_648 = arith.constant 0 : i32
    %dma_start3A_649 = arith.constant 0 : i32
    %dma_start3A_650 = tpu.memref_slice %arg5[%dma_start3A_647, %dma_start3A_648, %dma_start3A_649] : memref<8192x8x128xf32, #tpu.memory_space<hbm>> -> memref<8192x8x128xf32, #tpu.memory_space<hbm>>
    tpu.enqueue_indirect_dma source(%dma_start3A_650 : memref<8192x8x128xf32, #tpu.memory_space<hbm>>) target(%dma_start3A_643 : memref<16x8x128xf32, #tpu.memory_space<vmem>>) offsets(%dma_start3A_646 : memref<16xi32, #tpu.memory_space<vmem>>) semaphore(%arg15 : memref<!tpu.dma_semaphore, #tpu.memory_space<semaphore_mem>>)
    %dma_wait3A_651 = arith.constant 6 : i32
    %dma_wait3A_652 = arith.constant 0 : i32
    %dma_wait3A_653 = arith.constant 0 : i32
    %dma_wait3A_654 = arith.constant 0 : i32
    %dma_wait3A_655 = arith.constant 0 : i32
    %dma_wait3A_656 = tpu.memref_slice %arg11[%dma_wait3A_652, %dma_wait3A_653, %dma_wait3A_654, %dma_wait3A_655] : memref<2x16x8x128xf32, #tpu.memory_space<vmem>> -> memref<1x16x8x128xf32, #tpu.memory_space<vmem>>
    %dma_wait3A_657 = tpu.memref_squeeze %dma_wait3A_656 : memref<1x16x8x128xf32, #tpu.memory_space<vmem>> -> memref<16x8x128xf32, #tpu.memory_space<vmem>>
    %dma_wait3A_658 = arith.constant 0 : i32
    %dma_wait3A_659 = tpu.memref_slice %arg8[%dma_wait3A_651, %dma_wait3A_658] : memref<16x16xi32, #tpu.memory_space<vmem>> -> memref<1x16xi32, #tpu.memory_space<vmem>>
    %dma_wait3A_660 = tpu.memref_squeeze %dma_wait3A_659 : memref<1x16xi32, #tpu.memory_space<vmem>> -> memref<16xi32, #tpu.memory_space<vmem>>
    %dma_wait3A_661 = arith.constant 0 : i32
    %dma_wait3A_662 = arith.constant 0 : i32
    %dma_wait3A_663 = arith.constant 0 : i32
    %dma_wait3A_664 = tpu.memref_slice %arg4[%dma_wait3A_661, %dma_wait3A_662, %dma_wait3A_663] : memref<1000x8x128xf32, #tpu.memory_space<hbm>> -> memref<1000x8x128xf32, #tpu.memory_space<hbm>>
    tpu.wait_indirect_dma semaphore(%arg14 : memref<!tpu.dma_semaphore, #tpu.memory_space<semaphore_mem>>) src(%dma_wait3A_664 : memref<1000x8x128xf32, #tpu.memory_space<hbm>>) dst(%dma_wait3A_657 : memref<16x8x128xf32, #tpu.memory_space<vmem>>)
    %dma_wait3A_665 = arith.constant 6 : i32
    %dma_wait3A_666 = arith.constant 0 : i32
    %dma_wait3A_667 = arith.constant 0 : i32
    %dma_wait3A_668 = arith.constant 0 : i32
    %dma_wait3A_669 = arith.constant 0 : i32
    %dma_wait3A_670 = tpu.memref_slice %arg12[%dma_wait3A_666, %dma_wait3A_667, %dma_wait3A_668, %dma_wait3A_669] : memref<2x16x8x128xf32, #tpu.memory_space<vmem>> -> memref<1x16x8x128xf32, #tpu.memory_space<vmem>>
    %dma_wait3A_671 = tpu.memref_squeeze %dma_wait3A_670 : memref<1x16x8x128xf32, #tpu.memory_space<vmem>> -> memref<16x8x128xf32, #tpu.memory_space<vmem>>
    %dma_wait3A_672 = arith.constant 0 : i32
    %dma_wait3A_673 = tpu.memref_slice %arg9[%dma_wait3A_665, %dma_wait3A_672] : memref<16x16xi32, #tpu.memory_space<vmem>> -> memref<1x16xi32, #tpu.memory_space<vmem>>
    %dma_wait3A_674 = tpu.memref_squeeze %dma_wait3A_673 : memref<1x16xi32, #tpu.memory_space<vmem>> -> memref<16xi32, #tpu.memory_space<vmem>>
    %dma_wait3A_675 = arith.constant 0 : i32
    %dma_wait3A_676 = arith.constant 0 : i32
    %dma_wait3A_677 = arith.constant 0 : i32
    %dma_wait3A_678 = tpu.memref_slice %arg5[%dma_wait3A_675, %dma_wait3A_676, %dma_wait3A_677] : memref<8192x8x128xf32, #tpu.memory_space<hbm>> -> memref<8192x8x128xf32, #tpu.memory_space<hbm>>
    tpu.wait_indirect_dma semaphore(%arg14 : memref<!tpu.dma_semaphore, #tpu.memory_space<semaphore_mem>>) src(%dma_wait3A_678 : memref<8192x8x128xf32, #tpu.memory_space<hbm>>) dst(%dma_wait3A_671 : memref<16x8x128xf32, #tpu.memory_space<vmem>>)
    %add3A_679 = arith.constant 64 : i32
    %add3A_680 = arith.addi %mul3A_2, %add3A_679 : i32
    %dma_wait3A_681 = arith.constant 0 : i32
    %dma_wait3A_682 = arith.constant 0 : i32
    %dma_wait3A_683 = arith.constant 0 : i32
    %dma_wait3A_684 = arith.constant 0 : i32
    %dma_wait3A_685 = tpu.memref_slice %arg13[%dma_wait3A_681, %dma_wait3A_682, %dma_wait3A_683, %dma_wait3A_684] : memref<2x16x8x128xf32, #tpu.memory_space<vmem>> -> memref<1x16x8x128xf32, #tpu.memory_space<vmem>>
    %dma_wait3A_686 = tpu.memref_squeeze %dma_wait3A_685 : memref<1x16x8x128xf32, #tpu.memory_space<vmem>> -> memref<16x8x128xf32, #tpu.memory_space<vmem>>
    %dma_wait3A_687 = arith.constant 0 : i32
    %dma_wait3A_688 = arith.constant 0 : i32
    %dma_wait3A_689 = tpu.memref_slice %arg6[%add3A_680, %dma_wait3A_687, %dma_wait3A_688] : memref<8192x8x128xf32, #tpu.memory_space<hbm>> -> memref<16x8x128xf32, #tpu.memory_space<hbm>>
    %dma_wait3A_690 = arith.constant 0 : i32
    %dma_wait3A_691 = arith.constant 0 : i32
    %dma_wait3A_692 = tpu.memref_slice %arg6[%add3A_680, %dma_wait3A_690, %dma_wait3A_691] : memref<8192x8x128xf32, #tpu.memory_space<hbm>> -> memref<16x8x128xf32, #tpu.memory_space<hbm>>
    %dma_wait3A_693 = arith.constant 0 : i32
    %dma_wait3A_694 = arith.constant 0 : i32
    %dma_wait3A_695 = arith.constant 0 : i32
    %dma_wait3A_696 = tpu.memref_slice %arg13[%dma_wait3A_681, %dma_wait3A_693, %dma_wait3A_694, %dma_wait3A_695] : memref<2x16x8x128xf32, #tpu.memory_space<vmem>> -> memref<1x16x8x128xf32, #tpu.memory_space<vmem>>
    %dma_wait3A_697 = tpu.memref_squeeze %dma_wait3A_696 : memref<1x16x8x128xf32, #tpu.memory_space<vmem>> -> memref<16x8x128xf32, #tpu.memory_space<vmem>>
    tpu.wait_dma2 semaphore(%arg16 : memref<!tpu.dma_semaphore, #tpu.memory_space<semaphore_mem>>) src(%dma_wait3A_697 : memref<16x8x128xf32, #tpu.memory_space<vmem>>) dst(%dma_wait3A_692 : memref<16x8x128xf32, #tpu.memory_space<hbm>>)
    %scan3A_698 = arith.constant 0 : i32
    %scan3A_699 = arith.constant 0 : i32
    %scan3A_700 = arith.constant 0 : i32
    %scan3A_701 = arith.constant 0 : i32
    %scan3A_702 = arith.constant 0 : i32
    %scan3A_703 = arith.constant 16 : i32
    %scan3A_704 = arith.addi %scan3A_702, %scan3A_703 : i32
    %scan3A_705 = arith.constant 1 : i32
    %scan3A_706 = scf.for %scan3A_1673 = %scan3A_702 to %scan3A_704 step %scan3A_705 iter_args(%scan3A_1674 = %scan3A_701) -> (i32)  : i32 {
      %add3A_1675 = arith.constant 96 : i32
      %add3A_1676 = arith.addi %mul3A_2, %add3A_1675 : i32
      %add3A_1677 = arith.addi %add3A_1676, %scan3A_1673 : i32
      %broadcast_in_dim3A = vector.broadcast %add3A_1677 : i32 to vector<16xi32>
      %ge3A = arith.constant 8 : i32
      %ge3A_1678 = vector.broadcast %ge3A : i32 to vector<16xi32>
      %ge3A_1679 = arith.cmpi sge, %broadcast_in_dim3A, %ge3A_1678 : vector<16xi32>
      %jit3A = arith.constant 3.000000e-01 : f32
      %jit3A_1680 = arith.constant 0.000000e+00 : f32
      %broadcast_in_dim3A_1681 = vector.broadcast %jit3A : f32 to vector<16xf32>
      %broadcast_in_dim3A_1682 = vector.broadcast %jit3A_1680 : f32 to vector<16xf32>
      %select_n3A = arith.select %ge3A_1679, %broadcast_in_dim3A_1681, %broadcast_in_dim3A_1682 : vector<16xi1>, vector<16xf32>
      %parallel_loop3A_1683 = arith.constant 0 : i32
      %parallel_loop3A_1684 = arith.constant 63 : i32
      %parallel_loop3A_1685 = arith.constant 1 : i32
      scf.for %parallel_loop3A_1687 = %parallel_loop3A_1683 to %parallel_loop3A_1684 step %parallel_loop3A_1685  : i32 {
        %parallel_loop3A_1688 = arith.constant 8 : i32
        %parallel_loop3A_1689 = arith.divsi %parallel_loop3A_1687, %parallel_loop3A_1688 : i32
        %parallel_loop3A_1690 = arith.constant 0 : i32
        %parallel_loop3A_1691 = arith.cmpi sgt, %parallel_loop3A_1687, %parallel_loop3A_1690 : i32
        %parallel_loop3A_1692 = arith.extui %parallel_loop3A_1691 : i1 to i32
        %parallel_loop3A_1693 = arith.constant 0 : i32
        %parallel_loop3A_1694 = arith.cmpi slt, %parallel_loop3A_1687, %parallel_loop3A_1693 : i32
        %parallel_loop3A_1695 = arith.extui %parallel_loop3A_1694 : i1 to i32
        %parallel_loop3A_1696 = arith.subi %parallel_loop3A_1692, %parallel_loop3A_1695 : i32
        %parallel_loop3A_1697 = arith.constant 0 : i32
        %parallel_loop3A_1698 = arith.cmpi sgt, %parallel_loop3A_1688, %parallel_loop3A_1697 : i32
        %parallel_loop3A_1699 = arith.extui %parallel_loop3A_1698 : i1 to i32
        %parallel_loop3A_1700 = arith.constant 0 : i32
        %parallel_loop3A_1701 = arith.cmpi slt, %parallel_loop3A_1688, %parallel_loop3A_1700 : i32
        %parallel_loop3A_1702 = arith.extui %parallel_loop3A_1701 : i1 to i32
        %parallel_loop3A_1703 = arith.subi %parallel_loop3A_1699, %parallel_loop3A_1702 : i32
        %parallel_loop3A_1704 = arith.cmpi ne, %parallel_loop3A_1696, %parallel_loop3A_1703 : i32
        %parallel_loop3A_1705 = arith.remsi %parallel_loop3A_1687, %parallel_loop3A_1688 : i32
        %parallel_loop3A_1706 = arith.constant 0 : i32
        %parallel_loop3A_1707 = arith.cmpi ne, %parallel_loop3A_1705, %parallel_loop3A_1706 : i32
        %parallel_loop3A_1708 = arith.andi %parallel_loop3A_1704, %parallel_loop3A_1707 : i1
        %parallel_loop3A_1709 = arith.constant 1 : i32
        %parallel_loop3A_1710 = arith.subi %parallel_loop3A_1689, %parallel_loop3A_1709 : i32
        %parallel_loop3A_1711 = arith.select %parallel_loop3A_1708, %parallel_loop3A_1710, %parallel_loop3A_1689 : i32
        %parallel_loop3A_1712 = arith.constant 8 : i32
        %parallel_loop3A_1713 = arith.constant 0 : i32
        %parallel_loop3A_1714 = arith.cmpi eq, %parallel_loop3A_1712, %parallel_loop3A_1713 : i32
        %parallel_loop3A_1715 = arith.constant 1 : i32
        %parallel_loop3A_1716 = arith.select %parallel_loop3A_1714, %parallel_loop3A_1715, %parallel_loop3A_1712 : i32
        %parallel_loop3A_1717 = arith.remsi %parallel_loop3A_1687, %parallel_loop3A_1716 : i32
        %parallel_loop3A_1718 = arith.constant 0 : i32
        %parallel_loop3A_1719 = arith.cmpi ne, %parallel_loop3A_1717, %parallel_loop3A_1718 : i32
        %parallel_loop3A_1720 = arith.constant 0 : i32
        %parallel_loop3A_1721 = arith.cmpi slt, %parallel_loop3A_1717, %parallel_loop3A_1720 : i32
        %parallel_loop3A_1722 = arith.constant 0 : i32
        %parallel_loop3A_1723 = arith.cmpi slt, %parallel_loop3A_1716, %parallel_loop3A_1722 : i32
        %parallel_loop3A_1724 = arith.xori %parallel_loop3A_1721, %parallel_loop3A_1723 : i1
        %parallel_loop3A_1725 = arith.andi %parallel_loop3A_1724, %parallel_loop3A_1719 : i1
        %parallel_loop3A_1726 = arith.addi %parallel_loop3A_1717, %parallel_loop3A_1716 : i32
        %parallel_loop3A_1727 = arith.select %parallel_loop3A_1725, %parallel_loop3A_1726, %parallel_loop3A_1717 : i32
        %parallel_loop3A_1728 = arith.constant 16 : i32
        %parallel_loop3A_1729 = arith.muli %parallel_loop3A_1727, %parallel_loop3A_1728 : i32
        %parallel_loop3A_1730 = arith.constant 16 : i32
        %parallel_loop3A_1731 = arith.muli %parallel_loop3A_1687, %parallel_loop3A_1730 : i32
        %parallel_loop3A_1732 = arith.index_cast %parallel_loop3A_1731 : i32 to index
        %parallel_loop3A_1733 = tpu.vector_load %arg10[%parallel_loop3A_1732] {strides = array<i32>} : memref<1024xf32, #tpu.memory_space<vmem>>, vector<16xf32>,
        %parallel_loop3A_1734 = arith.constant 0 : i32
        %parallel_loop3A_1735 = arith.constant 0 : i32
        %parallel_loop3A_1736 = arith.constant 0 : i32
        %parallel_loop3A_1737 = tpu.memref_slice %arg11[%scan3A_698, %parallel_loop3A_1734, %parallel_loop3A_1735, %parallel_loop3A_1736] : memref<2x16x8x128xf32, #tpu.memory_space<vmem>> -> memref<1x16x8x128xf32, #tpu.memory_space<vmem>>
        %parallel_loop3A_1738 = tpu.memref_squeeze %parallel_loop3A_1737 : memref<1x16x8x128xf32, #tpu.memory_space<vmem>> -> memref<16x8x128xf32, #tpu.memory_space<vmem>>
        %parallel_loop3A_1739 = arith.index_cast %scan3A_1673 : i32 to index
        %parallel_loop3A_1740 = arith.index_cast %parallel_loop3A_1711 : i32 to index
        %parallel_loop3A_1741 = arith.index_cast %parallel_loop3A_1729 : i32 to index
        %parallel_loop3A_1742 = tpu.vector_load %parallel_loop3A_1738[%parallel_loop3A_1739, %parallel_loop3A_1740, %parallel_loop3A_1741] {strides = array<i32>} : memref<16x8x128xf32, #tpu.memory_space<vmem>>, vector<16xf32>,
        %parallel_loop3A_1743 = arith.constant 4.000000e-01 : f32
        %parallel_loop3A_1744 = vector.broadcast %parallel_loop3A_1743 : f32 to vector<16xf32>
        %parallel_loop3A_1745 = arith.mulf %parallel_loop3A_1744, %parallel_loop3A_1742 : vector<16xf32>
        %parallel_loop3A_1746 = arith.addf %parallel_loop3A_1733, %parallel_loop3A_1745 : vector<16xf32>
        %parallel_loop3A_1747 = arith.constant 0 : i32
        %parallel_loop3A_1748 = arith.constant 0 : i32
        %parallel_loop3A_1749 = arith.constant 0 : i32
        %parallel_loop3A_1750 = tpu.memref_slice %arg12[%scan3A_699, %parallel_loop3A_1747, %parallel_loop3A_1748, %parallel_loop3A_1749] : memref<2x16x8x128xf32, #tpu.memory_space<vmem>> -> memref<1x16x8x128xf32, #tpu.memory_space<vmem>>
        %parallel_loop3A_1751 = tpu.memref_squeeze %parallel_loop3A_1750 : memref<1x16x8x128xf32, #tpu.memory_space<vmem>> -> memref<16x8x128xf32, #tpu.memory_space<vmem>>
        %parallel_loop3A_1752 = arith.index_cast %scan3A_1673 : i32 to index
        %parallel_loop3A_1753 = arith.index_cast %parallel_loop3A_1711 : i32 to index
        %parallel_loop3A_1754 = arith.index_cast %parallel_loop3A_1729 : i32 to index
        %parallel_loop3A_1755 = tpu.vector_load %parallel_loop3A_1751[%parallel_loop3A_1752, %parallel_loop3A_1753, %parallel_loop3A_1754] {strides = array<i32>} : memref<16x8x128xf32, #tpu.memory_space<vmem>>, vector<16xf32>,
        %parallel_loop3A_1756 = arith.mulf %select_n3A, %parallel_loop3A_1755 : vector<16xf32>
        %parallel_loop3A_1757 = arith.addf %parallel_loop3A_1746, %parallel_loop3A_1756 : vector<16xf32>
        %parallel_loop3A_1758 = arith.constant 0 : i32
        %parallel_loop3A_1759 = arith.constant 0 : i32
        %parallel_loop3A_1760 = arith.constant 0 : i32
        %parallel_loop3A_1761 = tpu.memref_slice %arg13[%scan3A_700, %parallel_loop3A_1758, %parallel_loop3A_1759, %parallel_loop3A_1760] : memref<2x16x8x128xf32, #tpu.memory_space<vmem>> -> memref<1x16x8x128xf32, #tpu.memory_space<vmem>>
        %parallel_loop3A_1762 = tpu.memref_squeeze %parallel_loop3A_1761 : memref<1x16x8x128xf32, #tpu.memory_space<vmem>> -> memref<16x8x128xf32, #tpu.memory_space<vmem>>
        %parallel_loop3A_1763 = arith.index_cast %scan3A_1673 : i32 to index
        %parallel_loop3A_1764 = arith.index_cast %parallel_loop3A_1711 : i32 to index
        %parallel_loop3A_1765 = arith.index_cast %parallel_loop3A_1729 : i32 to index
        %parallel_loop3A_1766 = tpu.vector_load %parallel_loop3A_1762[%parallel_loop3A_1763, %parallel_loop3A_1764, %parallel_loop3A_1765] {strides = array<i32>} : memref<16x8x128xf32, #tpu.memory_space<vmem>>, vector<16xf32>,
        tpu.vector_store %parallel_loop3A_1762[%parallel_loop3A_1763, %parallel_loop3A_1764, %parallel_loop3A_1765], %parallel_loop3A_1757 {strides = array<i32>} : memref<16x8x128xf32, #tpu.memory_space<vmem>>, vector<16xf32>,
      } {sc.loop_unroll_factor = 4 : i64, sc.parallel_access}
      %scan3A_1686 = arith.constant 0 : i32
      scf.yield %scan3A_1686 : i32
    }
    %scan3A_707 = arith.constant 16 : i32
    %add3A_708 = arith.constant 96 : i32
    %add3A_709 = arith.addi %mul3A_2, %add3A_708 : i32
    %dma_start3A_710 = arith.constant 0 : i32
    %dma_start3A_711 = arith.constant 0 : i32
    %dma_start3A_712 = arith.constant 0 : i32
    %dma_start3A_713 = arith.constant 0 : i32
    %dma_start3A_714 = tpu.memref_slice %arg13[%dma_start3A_710, %dma_start3A_711, %dma_start3A_712, %dma_start3A_713] : memref<2x16x8x128xf32, #tpu.memory_space<vmem>> -> memref<1x16x8x128xf32, #tpu.memory_space<vmem>>
    %dma_start3A_715 = tpu.memref_squeeze %dma_start3A_714 : memref<1x16x8x128xf32, #tpu.memory_space<vmem>> -> memref<16x8x128xf32, #tpu.memory_space<vmem>>
    %dma_start3A_716 = arith.constant 0 : i32
    %dma_start3A_717 = arith.constant 0 : i32
    %dma_start3A_718 = tpu.memref_slice %arg6[%add3A_709, %dma_start3A_716, %dma_start3A_717] : memref<8192x8x128xf32, #tpu.memory_space<hbm>> -> memref<16x8x128xf32, #tpu.memory_space<hbm>>
    %dma_start3A_719 = arith.constant 0 : i32
    %dma_start3A_720 = arith.constant 0 : i32
    %dma_start3A_721 = tpu.memref_slice %arg6[%add3A_709, %dma_start3A_719, %dma_start3A_720] : memref<8192x8x128xf32, #tpu.memory_space<hbm>> -> memref<16x8x128xf32, #tpu.memory_space<hbm>>
    %dma_start3A_722 = arith.constant 0 : i32
    %dma_start3A_723 = arith.constant 0 : i32
    %dma_start3A_724 = arith.constant 0 : i32
    %dma_start3A_725 = tpu.memref_slice %arg13[%dma_start3A_710, %dma_start3A_722, %dma_start3A_723, %dma_start3A_724] : memref<2x16x8x128xf32, #tpu.memory_space<vmem>> -> memref<1x16x8x128xf32, #tpu.memory_space<vmem>>
    %dma_start3A_726 = tpu.memref_squeeze %dma_start3A_725 : memref<1x16x8x128xf32, #tpu.memory_space<vmem>> -> memref<16x8x128xf32, #tpu.memory_space<vmem>>
    tpu.enqueue_dma source(%dma_start3A_726 : memref<16x8x128xf32, #tpu.memory_space<vmem>>) target(%dma_start3A_721 : memref<16x8x128xf32, #tpu.memory_space<hbm>>) target_semaphore(%arg16 : memref<!tpu.dma_semaphore, #tpu.memory_space<semaphore_mem>>)
    %dma_start3A_727 = arith.constant 8 : i32
    %dma_start3A_728 = arith.constant 0 : i32
    %dma_start3A_729 = arith.constant 0 : i32
    %dma_start3A_730 = arith.constant 0 : i32
    %dma_start3A_731 = arith.constant 0 : i32
    %dma_start3A_732 = tpu.memref_slice %arg11[%dma_start3A_728, %dma_start3A_729, %dma_start3A_730, %dma_start3A_731] : memref<2x16x8x128xf32, #tpu.memory_space<vmem>> -> memref<1x16x8x128xf32, #tpu.memory_space<vmem>>
    %dma_start3A_733 = tpu.memref_squeeze %dma_start3A_732 : memref<1x16x8x128xf32, #tpu.memory_space<vmem>> -> memref<16x8x128xf32, #tpu.memory_space<vmem>>
    %dma_start3A_734 = arith.constant 0 : i32
    %dma_start3A_735 = tpu.memref_slice %arg8[%dma_start3A_727, %dma_start3A_734] : memref<16x16xi32, #tpu.memory_space<vmem>> -> memref<1x16xi32, #tpu.memory_space<vmem>>
    %dma_start3A_736 = tpu.memref_squeeze %dma_start3A_735 : memref<1x16xi32, #tpu.memory_space<vmem>> -> memref<16xi32, #tpu.memory_space<vmem>>
    %dma_start3A_737 = arith.constant 0 : i32
    %dma_start3A_738 = arith.constant 0 : i32
    %dma_start3A_739 = arith.constant 0 : i32
    %dma_start3A_740 = tpu.memref_slice %arg4[%dma_start3A_737, %dma_start3A_738, %dma_start3A_739] : memref<1000x8x128xf32, #tpu.memory_space<hbm>> -> memref<1000x8x128xf32, #tpu.memory_space<hbm>>
    tpu.enqueue_indirect_dma source(%dma_start3A_740 : memref<1000x8x128xf32, #tpu.memory_space<hbm>>) target(%dma_start3A_733 : memref<16x8x128xf32, #tpu.memory_space<vmem>>) offsets(%dma_start3A_736 : memref<16xi32, #tpu.memory_space<vmem>>) semaphore(%arg14 : memref<!tpu.dma_semaphore, #tpu.memory_space<semaphore_mem>>)
    %dma_start3A_741 = arith.constant 8 : i32
    %dma_start3A_742 = arith.constant 0 : i32
    %dma_start3A_743 = arith.constant 0 : i32
    %dma_start3A_744 = arith.constant 0 : i32
    %dma_start3A_745 = arith.constant 0 : i32
    %dma_start3A_746 = tpu.memref_slice %arg12[%dma_start3A_742, %dma_start3A_743, %dma_start3A_744, %dma_start3A_745] : memref<2x16x8x128xf32, #tpu.memory_space<vmem>> -> memref<1x16x8x128xf32, #tpu.memory_space<vmem>>
    %dma_start3A_747 = tpu.memref_squeeze %dma_start3A_746 : memref<1x16x8x128xf32, #tpu.memory_space<vmem>> -> memref<16x8x128xf32, #tpu.memory_space<vmem>>
    %dma_start3A_748 = arith.constant 0 : i32
    %dma_start3A_749 = tpu.memref_slice %arg9[%dma_start3A_741, %dma_start3A_748] : memref<16x16xi32, #tpu.memory_space<vmem>> -> memref<1x16xi32, #tpu.memory_space<vmem>>
    %dma_start3A_750 = tpu.memref_squeeze %dma_start3A_749 : memref<1x16xi32, #tpu.memory_space<vmem>> -> memref<16xi32, #tpu.memory_space<vmem>>
    %dma_start3A_751 = arith.constant 0 : i32
    %dma_start3A_752 = arith.constant 0 : i32
    %dma_start3A_753 = arith.constant 0 : i32
    %dma_start3A_754 = tpu.memref_slice %arg5[%dma_start3A_751, %dma_start3A_752, %dma_start3A_753] : memref<8192x8x128xf32, #tpu.memory_space<hbm>> -> memref<8192x8x128xf32, #tpu.memory_space<hbm>>
    tpu.enqueue_indirect_dma source(%dma_start3A_754 : memref<8192x8x128xf32, #tpu.memory_space<hbm>>) target(%dma_start3A_747 : memref<16x8x128xf32, #tpu.memory_space<vmem>>) offsets(%dma_start3A_750 : memref<16xi32, #tpu.memory_space<vmem>>) semaphore(%arg14 : memref<!tpu.dma_semaphore, #tpu.memory_space<semaphore_mem>>)
    %dma_wait3A_755 = arith.constant 7 : i32
    %dma_wait3A_756 = arith.constant 1 : i32
    %dma_wait3A_757 = arith.constant 0 : i32
    %dma_wait3A_758 = arith.constant 0 : i32
    %dma_wait3A_759 = arith.constant 0 : i32
    %dma_wait3A_760 = tpu.memref_slice %arg11[%dma_wait3A_756, %dma_wait3A_757, %dma_wait3A_758, %dma_wait3A_759] : memref<2x16x8x128xf32, #tpu.memory_space<vmem>> -> memref<1x16x8x128xf32, #tpu.memory_space<vmem>>
    %dma_wait3A_761 = tpu.memref_squeeze %dma_wait3A_760 : memref<1x16x8x128xf32, #tpu.memory_space<vmem>> -> memref<16x8x128xf32, #tpu.memory_space<vmem>>
    %dma_wait3A_762 = arith.constant 0 : i32
    %dma_wait3A_763 = tpu.memref_slice %arg8[%dma_wait3A_755, %dma_wait3A_762] : memref<16x16xi32, #tpu.memory_space<vmem>> -> memref<1x16xi32, #tpu.memory_space<vmem>>
    %dma_wait3A_764 = tpu.memref_squeeze %dma_wait3A_763 : memref<1x16xi32, #tpu.memory_space<vmem>> -> memref<16xi32, #tpu.memory_space<vmem>>
    %dma_wait3A_765 = arith.constant 0 : i32
    %dma_wait3A_766 = arith.constant 0 : i32
    %dma_wait3A_767 = arith.constant 0 : i32
    %dma_wait3A_768 = tpu.memref_slice %arg4[%dma_wait3A_765, %dma_wait3A_766, %dma_wait3A_767] : memref<1000x8x128xf32, #tpu.memory_space<hbm>> -> memref<1000x8x128xf32, #tpu.memory_space<hbm>>
    tpu.wait_indirect_dma semaphore(%arg15 : memref<!tpu.dma_semaphore, #tpu.memory_space<semaphore_mem>>) src(%dma_wait3A_768 : memref<1000x8x128xf32, #tpu.memory_space<hbm>>) dst(%dma_wait3A_761 : memref<16x8x128xf32, #tpu.memory_space<vmem>>)
    %dma_wait3A_769 = arith.constant 7 : i32
    %dma_wait3A_770 = arith.constant 1 : i32
    %dma_wait3A_771 = arith.constant 0 : i32
    %dma_wait3A_772 = arith.constant 0 : i32
    %dma_wait3A_773 = arith.constant 0 : i32
    %dma_wait3A_774 = tpu.memref_slice %arg12[%dma_wait3A_770, %dma_wait3A_771, %dma_wait3A_772, %dma_wait3A_773] : memref<2x16x8x128xf32, #tpu.memory_space<vmem>> -> memref<1x16x8x128xf32, #tpu.memory_space<vmem>>
    %dma_wait3A_775 = tpu.memref_squeeze %dma_wait3A_774 : memref<1x16x8x128xf32, #tpu.memory_space<vmem>> -> memref<16x8x128xf32, #tpu.memory_space<vmem>>
    %dma_wait3A_776 = arith.constant 0 : i32
    %dma_wait3A_777 = tpu.memref_slice %arg9[%dma_wait3A_769, %dma_wait3A_776] : memref<16x16xi32, #tpu.memory_space<vmem>> -> memref<1x16xi32, #tpu.memory_space<vmem>>
    %dma_wait3A_778 = tpu.memref_squeeze %dma_wait3A_777 : memref<1x16xi32, #tpu.memory_space<vmem>> -> memref<16xi32, #tpu.memory_space<vmem>>
    %dma_wait3A_779 = arith.constant 0 : i32
    %dma_wait3A_780 = arith.constant 0 : i32
    %dma_wait3A_781 = arith.constant 0 : i32
    %dma_wait3A_782 = tpu.memref_slice %arg5[%dma_wait3A_779, %dma_wait3A_780, %dma_wait3A_781] : memref<8192x8x128xf32, #tpu.memory_space<hbm>> -> memref<8192x8x128xf32, #tpu.memory_space<hbm>>
    tpu.wait_indirect_dma semaphore(%arg15 : memref<!tpu.dma_semaphore, #tpu.memory_space<semaphore_mem>>) src(%dma_wait3A_782 : memref<8192x8x128xf32, #tpu.memory_space<hbm>>) dst(%dma_wait3A_775 : memref<16x8x128xf32, #tpu.memory_space<vmem>>)
    %add3A_783 = arith.constant 80 : i32
    %add3A_784 = arith.addi %mul3A_2, %add3A_783 : i32
    %dma_wait3A_785 = arith.constant 1 : i32
    %dma_wait3A_786 = arith.constant 0 : i32
    %dma_wait3A_787 = arith.constant 0 : i32
    %dma_wait3A_788 = arith.constant 0 : i32
    %dma_wait3A_789 = tpu.memref_slice %arg13[%dma_wait3A_785, %dma_wait3A_786, %dma_wait3A_787, %dma_wait3A_788] : memref<2x16x8x128xf32, #tpu.memory_space<vmem>> -> memref<1x16x8x128xf32, #tpu.memory_space<vmem>>
    %dma_wait3A_790 = tpu.memref_squeeze %dma_wait3A_789 : memref<1x16x8x128xf32, #tpu.memory_space<vmem>> -> memref<16x8x128xf32, #tpu.memory_space<vmem>>
    %dma_wait3A_791 = arith.constant 0 : i32
    %dma_wait3A_792 = arith.constant 0 : i32
    %dma_wait3A_793 = tpu.memref_slice %arg6[%add3A_784, %dma_wait3A_791, %dma_wait3A_792] : memref<8192x8x128xf32, #tpu.memory_space<hbm>> -> memref<16x8x128xf32, #tpu.memory_space<hbm>>
    %dma_wait3A_794 = arith.constant 0 : i32
    %dma_wait3A_795 = arith.constant 0 : i32
    %dma_wait3A_796 = tpu.memref_slice %arg6[%add3A_784, %dma_wait3A_794, %dma_wait3A_795] : memref<8192x8x128xf32, #tpu.memory_space<hbm>> -> memref<16x8x128xf32, #tpu.memory_space<hbm>>
    %dma_wait3A_797 = arith.constant 0 : i32
    %dma_wait3A_798 = arith.constant 0 : i32
    %dma_wait3A_799 = arith.constant 0 : i32
    %dma_wait3A_800 = tpu.memref_slice %arg13[%dma_wait3A_785, %dma_wait3A_797, %dma_wait3A_798, %dma_wait3A_799] : memref<2x16x8x128xf32, #tpu.memory_space<vmem>> -> memref<1x16x8x128xf32, #tpu.memory_space<vmem>>
    %dma_wait3A_801 = tpu.memref_squeeze %dma_wait3A_800 : memref<1x16x8x128xf32, #tpu.memory_space<vmem>> -> memref<16x8x128xf32, #tpu.memory_space<vmem>>
    tpu.wait_dma2 semaphore(%arg17 : memref<!tpu.dma_semaphore, #tpu.memory_space<semaphore_mem>>) src(%dma_wait3A_801 : memref<16x8x128xf32, #tpu.memory_space<vmem>>) dst(%dma_wait3A_796 : memref<16x8x128xf32, #tpu.memory_space<hbm>>)
    %scan3A_802 = arith.constant 1 : i32
    %scan3A_803 = arith.constant 1 : i32
    %scan3A_804 = arith.constant 1 : i32
    %scan3A_805 = arith.constant 0 : i32
    %scan3A_806 = arith.constant 0 : i32
    %scan3A_807 = arith.constant 16 : i32
    %scan3A_808 = arith.addi %scan3A_806, %scan3A_807 : i32
    %scan3A_809 = arith.constant 1 : i32
    %scan3A_810 = scf.for %scan3A_1673 = %scan3A_806 to %scan3A_808 step %scan3A_809 iter_args(%scan3A_1674 = %scan3A_805) -> (i32)  : i32 {
      %add3A_1675 = arith.constant 112 : i32
      %add3A_1676 = arith.addi %mul3A_2, %add3A_1675 : i32
      %add3A_1677 = arith.addi %add3A_1676, %scan3A_1673 : i32
      %broadcast_in_dim3A = vector.broadcast %add3A_1677 : i32 to vector<16xi32>
      %ge3A = arith.constant 8 : i32
      %ge3A_1678 = vector.broadcast %ge3A : i32 to vector<16xi32>
      %ge3A_1679 = arith.cmpi sge, %broadcast_in_dim3A, %ge3A_1678 : vector<16xi32>
      %jit3A = arith.constant 3.000000e-01 : f32
      %jit3A_1680 = arith.constant 0.000000e+00 : f32
      %broadcast_in_dim3A_1681 = vector.broadcast %jit3A : f32 to vector<16xf32>
      %broadcast_in_dim3A_1682 = vector.broadcast %jit3A_1680 : f32 to vector<16xf32>
      %select_n3A = arith.select %ge3A_1679, %broadcast_in_dim3A_1681, %broadcast_in_dim3A_1682 : vector<16xi1>, vector<16xf32>
      %parallel_loop3A_1683 = arith.constant 0 : i32
      %parallel_loop3A_1684 = arith.constant 63 : i32
      %parallel_loop3A_1685 = arith.constant 1 : i32
      scf.for %parallel_loop3A_1687 = %parallel_loop3A_1683 to %parallel_loop3A_1684 step %parallel_loop3A_1685  : i32 {
        %parallel_loop3A_1688 = arith.constant 8 : i32
        %parallel_loop3A_1689 = arith.divsi %parallel_loop3A_1687, %parallel_loop3A_1688 : i32
        %parallel_loop3A_1690 = arith.constant 0 : i32
        %parallel_loop3A_1691 = arith.cmpi sgt, %parallel_loop3A_1687, %parallel_loop3A_1690 : i32
        %parallel_loop3A_1692 = arith.extui %parallel_loop3A_1691 : i1 to i32
        %parallel_loop3A_1693 = arith.constant 0 : i32
        %parallel_loop3A_1694 = arith.cmpi slt, %parallel_loop3A_1687, %parallel_loop3A_1693 : i32
        %parallel_loop3A_1695 = arith.extui %parallel_loop3A_1694 : i1 to i32
        %parallel_loop3A_1696 = arith.subi %parallel_loop3A_1692, %parallel_loop3A_1695 : i32
        %parallel_loop3A_1697 = arith.constant 0 : i32
        %parallel_loop3A_1698 = arith.cmpi sgt, %parallel_loop3A_1688, %parallel_loop3A_1697 : i32
        %parallel_loop3A_1699 = arith.extui %parallel_loop3A_1698 : i1 to i32
        %parallel_loop3A_1700 = arith.constant 0 : i32
        %parallel_loop3A_1701 = arith.cmpi slt, %parallel_loop3A_1688, %parallel_loop3A_1700 : i32
        %parallel_loop3A_1702 = arith.extui %parallel_loop3A_1701 : i1 to i32
        %parallel_loop3A_1703 = arith.subi %parallel_loop3A_1699, %parallel_loop3A_1702 : i32
        %parallel_loop3A_1704 = arith.cmpi ne, %parallel_loop3A_1696, %parallel_loop3A_1703 : i32
        %parallel_loop3A_1705 = arith.remsi %parallel_loop3A_1687, %parallel_loop3A_1688 : i32
        %parallel_loop3A_1706 = arith.constant 0 : i32
        %parallel_loop3A_1707 = arith.cmpi ne, %parallel_loop3A_1705, %parallel_loop3A_1706 : i32
        %parallel_loop3A_1708 = arith.andi %parallel_loop3A_1704, %parallel_loop3A_1707 : i1
        %parallel_loop3A_1709 = arith.constant 1 : i32
        %parallel_loop3A_1710 = arith.subi %parallel_loop3A_1689, %parallel_loop3A_1709 : i32
        %parallel_loop3A_1711 = arith.select %parallel_loop3A_1708, %parallel_loop3A_1710, %parallel_loop3A_1689 : i32
        %parallel_loop3A_1712 = arith.constant 8 : i32
        %parallel_loop3A_1713 = arith.constant 0 : i32
        %parallel_loop3A_1714 = arith.cmpi eq, %parallel_loop3A_1712, %parallel_loop3A_1713 : i32
        %parallel_loop3A_1715 = arith.constant 1 : i32
        %parallel_loop3A_1716 = arith.select %parallel_loop3A_1714, %parallel_loop3A_1715, %parallel_loop3A_1712 : i32
        %parallel_loop3A_1717 = arith.remsi %parallel_loop3A_1687, %parallel_loop3A_1716 : i32
        %parallel_loop3A_1718 = arith.constant 0 : i32
        %parallel_loop3A_1719 = arith.cmpi ne, %parallel_loop3A_1717, %parallel_loop3A_1718 : i32
        %parallel_loop3A_1720 = arith.constant 0 : i32
        %parallel_loop3A_1721 = arith.cmpi slt, %parallel_loop3A_1717, %parallel_loop3A_1720 : i32
        %parallel_loop3A_1722 = arith.constant 0 : i32
        %parallel_loop3A_1723 = arith.cmpi slt, %parallel_loop3A_1716, %parallel_loop3A_1722 : i32
        %parallel_loop3A_1724 = arith.xori %parallel_loop3A_1721, %parallel_loop3A_1723 : i1
        %parallel_loop3A_1725 = arith.andi %parallel_loop3A_1724, %parallel_loop3A_1719 : i1
        %parallel_loop3A_1726 = arith.addi %parallel_loop3A_1717, %parallel_loop3A_1716 : i32
        %parallel_loop3A_1727 = arith.select %parallel_loop3A_1725, %parallel_loop3A_1726, %parallel_loop3A_1717 : i32
        %parallel_loop3A_1728 = arith.constant 16 : i32
        %parallel_loop3A_1729 = arith.muli %parallel_loop3A_1727, %parallel_loop3A_1728 : i32
        %parallel_loop3A_1730 = arith.constant 16 : i32
        %parallel_loop3A_1731 = arith.muli %parallel_loop3A_1687, %parallel_loop3A_1730 : i32
        %parallel_loop3A_1732 = arith.index_cast %parallel_loop3A_1731 : i32 to index
        %parallel_loop3A_1733 = tpu.vector_load %arg10[%parallel_loop3A_1732] {strides = array<i32>} : memref<1024xf32, #tpu.memory_space<vmem>>, vector<16xf32>,
        %parallel_loop3A_1734 = arith.constant 0 : i32
        %parallel_loop3A_1735 = arith.constant 0 : i32
        %parallel_loop3A_1736 = arith.constant 0 : i32
        %parallel_loop3A_1737 = tpu.memref_slice %arg11[%scan3A_802, %parallel_loop3A_1734, %parallel_loop3A_1735, %parallel_loop3A_1736] : memref<2x16x8x128xf32, #tpu.memory_space<vmem>> -> memref<1x16x8x128xf32, #tpu.memory_space<vmem>>
        %parallel_loop3A_1738 = tpu.memref_squeeze %parallel_loop3A_1737 : memref<1x16x8x128xf32, #tpu.memory_space<vmem>> -> memref<16x8x128xf32, #tpu.memory_space<vmem>>
        %parallel_loop3A_1739 = arith.index_cast %scan3A_1673 : i32 to index
        %parallel_loop3A_1740 = arith.index_cast %parallel_loop3A_1711 : i32 to index
        %parallel_loop3A_1741 = arith.index_cast %parallel_loop3A_1729 : i32 to index
        %parallel_loop3A_1742 = tpu.vector_load %parallel_loop3A_1738[%parallel_loop3A_1739, %parallel_loop3A_1740, %parallel_loop3A_1741] {strides = array<i32>} : memref<16x8x128xf32, #tpu.memory_space<vmem>>, vector<16xf32>,
        %parallel_loop3A_1743 = arith.constant 4.000000e-01 : f32
        %parallel_loop3A_1744 = vector.broadcast %parallel_loop3A_1743 : f32 to vector<16xf32>
        %parallel_loop3A_1745 = arith.mulf %parallel_loop3A_1744, %parallel_loop3A_1742 : vector<16xf32>
        %parallel_loop3A_1746 = arith.addf %parallel_loop3A_1733, %parallel_loop3A_1745 : vector<16xf32>
        %parallel_loop3A_1747 = arith.constant 0 : i32
        %parallel_loop3A_1748 = arith.constant 0 : i32
        %parallel_loop3A_1749 = arith.constant 0 : i32
        %parallel_loop3A_1750 = tpu.memref_slice %arg12[%scan3A_803, %parallel_loop3A_1747, %parallel_loop3A_1748, %parallel_loop3A_1749] : memref<2x16x8x128xf32, #tpu.memory_space<vmem>> -> memref<1x16x8x128xf32, #tpu.memory_space<vmem>>
        %parallel_loop3A_1751 = tpu.memref_squeeze %parallel_loop3A_1750 : memref<1x16x8x128xf32, #tpu.memory_space<vmem>> -> memref<16x8x128xf32, #tpu.memory_space<vmem>>
        %parallel_loop3A_1752 = arith.index_cast %scan3A_1673 : i32 to index
        %parallel_loop3A_1753 = arith.index_cast %parallel_loop3A_1711 : i32 to index
        %parallel_loop3A_1754 = arith.index_cast %parallel_loop3A_1729 : i32 to index
        %parallel_loop3A_1755 = tpu.vector_load %parallel_loop3A_1751[%parallel_loop3A_1752, %parallel_loop3A_1753, %parallel_loop3A_1754] {strides = array<i32>} : memref<16x8x128xf32, #tpu.memory_space<vmem>>, vector<16xf32>,
        %parallel_loop3A_1756 = arith.mulf %select_n3A, %parallel_loop3A_1755 : vector<16xf32>
        %parallel_loop3A_1757 = arith.addf %parallel_loop3A_1746, %parallel_loop3A_1756 : vector<16xf32>
        %parallel_loop3A_1758 = arith.constant 0 : i32
        %parallel_loop3A_1759 = arith.constant 0 : i32
        %parallel_loop3A_1760 = arith.constant 0 : i32
        %parallel_loop3A_1761 = tpu.memref_slice %arg13[%scan3A_804, %parallel_loop3A_1758, %parallel_loop3A_1759, %parallel_loop3A_1760] : memref<2x16x8x128xf32, #tpu.memory_space<vmem>> -> memref<1x16x8x128xf32, #tpu.memory_space<vmem>>
        %parallel_loop3A_1762 = tpu.memref_squeeze %parallel_loop3A_1761 : memref<1x16x8x128xf32, #tpu.memory_space<vmem>> -> memref<16x8x128xf32, #tpu.memory_space<vmem>>
        %parallel_loop3A_1763 = arith.index_cast %scan3A_1673 : i32 to index
        %parallel_loop3A_1764 = arith.index_cast %parallel_loop3A_1711 : i32 to index
        %parallel_loop3A_1765 = arith.index_cast %parallel_loop3A_1729 : i32 to index
        %parallel_loop3A_1766 = tpu.vector_load %parallel_loop3A_1762[%parallel_loop3A_1763, %parallel_loop3A_1764, %parallel_loop3A_1765] {strides = array<i32>} : memref<16x8x128xf32, #tpu.memory_space<vmem>>, vector<16xf32>,
        tpu.vector_store %parallel_loop3A_1762[%parallel_loop3A_1763, %parallel_loop3A_1764, %parallel_loop3A_1765], %parallel_loop3A_1757 {strides = array<i32>} : memref<16x8x128xf32, #tpu.memory_space<vmem>>, vector<16xf32>,
      } {sc.loop_unroll_factor = 4 : i64, sc.parallel_access}
      %scan3A_1686 = arith.constant 0 : i32
      scf.yield %scan3A_1686 : i32
    }
    %scan3A_811 = arith.constant 16 : i32
    %add3A_812 = arith.constant 112 : i32
    %add3A_813 = arith.addi %mul3A_2, %add3A_812 : i32
    %dma_start3A_814 = arith.constant 1 : i32
    %dma_start3A_815 = arith.constant 0 : i32
    %dma_start3A_816 = arith.constant 0 : i32
    %dma_start3A_817 = arith.constant 0 : i32
    %dma_start3A_818 = tpu.memref_slice %arg13[%dma_start3A_814, %dma_start3A_815, %dma_start3A_816, %dma_start3A_817] : memref<2x16x8x128xf32, #tpu.memory_space<vmem>> -> memref<1x16x8x128xf32, #tpu.memory_space<vmem>>
    %dma_start3A_819 = tpu.memref_squeeze %dma_start3A_818 : memref<1x16x8x128xf32, #tpu.memory_space<vmem>> -> memref<16x8x128xf32, #tpu.memory_space<vmem>>
    %dma_start3A_820 = arith.constant 0 : i32
    %dma_start3A_821 = arith.constant 0 : i32
    %dma_start3A_822 = tpu.memref_slice %arg6[%add3A_813, %dma_start3A_820, %dma_start3A_821] : memref<8192x8x128xf32, #tpu.memory_space<hbm>> -> memref<16x8x128xf32, #tpu.memory_space<hbm>>
    %dma_start3A_823 = arith.constant 0 : i32
    %dma_start3A_824 = arith.constant 0 : i32
    %dma_start3A_825 = tpu.memref_slice %arg6[%add3A_813, %dma_start3A_823, %dma_start3A_824] : memref<8192x8x128xf32, #tpu.memory_space<hbm>> -> memref<16x8x128xf32, #tpu.memory_space<hbm>>
    %dma_start3A_826 = arith.constant 0 : i32
    %dma_start3A_827 = arith.constant 0 : i32
    %dma_start3A_828 = arith.constant 0 : i32
    %dma_start3A_829 = tpu.memref_slice %arg13[%dma_start3A_814, %dma_start3A_826, %dma_start3A_827, %dma_start3A_828] : memref<2x16x8x128xf32, #tpu.memory_space<vmem>> -> memref<1x16x8x128xf32, #tpu.memory_space<vmem>>
    %dma_start3A_830 = tpu.memref_squeeze %dma_start3A_829 : memref<1x16x8x128xf32, #tpu.memory_space<vmem>> -> memref<16x8x128xf32, #tpu.memory_space<vmem>>
    tpu.enqueue_dma source(%dma_start3A_830 : memref<16x8x128xf32, #tpu.memory_space<vmem>>) target(%dma_start3A_825 : memref<16x8x128xf32, #tpu.memory_space<hbm>>) target_semaphore(%arg17 : memref<!tpu.dma_semaphore, #tpu.memory_space<semaphore_mem>>)
    %dma_start3A_831 = arith.constant 9 : i32
    %dma_start3A_832 = arith.constant 1 : i32
    %dma_start3A_833 = arith.constant 0 : i32
    %dma_start3A_834 = arith.constant 0 : i32
    %dma_start3A_835 = arith.constant 0 : i32
    %dma_start3A_836 = tpu.memref_slice %arg11[%dma_start3A_832, %dma_start3A_833, %dma_start3A_834, %dma_start3A_835] : memref<2x16x8x128xf32, #tpu.memory_space<vmem>> -> memref<1x16x8x128xf32, #tpu.memory_space<vmem>>
    %dma_start3A_837 = tpu.memref_squeeze %dma_start3A_836 : memref<1x16x8x128xf32, #tpu.memory_space<vmem>> -> memref<16x8x128xf32, #tpu.memory_space<vmem>>
    %dma_start3A_838 = arith.constant 0 : i32
    %dma_start3A_839 = tpu.memref_slice %arg8[%dma_start3A_831, %dma_start3A_838] : memref<16x16xi32, #tpu.memory_space<vmem>> -> memref<1x16xi32, #tpu.memory_space<vmem>>
    %dma_start3A_840 = tpu.memref_squeeze %dma_start3A_839 : memref<1x16xi32, #tpu.memory_space<vmem>> -> memref<16xi32, #tpu.memory_space<vmem>>
    %dma_start3A_841 = arith.constant 0 : i32
    %dma_start3A_842 = arith.constant 0 : i32
    %dma_start3A_843 = arith.constant 0 : i32
    %dma_start3A_844 = tpu.memref_slice %arg4[%dma_start3A_841, %dma_start3A_842, %dma_start3A_843] : memref<1000x8x128xf32, #tpu.memory_space<hbm>> -> memref<1000x8x128xf32, #tpu.memory_space<hbm>>
    tpu.enqueue_indirect_dma source(%dma_start3A_844 : memref<1000x8x128xf32, #tpu.memory_space<hbm>>) target(%dma_start3A_837 : memref<16x8x128xf32, #tpu.memory_space<vmem>>) offsets(%dma_start3A_840 : memref<16xi32, #tpu.memory_space<vmem>>) semaphore(%arg15 : memref<!tpu.dma_semaphore, #tpu.memory_space<semaphore_mem>>)
    %dma_start3A_845 = arith.constant 9 : i32
    %dma_start3A_846 = arith.constant 1 : i32
    %dma_start3A_847 = arith.constant 0 : i32
    %dma_start3A_848 = arith.constant 0 : i32
    %dma_start3A_849 = arith.constant 0 : i32
    %dma_start3A_850 = tpu.memref_slice %arg12[%dma_start3A_846, %dma_start3A_847, %dma_start3A_848, %dma_start3A_849] : memref<2x16x8x128xf32, #tpu.memory_space<vmem>> -> memref<1x16x8x128xf32, #tpu.memory_space<vmem>>
    %dma_start3A_851 = tpu.memref_squeeze %dma_start3A_850 : memref<1x16x8x128xf32, #tpu.memory_space<vmem>> -> memref<16x8x128xf32, #tpu.memory_space<vmem>>
    %dma_start3A_852 = arith.constant 0 : i32
    %dma_start3A_853 = tpu.memref_slice %arg9[%dma_start3A_845, %dma_start3A_852] : memref<16x16xi32, #tpu.memory_space<vmem>> -> memref<1x16xi32, #tpu.memory_space<vmem>>
    %dma_start3A_854 = tpu.memref_squeeze %dma_start3A_853 : memref<1x16xi32, #tpu.memory_space<vmem>> -> memref<16xi32, #tpu.memory_space<vmem>>
    %dma_start3A_855 = arith.constant 0 : i32
    %dma_start3A_856 = arith.constant 0 : i32
    %dma_start3A_857 = arith.constant 0 : i32
    %dma_start3A_858 = tpu.memref_slice %arg5[%dma_start3A_855, %dma_start3A_856, %dma_start3A_857] : memref<8192x8x128xf32, #tpu.memory_space<hbm>> -> memref<8192x8x128xf32, #tpu.memory_space<hbm>>
    tpu.enqueue_indirect_dma source(%dma_start3A_858 : memref<8192x8x128xf32, #tpu.memory_space<hbm>>) target(%dma_start3A_851 : memref<16x8x128xf32, #tpu.memory_space<vmem>>) offsets(%dma_start3A_854 : memref<16xi32, #tpu.memory_space<vmem>>) semaphore(%arg15 : memref<!tpu.dma_semaphore, #tpu.memory_space<semaphore_mem>>)
    %dma_wait3A_859 = arith.constant 8 : i32
    %dma_wait3A_860 = arith.constant 0 : i32
    %dma_wait3A_861 = arith.constant 0 : i32
    %dma_wait3A_862 = arith.constant 0 : i32
    %dma_wait3A_863 = arith.constant 0 : i32
    %dma_wait3A_864 = tpu.memref_slice %arg11[%dma_wait3A_860, %dma_wait3A_861, %dma_wait3A_862, %dma_wait3A_863] : memref<2x16x8x128xf32, #tpu.memory_space<vmem>> -> memref<1x16x8x128xf32, #tpu.memory_space<vmem>>
    %dma_wait3A_865 = tpu.memref_squeeze %dma_wait3A_864 : memref<1x16x8x128xf32, #tpu.memory_space<vmem>> -> memref<16x8x128xf32, #tpu.memory_space<vmem>>
    %dma_wait3A_866 = arith.constant 0 : i32
    %dma_wait3A_867 = tpu.memref_slice %arg8[%dma_wait3A_859, %dma_wait3A_866] : memref<16x16xi32, #tpu.memory_space<vmem>> -> memref<1x16xi32, #tpu.memory_space<vmem>>
    %dma_wait3A_868 = tpu.memref_squeeze %dma_wait3A_867 : memref<1x16xi32, #tpu.memory_space<vmem>> -> memref<16xi32, #tpu.memory_space<vmem>>
    %dma_wait3A_869 = arith.constant 0 : i32
    %dma_wait3A_870 = arith.constant 0 : i32
    %dma_wait3A_871 = arith.constant 0 : i32
    %dma_wait3A_872 = tpu.memref_slice %arg4[%dma_wait3A_869, %dma_wait3A_870, %dma_wait3A_871] : memref<1000x8x128xf32, #tpu.memory_space<hbm>> -> memref<1000x8x128xf32, #tpu.memory_space<hbm>>
    tpu.wait_indirect_dma semaphore(%arg14 : memref<!tpu.dma_semaphore, #tpu.memory_space<semaphore_mem>>) src(%dma_wait3A_872 : memref<1000x8x128xf32, #tpu.memory_space<hbm>>) dst(%dma_wait3A_865 : memref<16x8x128xf32, #tpu.memory_space<vmem>>)
    %dma_wait3A_873 = arith.constant 8 : i32
    %dma_wait3A_874 = arith.constant 0 : i32
    %dma_wait3A_875 = arith.constant 0 : i32
    %dma_wait3A_876 = arith.constant 0 : i32
    %dma_wait3A_877 = arith.constant 0 : i32
    %dma_wait3A_878 = tpu.memref_slice %arg12[%dma_wait3A_874, %dma_wait3A_875, %dma_wait3A_876, %dma_wait3A_877] : memref<2x16x8x128xf32, #tpu.memory_space<vmem>> -> memref<1x16x8x128xf32, #tpu.memory_space<vmem>>
    %dma_wait3A_879 = tpu.memref_squeeze %dma_wait3A_878 : memref<1x16x8x128xf32, #tpu.memory_space<vmem>> -> memref<16x8x128xf32, #tpu.memory_space<vmem>>
    %dma_wait3A_880 = arith.constant 0 : i32
    %dma_wait3A_881 = tpu.memref_slice %arg9[%dma_wait3A_873, %dma_wait3A_880] : memref<16x16xi32, #tpu.memory_space<vmem>> -> memref<1x16xi32, #tpu.memory_space<vmem>>
    %dma_wait3A_882 = tpu.memref_squeeze %dma_wait3A_881 : memref<1x16xi32, #tpu.memory_space<vmem>> -> memref<16xi32, #tpu.memory_space<vmem>>
    %dma_wait3A_883 = arith.constant 0 : i32
    %dma_wait3A_884 = arith.constant 0 : i32
    %dma_wait3A_885 = arith.constant 0 : i32
    %dma_wait3A_886 = tpu.memref_slice %arg5[%dma_wait3A_883, %dma_wait3A_884, %dma_wait3A_885] : memref<8192x8x128xf32, #tpu.memory_space<hbm>> -> memref<8192x8x128xf32, #tpu.memory_space<hbm>>
    tpu.wait_indirect_dma semaphore(%arg14 : memref<!tpu.dma_semaphore, #tpu.memory_space<semaphore_mem>>) src(%dma_wait3A_886 : memref<8192x8x128xf32, #tpu.memory_space<hbm>>) dst(%dma_wait3A_879 : memref<16x8x128xf32, #tpu.memory_space<vmem>>)
    %add3A_887 = arith.constant 96 : i32
    %add3A_888 = arith.addi %mul3A_2, %add3A_887 : i32
    %dma_wait3A_889 = arith.constant 0 : i32
    %dma_wait3A_890 = arith.constant 0 : i32
    %dma_wait3A_891 = arith.constant 0 : i32
    %dma_wait3A_892 = arith.constant 0 : i32
    %dma_wait3A_893 = tpu.memref_slice %arg13[%dma_wait3A_889, %dma_wait3A_890, %dma_wait3A_891, %dma_wait3A_892] : memref<2x16x8x128xf32, #tpu.memory_space<vmem>> -> memref<1x16x8x128xf32, #tpu.memory_space<vmem>>
    %dma_wait3A_894 = tpu.memref_squeeze %dma_wait3A_893 : memref<1x16x8x128xf32, #tpu.memory_space<vmem>> -> memref<16x8x128xf32, #tpu.memory_space<vmem>>
    %dma_wait3A_895 = arith.constant 0 : i32
    %dma_wait3A_896 = arith.constant 0 : i32
    %dma_wait3A_897 = tpu.memref_slice %arg6[%add3A_888, %dma_wait3A_895, %dma_wait3A_896] : memref<8192x8x128xf32, #tpu.memory_space<hbm>> -> memref<16x8x128xf32, #tpu.memory_space<hbm>>
    %dma_wait3A_898 = arith.constant 0 : i32
    %dma_wait3A_899 = arith.constant 0 : i32
    %dma_wait3A_900 = tpu.memref_slice %arg6[%add3A_888, %dma_wait3A_898, %dma_wait3A_899] : memref<8192x8x128xf32, #tpu.memory_space<hbm>> -> memref<16x8x128xf32, #tpu.memory_space<hbm>>
    %dma_wait3A_901 = arith.constant 0 : i32
    %dma_wait3A_902 = arith.constant 0 : i32
    %dma_wait3A_903 = arith.constant 0 : i32
    %dma_wait3A_904 = tpu.memref_slice %arg13[%dma_wait3A_889, %dma_wait3A_901, %dma_wait3A_902, %dma_wait3A_903] : memref<2x16x8x128xf32, #tpu.memory_space<vmem>> -> memref<1x16x8x128xf32, #tpu.memory_space<vmem>>
    %dma_wait3A_905 = tpu.memref_squeeze %dma_wait3A_904 : memref<1x16x8x128xf32, #tpu.memory_space<vmem>> -> memref<16x8x128xf32, #tpu.memory_space<vmem>>
    tpu.wait_dma2 semaphore(%arg16 : memref<!tpu.dma_semaphore, #tpu.memory_space<semaphore_mem>>) src(%dma_wait3A_905 : memref<16x8x128xf32, #tpu.memory_space<vmem>>) dst(%dma_wait3A_900 : memref<16x8x128xf32, #tpu.memory_space<hbm>>)
    %scan3A_906 = arith.constant 0 : i32
    %scan3A_907 = arith.constant 0 : i32
    %scan3A_908 = arith.constant 0 : i32
    %scan3A_909 = arith.constant 0 : i32
    %scan3A_910 = arith.constant 0 : i32
    %scan3A_911 = arith.constant 16 : i32
    %scan3A_912 = arith.addi %scan3A_910, %scan3A_911 : i32
    %scan3A_913 = arith.constant 1 : i32
    %scan3A_914 = scf.for %scan3A_1673 = %scan3A_910 to %scan3A_912 step %scan3A_913 iter_args(%scan3A_1674 = %scan3A_909) -> (i32)  : i32 {
      %add3A_1675 = arith.constant 128 : i32
      %add3A_1676 = arith.addi %mul3A_2, %add3A_1675 : i32
      %add3A_1677 = arith.addi %add3A_1676, %scan3A_1673 : i32
      %broadcast_in_dim3A = vector.broadcast %add3A_1677 : i32 to vector<16xi32>
      %ge3A = arith.constant 8 : i32
      %ge3A_1678 = vector.broadcast %ge3A : i32 to vector<16xi32>
      %ge3A_1679 = arith.cmpi sge, %broadcast_in_dim3A, %ge3A_1678 : vector<16xi32>
      %jit3A = arith.constant 3.000000e-01 : f32
      %jit3A_1680 = arith.constant 0.000000e+00 : f32
      %broadcast_in_dim3A_1681 = vector.broadcast %jit3A : f32 to vector<16xf32>
      %broadcast_in_dim3A_1682 = vector.broadcast %jit3A_1680 : f32 to vector<16xf32>
      %select_n3A = arith.select %ge3A_1679, %broadcast_in_dim3A_1681, %broadcast_in_dim3A_1682 : vector<16xi1>, vector<16xf32>
      %parallel_loop3A_1683 = arith.constant 0 : i32
      %parallel_loop3A_1684 = arith.constant 63 : i32
      %parallel_loop3A_1685 = arith.constant 1 : i32
      scf.for %parallel_loop3A_1687 = %parallel_loop3A_1683 to %parallel_loop3A_1684 step %parallel_loop3A_1685  : i32 {
        %parallel_loop3A_1688 = arith.constant 8 : i32
        %parallel_loop3A_1689 = arith.divsi %parallel_loop3A_1687, %parallel_loop3A_1688 : i32
        %parallel_loop3A_1690 = arith.constant 0 : i32
        %parallel_loop3A_1691 = arith.cmpi sgt, %parallel_loop3A_1687, %parallel_loop3A_1690 : i32
        %parallel_loop3A_1692 = arith.extui %parallel_loop3A_1691 : i1 to i32
        %parallel_loop3A_1693 = arith.constant 0 : i32
        %parallel_loop3A_1694 = arith.cmpi slt, %parallel_loop3A_1687, %parallel_loop3A_1693 : i32
        %parallel_loop3A_1695 = arith.extui %parallel_loop3A_1694 : i1 to i32
        %parallel_loop3A_1696 = arith.subi %parallel_loop3A_1692, %parallel_loop3A_1695 : i32
        %parallel_loop3A_1697 = arith.constant 0 : i32
        %parallel_loop3A_1698 = arith.cmpi sgt, %parallel_loop3A_1688, %parallel_loop3A_1697 : i32
        %parallel_loop3A_1699 = arith.extui %parallel_loop3A_1698 : i1 to i32
        %parallel_loop3A_1700 = arith.constant 0 : i32
        %parallel_loop3A_1701 = arith.cmpi slt, %parallel_loop3A_1688, %parallel_loop3A_1700 : i32
        %parallel_loop3A_1702 = arith.extui %parallel_loop3A_1701 : i1 to i32
        %parallel_loop3A_1703 = arith.subi %parallel_loop3A_1699, %parallel_loop3A_1702 : i32
        %parallel_loop3A_1704 = arith.cmpi ne, %parallel_loop3A_1696, %parallel_loop3A_1703 : i32
        %parallel_loop3A_1705 = arith.remsi %parallel_loop3A_1687, %parallel_loop3A_1688 : i32
        %parallel_loop3A_1706 = arith.constant 0 : i32
        %parallel_loop3A_1707 = arith.cmpi ne, %parallel_loop3A_1705, %parallel_loop3A_1706 : i32
        %parallel_loop3A_1708 = arith.andi %parallel_loop3A_1704, %parallel_loop3A_1707 : i1
        %parallel_loop3A_1709 = arith.constant 1 : i32
        %parallel_loop3A_1710 = arith.subi %parallel_loop3A_1689, %parallel_loop3A_1709 : i32
        %parallel_loop3A_1711 = arith.select %parallel_loop3A_1708, %parallel_loop3A_1710, %parallel_loop3A_1689 : i32
        %parallel_loop3A_1712 = arith.constant 8 : i32
        %parallel_loop3A_1713 = arith.constant 0 : i32
        %parallel_loop3A_1714 = arith.cmpi eq, %parallel_loop3A_1712, %parallel_loop3A_1713 : i32
        %parallel_loop3A_1715 = arith.constant 1 : i32
        %parallel_loop3A_1716 = arith.select %parallel_loop3A_1714, %parallel_loop3A_1715, %parallel_loop3A_1712 : i32
        %parallel_loop3A_1717 = arith.remsi %parallel_loop3A_1687, %parallel_loop3A_1716 : i32
        %parallel_loop3A_1718 = arith.constant 0 : i32
        %parallel_loop3A_1719 = arith.cmpi ne, %parallel_loop3A_1717, %parallel_loop3A_1718 : i32
        %parallel_loop3A_1720 = arith.constant 0 : i32
        %parallel_loop3A_1721 = arith.cmpi slt, %parallel_loop3A_1717, %parallel_loop3A_1720 : i32
        %parallel_loop3A_1722 = arith.constant 0 : i32
        %parallel_loop3A_1723 = arith.cmpi slt, %parallel_loop3A_1716, %parallel_loop3A_1722 : i32
        %parallel_loop3A_1724 = arith.xori %parallel_loop3A_1721, %parallel_loop3A_1723 : i1
        %parallel_loop3A_1725 = arith.andi %parallel_loop3A_1724, %parallel_loop3A_1719 : i1
        %parallel_loop3A_1726 = arith.addi %parallel_loop3A_1717, %parallel_loop3A_1716 : i32
        %parallel_loop3A_1727 = arith.select %parallel_loop3A_1725, %parallel_loop3A_1726, %parallel_loop3A_1717 : i32
        %parallel_loop3A_1728 = arith.constant 16 : i32
        %parallel_loop3A_1729 = arith.muli %parallel_loop3A_1727, %parallel_loop3A_1728 : i32
        %parallel_loop3A_1730 = arith.constant 16 : i32
        %parallel_loop3A_1731 = arith.muli %parallel_loop3A_1687, %parallel_loop3A_1730 : i32
        %parallel_loop3A_1732 = arith.index_cast %parallel_loop3A_1731 : i32 to index
        %parallel_loop3A_1733 = tpu.vector_load %arg10[%parallel_loop3A_1732] {strides = array<i32>} : memref<1024xf32, #tpu.memory_space<vmem>>, vector<16xf32>,
        %parallel_loop3A_1734 = arith.constant 0 : i32
        %parallel_loop3A_1735 = arith.constant 0 : i32
        %parallel_loop3A_1736 = arith.constant 0 : i32
        %parallel_loop3A_1737 = tpu.memref_slice %arg11[%scan3A_906, %parallel_loop3A_1734, %parallel_loop3A_1735, %parallel_loop3A_1736] : memref<2x16x8x128xf32, #tpu.memory_space<vmem>> -> memref<1x16x8x128xf32, #tpu.memory_space<vmem>>
        %parallel_loop3A_1738 = tpu.memref_squeeze %parallel_loop3A_1737 : memref<1x16x8x128xf32, #tpu.memory_space<vmem>> -> memref<16x8x128xf32, #tpu.memory_space<vmem>>
        %parallel_loop3A_1739 = arith.index_cast %scan3A_1673 : i32 to index
        %parallel_loop3A_1740 = arith.index_cast %parallel_loop3A_1711 : i32 to index
        %parallel_loop3A_1741 = arith.index_cast %parallel_loop3A_1729 : i32 to index
        %parallel_loop3A_1742 = tpu.vector_load %parallel_loop3A_1738[%parallel_loop3A_1739, %parallel_loop3A_1740, %parallel_loop3A_1741] {strides = array<i32>} : memref<16x8x128xf32, #tpu.memory_space<vmem>>, vector<16xf32>,
        %parallel_loop3A_1743 = arith.constant 4.000000e-01 : f32
        %parallel_loop3A_1744 = vector.broadcast %parallel_loop3A_1743 : f32 to vector<16xf32>
        %parallel_loop3A_1745 = arith.mulf %parallel_loop3A_1744, %parallel_loop3A_1742 : vector<16xf32>
        %parallel_loop3A_1746 = arith.addf %parallel_loop3A_1733, %parallel_loop3A_1745 : vector<16xf32>
        %parallel_loop3A_1747 = arith.constant 0 : i32
        %parallel_loop3A_1748 = arith.constant 0 : i32
        %parallel_loop3A_1749 = arith.constant 0 : i32
        %parallel_loop3A_1750 = tpu.memref_slice %arg12[%scan3A_907, %parallel_loop3A_1747, %parallel_loop3A_1748, %parallel_loop3A_1749] : memref<2x16x8x128xf32, #tpu.memory_space<vmem>> -> memref<1x16x8x128xf32, #tpu.memory_space<vmem>>
        %parallel_loop3A_1751 = tpu.memref_squeeze %parallel_loop3A_1750 : memref<1x16x8x128xf32, #tpu.memory_space<vmem>> -> memref<16x8x128xf32, #tpu.memory_space<vmem>>
        %parallel_loop3A_1752 = arith.index_cast %scan3A_1673 : i32 to index
        %parallel_loop3A_1753 = arith.index_cast %parallel_loop3A_1711 : i32 to index
        %parallel_loop3A_1754 = arith.index_cast %parallel_loop3A_1729 : i32 to index
        %parallel_loop3A_1755 = tpu.vector_load %parallel_loop3A_1751[%parallel_loop3A_1752, %parallel_loop3A_1753, %parallel_loop3A_1754] {strides = array<i32>} : memref<16x8x128xf32, #tpu.memory_space<vmem>>, vector<16xf32>,
        %parallel_loop3A_1756 = arith.mulf %select_n3A, %parallel_loop3A_1755 : vector<16xf32>
        %parallel_loop3A_1757 = arith.addf %parallel_loop3A_1746, %parallel_loop3A_1756 : vector<16xf32>
        %parallel_loop3A_1758 = arith.constant 0 : i32
        %parallel_loop3A_1759 = arith.constant 0 : i32
        %parallel_loop3A_1760 = arith.constant 0 : i32
        %parallel_loop3A_1761 = tpu.memref_slice %arg13[%scan3A_908, %parallel_loop3A_1758, %parallel_loop3A_1759, %parallel_loop3A_1760] : memref<2x16x8x128xf32, #tpu.memory_space<vmem>> -> memref<1x16x8x128xf32, #tpu.memory_space<vmem>>
        %parallel_loop3A_1762 = tpu.memref_squeeze %parallel_loop3A_1761 : memref<1x16x8x128xf32, #tpu.memory_space<vmem>> -> memref<16x8x128xf32, #tpu.memory_space<vmem>>
        %parallel_loop3A_1763 = arith.index_cast %scan3A_1673 : i32 to index
        %parallel_loop3A_1764 = arith.index_cast %parallel_loop3A_1711 : i32 to index
        %parallel_loop3A_1765 = arith.index_cast %parallel_loop3A_1729 : i32 to index
        %parallel_loop3A_1766 = tpu.vector_load %parallel_loop3A_1762[%parallel_loop3A_1763, %parallel_loop3A_1764, %parallel_loop3A_1765] {strides = array<i32>} : memref<16x8x128xf32, #tpu.memory_space<vmem>>, vector<16xf32>,
        tpu.vector_store %parallel_loop3A_1762[%parallel_loop3A_1763, %parallel_loop3A_1764, %parallel_loop3A_1765], %parallel_loop3A_1757 {strides = array<i32>} : memref<16x8x128xf32, #tpu.memory_space<vmem>>, vector<16xf32>,
      } {sc.loop_unroll_factor = 4 : i64, sc.parallel_access}
      %scan3A_1686 = arith.constant 0 : i32
      scf.yield %scan3A_1686 : i32
    }
    %scan3A_915 = arith.constant 16 : i32
    %add3A_916 = arith.constant 128 : i32
    %add3A_917 = arith.addi %mul3A_2, %add3A_916 : i32
    %dma_start3A_918 = arith.constant 0 : i32
    %dma_start3A_919 = arith.constant 0 : i32
    %dma_start3A_920 = arith.constant 0 : i32
    %dma_start3A_921 = arith.constant 0 : i32
    %dma_start3A_922 = tpu.memref_slice %arg13[%dma_start3A_918, %dma_start3A_919, %dma_start3A_920, %dma_start3A_921] : memref<2x16x8x128xf32, #tpu.memory_space<vmem>> -> memref<1x16x8x128xf32, #tpu.memory_space<vmem>>
    %dma_start3A_923 = tpu.memref_squeeze %dma_start3A_922 : memref<1x16x8x128xf32, #tpu.memory_space<vmem>> -> memref<16x8x128xf32, #tpu.memory_space<vmem>>
    %dma_start3A_924 = arith.constant 0 : i32
    %dma_start3A_925 = arith.constant 0 : i32
    %dma_start3A_926 = tpu.memref_slice %arg6[%add3A_917, %dma_start3A_924, %dma_start3A_925] : memref<8192x8x128xf32, #tpu.memory_space<hbm>> -> memref<16x8x128xf32, #tpu.memory_space<hbm>>
    %dma_start3A_927 = arith.constant 0 : i32
    %dma_start3A_928 = arith.constant 0 : i32
    %dma_start3A_929 = tpu.memref_slice %arg6[%add3A_917, %dma_start3A_927, %dma_start3A_928] : memref<8192x8x128xf32, #tpu.memory_space<hbm>> -> memref<16x8x128xf32, #tpu.memory_space<hbm>>
    %dma_start3A_930 = arith.constant 0 : i32
    %dma_start3A_931 = arith.constant 0 : i32
    %dma_start3A_932 = arith.constant 0 : i32
    %dma_start3A_933 = tpu.memref_slice %arg13[%dma_start3A_918, %dma_start3A_930, %dma_start3A_931, %dma_start3A_932] : memref<2x16x8x128xf32, #tpu.memory_space<vmem>> -> memref<1x16x8x128xf32, #tpu.memory_space<vmem>>
    %dma_start3A_934 = tpu.memref_squeeze %dma_start3A_933 : memref<1x16x8x128xf32, #tpu.memory_space<vmem>> -> memref<16x8x128xf32, #tpu.memory_space<vmem>>
    tpu.enqueue_dma source(%dma_start3A_934 : memref<16x8x128xf32, #tpu.memory_space<vmem>>) target(%dma_start3A_929 : memref<16x8x128xf32, #tpu.memory_space<hbm>>) target_semaphore(%arg16 : memref<!tpu.dma_semaphore, #tpu.memory_space<semaphore_mem>>)
    %dma_start3A_935 = arith.constant 10 : i32
    %dma_start3A_936 = arith.constant 0 : i32
    %dma_start3A_937 = arith.constant 0 : i32
    %dma_start3A_938 = arith.constant 0 : i32
    %dma_start3A_939 = arith.constant 0 : i32
    %dma_start3A_940 = tpu.memref_slice %arg11[%dma_start3A_936, %dma_start3A_937, %dma_start3A_938, %dma_start3A_939] : memref<2x16x8x128xf32, #tpu.memory_space<vmem>> -> memref<1x16x8x128xf32, #tpu.memory_space<vmem>>
    %dma_start3A_941 = tpu.memref_squeeze %dma_start3A_940 : memref<1x16x8x128xf32, #tpu.memory_space<vmem>> -> memref<16x8x128xf32, #tpu.memory_space<vmem>>
    %dma_start3A_942 = arith.constant 0 : i32
    %dma_start3A_943 = tpu.memref_slice %arg8[%dma_start3A_935, %dma_start3A_942] : memref<16x16xi32, #tpu.memory_space<vmem>> -> memref<1x16xi32, #tpu.memory_space<vmem>>
    %dma_start3A_944 = tpu.memref_squeeze %dma_start3A_943 : memref<1x16xi32, #tpu.memory_space<vmem>> -> memref<16xi32, #tpu.memory_space<vmem>>
    %dma_start3A_945 = arith.constant 0 : i32
    %dma_start3A_946 = arith.constant 0 : i32
    %dma_start3A_947 = arith.constant 0 : i32
    %dma_start3A_948 = tpu.memref_slice %arg4[%dma_start3A_945, %dma_start3A_946, %dma_start3A_947] : memref<1000x8x128xf32, #tpu.memory_space<hbm>> -> memref<1000x8x128xf32, #tpu.memory_space<hbm>>
    tpu.enqueue_indirect_dma source(%dma_start3A_948 : memref<1000x8x128xf32, #tpu.memory_space<hbm>>) target(%dma_start3A_941 : memref<16x8x128xf32, #tpu.memory_space<vmem>>) offsets(%dma_start3A_944 : memref<16xi32, #tpu.memory_space<vmem>>) semaphore(%arg14 : memref<!tpu.dma_semaphore, #tpu.memory_space<semaphore_mem>>)
    %dma_start3A_949 = arith.constant 10 : i32
    %dma_start3A_950 = arith.constant 0 : i32
    %dma_start3A_951 = arith.constant 0 : i32
    %dma_start3A_952 = arith.constant 0 : i32
    %dma_start3A_953 = arith.constant 0 : i32
    %dma_start3A_954 = tpu.memref_slice %arg12[%dma_start3A_950, %dma_start3A_951, %dma_start3A_952, %dma_start3A_953] : memref<2x16x8x128xf32, #tpu.memory_space<vmem>> -> memref<1x16x8x128xf32, #tpu.memory_space<vmem>>
    %dma_start3A_955 = tpu.memref_squeeze %dma_start3A_954 : memref<1x16x8x128xf32, #tpu.memory_space<vmem>> -> memref<16x8x128xf32, #tpu.memory_space<vmem>>
    %dma_start3A_956 = arith.constant 0 : i32
    %dma_start3A_957 = tpu.memref_slice %arg9[%dma_start3A_949, %dma_start3A_956] : memref<16x16xi32, #tpu.memory_space<vmem>> -> memref<1x16xi32, #tpu.memory_space<vmem>>
    %dma_start3A_958 = tpu.memref_squeeze %dma_start3A_957 : memref<1x16xi32, #tpu.memory_space<vmem>> -> memref<16xi32, #tpu.memory_space<vmem>>
    %dma_start3A_959 = arith.constant 0 : i32
    %dma_start3A_960 = arith.constant 0 : i32
    %dma_start3A_961 = arith.constant 0 : i32
    %dma_start3A_962 = tpu.memref_slice %arg5[%dma_start3A_959, %dma_start3A_960, %dma_start3A_961] : memref<8192x8x128xf32, #tpu.memory_space<hbm>> -> memref<8192x8x128xf32, #tpu.memory_space<hbm>>
    tpu.enqueue_indirect_dma source(%dma_start3A_962 : memref<8192x8x128xf32, #tpu.memory_space<hbm>>) target(%dma_start3A_955 : memref<16x8x128xf32, #tpu.memory_space<vmem>>) offsets(%dma_start3A_958 : memref<16xi32, #tpu.memory_space<vmem>>) semaphore(%arg14 : memref<!tpu.dma_semaphore, #tpu.memory_space<semaphore_mem>>)
    %dma_wait3A_963 = arith.constant 9 : i32
    %dma_wait3A_964 = arith.constant 1 : i32
    %dma_wait3A_965 = arith.constant 0 : i32
    %dma_wait3A_966 = arith.constant 0 : i32
    %dma_wait3A_967 = arith.constant 0 : i32
    %dma_wait3A_968 = tpu.memref_slice %arg11[%dma_wait3A_964, %dma_wait3A_965, %dma_wait3A_966, %dma_wait3A_967] : memref<2x16x8x128xf32, #tpu.memory_space<vmem>> -> memref<1x16x8x128xf32, #tpu.memory_space<vmem>>
    %dma_wait3A_969 = tpu.memref_squeeze %dma_wait3A_968 : memref<1x16x8x128xf32, #tpu.memory_space<vmem>> -> memref<16x8x128xf32, #tpu.memory_space<vmem>>
    %dma_wait3A_970 = arith.constant 0 : i32
    %dma_wait3A_971 = tpu.memref_slice %arg8[%dma_wait3A_963, %dma_wait3A_970] : memref<16x16xi32, #tpu.memory_space<vmem>> -> memref<1x16xi32, #tpu.memory_space<vmem>>
    %dma_wait3A_972 = tpu.memref_squeeze %dma_wait3A_971 : memref<1x16xi32, #tpu.memory_space<vmem>> -> memref<16xi32, #tpu.memory_space<vmem>>
    %dma_wait3A_973 = arith.constant 0 : i32
    %dma_wait3A_974 = arith.constant 0 : i32
    %dma_wait3A_975 = arith.constant 0 : i32
    %dma_wait3A_976 = tpu.memref_slice %arg4[%dma_wait3A_973, %dma_wait3A_974, %dma_wait3A_975] : memref<1000x8x128xf32, #tpu.memory_space<hbm>> -> memref<1000x8x128xf32, #tpu.memory_space<hbm>>
    tpu.wait_indirect_dma semaphore(%arg15 : memref<!tpu.dma_semaphore, #tpu.memory_space<semaphore_mem>>) src(%dma_wait3A_976 : memref<1000x8x128xf32, #tpu.memory_space<hbm>>) dst(%dma_wait3A_969 : memref<16x8x128xf32, #tpu.memory_space<vmem>>)
    %dma_wait3A_977 = arith.constant 9 : i32
    %dma_wait3A_978 = arith.constant 1 : i32
    %dma_wait3A_979 = arith.constant 0 : i32
    %dma_wait3A_980 = arith.constant 0 : i32
    %dma_wait3A_981 = arith.constant 0 : i32
    %dma_wait3A_982 = tpu.memref_slice %arg12[%dma_wait3A_978, %dma_wait3A_979, %dma_wait3A_980, %dma_wait3A_981] : memref<2x16x8x128xf32, #tpu.memory_space<vmem>> -> memref<1x16x8x128xf32, #tpu.memory_space<vmem>>
    %dma_wait3A_983 = tpu.memref_squeeze %dma_wait3A_982 : memref<1x16x8x128xf32, #tpu.memory_space<vmem>> -> memref<16x8x128xf32, #tpu.memory_space<vmem>>
    %dma_wait3A_984 = arith.constant 0 : i32
    %dma_wait3A_985 = tpu.memref_slice %arg9[%dma_wait3A_977, %dma_wait3A_984] : memref<16x16xi32, #tpu.memory_space<vmem>> -> memref<1x16xi32, #tpu.memory_space<vmem>>
    %dma_wait3A_986 = tpu.memref_squeeze %dma_wait3A_985 : memref<1x16xi32, #tpu.memory_space<vmem>> -> memref<16xi32, #tpu.memory_space<vmem>>
    %dma_wait3A_987 = arith.constant 0 : i32
    %dma_wait3A_988 = arith.constant 0 : i32
    %dma_wait3A_989 = arith.constant 0 : i32
    %dma_wait3A_990 = tpu.memref_slice %arg5[%dma_wait3A_987, %dma_wait3A_988, %dma_wait3A_989] : memref<8192x8x128xf32, #tpu.memory_space<hbm>> -> memref<8192x8x128xf32, #tpu.memory_space<hbm>>
    tpu.wait_indirect_dma semaphore(%arg15 : memref<!tpu.dma_semaphore, #tpu.memory_space<semaphore_mem>>) src(%dma_wait3A_990 : memref<8192x8x128xf32, #tpu.memory_space<hbm>>) dst(%dma_wait3A_983 : memref<16x8x128xf32, #tpu.memory_space<vmem>>)
    %add3A_991 = arith.constant 112 : i32
    %add3A_992 = arith.addi %mul3A_2, %add3A_991 : i32
    %dma_wait3A_993 = arith.constant 1 : i32
    %dma_wait3A_994 = arith.constant 0 : i32
    %dma_wait3A_995 = arith.constant 0 : i32
    %dma_wait3A_996 = arith.constant 0 : i32
    %dma_wait3A_997 = tpu.memref_slice %arg13[%dma_wait3A_993, %dma_wait3A_994, %dma_wait3A_995, %dma_wait3A_996] : memref<2x16x8x128xf32, #tpu.memory_space<vmem>> -> memref<1x16x8x128xf32, #tpu.memory_space<vmem>>
    %dma_wait3A_998 = tpu.memref_squeeze %dma_wait3A_997 : memref<1x16x8x128xf32, #tpu.memory_space<vmem>> -> memref<16x8x128xf32, #tpu.memory_space<vmem>>
    %dma_wait3A_999 = arith.constant 0 : i32
    %dma_wait3A_1000 = arith.constant 0 : i32
    %dma_wait3A_1001 = tpu.memref_slice %arg6[%add3A_992, %dma_wait3A_999, %dma_wait3A_1000] : memref<8192x8x128xf32, #tpu.memory_space<hbm>> -> memref<16x8x128xf32, #tpu.memory_space<hbm>>
    %dma_wait3A_1002 = arith.constant 0 : i32
    %dma_wait3A_1003 = arith.constant 0 : i32
    %dma_wait3A_1004 = tpu.memref_slice %arg6[%add3A_992, %dma_wait3A_1002, %dma_wait3A_1003] : memref<8192x8x128xf32, #tpu.memory_space<hbm>> -> memref<16x8x128xf32, #tpu.memory_space<hbm>>
    %dma_wait3A_1005 = arith.constant 0 : i32
    %dma_wait3A_1006 = arith.constant 0 : i32
    %dma_wait3A_1007 = arith.constant 0 : i32
    %dma_wait3A_1008 = tpu.memref_slice %arg13[%dma_wait3A_993, %dma_wait3A_1005, %dma_wait3A_1006, %dma_wait3A_1007] : memref<2x16x8x128xf32, #tpu.memory_space<vmem>> -> memref<1x16x8x128xf32, #tpu.memory_space<vmem>>
    %dma_wait3A_1009 = tpu.memref_squeeze %dma_wait3A_1008 : memref<1x16x8x128xf32, #tpu.memory_space<vmem>> -> memref<16x8x128xf32, #tpu.memory_space<vmem>>
    tpu.wait_dma2 semaphore(%arg17 : memref<!tpu.dma_semaphore, #tpu.memory_space<semaphore_mem>>) src(%dma_wait3A_1009 : memref<16x8x128xf32, #tpu.memory_space<vmem>>) dst(%dma_wait3A_1004 : memref<16x8x128xf32, #tpu.memory_space<hbm>>)
    %scan3A_1010 = arith.constant 1 : i32
    %scan3A_1011 = arith.constant 1 : i32
    %scan3A_1012 = arith.constant 1 : i32
    %scan3A_1013 = arith.constant 0 : i32
    %scan3A_1014 = arith.constant 0 : i32
    %scan3A_1015 = arith.constant 16 : i32
    %scan3A_1016 = arith.addi %scan3A_1014, %scan3A_1015 : i32
    %scan3A_1017 = arith.constant 1 : i32
    %scan3A_1018 = scf.for %scan3A_1673 = %scan3A_1014 to %scan3A_1016 step %scan3A_1017 iter_args(%scan3A_1674 = %scan3A_1013) -> (i32)  : i32 {
      %add3A_1675 = arith.constant 144 : i32
      %add3A_1676 = arith.addi %mul3A_2, %add3A_1675 : i32
      %add3A_1677 = arith.addi %add3A_1676, %scan3A_1673 : i32
      %broadcast_in_dim3A = vector.broadcast %add3A_1677 : i32 to vector<16xi32>
      %ge3A = arith.constant 8 : i32
      %ge3A_1678 = vector.broadcast %ge3A : i32 to vector<16xi32>
      %ge3A_1679 = arith.cmpi sge, %broadcast_in_dim3A, %ge3A_1678 : vector<16xi32>
      %jit3A = arith.constant 3.000000e-01 : f32
      %jit3A_1680 = arith.constant 0.000000e+00 : f32
      %broadcast_in_dim3A_1681 = vector.broadcast %jit3A : f32 to vector<16xf32>
      %broadcast_in_dim3A_1682 = vector.broadcast %jit3A_1680 : f32 to vector<16xf32>
      %select_n3A = arith.select %ge3A_1679, %broadcast_in_dim3A_1681, %broadcast_in_dim3A_1682 : vector<16xi1>, vector<16xf32>
      %parallel_loop3A_1683 = arith.constant 0 : i32
      %parallel_loop3A_1684 = arith.constant 63 : i32
      %parallel_loop3A_1685 = arith.constant 1 : i32
      scf.for %parallel_loop3A_1687 = %parallel_loop3A_1683 to %parallel_loop3A_1684 step %parallel_loop3A_1685  : i32 {
        %parallel_loop3A_1688 = arith.constant 8 : i32
        %parallel_loop3A_1689 = arith.divsi %parallel_loop3A_1687, %parallel_loop3A_1688 : i32
        %parallel_loop3A_1690 = arith.constant 0 : i32
        %parallel_loop3A_1691 = arith.cmpi sgt, %parallel_loop3A_1687, %parallel_loop3A_1690 : i32
        %parallel_loop3A_1692 = arith.extui %parallel_loop3A_1691 : i1 to i32
        %parallel_loop3A_1693 = arith.constant 0 : i32
        %parallel_loop3A_1694 = arith.cmpi slt, %parallel_loop3A_1687, %parallel_loop3A_1693 : i32
        %parallel_loop3A_1695 = arith.extui %parallel_loop3A_1694 : i1 to i32
        %parallel_loop3A_1696 = arith.subi %parallel_loop3A_1692, %parallel_loop3A_1695 : i32
        %parallel_loop3A_1697 = arith.constant 0 : i32
        %parallel_loop3A_1698 = arith.cmpi sgt, %parallel_loop3A_1688, %parallel_loop3A_1697 : i32
        %parallel_loop3A_1699 = arith.extui %parallel_loop3A_1698 : i1 to i32
        %parallel_loop3A_1700 = arith.constant 0 : i32
        %parallel_loop3A_1701 = arith.cmpi slt, %parallel_loop3A_1688, %parallel_loop3A_1700 : i32
        %parallel_loop3A_1702 = arith.extui %parallel_loop3A_1701 : i1 to i32
        %parallel_loop3A_1703 = arith.subi %parallel_loop3A_1699, %parallel_loop3A_1702 : i32
        %parallel_loop3A_1704 = arith.cmpi ne, %parallel_loop3A_1696, %parallel_loop3A_1703 : i32
        %parallel_loop3A_1705 = arith.remsi %parallel_loop3A_1687, %parallel_loop3A_1688 : i32
        %parallel_loop3A_1706 = arith.constant 0 : i32
        %parallel_loop3A_1707 = arith.cmpi ne, %parallel_loop3A_1705, %parallel_loop3A_1706 : i32
        %parallel_loop3A_1708 = arith.andi %parallel_loop3A_1704, %parallel_loop3A_1707 : i1
        %parallel_loop3A_1709 = arith.constant 1 : i32
        %parallel_loop3A_1710 = arith.subi %parallel_loop3A_1689, %parallel_loop3A_1709 : i32
        %parallel_loop3A_1711 = arith.select %parallel_loop3A_1708, %parallel_loop3A_1710, %parallel_loop3A_1689 : i32
        %parallel_loop3A_1712 = arith.constant 8 : i32
        %parallel_loop3A_1713 = arith.constant 0 : i32
        %parallel_loop3A_1714 = arith.cmpi eq, %parallel_loop3A_1712, %parallel_loop3A_1713 : i32
        %parallel_loop3A_1715 = arith.constant 1 : i32
        %parallel_loop3A_1716 = arith.select %parallel_loop3A_1714, %parallel_loop3A_1715, %parallel_loop3A_1712 : i32
        %parallel_loop3A_1717 = arith.remsi %parallel_loop3A_1687, %parallel_loop3A_1716 : i32
        %parallel_loop3A_1718 = arith.constant 0 : i32
        %parallel_loop3A_1719 = arith.cmpi ne, %parallel_loop3A_1717, %parallel_loop3A_1718 : i32
        %parallel_loop3A_1720 = arith.constant 0 : i32
        %parallel_loop3A_1721 = arith.cmpi slt, %parallel_loop3A_1717, %parallel_loop3A_1720 : i32
        %parallel_loop3A_1722 = arith.constant 0 : i32
        %parallel_loop3A_1723 = arith.cmpi slt, %parallel_loop3A_1716, %parallel_loop3A_1722 : i32
        %parallel_loop3A_1724 = arith.xori %parallel_loop3A_1721, %parallel_loop3A_1723 : i1
        %parallel_loop3A_1725 = arith.andi %parallel_loop3A_1724, %parallel_loop3A_1719 : i1
        %parallel_loop3A_1726 = arith.addi %parallel_loop3A_1717, %parallel_loop3A_1716 : i32
        %parallel_loop3A_1727 = arith.select %parallel_loop3A_1725, %parallel_loop3A_1726, %parallel_loop3A_1717 : i32
        %parallel_loop3A_1728 = arith.constant 16 : i32
        %parallel_loop3A_1729 = arith.muli %parallel_loop3A_1727, %parallel_loop3A_1728 : i32
        %parallel_loop3A_1730 = arith.constant 16 : i32
        %parallel_loop3A_1731 = arith.muli %parallel_loop3A_1687, %parallel_loop3A_1730 : i32
        %parallel_loop3A_1732 = arith.index_cast %parallel_loop3A_1731 : i32 to index
        %parallel_loop3A_1733 = tpu.vector_load %arg10[%parallel_loop3A_1732] {strides = array<i32>} : memref<1024xf32, #tpu.memory_space<vmem>>, vector<16xf32>,
        %parallel_loop3A_1734 = arith.constant 0 : i32
        %parallel_loop3A_1735 = arith.constant 0 : i32
        %parallel_loop3A_1736 = arith.constant 0 : i32
        %parallel_loop3A_1737 = tpu.memref_slice %arg11[%scan3A_1010, %parallel_loop3A_1734, %parallel_loop3A_1735, %parallel_loop3A_1736] : memref<2x16x8x128xf32, #tpu.memory_space<vmem>> -> memref<1x16x8x128xf32, #tpu.memory_space<vmem>>
        %parallel_loop3A_1738 = tpu.memref_squeeze %parallel_loop3A_1737 : memref<1x16x8x128xf32, #tpu.memory_space<vmem>> -> memref<16x8x128xf32, #tpu.memory_space<vmem>>
        %parallel_loop3A_1739 = arith.index_cast %scan3A_1673 : i32 to index
        %parallel_loop3A_1740 = arith.index_cast %parallel_loop3A_1711 : i32 to index
        %parallel_loop3A_1741 = arith.index_cast %parallel_loop3A_1729 : i32 to index
        %parallel_loop3A_1742 = tpu.vector_load %parallel_loop3A_1738[%parallel_loop3A_1739, %parallel_loop3A_1740, %parallel_loop3A_1741] {strides = array<i32>} : memref<16x8x128xf32, #tpu.memory_space<vmem>>, vector<16xf32>,
        %parallel_loop3A_1743 = arith.constant 4.000000e-01 : f32
        %parallel_loop3A_1744 = vector.broadcast %parallel_loop3A_1743 : f32 to vector<16xf32>
        %parallel_loop3A_1745 = arith.mulf %parallel_loop3A_1744, %parallel_loop3A_1742 : vector<16xf32>
        %parallel_loop3A_1746 = arith.addf %parallel_loop3A_1733, %parallel_loop3A_1745 : vector<16xf32>
        %parallel_loop3A_1747 = arith.constant 0 : i32
        %parallel_loop3A_1748 = arith.constant 0 : i32
        %parallel_loop3A_1749 = arith.constant 0 : i32
        %parallel_loop3A_1750 = tpu.memref_slice %arg12[%scan3A_1011, %parallel_loop3A_1747, %parallel_loop3A_1748, %parallel_loop3A_1749] : memref<2x16x8x128xf32, #tpu.memory_space<vmem>> -> memref<1x16x8x128xf32, #tpu.memory_space<vmem>>
        %parallel_loop3A_1751 = tpu.memref_squeeze %parallel_loop3A_1750 : memref<1x16x8x128xf32, #tpu.memory_space<vmem>> -> memref<16x8x128xf32, #tpu.memory_space<vmem>>
        %parallel_loop3A_1752 = arith.index_cast %scan3A_1673 : i32 to index
        %parallel_loop3A_1753 = arith.index_cast %parallel_loop3A_1711 : i32 to index
        %parallel_loop3A_1754 = arith.index_cast %parallel_loop3A_1729 : i32 to index
        %parallel_loop3A_1755 = tpu.vector_load %parallel_loop3A_1751[%parallel_loop3A_1752, %parallel_loop3A_1753, %parallel_loop3A_1754] {strides = array<i32>} : memref<16x8x128xf32, #tpu.memory_space<vmem>>, vector<16xf32>,
        %parallel_loop3A_1756 = arith.mulf %select_n3A, %parallel_loop3A_1755 : vector<16xf32>
        %parallel_loop3A_1757 = arith.addf %parallel_loop3A_1746, %parallel_loop3A_1756 : vector<16xf32>
        %parallel_loop3A_1758 = arith.constant 0 : i32
        %parallel_loop3A_1759 = arith.constant 0 : i32
        %parallel_loop3A_1760 = arith.constant 0 : i32
        %parallel_loop3A_1761 = tpu.memref_slice %arg13[%scan3A_1012, %parallel_loop3A_1758, %parallel_loop3A_1759, %parallel_loop3A_1760] : memref<2x16x8x128xf32, #tpu.memory_space<vmem>> -> memref<1x16x8x128xf32, #tpu.memory_space<vmem>>
        %parallel_loop3A_1762 = tpu.memref_squeeze %parallel_loop3A_1761 : memref<1x16x8x128xf32, #tpu.memory_space<vmem>> -> memref<16x8x128xf32, #tpu.memory_space<vmem>>
        %parallel_loop3A_1763 = arith.index_cast %scan3A_1673 : i32 to index
        %parallel_loop3A_1764 = arith.index_cast %parallel_loop3A_1711 : i32 to index
        %parallel_loop3A_1765 = arith.index_cast %parallel_loop3A_1729 : i32 to index
        %parallel_loop3A_1766 = tpu.vector_load %parallel_loop3A_1762[%parallel_loop3A_1763, %parallel_loop3A_1764, %parallel_loop3A_1765] {strides = array<i32>} : memref<16x8x128xf32, #tpu.memory_space<vmem>>, vector<16xf32>,
        tpu.vector_store %parallel_loop3A_1762[%parallel_loop3A_1763, %parallel_loop3A_1764, %parallel_loop3A_1765], %parallel_loop3A_1757 {strides = array<i32>} : memref<16x8x128xf32, #tpu.memory_space<vmem>>, vector<16xf32>,
      } {sc.loop_unroll_factor = 4 : i64, sc.parallel_access}
      %scan3A_1686 = arith.constant 0 : i32
      scf.yield %scan3A_1686 : i32
    }
    %scan3A_1019 = arith.constant 16 : i32
    %add3A_1020 = arith.constant 144 : i32
    %add3A_1021 = arith.addi %mul3A_2, %add3A_1020 : i32
    %dma_start3A_1022 = arith.constant 1 : i32
    %dma_start3A_1023 = arith.constant 0 : i32
    %dma_start3A_1024 = arith.constant 0 : i32
    %dma_start3A_1025 = arith.constant 0 : i32
    %dma_start3A_1026 = tpu.memref_slice %arg13[%dma_start3A_1022, %dma_start3A_1023, %dma_start3A_1024, %dma_start3A_1025] : memref<2x16x8x128xf32, #tpu.memory_space<vmem>> -> memref<1x16x8x128xf32, #tpu.memory_space<vmem>>
    %dma_start3A_1027 = tpu.memref_squeeze %dma_start3A_1026 : memref<1x16x8x128xf32, #tpu.memory_space<vmem>> -> memref<16x8x128xf32, #tpu.memory_space<vmem>>
    %dma_start3A_1028 = arith.constant 0 : i32
    %dma_start3A_1029 = arith.constant 0 : i32
    %dma_start3A_1030 = tpu.memref_slice %arg6[%add3A_1021, %dma_start3A_1028, %dma_start3A_1029] : memref<8192x8x128xf32, #tpu.memory_space<hbm>> -> memref<16x8x128xf32, #tpu.memory_space<hbm>>
    %dma_start3A_1031 = arith.constant 0 : i32
    %dma_start3A_1032 = arith.constant 0 : i32
    %dma_start3A_1033 = tpu.memref_slice %arg6[%add3A_1021, %dma_start3A_1031, %dma_start3A_1032] : memref<8192x8x128xf32, #tpu.memory_space<hbm>> -> memref<16x8x128xf32, #tpu.memory_space<hbm>>
    %dma_start3A_1034 = arith.constant 0 : i32
    %dma_start3A_1035 = arith.constant 0 : i32
    %dma_start3A_1036 = arith.constant 0 : i32
    %dma_start3A_1037 = tpu.memref_slice %arg13[%dma_start3A_1022, %dma_start3A_1034, %dma_start3A_1035, %dma_start3A_1036] : memref<2x16x8x128xf32, #tpu.memory_space<vmem>> -> memref<1x16x8x128xf32, #tpu.memory_space<vmem>>
    %dma_start3A_1038 = tpu.memref_squeeze %dma_start3A_1037 : memref<1x16x8x128xf32, #tpu.memory_space<vmem>> -> memref<16x8x128xf32, #tpu.memory_space<vmem>>
    tpu.enqueue_dma source(%dma_start3A_1038 : memref<16x8x128xf32, #tpu.memory_space<vmem>>) target(%dma_start3A_1033 : memref<16x8x128xf32, #tpu.memory_space<hbm>>) target_semaphore(%arg17 : memref<!tpu.dma_semaphore, #tpu.memory_space<semaphore_mem>>)
    %dma_start3A_1039 = arith.constant 11 : i32
    %dma_start3A_1040 = arith.constant 1 : i32
    %dma_start3A_1041 = arith.constant 0 : i32
    %dma_start3A_1042 = arith.constant 0 : i32
    %dma_start3A_1043 = arith.constant 0 : i32
    %dma_start3A_1044 = tpu.memref_slice %arg11[%dma_start3A_1040, %dma_start3A_1041, %dma_start3A_1042, %dma_start3A_1043] : memref<2x16x8x128xf32, #tpu.memory_space<vmem>> -> memref<1x16x8x128xf32, #tpu.memory_space<vmem>>
    %dma_start3A_1045 = tpu.memref_squeeze %dma_start3A_1044 : memref<1x16x8x128xf32, #tpu.memory_space<vmem>> -> memref<16x8x128xf32, #tpu.memory_space<vmem>>
    %dma_start3A_1046 = arith.constant 0 : i32
    %dma_start3A_1047 = tpu.memref_slice %arg8[%dma_start3A_1039, %dma_start3A_1046] : memref<16x16xi32, #tpu.memory_space<vmem>> -> memref<1x16xi32, #tpu.memory_space<vmem>>
    %dma_start3A_1048 = tpu.memref_squeeze %dma_start3A_1047 : memref<1x16xi32, #tpu.memory_space<vmem>> -> memref<16xi32, #tpu.memory_space<vmem>>
    %dma_start3A_1049 = arith.constant 0 : i32
    %dma_start3A_1050 = arith.constant 0 : i32
    %dma_start3A_1051 = arith.constant 0 : i32
    %dma_start3A_1052 = tpu.memref_slice %arg4[%dma_start3A_1049, %dma_start3A_1050, %dma_start3A_1051] : memref<1000x8x128xf32, #tpu.memory_space<hbm>> -> memref<1000x8x128xf32, #tpu.memory_space<hbm>>
    tpu.enqueue_indirect_dma source(%dma_start3A_1052 : memref<1000x8x128xf32, #tpu.memory_space<hbm>>) target(%dma_start3A_1045 : memref<16x8x128xf32, #tpu.memory_space<vmem>>) offsets(%dma_start3A_1048 : memref<16xi32, #tpu.memory_space<vmem>>) semaphore(%arg15 : memref<!tpu.dma_semaphore, #tpu.memory_space<semaphore_mem>>)
    %dma_start3A_1053 = arith.constant 11 : i32
    %dma_start3A_1054 = arith.constant 1 : i32
    %dma_start3A_1055 = arith.constant 0 : i32
    %dma_start3A_1056 = arith.constant 0 : i32
    %dma_start3A_1057 = arith.constant 0 : i32
    %dma_start3A_1058 = tpu.memref_slice %arg12[%dma_start3A_1054, %dma_start3A_1055, %dma_start3A_1056, %dma_start3A_1057] : memref<2x16x8x128xf32, #tpu.memory_space<vmem>> -> memref<1x16x8x128xf32, #tpu.memory_space<vmem>>
    %dma_start3A_1059 = tpu.memref_squeeze %dma_start3A_1058 : memref<1x16x8x128xf32, #tpu.memory_space<vmem>> -> memref<16x8x128xf32, #tpu.memory_space<vmem>>
    %dma_start3A_1060 = arith.constant 0 : i32
    %dma_start3A_1061 = tpu.memref_slice %arg9[%dma_start3A_1053, %dma_start3A_1060] : memref<16x16xi32, #tpu.memory_space<vmem>> -> memref<1x16xi32, #tpu.memory_space<vmem>>
    %dma_start3A_1062 = tpu.memref_squeeze %dma_start3A_1061 : memref<1x16xi32, #tpu.memory_space<vmem>> -> memref<16xi32, #tpu.memory_space<vmem>>
    %dma_start3A_1063 = arith.constant 0 : i32
    %dma_start3A_1064 = arith.constant 0 : i32
    %dma_start3A_1065 = arith.constant 0 : i32
    %dma_start3A_1066 = tpu.memref_slice %arg5[%dma_start3A_1063, %dma_start3A_1064, %dma_start3A_1065] : memref<8192x8x128xf32, #tpu.memory_space<hbm>> -> memref<8192x8x128xf32, #tpu.memory_space<hbm>>
    tpu.enqueue_indirect_dma source(%dma_start3A_1066 : memref<8192x8x128xf32, #tpu.memory_space<hbm>>) target(%dma_start3A_1059 : memref<16x8x128xf32, #tpu.memory_space<vmem>>) offsets(%dma_start3A_1062 : memref<16xi32, #tpu.memory_space<vmem>>) semaphore(%arg15 : memref<!tpu.dma_semaphore, #tpu.memory_space<semaphore_mem>>)
    %dma_wait3A_1067 = arith.constant 10 : i32
    %dma_wait3A_1068 = arith.constant 0 : i32
    %dma_wait3A_1069 = arith.constant 0 : i32
    %dma_wait3A_1070 = arith.constant 0 : i32
    %dma_wait3A_1071 = arith.constant 0 : i32
    %dma_wait3A_1072 = tpu.memref_slice %arg11[%dma_wait3A_1068, %dma_wait3A_1069, %dma_wait3A_1070, %dma_wait3A_1071] : memref<2x16x8x128xf32, #tpu.memory_space<vmem>> -> memref<1x16x8x128xf32, #tpu.memory_space<vmem>>
    %dma_wait3A_1073 = tpu.memref_squeeze %dma_wait3A_1072 : memref<1x16x8x128xf32, #tpu.memory_space<vmem>> -> memref<16x8x128xf32, #tpu.memory_space<vmem>>
    %dma_wait3A_1074 = arith.constant 0 : i32
    %dma_wait3A_1075 = tpu.memref_slice %arg8[%dma_wait3A_1067, %dma_wait3A_1074] : memref<16x16xi32, #tpu.memory_space<vmem>> -> memref<1x16xi32, #tpu.memory_space<vmem>>
    %dma_wait3A_1076 = tpu.memref_squeeze %dma_wait3A_1075 : memref<1x16xi32, #tpu.memory_space<vmem>> -> memref<16xi32, #tpu.memory_space<vmem>>
    %dma_wait3A_1077 = arith.constant 0 : i32
    %dma_wait3A_1078 = arith.constant 0 : i32
    %dma_wait3A_1079 = arith.constant 0 : i32
    %dma_wait3A_1080 = tpu.memref_slice %arg4[%dma_wait3A_1077, %dma_wait3A_1078, %dma_wait3A_1079] : memref<1000x8x128xf32, #tpu.memory_space<hbm>> -> memref<1000x8x128xf32, #tpu.memory_space<hbm>>
    tpu.wait_indirect_dma semaphore(%arg14 : memref<!tpu.dma_semaphore, #tpu.memory_space<semaphore_mem>>) src(%dma_wait3A_1080 : memref<1000x8x128xf32, #tpu.memory_space<hbm>>) dst(%dma_wait3A_1073 : memref<16x8x128xf32, #tpu.memory_space<vmem>>)
    %dma_wait3A_1081 = arith.constant 10 : i32
    %dma_wait3A_1082 = arith.constant 0 : i32
    %dma_wait3A_1083 = arith.constant 0 : i32
    %dma_wait3A_1084 = arith.constant 0 : i32
    %dma_wait3A_1085 = arith.constant 0 : i32
    %dma_wait3A_1086 = tpu.memref_slice %arg12[%dma_wait3A_1082, %dma_wait3A_1083, %dma_wait3A_1084, %dma_wait3A_1085] : memref<2x16x8x128xf32, #tpu.memory_space<vmem>> -> memref<1x16x8x128xf32, #tpu.memory_space<vmem>>
    %dma_wait3A_1087 = tpu.memref_squeeze %dma_wait3A_1086 : memref<1x16x8x128xf32, #tpu.memory_space<vmem>> -> memref<16x8x128xf32, #tpu.memory_space<vmem>>
    %dma_wait3A_1088 = arith.constant 0 : i32
    %dma_wait3A_1089 = tpu.memref_slice %arg9[%dma_wait3A_1081, %dma_wait3A_1088] : memref<16x16xi32, #tpu.memory_space<vmem>> -> memref<1x16xi32, #tpu.memory_space<vmem>>
    %dma_wait3A_1090 = tpu.memref_squeeze %dma_wait3A_1089 : memref<1x16xi32, #tpu.memory_space<vmem>> -> memref<16xi32, #tpu.memory_space<vmem>>
    %dma_wait3A_1091 = arith.constant 0 : i32
    %dma_wait3A_1092 = arith.constant 0 : i32
    %dma_wait3A_1093 = arith.constant 0 : i32
    %dma_wait3A_1094 = tpu.memref_slice %arg5[%dma_wait3A_1091, %dma_wait3A_1092, %dma_wait3A_1093] : memref<8192x8x128xf32, #tpu.memory_space<hbm>> -> memref<8192x8x128xf32, #tpu.memory_space<hbm>>
    tpu.wait_indirect_dma semaphore(%arg14 : memref<!tpu.dma_semaphore, #tpu.memory_space<semaphore_mem>>) src(%dma_wait3A_1094 : memref<8192x8x128xf32, #tpu.memory_space<hbm>>) dst(%dma_wait3A_1087 : memref<16x8x128xf32, #tpu.memory_space<vmem>>)
    %add3A_1095 = arith.constant 128 : i32
    %add3A_1096 = arith.addi %mul3A_2, %add3A_1095 : i32
    %dma_wait3A_1097 = arith.constant 0 : i32
    %dma_wait3A_1098 = arith.constant 0 : i32
    %dma_wait3A_1099 = arith.constant 0 : i32
    %dma_wait3A_1100 = arith.constant 0 : i32
    %dma_wait3A_1101 = tpu.memref_slice %arg13[%dma_wait3A_1097, %dma_wait3A_1098, %dma_wait3A_1099, %dma_wait3A_1100] : memref<2x16x8x128xf32, #tpu.memory_space<vmem>> -> memref<1x16x8x128xf32, #tpu.memory_space<vmem>>
    %dma_wait3A_1102 = tpu.memref_squeeze %dma_wait3A_1101 : memref<1x16x8x128xf32, #tpu.memory_space<vmem>> -> memref<16x8x128xf32, #tpu.memory_space<vmem>>
    %dma_wait3A_1103 = arith.constant 0 : i32
    %dma_wait3A_1104 = arith.constant 0 : i32
    %dma_wait3A_1105 = tpu.memref_slice %arg6[%add3A_1096, %dma_wait3A_1103, %dma_wait3A_1104] : memref<8192x8x128xf32, #tpu.memory_space<hbm>> -> memref<16x8x128xf32, #tpu.memory_space<hbm>>
    %dma_wait3A_1106 = arith.constant 0 : i32
    %dma_wait3A_1107 = arith.constant 0 : i32
    %dma_wait3A_1108 = tpu.memref_slice %arg6[%add3A_1096, %dma_wait3A_1106, %dma_wait3A_1107] : memref<8192x8x128xf32, #tpu.memory_space<hbm>> -> memref<16x8x128xf32, #tpu.memory_space<hbm>>
    %dma_wait3A_1109 = arith.constant 0 : i32
    %dma_wait3A_1110 = arith.constant 0 : i32
    %dma_wait3A_1111 = arith.constant 0 : i32
    %dma_wait3A_1112 = tpu.memref_slice %arg13[%dma_wait3A_1097, %dma_wait3A_1109, %dma_wait3A_1110, %dma_wait3A_1111] : memref<2x16x8x128xf32, #tpu.memory_space<vmem>> -> memref<1x16x8x128xf32, #tpu.memory_space<vmem>>
    %dma_wait3A_1113 = tpu.memref_squeeze %dma_wait3A_1112 : memref<1x16x8x128xf32, #tpu.memory_space<vmem>> -> memref<16x8x128xf32, #tpu.memory_space<vmem>>
    tpu.wait_dma2 semaphore(%arg16 : memref<!tpu.dma_semaphore, #tpu.memory_space<semaphore_mem>>) src(%dma_wait3A_1113 : memref<16x8x128xf32, #tpu.memory_space<vmem>>) dst(%dma_wait3A_1108 : memref<16x8x128xf32, #tpu.memory_space<hbm>>)
    %scan3A_1114 = arith.constant 0 : i32
    %scan3A_1115 = arith.constant 0 : i32
    %scan3A_1116 = arith.constant 0 : i32
    %scan3A_1117 = arith.constant 0 : i32
    %scan3A_1118 = arith.constant 0 : i32
    %scan3A_1119 = arith.constant 16 : i32
    %scan3A_1120 = arith.addi %scan3A_1118, %scan3A_1119 : i32
    %scan3A_1121 = arith.constant 1 : i32
    %scan3A_1122 = scf.for %scan3A_1673 = %scan3A_1118 to %scan3A_1120 step %scan3A_1121 iter_args(%scan3A_1674 = %scan3A_1117) -> (i32)  : i32 {
      %add3A_1675 = arith.constant 160 : i32
      %add3A_1676 = arith.addi %mul3A_2, %add3A_1675 : i32
      %add3A_1677 = arith.addi %add3A_1676, %scan3A_1673 : i32
      %broadcast_in_dim3A = vector.broadcast %add3A_1677 : i32 to vector<16xi32>
      %ge3A = arith.constant 8 : i32
      %ge3A_1678 = vector.broadcast %ge3A : i32 to vector<16xi32>
      %ge3A_1679 = arith.cmpi sge, %broadcast_in_dim3A, %ge3A_1678 : vector<16xi32>
      %jit3A = arith.constant 3.000000e-01 : f32
      %jit3A_1680 = arith.constant 0.000000e+00 : f32
      %broadcast_in_dim3A_1681 = vector.broadcast %jit3A : f32 to vector<16xf32>
      %broadcast_in_dim3A_1682 = vector.broadcast %jit3A_1680 : f32 to vector<16xf32>
      %select_n3A = arith.select %ge3A_1679, %broadcast_in_dim3A_1681, %broadcast_in_dim3A_1682 : vector<16xi1>, vector<16xf32>
      %parallel_loop3A_1683 = arith.constant 0 : i32
      %parallel_loop3A_1684 = arith.constant 63 : i32
      %parallel_loop3A_1685 = arith.constant 1 : i32
      scf.for %parallel_loop3A_1687 = %parallel_loop3A_1683 to %parallel_loop3A_1684 step %parallel_loop3A_1685  : i32 {
        %parallel_loop3A_1688 = arith.constant 8 : i32
        %parallel_loop3A_1689 = arith.divsi %parallel_loop3A_1687, %parallel_loop3A_1688 : i32
        %parallel_loop3A_1690 = arith.constant 0 : i32
        %parallel_loop3A_1691 = arith.cmpi sgt, %parallel_loop3A_1687, %parallel_loop3A_1690 : i32
        %parallel_loop3A_1692 = arith.extui %parallel_loop3A_1691 : i1 to i32
        %parallel_loop3A_1693 = arith.constant 0 : i32
        %parallel_loop3A_1694 = arith.cmpi slt, %parallel_loop3A_1687, %parallel_loop3A_1693 : i32
        %parallel_loop3A_1695 = arith.extui %parallel_loop3A_1694 : i1 to i32
        %parallel_loop3A_1696 = arith.subi %parallel_loop3A_1692, %parallel_loop3A_1695 : i32
        %parallel_loop3A_1697 = arith.constant 0 : i32
        %parallel_loop3A_1698 = arith.cmpi sgt, %parallel_loop3A_1688, %parallel_loop3A_1697 : i32
        %parallel_loop3A_1699 = arith.extui %parallel_loop3A_1698 : i1 to i32
        %parallel_loop3A_1700 = arith.constant 0 : i32
        %parallel_loop3A_1701 = arith.cmpi slt, %parallel_loop3A_1688, %parallel_loop3A_1700 : i32
        %parallel_loop3A_1702 = arith.extui %parallel_loop3A_1701 : i1 to i32
        %parallel_loop3A_1703 = arith.subi %parallel_loop3A_1699, %parallel_loop3A_1702 : i32
        %parallel_loop3A_1704 = arith.cmpi ne, %parallel_loop3A_1696, %parallel_loop3A_1703 : i32
        %parallel_loop3A_1705 = arith.remsi %parallel_loop3A_1687, %parallel_loop3A_1688 : i32
        %parallel_loop3A_1706 = arith.constant 0 : i32
        %parallel_loop3A_1707 = arith.cmpi ne, %parallel_loop3A_1705, %parallel_loop3A_1706 : i32
        %parallel_loop3A_1708 = arith.andi %parallel_loop3A_1704, %parallel_loop3A_1707 : i1
        %parallel_loop3A_1709 = arith.constant 1 : i32
        %parallel_loop3A_1710 = arith.subi %parallel_loop3A_1689, %parallel_loop3A_1709 : i32
        %parallel_loop3A_1711 = arith.select %parallel_loop3A_1708, %parallel_loop3A_1710, %parallel_loop3A_1689 : i32
        %parallel_loop3A_1712 = arith.constant 8 : i32
        %parallel_loop3A_1713 = arith.constant 0 : i32
        %parallel_loop3A_1714 = arith.cmpi eq, %parallel_loop3A_1712, %parallel_loop3A_1713 : i32
        %parallel_loop3A_1715 = arith.constant 1 : i32
        %parallel_loop3A_1716 = arith.select %parallel_loop3A_1714, %parallel_loop3A_1715, %parallel_loop3A_1712 : i32
        %parallel_loop3A_1717 = arith.remsi %parallel_loop3A_1687, %parallel_loop3A_1716 : i32
        %parallel_loop3A_1718 = arith.constant 0 : i32
        %parallel_loop3A_1719 = arith.cmpi ne, %parallel_loop3A_1717, %parallel_loop3A_1718 : i32
        %parallel_loop3A_1720 = arith.constant 0 : i32
        %parallel_loop3A_1721 = arith.cmpi slt, %parallel_loop3A_1717, %parallel_loop3A_1720 : i32
        %parallel_loop3A_1722 = arith.constant 0 : i32
        %parallel_loop3A_1723 = arith.cmpi slt, %parallel_loop3A_1716, %parallel_loop3A_1722 : i32
        %parallel_loop3A_1724 = arith.xori %parallel_loop3A_1721, %parallel_loop3A_1723 : i1
        %parallel_loop3A_1725 = arith.andi %parallel_loop3A_1724, %parallel_loop3A_1719 : i1
        %parallel_loop3A_1726 = arith.addi %parallel_loop3A_1717, %parallel_loop3A_1716 : i32
        %parallel_loop3A_1727 = arith.select %parallel_loop3A_1725, %parallel_loop3A_1726, %parallel_loop3A_1717 : i32
        %parallel_loop3A_1728 = arith.constant 16 : i32
        %parallel_loop3A_1729 = arith.muli %parallel_loop3A_1727, %parallel_loop3A_1728 : i32
        %parallel_loop3A_1730 = arith.constant 16 : i32
        %parallel_loop3A_1731 = arith.muli %parallel_loop3A_1687, %parallel_loop3A_1730 : i32
        %parallel_loop3A_1732 = arith.index_cast %parallel_loop3A_1731 : i32 to index
        %parallel_loop3A_1733 = tpu.vector_load %arg10[%parallel_loop3A_1732] {strides = array<i32>} : memref<1024xf32, #tpu.memory_space<vmem>>, vector<16xf32>,
        %parallel_loop3A_1734 = arith.constant 0 : i32
        %parallel_loop3A_1735 = arith.constant 0 : i32
        %parallel_loop3A_1736 = arith.constant 0 : i32
        %parallel_loop3A_1737 = tpu.memref_slice %arg11[%scan3A_1114, %parallel_loop3A_1734, %parallel_loop3A_1735, %parallel_loop3A_1736] : memref<2x16x8x128xf32, #tpu.memory_space<vmem>> -> memref<1x16x8x128xf32, #tpu.memory_space<vmem>>
        %parallel_loop3A_1738 = tpu.memref_squeeze %parallel_loop3A_1737 : memref<1x16x8x128xf32, #tpu.memory_space<vmem>> -> memref<16x8x128xf32, #tpu.memory_space<vmem>>
        %parallel_loop3A_1739 = arith.index_cast %scan3A_1673 : i32 to index
        %parallel_loop3A_1740 = arith.index_cast %parallel_loop3A_1711 : i32 to index
        %parallel_loop3A_1741 = arith.index_cast %parallel_loop3A_1729 : i32 to index
        %parallel_loop3A_1742 = tpu.vector_load %parallel_loop3A_1738[%parallel_loop3A_1739, %parallel_loop3A_1740, %parallel_loop3A_1741] {strides = array<i32>} : memref<16x8x128xf32, #tpu.memory_space<vmem>>, vector<16xf32>,
        %parallel_loop3A_1743 = arith.constant 4.000000e-01 : f32
        %parallel_loop3A_1744 = vector.broadcast %parallel_loop3A_1743 : f32 to vector<16xf32>
        %parallel_loop3A_1745 = arith.mulf %parallel_loop3A_1744, %parallel_loop3A_1742 : vector<16xf32>
        %parallel_loop3A_1746 = arith.addf %parallel_loop3A_1733, %parallel_loop3A_1745 : vector<16xf32>
        %parallel_loop3A_1747 = arith.constant 0 : i32
        %parallel_loop3A_1748 = arith.constant 0 : i32
        %parallel_loop3A_1749 = arith.constant 0 : i32
        %parallel_loop3A_1750 = tpu.memref_slice %arg12[%scan3A_1115, %parallel_loop3A_1747, %parallel_loop3A_1748, %parallel_loop3A_1749] : memref<2x16x8x128xf32, #tpu.memory_space<vmem>> -> memref<1x16x8x128xf32, #tpu.memory_space<vmem>>
        %parallel_loop3A_1751 = tpu.memref_squeeze %parallel_loop3A_1750 : memref<1x16x8x128xf32, #tpu.memory_space<vmem>> -> memref<16x8x128xf32, #tpu.memory_space<vmem>>
        %parallel_loop3A_1752 = arith.index_cast %scan3A_1673 : i32 to index
        %parallel_loop3A_1753 = arith.index_cast %parallel_loop3A_1711 : i32 to index
        %parallel_loop3A_1754 = arith.index_cast %parallel_loop3A_1729 : i32 to index
        %parallel_loop3A_1755 = tpu.vector_load %parallel_loop3A_1751[%parallel_loop3A_1752, %parallel_loop3A_1753, %parallel_loop3A_1754] {strides = array<i32>} : memref<16x8x128xf32, #tpu.memory_space<vmem>>, vector<16xf32>,
        %parallel_loop3A_1756 = arith.mulf %select_n3A, %parallel_loop3A_1755 : vector<16xf32>
        %parallel_loop3A_1757 = arith.addf %parallel_loop3A_1746, %parallel_loop3A_1756 : vector<16xf32>
        %parallel_loop3A_1758 = arith.constant 0 : i32
        %parallel_loop3A_1759 = arith.constant 0 : i32
        %parallel_loop3A_1760 = arith.constant 0 : i32
        %parallel_loop3A_1761 = tpu.memref_slice %arg13[%scan3A_1116, %parallel_loop3A_1758, %parallel_loop3A_1759, %parallel_loop3A_1760] : memref<2x16x8x128xf32, #tpu.memory_space<vmem>> -> memref<1x16x8x128xf32, #tpu.memory_space<vmem>>
        %parallel_loop3A_1762 = tpu.memref_squeeze %parallel_loop3A_1761 : memref<1x16x8x128xf32, #tpu.memory_space<vmem>> -> memref<16x8x128xf32, #tpu.memory_space<vmem>>
        %parallel_loop3A_1763 = arith.index_cast %scan3A_1673 : i32 to index
        %parallel_loop3A_1764 = arith.index_cast %parallel_loop3A_1711 : i32 to index
        %parallel_loop3A_1765 = arith.index_cast %parallel_loop3A_1729 : i32 to index
        %parallel_loop3A_1766 = tpu.vector_load %parallel_loop3A_1762[%parallel_loop3A_1763, %parallel_loop3A_1764, %parallel_loop3A_1765] {strides = array<i32>} : memref<16x8x128xf32, #tpu.memory_space<vmem>>, vector<16xf32>,
        tpu.vector_store %parallel_loop3A_1762[%parallel_loop3A_1763, %parallel_loop3A_1764, %parallel_loop3A_1765], %parallel_loop3A_1757 {strides = array<i32>} : memref<16x8x128xf32, #tpu.memory_space<vmem>>, vector<16xf32>,
      } {sc.loop_unroll_factor = 4 : i64, sc.parallel_access}
      %scan3A_1686 = arith.constant 0 : i32
      scf.yield %scan3A_1686 : i32
    }
    %scan3A_1123 = arith.constant 16 : i32
    %add3A_1124 = arith.constant 160 : i32
    %add3A_1125 = arith.addi %mul3A_2, %add3A_1124 : i32
    %dma_start3A_1126 = arith.constant 0 : i32
    %dma_start3A_1127 = arith.constant 0 : i32
    %dma_start3A_1128 = arith.constant 0 : i32
    %dma_start3A_1129 = arith.constant 0 : i32
    %dma_start3A_1130 = tpu.memref_slice %arg13[%dma_start3A_1126, %dma_start3A_1127, %dma_start3A_1128, %dma_start3A_1129] : memref<2x16x8x128xf32, #tpu.memory_space<vmem>> -> memref<1x16x8x128xf32, #tpu.memory_space<vmem>>
    %dma_start3A_1131 = tpu.memref_squeeze %dma_start3A_1130 : memref<1x16x8x128xf32, #tpu.memory_space<vmem>> -> memref<16x8x128xf32, #tpu.memory_space<vmem>>
    %dma_start3A_1132 = arith.constant 0 : i32
    %dma_start3A_1133 = arith.constant 0 : i32
    %dma_start3A_1134 = tpu.memref_slice %arg6[%add3A_1125, %dma_start3A_1132, %dma_start3A_1133] : memref<8192x8x128xf32, #tpu.memory_space<hbm>> -> memref<16x8x128xf32, #tpu.memory_space<hbm>>
    %dma_start3A_1135 = arith.constant 0 : i32
    %dma_start3A_1136 = arith.constant 0 : i32
    %dma_start3A_1137 = tpu.memref_slice %arg6[%add3A_1125, %dma_start3A_1135, %dma_start3A_1136] : memref<8192x8x128xf32, #tpu.memory_space<hbm>> -> memref<16x8x128xf32, #tpu.memory_space<hbm>>
    %dma_start3A_1138 = arith.constant 0 : i32
    %dma_start3A_1139 = arith.constant 0 : i32
    %dma_start3A_1140 = arith.constant 0 : i32
    %dma_start3A_1141 = tpu.memref_slice %arg13[%dma_start3A_1126, %dma_start3A_1138, %dma_start3A_1139, %dma_start3A_1140] : memref<2x16x8x128xf32, #tpu.memory_space<vmem>> -> memref<1x16x8x128xf32, #tpu.memory_space<vmem>>
    %dma_start3A_1142 = tpu.memref_squeeze %dma_start3A_1141 : memref<1x16x8x128xf32, #tpu.memory_space<vmem>> -> memref<16x8x128xf32, #tpu.memory_space<vmem>>
    tpu.enqueue_dma source(%dma_start3A_1142 : memref<16x8x128xf32, #tpu.memory_space<vmem>>) target(%dma_start3A_1137 : memref<16x8x128xf32, #tpu.memory_space<hbm>>) target_semaphore(%arg16 : memref<!tpu.dma_semaphore, #tpu.memory_space<semaphore_mem>>)
    %dma_start3A_1143 = arith.constant 12 : i32
    %dma_start3A_1144 = arith.constant 0 : i32
    %dma_start3A_1145 = arith.constant 0 : i32
    %dma_start3A_1146 = arith.constant 0 : i32
    %dma_start3A_1147 = arith.constant 0 : i32
    %dma_start3A_1148 = tpu.memref_slice %arg11[%dma_start3A_1144, %dma_start3A_1145, %dma_start3A_1146, %dma_start3A_1147] : memref<2x16x8x128xf32, #tpu.memory_space<vmem>> -> memref<1x16x8x128xf32, #tpu.memory_space<vmem>>
    %dma_start3A_1149 = tpu.memref_squeeze %dma_start3A_1148 : memref<1x16x8x128xf32, #tpu.memory_space<vmem>> -> memref<16x8x128xf32, #tpu.memory_space<vmem>>
    %dma_start3A_1150 = arith.constant 0 : i32
    %dma_start3A_1151 = tpu.memref_slice %arg8[%dma_start3A_1143, %dma_start3A_1150] : memref<16x16xi32, #tpu.memory_space<vmem>> -> memref<1x16xi32, #tpu.memory_space<vmem>>
    %dma_start3A_1152 = tpu.memref_squeeze %dma_start3A_1151 : memref<1x16xi32, #tpu.memory_space<vmem>> -> memref<16xi32, #tpu.memory_space<vmem>>
    %dma_start3A_1153 = arith.constant 0 : i32
    %dma_start3A_1154 = arith.constant 0 : i32
    %dma_start3A_1155 = arith.constant 0 : i32
    %dma_start3A_1156 = tpu.memref_slice %arg4[%dma_start3A_1153, %dma_start3A_1154, %dma_start3A_1155] : memref<1000x8x128xf32, #tpu.memory_space<hbm>> -> memref<1000x8x128xf32, #tpu.memory_space<hbm>>
    tpu.enqueue_indirect_dma source(%dma_start3A_1156 : memref<1000x8x128xf32, #tpu.memory_space<hbm>>) target(%dma_start3A_1149 : memref<16x8x128xf32, #tpu.memory_space<vmem>>) offsets(%dma_start3A_1152 : memref<16xi32, #tpu.memory_space<vmem>>) semaphore(%arg14 : memref<!tpu.dma_semaphore, #tpu.memory_space<semaphore_mem>>)
    %dma_start3A_1157 = arith.constant 12 : i32
    %dma_start3A_1158 = arith.constant 0 : i32
    %dma_start3A_1159 = arith.constant 0 : i32
    %dma_start3A_1160 = arith.constant 0 : i32
    %dma_start3A_1161 = arith.constant 0 : i32
    %dma_start3A_1162 = tpu.memref_slice %arg12[%dma_start3A_1158, %dma_start3A_1159, %dma_start3A_1160, %dma_start3A_1161] : memref<2x16x8x128xf32, #tpu.memory_space<vmem>> -> memref<1x16x8x128xf32, #tpu.memory_space<vmem>>
    %dma_start3A_1163 = tpu.memref_squeeze %dma_start3A_1162 : memref<1x16x8x128xf32, #tpu.memory_space<vmem>> -> memref<16x8x128xf32, #tpu.memory_space<vmem>>
    %dma_start3A_1164 = arith.constant 0 : i32
    %dma_start3A_1165 = tpu.memref_slice %arg9[%dma_start3A_1157, %dma_start3A_1164] : memref<16x16xi32, #tpu.memory_space<vmem>> -> memref<1x16xi32, #tpu.memory_space<vmem>>
    %dma_start3A_1166 = tpu.memref_squeeze %dma_start3A_1165 : memref<1x16xi32, #tpu.memory_space<vmem>> -> memref<16xi32, #tpu.memory_space<vmem>>
    %dma_start3A_1167 = arith.constant 0 : i32
    %dma_start3A_1168 = arith.constant 0 : i32
    %dma_start3A_1169 = arith.constant 0 : i32
    %dma_start3A_1170 = tpu.memref_slice %arg5[%dma_start3A_1167, %dma_start3A_1168, %dma_start3A_1169] : memref<8192x8x128xf32, #tpu.memory_space<hbm>> -> memref<8192x8x128xf32, #tpu.memory_space<hbm>>
    tpu.enqueue_indirect_dma source(%dma_start3A_1170 : memref<8192x8x128xf32, #tpu.memory_space<hbm>>) target(%dma_start3A_1163 : memref<16x8x128xf32, #tpu.memory_space<vmem>>) offsets(%dma_start3A_1166 : memref<16xi32, #tpu.memory_space<vmem>>) semaphore(%arg14 : memref<!tpu.dma_semaphore, #tpu.memory_space<semaphore_mem>>)
    %dma_wait3A_1171 = arith.constant 11 : i32
    %dma_wait3A_1172 = arith.constant 1 : i32
    %dma_wait3A_1173 = arith.constant 0 : i32
    %dma_wait3A_1174 = arith.constant 0 : i32
    %dma_wait3A_1175 = arith.constant 0 : i32
    %dma_wait3A_1176 = tpu.memref_slice %arg11[%dma_wait3A_1172, %dma_wait3A_1173, %dma_wait3A_1174, %dma_wait3A_1175] : memref<2x16x8x128xf32, #tpu.memory_space<vmem>> -> memref<1x16x8x128xf32, #tpu.memory_space<vmem>>
    %dma_wait3A_1177 = tpu.memref_squeeze %dma_wait3A_1176 : memref<1x16x8x128xf32, #tpu.memory_space<vmem>> -> memref<16x8x128xf32, #tpu.memory_space<vmem>>
    %dma_wait3A_1178 = arith.constant 0 : i32
    %dma_wait3A_1179 = tpu.memref_slice %arg8[%dma_wait3A_1171, %dma_wait3A_1178] : memref<16x16xi32, #tpu.memory_space<vmem>> -> memref<1x16xi32, #tpu.memory_space<vmem>>
    %dma_wait3A_1180 = tpu.memref_squeeze %dma_wait3A_1179 : memref<1x16xi32, #tpu.memory_space<vmem>> -> memref<16xi32, #tpu.memory_space<vmem>>
    %dma_wait3A_1181 = arith.constant 0 : i32
    %dma_wait3A_1182 = arith.constant 0 : i32
    %dma_wait3A_1183 = arith.constant 0 : i32
    %dma_wait3A_1184 = tpu.memref_slice %arg4[%dma_wait3A_1181, %dma_wait3A_1182, %dma_wait3A_1183] : memref<1000x8x128xf32, #tpu.memory_space<hbm>> -> memref<1000x8x128xf32, #tpu.memory_space<hbm>>
    tpu.wait_indirect_dma semaphore(%arg15 : memref<!tpu.dma_semaphore, #tpu.memory_space<semaphore_mem>>) src(%dma_wait3A_1184 : memref<1000x8x128xf32, #tpu.memory_space<hbm>>) dst(%dma_wait3A_1177 : memref<16x8x128xf32, #tpu.memory_space<vmem>>)
    %dma_wait3A_1185 = arith.constant 11 : i32
    %dma_wait3A_1186 = arith.constant 1 : i32
    %dma_wait3A_1187 = arith.constant 0 : i32
    %dma_wait3A_1188 = arith.constant 0 : i32
    %dma_wait3A_1189 = arith.constant 0 : i32
    %dma_wait3A_1190 = tpu.memref_slice %arg12[%dma_wait3A_1186, %dma_wait3A_1187, %dma_wait3A_1188, %dma_wait3A_1189] : memref<2x16x8x128xf32, #tpu.memory_space<vmem>> -> memref<1x16x8x128xf32, #tpu.memory_space<vmem>>
    %dma_wait3A_1191 = tpu.memref_squeeze %dma_wait3A_1190 : memref<1x16x8x128xf32, #tpu.memory_space<vmem>> -> memref<16x8x128xf32, #tpu.memory_space<vmem>>
    %dma_wait3A_1192 = arith.constant 0 : i32
    %dma_wait3A_1193 = tpu.memref_slice %arg9[%dma_wait3A_1185, %dma_wait3A_1192] : memref<16x16xi32, #tpu.memory_space<vmem>> -> memref<1x16xi32, #tpu.memory_space<vmem>>
    %dma_wait3A_1194 = tpu.memref_squeeze %dma_wait3A_1193 : memref<1x16xi32, #tpu.memory_space<vmem>> -> memref<16xi32, #tpu.memory_space<vmem>>
    %dma_wait3A_1195 = arith.constant 0 : i32
    %dma_wait3A_1196 = arith.constant 0 : i32
    %dma_wait3A_1197 = arith.constant 0 : i32
    %dma_wait3A_1198 = tpu.memref_slice %arg5[%dma_wait3A_1195, %dma_wait3A_1196, %dma_wait3A_1197] : memref<8192x8x128xf32, #tpu.memory_space<hbm>> -> memref<8192x8x128xf32, #tpu.memory_space<hbm>>
    tpu.wait_indirect_dma semaphore(%arg15 : memref<!tpu.dma_semaphore, #tpu.memory_space<semaphore_mem>>) src(%dma_wait3A_1198 : memref<8192x8x128xf32, #tpu.memory_space<hbm>>) dst(%dma_wait3A_1191 : memref<16x8x128xf32, #tpu.memory_space<vmem>>)
    %add3A_1199 = arith.constant 144 : i32
    %add3A_1200 = arith.addi %mul3A_2, %add3A_1199 : i32
    %dma_wait3A_1201 = arith.constant 1 : i32
    %dma_wait3A_1202 = arith.constant 0 : i32
    %dma_wait3A_1203 = arith.constant 0 : i32
    %dma_wait3A_1204 = arith.constant 0 : i32
    %dma_wait3A_1205 = tpu.memref_slice %arg13[%dma_wait3A_1201, %dma_wait3A_1202, %dma_wait3A_1203, %dma_wait3A_1204] : memref<2x16x8x128xf32, #tpu.memory_space<vmem>> -> memref<1x16x8x128xf32, #tpu.memory_space<vmem>>
    %dma_wait3A_1206 = tpu.memref_squeeze %dma_wait3A_1205 : memref<1x16x8x128xf32, #tpu.memory_space<vmem>> -> memref<16x8x128xf32, #tpu.memory_space<vmem>>
    %dma_wait3A_1207 = arith.constant 0 : i32
    %dma_wait3A_1208 = arith.constant 0 : i32
    %dma_wait3A_1209 = tpu.memref_slice %arg6[%add3A_1200, %dma_wait3A_1207, %dma_wait3A_1208] : memref<8192x8x128xf32, #tpu.memory_space<hbm>> -> memref<16x8x128xf32, #tpu.memory_space<hbm>>
    %dma_wait3A_1210 = arith.constant 0 : i32
    %dma_wait3A_1211 = arith.constant 0 : i32
    %dma_wait3A_1212 = tpu.memref_slice %arg6[%add3A_1200, %dma_wait3A_1210, %dma_wait3A_1211] : memref<8192x8x128xf32, #tpu.memory_space<hbm>> -> memref<16x8x128xf32, #tpu.memory_space<hbm>>
    %dma_wait3A_1213 = arith.constant 0 : i32
    %dma_wait3A_1214 = arith.constant 0 : i32
    %dma_wait3A_1215 = arith.constant 0 : i32
    %dma_wait3A_1216 = tpu.memref_slice %arg13[%dma_wait3A_1201, %dma_wait3A_1213, %dma_wait3A_1214, %dma_wait3A_1215] : memref<2x16x8x128xf32, #tpu.memory_space<vmem>> -> memref<1x16x8x128xf32, #tpu.memory_space<vmem>>
    %dma_wait3A_1217 = tpu.memref_squeeze %dma_wait3A_1216 : memref<1x16x8x128xf32, #tpu.memory_space<vmem>> -> memref<16x8x128xf32, #tpu.memory_space<vmem>>
    tpu.wait_dma2 semaphore(%arg17 : memref<!tpu.dma_semaphore, #tpu.memory_space<semaphore_mem>>) src(%dma_wait3A_1217 : memref<16x8x128xf32, #tpu.memory_space<vmem>>) dst(%dma_wait3A_1212 : memref<16x8x128xf32, #tpu.memory_space<hbm>>)
    %scan3A_1218 = arith.constant 1 : i32
    %scan3A_1219 = arith.constant 1 : i32
    %scan3A_1220 = arith.constant 1 : i32
    %scan3A_1221 = arith.constant 0 : i32
    %scan3A_1222 = arith.constant 0 : i32
    %scan3A_1223 = arith.constant 16 : i32
    %scan3A_1224 = arith.addi %scan3A_1222, %scan3A_1223 : i32
    %scan3A_1225 = arith.constant 1 : i32
    %scan3A_1226 = scf.for %scan3A_1673 = %scan3A_1222 to %scan3A_1224 step %scan3A_1225 iter_args(%scan3A_1674 = %scan3A_1221) -> (i32)  : i32 {
      %add3A_1675 = arith.constant 176 : i32
      %add3A_1676 = arith.addi %mul3A_2, %add3A_1675 : i32
      %add3A_1677 = arith.addi %add3A_1676, %scan3A_1673 : i32
      %broadcast_in_dim3A = vector.broadcast %add3A_1677 : i32 to vector<16xi32>
      %ge3A = arith.constant 8 : i32
      %ge3A_1678 = vector.broadcast %ge3A : i32 to vector<16xi32>
      %ge3A_1679 = arith.cmpi sge, %broadcast_in_dim3A, %ge3A_1678 : vector<16xi32>
      %jit3A = arith.constant 3.000000e-01 : f32
      %jit3A_1680 = arith.constant 0.000000e+00 : f32
      %broadcast_in_dim3A_1681 = vector.broadcast %jit3A : f32 to vector<16xf32>
      %broadcast_in_dim3A_1682 = vector.broadcast %jit3A_1680 : f32 to vector<16xf32>
      %select_n3A = arith.select %ge3A_1679, %broadcast_in_dim3A_1681, %broadcast_in_dim3A_1682 : vector<16xi1>, vector<16xf32>
      %parallel_loop3A_1683 = arith.constant 0 : i32
      %parallel_loop3A_1684 = arith.constant 63 : i32
      %parallel_loop3A_1685 = arith.constant 1 : i32
      scf.for %parallel_loop3A_1687 = %parallel_loop3A_1683 to %parallel_loop3A_1684 step %parallel_loop3A_1685  : i32 {
        %parallel_loop3A_1688 = arith.constant 8 : i32
        %parallel_loop3A_1689 = arith.divsi %parallel_loop3A_1687, %parallel_loop3A_1688 : i32
        %parallel_loop3A_1690 = arith.constant 0 : i32
        %parallel_loop3A_1691 = arith.cmpi sgt, %parallel_loop3A_1687, %parallel_loop3A_1690 : i32
        %parallel_loop3A_1692 = arith.extui %parallel_loop3A_1691 : i1 to i32
        %parallel_loop3A_1693 = arith.constant 0 : i32
        %parallel_loop3A_1694 = arith.cmpi slt, %parallel_loop3A_1687, %parallel_loop3A_1693 : i32
        %parallel_loop3A_1695 = arith.extui %parallel_loop3A_1694 : i1 to i32
        %parallel_loop3A_1696 = arith.subi %parallel_loop3A_1692, %parallel_loop3A_1695 : i32
        %parallel_loop3A_1697 = arith.constant 0 : i32
        %parallel_loop3A_1698 = arith.cmpi sgt, %parallel_loop3A_1688, %parallel_loop3A_1697 : i32
        %parallel_loop3A_1699 = arith.extui %parallel_loop3A_1698 : i1 to i32
        %parallel_loop3A_1700 = arith.constant 0 : i32
        %parallel_loop3A_1701 = arith.cmpi slt, %parallel_loop3A_1688, %parallel_loop3A_1700 : i32
        %parallel_loop3A_1702 = arith.extui %parallel_loop3A_1701 : i1 to i32
        %parallel_loop3A_1703 = arith.subi %parallel_loop3A_1699, %parallel_loop3A_1702 : i32
        %parallel_loop3A_1704 = arith.cmpi ne, %parallel_loop3A_1696, %parallel_loop3A_1703 : i32
        %parallel_loop3A_1705 = arith.remsi %parallel_loop3A_1687, %parallel_loop3A_1688 : i32
        %parallel_loop3A_1706 = arith.constant 0 : i32
        %parallel_loop3A_1707 = arith.cmpi ne, %parallel_loop3A_1705, %parallel_loop3A_1706 : i32
        %parallel_loop3A_1708 = arith.andi %parallel_loop3A_1704, %parallel_loop3A_1707 : i1
        %parallel_loop3A_1709 = arith.constant 1 : i32
        %parallel_loop3A_1710 = arith.subi %parallel_loop3A_1689, %parallel_loop3A_1709 : i32
        %parallel_loop3A_1711 = arith.select %parallel_loop3A_1708, %parallel_loop3A_1710, %parallel_loop3A_1689 : i32
        %parallel_loop3A_1712 = arith.constant 8 : i32
        %parallel_loop3A_1713 = arith.constant 0 : i32
        %parallel_loop3A_1714 = arith.cmpi eq, %parallel_loop3A_1712, %parallel_loop3A_1713 : i32
        %parallel_loop3A_1715 = arith.constant 1 : i32
        %parallel_loop3A_1716 = arith.select %parallel_loop3A_1714, %parallel_loop3A_1715, %parallel_loop3A_1712 : i32
        %parallel_loop3A_1717 = arith.remsi %parallel_loop3A_1687, %parallel_loop3A_1716 : i32
        %parallel_loop3A_1718 = arith.constant 0 : i32
        %parallel_loop3A_1719 = arith.cmpi ne, %parallel_loop3A_1717, %parallel_loop3A_1718 : i32
        %parallel_loop3A_1720 = arith.constant 0 : i32
        %parallel_loop3A_1721 = arith.cmpi slt, %parallel_loop3A_1717, %parallel_loop3A_1720 : i32
        %parallel_loop3A_1722 = arith.constant 0 : i32
        %parallel_loop3A_1723 = arith.cmpi slt, %parallel_loop3A_1716, %parallel_loop3A_1722 : i32
        %parallel_loop3A_1724 = arith.xori %parallel_loop3A_1721, %parallel_loop3A_1723 : i1
        %parallel_loop3A_1725 = arith.andi %parallel_loop3A_1724, %parallel_loop3A_1719 : i1
        %parallel_loop3A_1726 = arith.addi %parallel_loop3A_1717, %parallel_loop3A_1716 : i32
        %parallel_loop3A_1727 = arith.select %parallel_loop3A_1725, %parallel_loop3A_1726, %parallel_loop3A_1717 : i32
        %parallel_loop3A_1728 = arith.constant 16 : i32
        %parallel_loop3A_1729 = arith.muli %parallel_loop3A_1727, %parallel_loop3A_1728 : i32
        %parallel_loop3A_1730 = arith.constant 16 : i32
        %parallel_loop3A_1731 = arith.muli %parallel_loop3A_1687, %parallel_loop3A_1730 : i32
        %parallel_loop3A_1732 = arith.index_cast %parallel_loop3A_1731 : i32 to index
        %parallel_loop3A_1733 = tpu.vector_load %arg10[%parallel_loop3A_1732] {strides = array<i32>} : memref<1024xf32, #tpu.memory_space<vmem>>, vector<16xf32>,
        %parallel_loop3A_1734 = arith.constant 0 : i32
        %parallel_loop3A_1735 = arith.constant 0 : i32
        %parallel_loop3A_1736 = arith.constant 0 : i32
        %parallel_loop3A_1737 = tpu.memref_slice %arg11[%scan3A_1218, %parallel_loop3A_1734, %parallel_loop3A_1735, %parallel_loop3A_1736] : memref<2x16x8x128xf32, #tpu.memory_space<vmem>> -> memref<1x16x8x128xf32, #tpu.memory_space<vmem>>
        %parallel_loop3A_1738 = tpu.memref_squeeze %parallel_loop3A_1737 : memref<1x16x8x128xf32, #tpu.memory_space<vmem>> -> memref<16x8x128xf32, #tpu.memory_space<vmem>>
        %parallel_loop3A_1739 = arith.index_cast %scan3A_1673 : i32 to index
        %parallel_loop3A_1740 = arith.index_cast %parallel_loop3A_1711 : i32 to index
        %parallel_loop3A_1741 = arith.index_cast %parallel_loop3A_1729 : i32 to index
        %parallel_loop3A_1742 = tpu.vector_load %parallel_loop3A_1738[%parallel_loop3A_1739, %parallel_loop3A_1740, %parallel_loop3A_1741] {strides = array<i32>} : memref<16x8x128xf32, #tpu.memory_space<vmem>>, vector<16xf32>,
        %parallel_loop3A_1743 = arith.constant 4.000000e-01 : f32
        %parallel_loop3A_1744 = vector.broadcast %parallel_loop3A_1743 : f32 to vector<16xf32>
        %parallel_loop3A_1745 = arith.mulf %parallel_loop3A_1744, %parallel_loop3A_1742 : vector<16xf32>
        %parallel_loop3A_1746 = arith.addf %parallel_loop3A_1733, %parallel_loop3A_1745 : vector<16xf32>
        %parallel_loop3A_1747 = arith.constant 0 : i32
        %parallel_loop3A_1748 = arith.constant 0 : i32
        %parallel_loop3A_1749 = arith.constant 0 : i32
        %parallel_loop3A_1750 = tpu.memref_slice %arg12[%scan3A_1219, %parallel_loop3A_1747, %parallel_loop3A_1748, %parallel_loop3A_1749] : memref<2x16x8x128xf32, #tpu.memory_space<vmem>> -> memref<1x16x8x128xf32, #tpu.memory_space<vmem>>
        %parallel_loop3A_1751 = tpu.memref_squeeze %parallel_loop3A_1750 : memref<1x16x8x128xf32, #tpu.memory_space<vmem>> -> memref<16x8x128xf32, #tpu.memory_space<vmem>>
        %parallel_loop3A_1752 = arith.index_cast %scan3A_1673 : i32 to index
        %parallel_loop3A_1753 = arith.index_cast %parallel_loop3A_1711 : i32 to index
        %parallel_loop3A_1754 = arith.index_cast %parallel_loop3A_1729 : i32 to index
        %parallel_loop3A_1755 = tpu.vector_load %parallel_loop3A_1751[%parallel_loop3A_1752, %parallel_loop3A_1753, %parallel_loop3A_1754] {strides = array<i32>} : memref<16x8x128xf32, #tpu.memory_space<vmem>>, vector<16xf32>,
        %parallel_loop3A_1756 = arith.mulf %select_n3A, %parallel_loop3A_1755 : vector<16xf32>
        %parallel_loop3A_1757 = arith.addf %parallel_loop3A_1746, %parallel_loop3A_1756 : vector<16xf32>
        %parallel_loop3A_1758 = arith.constant 0 : i32
        %parallel_loop3A_1759 = arith.constant 0 : i32
        %parallel_loop3A_1760 = arith.constant 0 : i32
        %parallel_loop3A_1761 = tpu.memref_slice %arg13[%scan3A_1220, %parallel_loop3A_1758, %parallel_loop3A_1759, %parallel_loop3A_1760] : memref<2x16x8x128xf32, #tpu.memory_space<vmem>> -> memref<1x16x8x128xf32, #tpu.memory_space<vmem>>
        %parallel_loop3A_1762 = tpu.memref_squeeze %parallel_loop3A_1761 : memref<1x16x8x128xf32, #tpu.memory_space<vmem>> -> memref<16x8x128xf32, #tpu.memory_space<vmem>>
        %parallel_loop3A_1763 = arith.index_cast %scan3A_1673 : i32 to index
        %parallel_loop3A_1764 = arith.index_cast %parallel_loop3A_1711 : i32 to index
        %parallel_loop3A_1765 = arith.index_cast %parallel_loop3A_1729 : i32 to index
        %parallel_loop3A_1766 = tpu.vector_load %parallel_loop3A_1762[%parallel_loop3A_1763, %parallel_loop3A_1764, %parallel_loop3A_1765] {strides = array<i32>} : memref<16x8x128xf32, #tpu.memory_space<vmem>>, vector<16xf32>,
        tpu.vector_store %parallel_loop3A_1762[%parallel_loop3A_1763, %parallel_loop3A_1764, %parallel_loop3A_1765], %parallel_loop3A_1757 {strides = array<i32>} : memref<16x8x128xf32, #tpu.memory_space<vmem>>, vector<16xf32>,
      } {sc.loop_unroll_factor = 4 : i64, sc.parallel_access}
      %scan3A_1686 = arith.constant 0 : i32
      scf.yield %scan3A_1686 : i32
    }
    %scan3A_1227 = arith.constant 16 : i32
    %add3A_1228 = arith.constant 176 : i32
    %add3A_1229 = arith.addi %mul3A_2, %add3A_1228 : i32
    %dma_start3A_1230 = arith.constant 1 : i32
    %dma_start3A_1231 = arith.constant 0 : i32
    %dma_start3A_1232 = arith.constant 0 : i32
    %dma_start3A_1233 = arith.constant 0 : i32
    %dma_start3A_1234 = tpu.memref_slice %arg13[%dma_start3A_1230, %dma_start3A_1231, %dma_start3A_1232, %dma_start3A_1233] : memref<2x16x8x128xf32, #tpu.memory_space<vmem>> -> memref<1x16x8x128xf32, #tpu.memory_space<vmem>>
    %dma_start3A_1235 = tpu.memref_squeeze %dma_start3A_1234 : memref<1x16x8x128xf32, #tpu.memory_space<vmem>> -> memref<16x8x128xf32, #tpu.memory_space<vmem>>
    %dma_start3A_1236 = arith.constant 0 : i32
    %dma_start3A_1237 = arith.constant 0 : i32
    %dma_start3A_1238 = tpu.memref_slice %arg6[%add3A_1229, %dma_start3A_1236, %dma_start3A_1237] : memref<8192x8x128xf32, #tpu.memory_space<hbm>> -> memref<16x8x128xf32, #tpu.memory_space<hbm>>
    %dma_start3A_1239 = arith.constant 0 : i32
    %dma_start3A_1240 = arith.constant 0 : i32
    %dma_start3A_1241 = tpu.memref_slice %arg6[%add3A_1229, %dma_start3A_1239, %dma_start3A_1240] : memref<8192x8x128xf32, #tpu.memory_space<hbm>> -> memref<16x8x128xf32, #tpu.memory_space<hbm>>
    %dma_start3A_1242 = arith.constant 0 : i32
    %dma_start3A_1243 = arith.constant 0 : i32
    %dma_start3A_1244 = arith.constant 0 : i32
    %dma_start3A_1245 = tpu.memref_slice %arg13[%dma_start3A_1230, %dma_start3A_1242, %dma_start3A_1243, %dma_start3A_1244] : memref<2x16x8x128xf32, #tpu.memory_space<vmem>> -> memref<1x16x8x128xf32, #tpu.memory_space<vmem>>
    %dma_start3A_1246 = tpu.memref_squeeze %dma_start3A_1245 : memref<1x16x8x128xf32, #tpu.memory_space<vmem>> -> memref<16x8x128xf32, #tpu.memory_space<vmem>>
    tpu.enqueue_dma source(%dma_start3A_1246 : memref<16x8x128xf32, #tpu.memory_space<vmem>>) target(%dma_start3A_1241 : memref<16x8x128xf32, #tpu.memory_space<hbm>>) target_semaphore(%arg17 : memref<!tpu.dma_semaphore, #tpu.memory_space<semaphore_mem>>)
    %dma_start3A_1247 = arith.constant 13 : i32
    %dma_start3A_1248 = arith.constant 1 : i32
    %dma_start3A_1249 = arith.constant 0 : i32
    %dma_start3A_1250 = arith.constant 0 : i32
    %dma_start3A_1251 = arith.constant 0 : i32
    %dma_start3A_1252 = tpu.memref_slice %arg11[%dma_start3A_1248, %dma_start3A_1249, %dma_start3A_1250, %dma_start3A_1251] : memref<2x16x8x128xf32, #tpu.memory_space<vmem>> -> memref<1x16x8x128xf32, #tpu.memory_space<vmem>>
    %dma_start3A_1253 = tpu.memref_squeeze %dma_start3A_1252 : memref<1x16x8x128xf32, #tpu.memory_space<vmem>> -> memref<16x8x128xf32, #tpu.memory_space<vmem>>
    %dma_start3A_1254 = arith.constant 0 : i32
    %dma_start3A_1255 = tpu.memref_slice %arg8[%dma_start3A_1247, %dma_start3A_1254] : memref<16x16xi32, #tpu.memory_space<vmem>> -> memref<1x16xi32, #tpu.memory_space<vmem>>
    %dma_start3A_1256 = tpu.memref_squeeze %dma_start3A_1255 : memref<1x16xi32, #tpu.memory_space<vmem>> -> memref<16xi32, #tpu.memory_space<vmem>>
    %dma_start3A_1257 = arith.constant 0 : i32
    %dma_start3A_1258 = arith.constant 0 : i32
    %dma_start3A_1259 = arith.constant 0 : i32
    %dma_start3A_1260 = tpu.memref_slice %arg4[%dma_start3A_1257, %dma_start3A_1258, %dma_start3A_1259] : memref<1000x8x128xf32, #tpu.memory_space<hbm>> -> memref<1000x8x128xf32, #tpu.memory_space<hbm>>
    tpu.enqueue_indirect_dma source(%dma_start3A_1260 : memref<1000x8x128xf32, #tpu.memory_space<hbm>>) target(%dma_start3A_1253 : memref<16x8x128xf32, #tpu.memory_space<vmem>>) offsets(%dma_start3A_1256 : memref<16xi32, #tpu.memory_space<vmem>>) semaphore(%arg15 : memref<!tpu.dma_semaphore, #tpu.memory_space<semaphore_mem>>)
    %dma_start3A_1261 = arith.constant 13 : i32
    %dma_start3A_1262 = arith.constant 1 : i32
    %dma_start3A_1263 = arith.constant 0 : i32
    %dma_start3A_1264 = arith.constant 0 : i32
    %dma_start3A_1265 = arith.constant 0 : i32
    %dma_start3A_1266 = tpu.memref_slice %arg12[%dma_start3A_1262, %dma_start3A_1263, %dma_start3A_1264, %dma_start3A_1265] : memref<2x16x8x128xf32, #tpu.memory_space<vmem>> -> memref<1x16x8x128xf32, #tpu.memory_space<vmem>>
    %dma_start3A_1267 = tpu.memref_squeeze %dma_start3A_1266 : memref<1x16x8x128xf32, #tpu.memory_space<vmem>> -> memref<16x8x128xf32, #tpu.memory_space<vmem>>
    %dma_start3A_1268 = arith.constant 0 : i32
    %dma_start3A_1269 = tpu.memref_slice %arg9[%dma_start3A_1261, %dma_start3A_1268] : memref<16x16xi32, #tpu.memory_space<vmem>> -> memref<1x16xi32, #tpu.memory_space<vmem>>
    %dma_start3A_1270 = tpu.memref_squeeze %dma_start3A_1269 : memref<1x16xi32, #tpu.memory_space<vmem>> -> memref<16xi32, #tpu.memory_space<vmem>>
    %dma_start3A_1271 = arith.constant 0 : i32
    %dma_start3A_1272 = arith.constant 0 : i32
    %dma_start3A_1273 = arith.constant 0 : i32
    %dma_start3A_1274 = tpu.memref_slice %arg5[%dma_start3A_1271, %dma_start3A_1272, %dma_start3A_1273] : memref<8192x8x128xf32, #tpu.memory_space<hbm>> -> memref<8192x8x128xf32, #tpu.memory_space<hbm>>
    tpu.enqueue_indirect_dma source(%dma_start3A_1274 : memref<8192x8x128xf32, #tpu.memory_space<hbm>>) target(%dma_start3A_1267 : memref<16x8x128xf32, #tpu.memory_space<vmem>>) offsets(%dma_start3A_1270 : memref<16xi32, #tpu.memory_space<vmem>>) semaphore(%arg15 : memref<!tpu.dma_semaphore, #tpu.memory_space<semaphore_mem>>)
    %dma_wait3A_1275 = arith.constant 12 : i32
    %dma_wait3A_1276 = arith.constant 0 : i32
    %dma_wait3A_1277 = arith.constant 0 : i32
    %dma_wait3A_1278 = arith.constant 0 : i32
    %dma_wait3A_1279 = arith.constant 0 : i32
    %dma_wait3A_1280 = tpu.memref_slice %arg11[%dma_wait3A_1276, %dma_wait3A_1277, %dma_wait3A_1278, %dma_wait3A_1279] : memref<2x16x8x128xf32, #tpu.memory_space<vmem>> -> memref<1x16x8x128xf32, #tpu.memory_space<vmem>>
    %dma_wait3A_1281 = tpu.memref_squeeze %dma_wait3A_1280 : memref<1x16x8x128xf32, #tpu.memory_space<vmem>> -> memref<16x8x128xf32, #tpu.memory_space<vmem>>
    %dma_wait3A_1282 = arith.constant 0 : i32
    %dma_wait3A_1283 = tpu.memref_slice %arg8[%dma_wait3A_1275, %dma_wait3A_1282] : memref<16x16xi32, #tpu.memory_space<vmem>> -> memref<1x16xi32, #tpu.memory_space<vmem>>
    %dma_wait3A_1284 = tpu.memref_squeeze %dma_wait3A_1283 : memref<1x16xi32, #tpu.memory_space<vmem>> -> memref<16xi32, #tpu.memory_space<vmem>>
    %dma_wait3A_1285 = arith.constant 0 : i32
    %dma_wait3A_1286 = arith.constant 0 : i32
    %dma_wait3A_1287 = arith.constant 0 : i32
    %dma_wait3A_1288 = tpu.memref_slice %arg4[%dma_wait3A_1285, %dma_wait3A_1286, %dma_wait3A_1287] : memref<1000x8x128xf32, #tpu.memory_space<hbm>> -> memref<1000x8x128xf32, #tpu.memory_space<hbm>>
    tpu.wait_indirect_dma semaphore(%arg14 : memref<!tpu.dma_semaphore, #tpu.memory_space<semaphore_mem>>) src(%dma_wait3A_1288 : memref<1000x8x128xf32, #tpu.memory_space<hbm>>) dst(%dma_wait3A_1281 : memref<16x8x128xf32, #tpu.memory_space<vmem>>)
    %dma_wait3A_1289 = arith.constant 12 : i32
    %dma_wait3A_1290 = arith.constant 0 : i32
    %dma_wait3A_1291 = arith.constant 0 : i32
    %dma_wait3A_1292 = arith.constant 0 : i32
    %dma_wait3A_1293 = arith.constant 0 : i32
    %dma_wait3A_1294 = tpu.memref_slice %arg12[%dma_wait3A_1290, %dma_wait3A_1291, %dma_wait3A_1292, %dma_wait3A_1293] : memref<2x16x8x128xf32, #tpu.memory_space<vmem>> -> memref<1x16x8x128xf32, #tpu.memory_space<vmem>>
    %dma_wait3A_1295 = tpu.memref_squeeze %dma_wait3A_1294 : memref<1x16x8x128xf32, #tpu.memory_space<vmem>> -> memref<16x8x128xf32, #tpu.memory_space<vmem>>
    %dma_wait3A_1296 = arith.constant 0 : i32
    %dma_wait3A_1297 = tpu.memref_slice %arg9[%dma_wait3A_1289, %dma_wait3A_1296] : memref<16x16xi32, #tpu.memory_space<vmem>> -> memref<1x16xi32, #tpu.memory_space<vmem>>
    %dma_wait3A_1298 = tpu.memref_squeeze %dma_wait3A_1297 : memref<1x16xi32, #tpu.memory_space<vmem>> -> memref<16xi32, #tpu.memory_space<vmem>>
    %dma_wait3A_1299 = arith.constant 0 : i32
    %dma_wait3A_1300 = arith.constant 0 : i32
    %dma_wait3A_1301 = arith.constant 0 : i32
    %dma_wait3A_1302 = tpu.memref_slice %arg5[%dma_wait3A_1299, %dma_wait3A_1300, %dma_wait3A_1301] : memref<8192x8x128xf32, #tpu.memory_space<hbm>> -> memref<8192x8x128xf32, #tpu.memory_space<hbm>>
    tpu.wait_indirect_dma semaphore(%arg14 : memref<!tpu.dma_semaphore, #tpu.memory_space<semaphore_mem>>) src(%dma_wait3A_1302 : memref<8192x8x128xf32, #tpu.memory_space<hbm>>) dst(%dma_wait3A_1295 : memref<16x8x128xf32, #tpu.memory_space<vmem>>)
    %add3A_1303 = arith.constant 160 : i32
    %add3A_1304 = arith.addi %mul3A_2, %add3A_1303 : i32
    %dma_wait3A_1305 = arith.constant 0 : i32
    %dma_wait3A_1306 = arith.constant 0 : i32
    %dma_wait3A_1307 = arith.constant 0 : i32
    %dma_wait3A_1308 = arith.constant 0 : i32
    %dma_wait3A_1309 = tpu.memref_slice %arg13[%dma_wait3A_1305, %dma_wait3A_1306, %dma_wait3A_1307, %dma_wait3A_1308] : memref<2x16x8x128xf32, #tpu.memory_space<vmem>> -> memref<1x16x8x128xf32, #tpu.memory_space<vmem>>
    %dma_wait3A_1310 = tpu.memref_squeeze %dma_wait3A_1309 : memref<1x16x8x128xf32, #tpu.memory_space<vmem>> -> memref<16x8x128xf32, #tpu.memory_space<vmem>>
    %dma_wait3A_1311 = arith.constant 0 : i32
    %dma_wait3A_1312 = arith.constant 0 : i32
    %dma_wait3A_1313 = tpu.memref_slice %arg6[%add3A_1304, %dma_wait3A_1311, %dma_wait3A_1312] : memref<8192x8x128xf32, #tpu.memory_space<hbm>> -> memref<16x8x128xf32, #tpu.memory_space<hbm>>
    %dma_wait3A_1314 = arith.constant 0 : i32
    %dma_wait3A_1315 = arith.constant 0 : i32
    %dma_wait3A_1316 = tpu.memref_slice %arg6[%add3A_1304, %dma_wait3A_1314, %dma_wait3A_1315] : memref<8192x8x128xf32, #tpu.memory_space<hbm>> -> memref<16x8x128xf32, #tpu.memory_space<hbm>>
    %dma_wait3A_1317 = arith.constant 0 : i32
    %dma_wait3A_1318 = arith.constant 0 : i32
    %dma_wait3A_1319 = arith.constant 0 : i32
    %dma_wait3A_1320 = tpu.memref_slice %arg13[%dma_wait3A_1305, %dma_wait3A_1317, %dma_wait3A_1318, %dma_wait3A_1319] : memref<2x16x8x128xf32, #tpu.memory_space<vmem>> -> memref<1x16x8x128xf32, #tpu.memory_space<vmem>>
    %dma_wait3A_1321 = tpu.memref_squeeze %dma_wait3A_1320 : memref<1x16x8x128xf32, #tpu.memory_space<vmem>> -> memref<16x8x128xf32, #tpu.memory_space<vmem>>
    tpu.wait_dma2 semaphore(%arg16 : memref<!tpu.dma_semaphore, #tpu.memory_space<semaphore_mem>>) src(%dma_wait3A_1321 : memref<16x8x128xf32, #tpu.memory_space<vmem>>) dst(%dma_wait3A_1316 : memref<16x8x128xf32, #tpu.memory_space<hbm>>)
    %scan3A_1322 = arith.constant 0 : i32
    %scan3A_1323 = arith.constant 0 : i32
    %scan3A_1324 = arith.constant 0 : i32
    %scan3A_1325 = arith.constant 0 : i32
    %scan3A_1326 = arith.constant 0 : i32
    %scan3A_1327 = arith.constant 16 : i32
    %scan3A_1328 = arith.addi %scan3A_1326, %scan3A_1327 : i32
    %scan3A_1329 = arith.constant 1 : i32
    %scan3A_1330 = scf.for %scan3A_1673 = %scan3A_1326 to %scan3A_1328 step %scan3A_1329 iter_args(%scan3A_1674 = %scan3A_1325) -> (i32)  : i32 {
      %add3A_1675 = arith.constant 192 : i32
      %add3A_1676 = arith.addi %mul3A_2, %add3A_1675 : i32
      %add3A_1677 = arith.addi %add3A_1676, %scan3A_1673 : i32
      %broadcast_in_dim3A = vector.broadcast %add3A_1677 : i32 to vector<16xi32>
      %ge3A = arith.constant 8 : i32
      %ge3A_1678 = vector.broadcast %ge3A : i32 to vector<16xi32>
      %ge3A_1679 = arith.cmpi sge, %broadcast_in_dim3A, %ge3A_1678 : vector<16xi32>
      %jit3A = arith.constant 3.000000e-01 : f32
      %jit3A_1680 = arith.constant 0.000000e+00 : f32
      %broadcast_in_dim3A_1681 = vector.broadcast %jit3A : f32 to vector<16xf32>
      %broadcast_in_dim3A_1682 = vector.broadcast %jit3A_1680 : f32 to vector<16xf32>
      %select_n3A = arith.select %ge3A_1679, %broadcast_in_dim3A_1681, %broadcast_in_dim3A_1682 : vector<16xi1>, vector<16xf32>
      %parallel_loop3A_1683 = arith.constant 0 : i32
      %parallel_loop3A_1684 = arith.constant 63 : i32
      %parallel_loop3A_1685 = arith.constant 1 : i32
      scf.for %parallel_loop3A_1687 = %parallel_loop3A_1683 to %parallel_loop3A_1684 step %parallel_loop3A_1685  : i32 {
        %parallel_loop3A_1688 = arith.constant 8 : i32
        %parallel_loop3A_1689 = arith.divsi %parallel_loop3A_1687, %parallel_loop3A_1688 : i32
        %parallel_loop3A_1690 = arith.constant 0 : i32
        %parallel_loop3A_1691 = arith.cmpi sgt, %parallel_loop3A_1687, %parallel_loop3A_1690 : i32
        %parallel_loop3A_1692 = arith.extui %parallel_loop3A_1691 : i1 to i32
        %parallel_loop3A_1693 = arith.constant 0 : i32
        %parallel_loop3A_1694 = arith.cmpi slt, %parallel_loop3A_1687, %parallel_loop3A_1693 : i32
        %parallel_loop3A_1695 = arith.extui %parallel_loop3A_1694 : i1 to i32
        %parallel_loop3A_1696 = arith.subi %parallel_loop3A_1692, %parallel_loop3A_1695 : i32
        %parallel_loop3A_1697 = arith.constant 0 : i32
        %parallel_loop3A_1698 = arith.cmpi sgt, %parallel_loop3A_1688, %parallel_loop3A_1697 : i32
        %parallel_loop3A_1699 = arith.extui %parallel_loop3A_1698 : i1 to i32
        %parallel_loop3A_1700 = arith.constant 0 : i32
        %parallel_loop3A_1701 = arith.cmpi slt, %parallel_loop3A_1688, %parallel_loop3A_1700 : i32
        %parallel_loop3A_1702 = arith.extui %parallel_loop3A_1701 : i1 to i32
        %parallel_loop3A_1703 = arith.subi %parallel_loop3A_1699, %parallel_loop3A_1702 : i32
        %parallel_loop3A_1704 = arith.cmpi ne, %parallel_loop3A_1696, %parallel_loop3A_1703 : i32
        %parallel_loop3A_1705 = arith.remsi %parallel_loop3A_1687, %parallel_loop3A_1688 : i32
        %parallel_loop3A_1706 = arith.constant 0 : i32
        %parallel_loop3A_1707 = arith.cmpi ne, %parallel_loop3A_1705, %parallel_loop3A_1706 : i32
        %parallel_loop3A_1708 = arith.andi %parallel_loop3A_1704, %parallel_loop3A_1707 : i1
        %parallel_loop3A_1709 = arith.constant 1 : i32
        %parallel_loop3A_1710 = arith.subi %parallel_loop3A_1689, %parallel_loop3A_1709 : i32
        %parallel_loop3A_1711 = arith.select %parallel_loop3A_1708, %parallel_loop3A_1710, %parallel_loop3A_1689 : i32
        %parallel_loop3A_1712 = arith.constant 8 : i32
        %parallel_loop3A_1713 = arith.constant 0 : i32
        %parallel_loop3A_1714 = arith.cmpi eq, %parallel_loop3A_1712, %parallel_loop3A_1713 : i32
        %parallel_loop3A_1715 = arith.constant 1 : i32
        %parallel_loop3A_1716 = arith.select %parallel_loop3A_1714, %parallel_loop3A_1715, %parallel_loop3A_1712 : i32
        %parallel_loop3A_1717 = arith.remsi %parallel_loop3A_1687, %parallel_loop3A_1716 : i32
        %parallel_loop3A_1718 = arith.constant 0 : i32
        %parallel_loop3A_1719 = arith.cmpi ne, %parallel_loop3A_1717, %parallel_loop3A_1718 : i32
        %parallel_loop3A_1720 = arith.constant 0 : i32
        %parallel_loop3A_1721 = arith.cmpi slt, %parallel_loop3A_1717, %parallel_loop3A_1720 : i32
        %parallel_loop3A_1722 = arith.constant 0 : i32
        %parallel_loop3A_1723 = arith.cmpi slt, %parallel_loop3A_1716, %parallel_loop3A_1722 : i32
        %parallel_loop3A_1724 = arith.xori %parallel_loop3A_1721, %parallel_loop3A_1723 : i1
        %parallel_loop3A_1725 = arith.andi %parallel_loop3A_1724, %parallel_loop3A_1719 : i1
        %parallel_loop3A_1726 = arith.addi %parallel_loop3A_1717, %parallel_loop3A_1716 : i32
        %parallel_loop3A_1727 = arith.select %parallel_loop3A_1725, %parallel_loop3A_1726, %parallel_loop3A_1717 : i32
        %parallel_loop3A_1728 = arith.constant 16 : i32
        %parallel_loop3A_1729 = arith.muli %parallel_loop3A_1727, %parallel_loop3A_1728 : i32
        %parallel_loop3A_1730 = arith.constant 16 : i32
        %parallel_loop3A_1731 = arith.muli %parallel_loop3A_1687, %parallel_loop3A_1730 : i32
        %parallel_loop3A_1732 = arith.index_cast %parallel_loop3A_1731 : i32 to index
        %parallel_loop3A_1733 = tpu.vector_load %arg10[%parallel_loop3A_1732] {strides = array<i32>} : memref<1024xf32, #tpu.memory_space<vmem>>, vector<16xf32>,
        %parallel_loop3A_1734 = arith.constant 0 : i32
        %parallel_loop3A_1735 = arith.constant 0 : i32
        %parallel_loop3A_1736 = arith.constant 0 : i32
        %parallel_loop3A_1737 = tpu.memref_slice %arg11[%scan3A_1322, %parallel_loop3A_1734, %parallel_loop3A_1735, %parallel_loop3A_1736] : memref<2x16x8x128xf32, #tpu.memory_space<vmem>> -> memref<1x16x8x128xf32, #tpu.memory_space<vmem>>
        %parallel_loop3A_1738 = tpu.memref_squeeze %parallel_loop3A_1737 : memref<1x16x8x128xf32, #tpu.memory_space<vmem>> -> memref<16x8x128xf32, #tpu.memory_space<vmem>>
        %parallel_loop3A_1739 = arith.index_cast %scan3A_1673 : i32 to index
        %parallel_loop3A_1740 = arith.index_cast %parallel_loop3A_1711 : i32 to index
        %parallel_loop3A_1741 = arith.index_cast %parallel_loop3A_1729 : i32 to index
        %parallel_loop3A_1742 = tpu.vector_load %parallel_loop3A_1738[%parallel_loop3A_1739, %parallel_loop3A_1740, %parallel_loop3A_1741] {strides = array<i32>} : memref<16x8x128xf32, #tpu.memory_space<vmem>>, vector<16xf32>,
        %parallel_loop3A_1743 = arith.constant 4.000000e-01 : f32
        %parallel_loop3A_1744 = vector.broadcast %parallel_loop3A_1743 : f32 to vector<16xf32>
        %parallel_loop3A_1745 = arith.mulf %parallel_loop3A_1744, %parallel_loop3A_1742 : vector<16xf32>
        %parallel_loop3A_1746 = arith.addf %parallel_loop3A_1733, %parallel_loop3A_1745 : vector<16xf32>
        %parallel_loop3A_1747 = arith.constant 0 : i32
        %parallel_loop3A_1748 = arith.constant 0 : i32
        %parallel_loop3A_1749 = arith.constant 0 : i32
        %parallel_loop3A_1750 = tpu.memref_slice %arg12[%scan3A_1323, %parallel_loop3A_1747, %parallel_loop3A_1748, %parallel_loop3A_1749] : memref<2x16x8x128xf32, #tpu.memory_space<vmem>> -> memref<1x16x8x128xf32, #tpu.memory_space<vmem>>
        %parallel_loop3A_1751 = tpu.memref_squeeze %parallel_loop3A_1750 : memref<1x16x8x128xf32, #tpu.memory_space<vmem>> -> memref<16x8x128xf32, #tpu.memory_space<vmem>>
        %parallel_loop3A_1752 = arith.index_cast %scan3A_1673 : i32 to index
        %parallel_loop3A_1753 = arith.index_cast %parallel_loop3A_1711 : i32 to index
        %parallel_loop3A_1754 = arith.index_cast %parallel_loop3A_1729 : i32 to index
        %parallel_loop3A_1755 = tpu.vector_load %parallel_loop3A_1751[%parallel_loop3A_1752, %parallel_loop3A_1753, %parallel_loop3A_1754] {strides = array<i32>} : memref<16x8x128xf32, #tpu.memory_space<vmem>>, vector<16xf32>,
        %parallel_loop3A_1756 = arith.mulf %select_n3A, %parallel_loop3A_1755 : vector<16xf32>
        %parallel_loop3A_1757 = arith.addf %parallel_loop3A_1746, %parallel_loop3A_1756 : vector<16xf32>
        %parallel_loop3A_1758 = arith.constant 0 : i32
        %parallel_loop3A_1759 = arith.constant 0 : i32
        %parallel_loop3A_1760 = arith.constant 0 : i32
        %parallel_loop3A_1761 = tpu.memref_slice %arg13[%scan3A_1324, %parallel_loop3A_1758, %parallel_loop3A_1759, %parallel_loop3A_1760] : memref<2x16x8x128xf32, #tpu.memory_space<vmem>> -> memref<1x16x8x128xf32, #tpu.memory_space<vmem>>
        %parallel_loop3A_1762 = tpu.memref_squeeze %parallel_loop3A_1761 : memref<1x16x8x128xf32, #tpu.memory_space<vmem>> -> memref<16x8x128xf32, #tpu.memory_space<vmem>>
        %parallel_loop3A_1763 = arith.index_cast %scan3A_1673 : i32 to index
        %parallel_loop3A_1764 = arith.index_cast %parallel_loop3A_1711 : i32 to index
        %parallel_loop3A_1765 = arith.index_cast %parallel_loop3A_1729 : i32 to index
        %parallel_loop3A_1766 = tpu.vector_load %parallel_loop3A_1762[%parallel_loop3A_1763, %parallel_loop3A_1764, %parallel_loop3A_1765] {strides = array<i32>} : memref<16x8x128xf32, #tpu.memory_space<vmem>>, vector<16xf32>,
        tpu.vector_store %parallel_loop3A_1762[%parallel_loop3A_1763, %parallel_loop3A_1764, %parallel_loop3A_1765], %parallel_loop3A_1757 {strides = array<i32>} : memref<16x8x128xf32, #tpu.memory_space<vmem>>, vector<16xf32>,
      } {sc.loop_unroll_factor = 4 : i64, sc.parallel_access}
      %scan3A_1686 = arith.constant 0 : i32
      scf.yield %scan3A_1686 : i32
    }
    %scan3A_1331 = arith.constant 16 : i32
    %add3A_1332 = arith.constant 192 : i32
    %add3A_1333 = arith.addi %mul3A_2, %add3A_1332 : i32
    %dma_start3A_1334 = arith.constant 0 : i32
    %dma_start3A_1335 = arith.constant 0 : i32
    %dma_start3A_1336 = arith.constant 0 : i32
    %dma_start3A_1337 = arith.constant 0 : i32
    %dma_start3A_1338 = tpu.memref_slice %arg13[%dma_start3A_1334, %dma_start3A_1335, %dma_start3A_1336, %dma_start3A_1337] : memref<2x16x8x128xf32, #tpu.memory_space<vmem>> -> memref<1x16x8x128xf32, #tpu.memory_space<vmem>>
    %dma_start3A_1339 = tpu.memref_squeeze %dma_start3A_1338 : memref<1x16x8x128xf32, #tpu.memory_space<vmem>> -> memref<16x8x128xf32, #tpu.memory_space<vmem>>
    %dma_start3A_1340 = arith.constant 0 : i32
    %dma_start3A_1341 = arith.constant 0 : i32
    %dma_start3A_1342 = tpu.memref_slice %arg6[%add3A_1333, %dma_start3A_1340, %dma_start3A_1341] : memref<8192x8x128xf32, #tpu.memory_space<hbm>> -> memref<16x8x128xf32, #tpu.memory_space<hbm>>
    %dma_start3A_1343 = arith.constant 0 : i32
    %dma_start3A_1344 = arith.constant 0 : i32
    %dma_start3A_1345 = tpu.memref_slice %arg6[%add3A_1333, %dma_start3A_1343, %dma_start3A_1344] : memref<8192x8x128xf32, #tpu.memory_space<hbm>> -> memref<16x8x128xf32, #tpu.memory_space<hbm>>
    %dma_start3A_1346 = arith.constant 0 : i32
    %dma_start3A_1347 = arith.constant 0 : i32
    %dma_start3A_1348 = arith.constant 0 : i32
    %dma_start3A_1349 = tpu.memref_slice %arg13[%dma_start3A_1334, %dma_start3A_1346, %dma_start3A_1347, %dma_start3A_1348] : memref<2x16x8x128xf32, #tpu.memory_space<vmem>> -> memref<1x16x8x128xf32, #tpu.memory_space<vmem>>
    %dma_start3A_1350 = tpu.memref_squeeze %dma_start3A_1349 : memref<1x16x8x128xf32, #tpu.memory_space<vmem>> -> memref<16x8x128xf32, #tpu.memory_space<vmem>>
    tpu.enqueue_dma source(%dma_start3A_1350 : memref<16x8x128xf32, #tpu.memory_space<vmem>>) target(%dma_start3A_1345 : memref<16x8x128xf32, #tpu.memory_space<hbm>>) target_semaphore(%arg16 : memref<!tpu.dma_semaphore, #tpu.memory_space<semaphore_mem>>)
    %dma_start3A_1351 = arith.constant 14 : i32
    %dma_start3A_1352 = arith.constant 0 : i32
    %dma_start3A_1353 = arith.constant 0 : i32
    %dma_start3A_1354 = arith.constant 0 : i32
    %dma_start3A_1355 = arith.constant 0 : i32
    %dma_start3A_1356 = tpu.memref_slice %arg11[%dma_start3A_1352, %dma_start3A_1353, %dma_start3A_1354, %dma_start3A_1355] : memref<2x16x8x128xf32, #tpu.memory_space<vmem>> -> memref<1x16x8x128xf32, #tpu.memory_space<vmem>>
    %dma_start3A_1357 = tpu.memref_squeeze %dma_start3A_1356 : memref<1x16x8x128xf32, #tpu.memory_space<vmem>> -> memref<16x8x128xf32, #tpu.memory_space<vmem>>
    %dma_start3A_1358 = arith.constant 0 : i32
    %dma_start3A_1359 = tpu.memref_slice %arg8[%dma_start3A_1351, %dma_start3A_1358] : memref<16x16xi32, #tpu.memory_space<vmem>> -> memref<1x16xi32, #tpu.memory_space<vmem>>
    %dma_start3A_1360 = tpu.memref_squeeze %dma_start3A_1359 : memref<1x16xi32, #tpu.memory_space<vmem>> -> memref<16xi32, #tpu.memory_space<vmem>>
    %dma_start3A_1361 = arith.constant 0 : i32
    %dma_start3A_1362 = arith.constant 0 : i32
    %dma_start3A_1363 = arith.constant 0 : i32
    %dma_start3A_1364 = tpu.memref_slice %arg4[%dma_start3A_1361, %dma_start3A_1362, %dma_start3A_1363] : memref<1000x8x128xf32, #tpu.memory_space<hbm>> -> memref<1000x8x128xf32, #tpu.memory_space<hbm>>
    tpu.enqueue_indirect_dma source(%dma_start3A_1364 : memref<1000x8x128xf32, #tpu.memory_space<hbm>>) target(%dma_start3A_1357 : memref<16x8x128xf32, #tpu.memory_space<vmem>>) offsets(%dma_start3A_1360 : memref<16xi32, #tpu.memory_space<vmem>>) semaphore(%arg14 : memref<!tpu.dma_semaphore, #tpu.memory_space<semaphore_mem>>)
    %dma_start3A_1365 = arith.constant 14 : i32
    %dma_start3A_1366 = arith.constant 0 : i32
    %dma_start3A_1367 = arith.constant 0 : i32
    %dma_start3A_1368 = arith.constant 0 : i32
    %dma_start3A_1369 = arith.constant 0 : i32
    %dma_start3A_1370 = tpu.memref_slice %arg12[%dma_start3A_1366, %dma_start3A_1367, %dma_start3A_1368, %dma_start3A_1369] : memref<2x16x8x128xf32, #tpu.memory_space<vmem>> -> memref<1x16x8x128xf32, #tpu.memory_space<vmem>>
    %dma_start3A_1371 = tpu.memref_squeeze %dma_start3A_1370 : memref<1x16x8x128xf32, #tpu.memory_space<vmem>> -> memref<16x8x128xf32, #tpu.memory_space<vmem>>
    %dma_start3A_1372 = arith.constant 0 : i32
    %dma_start3A_1373 = tpu.memref_slice %arg9[%dma_start3A_1365, %dma_start3A_1372] : memref<16x16xi32, #tpu.memory_space<vmem>> -> memref<1x16xi32, #tpu.memory_space<vmem>>
    %dma_start3A_1374 = tpu.memref_squeeze %dma_start3A_1373 : memref<1x16xi32, #tpu.memory_space<vmem>> -> memref<16xi32, #tpu.memory_space<vmem>>
    %dma_start3A_1375 = arith.constant 0 : i32
    %dma_start3A_1376 = arith.constant 0 : i32
    %dma_start3A_1377 = arith.constant 0 : i32
    %dma_start3A_1378 = tpu.memref_slice %arg5[%dma_start3A_1375, %dma_start3A_1376, %dma_start3A_1377] : memref<8192x8x128xf32, #tpu.memory_space<hbm>> -> memref<8192x8x128xf32, #tpu.memory_space<hbm>>
    tpu.enqueue_indirect_dma source(%dma_start3A_1378 : memref<8192x8x128xf32, #tpu.memory_space<hbm>>) target(%dma_start3A_1371 : memref<16x8x128xf32, #tpu.memory_space<vmem>>) offsets(%dma_start3A_1374 : memref<16xi32, #tpu.memory_space<vmem>>) semaphore(%arg14 : memref<!tpu.dma_semaphore, #tpu.memory_space<semaphore_mem>>)
    %dma_wait3A_1379 = arith.constant 13 : i32
    %dma_wait3A_1380 = arith.constant 1 : i32
    %dma_wait3A_1381 = arith.constant 0 : i32
    %dma_wait3A_1382 = arith.constant 0 : i32
    %dma_wait3A_1383 = arith.constant 0 : i32
    %dma_wait3A_1384 = tpu.memref_slice %arg11[%dma_wait3A_1380, %dma_wait3A_1381, %dma_wait3A_1382, %dma_wait3A_1383] : memref<2x16x8x128xf32, #tpu.memory_space<vmem>> -> memref<1x16x8x128xf32, #tpu.memory_space<vmem>>
    %dma_wait3A_1385 = tpu.memref_squeeze %dma_wait3A_1384 : memref<1x16x8x128xf32, #tpu.memory_space<vmem>> -> memref<16x8x128xf32, #tpu.memory_space<vmem>>
    %dma_wait3A_1386 = arith.constant 0 : i32
    %dma_wait3A_1387 = tpu.memref_slice %arg8[%dma_wait3A_1379, %dma_wait3A_1386] : memref<16x16xi32, #tpu.memory_space<vmem>> -> memref<1x16xi32, #tpu.memory_space<vmem>>
    %dma_wait3A_1388 = tpu.memref_squeeze %dma_wait3A_1387 : memref<1x16xi32, #tpu.memory_space<vmem>> -> memref<16xi32, #tpu.memory_space<vmem>>
    %dma_wait3A_1389 = arith.constant 0 : i32
    %dma_wait3A_1390 = arith.constant 0 : i32
    %dma_wait3A_1391 = arith.constant 0 : i32
    %dma_wait3A_1392 = tpu.memref_slice %arg4[%dma_wait3A_1389, %dma_wait3A_1390, %dma_wait3A_1391] : memref<1000x8x128xf32, #tpu.memory_space<hbm>> -> memref<1000x8x128xf32, #tpu.memory_space<hbm>>
    tpu.wait_indirect_dma semaphore(%arg15 : memref<!tpu.dma_semaphore, #tpu.memory_space<semaphore_mem>>) src(%dma_wait3A_1392 : memref<1000x8x128xf32, #tpu.memory_space<hbm>>) dst(%dma_wait3A_1385 : memref<16x8x128xf32, #tpu.memory_space<vmem>>)
    %dma_wait3A_1393 = arith.constant 13 : i32
    %dma_wait3A_1394 = arith.constant 1 : i32
    %dma_wait3A_1395 = arith.constant 0 : i32
    %dma_wait3A_1396 = arith.constant 0 : i32
    %dma_wait3A_1397 = arith.constant 0 : i32
    %dma_wait3A_1398 = tpu.memref_slice %arg12[%dma_wait3A_1394, %dma_wait3A_1395, %dma_wait3A_1396, %dma_wait3A_1397] : memref<2x16x8x128xf32, #tpu.memory_space<vmem>> -> memref<1x16x8x128xf32, #tpu.memory_space<vmem>>
    %dma_wait3A_1399 = tpu.memref_squeeze %dma_wait3A_1398 : memref<1x16x8x128xf32, #tpu.memory_space<vmem>> -> memref<16x8x128xf32, #tpu.memory_space<vmem>>
    %dma_wait3A_1400 = arith.constant 0 : i32
    %dma_wait3A_1401 = tpu.memref_slice %arg9[%dma_wait3A_1393, %dma_wait3A_1400] : memref<16x16xi32, #tpu.memory_space<vmem>> -> memref<1x16xi32, #tpu.memory_space<vmem>>
    %dma_wait3A_1402 = tpu.memref_squeeze %dma_wait3A_1401 : memref<1x16xi32, #tpu.memory_space<vmem>> -> memref<16xi32, #tpu.memory_space<vmem>>
    %dma_wait3A_1403 = arith.constant 0 : i32
    %dma_wait3A_1404 = arith.constant 0 : i32
    %dma_wait3A_1405 = arith.constant 0 : i32
    %dma_wait3A_1406 = tpu.memref_slice %arg5[%dma_wait3A_1403, %dma_wait3A_1404, %dma_wait3A_1405] : memref<8192x8x128xf32, #tpu.memory_space<hbm>> -> memref<8192x8x128xf32, #tpu.memory_space<hbm>>
    tpu.wait_indirect_dma semaphore(%arg15 : memref<!tpu.dma_semaphore, #tpu.memory_space<semaphore_mem>>) src(%dma_wait3A_1406 : memref<8192x8x128xf32, #tpu.memory_space<hbm>>) dst(%dma_wait3A_1399 : memref<16x8x128xf32, #tpu.memory_space<vmem>>)
    %add3A_1407 = arith.constant 176 : i32
    %add3A_1408 = arith.addi %mul3A_2, %add3A_1407 : i32
    %dma_wait3A_1409 = arith.constant 1 : i32
    %dma_wait3A_1410 = arith.constant 0 : i32
    %dma_wait3A_1411 = arith.constant 0 : i32
    %dma_wait3A_1412 = arith.constant 0 : i32
    %dma_wait3A_1413 = tpu.memref_slice %arg13[%dma_wait3A_1409, %dma_wait3A_1410, %dma_wait3A_1411, %dma_wait3A_1412] : memref<2x16x8x128xf32, #tpu.memory_space<vmem>> -> memref<1x16x8x128xf32, #tpu.memory_space<vmem>>
    %dma_wait3A_1414 = tpu.memref_squeeze %dma_wait3A_1413 : memref<1x16x8x128xf32, #tpu.memory_space<vmem>> -> memref<16x8x128xf32, #tpu.memory_space<vmem>>
    %dma_wait3A_1415 = arith.constant 0 : i32
    %dma_wait3A_1416 = arith.constant 0 : i32
    %dma_wait3A_1417 = tpu.memref_slice %arg6[%add3A_1408, %dma_wait3A_1415, %dma_wait3A_1416] : memref<8192x8x128xf32, #tpu.memory_space<hbm>> -> memref<16x8x128xf32, #tpu.memory_space<hbm>>
    %dma_wait3A_1418 = arith.constant 0 : i32
    %dma_wait3A_1419 = arith.constant 0 : i32
    %dma_wait3A_1420 = tpu.memref_slice %arg6[%add3A_1408, %dma_wait3A_1418, %dma_wait3A_1419] : memref<8192x8x128xf32, #tpu.memory_space<hbm>> -> memref<16x8x128xf32, #tpu.memory_space<hbm>>
    %dma_wait3A_1421 = arith.constant 0 : i32
    %dma_wait3A_1422 = arith.constant 0 : i32
    %dma_wait3A_1423 = arith.constant 0 : i32
    %dma_wait3A_1424 = tpu.memref_slice %arg13[%dma_wait3A_1409, %dma_wait3A_1421, %dma_wait3A_1422, %dma_wait3A_1423] : memref<2x16x8x128xf32, #tpu.memory_space<vmem>> -> memref<1x16x8x128xf32, #tpu.memory_space<vmem>>
    %dma_wait3A_1425 = tpu.memref_squeeze %dma_wait3A_1424 : memref<1x16x8x128xf32, #tpu.memory_space<vmem>> -> memref<16x8x128xf32, #tpu.memory_space<vmem>>
    tpu.wait_dma2 semaphore(%arg17 : memref<!tpu.dma_semaphore, #tpu.memory_space<semaphore_mem>>) src(%dma_wait3A_1425 : memref<16x8x128xf32, #tpu.memory_space<vmem>>) dst(%dma_wait3A_1420 : memref<16x8x128xf32, #tpu.memory_space<hbm>>)
    %scan3A_1426 = arith.constant 1 : i32
    %scan3A_1427 = arith.constant 1 : i32
    %scan3A_1428 = arith.constant 1 : i32
    %scan3A_1429 = arith.constant 0 : i32
    %scan3A_1430 = arith.constant 0 : i32
    %scan3A_1431 = arith.constant 16 : i32
    %scan3A_1432 = arith.addi %scan3A_1430, %scan3A_1431 : i32
    %scan3A_1433 = arith.constant 1 : i32
    %scan3A_1434 = scf.for %scan3A_1673 = %scan3A_1430 to %scan3A_1432 step %scan3A_1433 iter_args(%scan3A_1674 = %scan3A_1429) -> (i32)  : i32 {
      %add3A_1675 = arith.constant 208 : i32
      %add3A_1676 = arith.addi %mul3A_2, %add3A_1675 : i32
      %add3A_1677 = arith.addi %add3A_1676, %scan3A_1673 : i32
      %broadcast_in_dim3A = vector.broadcast %add3A_1677 : i32 to vector<16xi32>
      %ge3A = arith.constant 8 : i32
      %ge3A_1678 = vector.broadcast %ge3A : i32 to vector<16xi32>
      %ge3A_1679 = arith.cmpi sge, %broadcast_in_dim3A, %ge3A_1678 : vector<16xi32>
      %jit3A = arith.constant 3.000000e-01 : f32
      %jit3A_1680 = arith.constant 0.000000e+00 : f32
      %broadcast_in_dim3A_1681 = vector.broadcast %jit3A : f32 to vector<16xf32>
      %broadcast_in_dim3A_1682 = vector.broadcast %jit3A_1680 : f32 to vector<16xf32>
      %select_n3A = arith.select %ge3A_1679, %broadcast_in_dim3A_1681, %broadcast_in_dim3A_1682 : vector<16xi1>, vector<16xf32>
      %parallel_loop3A_1683 = arith.constant 0 : i32
      %parallel_loop3A_1684 = arith.constant 63 : i32
      %parallel_loop3A_1685 = arith.constant 1 : i32
      scf.for %parallel_loop3A_1687 = %parallel_loop3A_1683 to %parallel_loop3A_1684 step %parallel_loop3A_1685  : i32 {
        %parallel_loop3A_1688 = arith.constant 8 : i32
        %parallel_loop3A_1689 = arith.divsi %parallel_loop3A_1687, %parallel_loop3A_1688 : i32
        %parallel_loop3A_1690 = arith.constant 0 : i32
        %parallel_loop3A_1691 = arith.cmpi sgt, %parallel_loop3A_1687, %parallel_loop3A_1690 : i32
        %parallel_loop3A_1692 = arith.extui %parallel_loop3A_1691 : i1 to i32
        %parallel_loop3A_1693 = arith.constant 0 : i32
        %parallel_loop3A_1694 = arith.cmpi slt, %parallel_loop3A_1687, %parallel_loop3A_1693 : i32
        %parallel_loop3A_1695 = arith.extui %parallel_loop3A_1694 : i1 to i32
        %parallel_loop3A_1696 = arith.subi %parallel_loop3A_1692, %parallel_loop3A_1695 : i32
        %parallel_loop3A_1697 = arith.constant 0 : i32
        %parallel_loop3A_1698 = arith.cmpi sgt, %parallel_loop3A_1688, %parallel_loop3A_1697 : i32
        %parallel_loop3A_1699 = arith.extui %parallel_loop3A_1698 : i1 to i32
        %parallel_loop3A_1700 = arith.constant 0 : i32
        %parallel_loop3A_1701 = arith.cmpi slt, %parallel_loop3A_1688, %parallel_loop3A_1700 : i32
        %parallel_loop3A_1702 = arith.extui %parallel_loop3A_1701 : i1 to i32
        %parallel_loop3A_1703 = arith.subi %parallel_loop3A_1699, %parallel_loop3A_1702 : i32
        %parallel_loop3A_1704 = arith.cmpi ne, %parallel_loop3A_1696, %parallel_loop3A_1703 : i32
        %parallel_loop3A_1705 = arith.remsi %parallel_loop3A_1687, %parallel_loop3A_1688 : i32
        %parallel_loop3A_1706 = arith.constant 0 : i32
        %parallel_loop3A_1707 = arith.cmpi ne, %parallel_loop3A_1705, %parallel_loop3A_1706 : i32
        %parallel_loop3A_1708 = arith.andi %parallel_loop3A_1704, %parallel_loop3A_1707 : i1
        %parallel_loop3A_1709 = arith.constant 1 : i32
        %parallel_loop3A_1710 = arith.subi %parallel_loop3A_1689, %parallel_loop3A_1709 : i32
        %parallel_loop3A_1711 = arith.select %parallel_loop3A_1708, %parallel_loop3A_1710, %parallel_loop3A_1689 : i32
        %parallel_loop3A_1712 = arith.constant 8 : i32
        %parallel_loop3A_1713 = arith.constant 0 : i32
        %parallel_loop3A_1714 = arith.cmpi eq, %parallel_loop3A_1712, %parallel_loop3A_1713 : i32
        %parallel_loop3A_1715 = arith.constant 1 : i32
        %parallel_loop3A_1716 = arith.select %parallel_loop3A_1714, %parallel_loop3A_1715, %parallel_loop3A_1712 : i32
        %parallel_loop3A_1717 = arith.remsi %parallel_loop3A_1687, %parallel_loop3A_1716 : i32
        %parallel_loop3A_1718 = arith.constant 0 : i32
        %parallel_loop3A_1719 = arith.cmpi ne, %parallel_loop3A_1717, %parallel_loop3A_1718 : i32
        %parallel_loop3A_1720 = arith.constant 0 : i32
        %parallel_loop3A_1721 = arith.cmpi slt, %parallel_loop3A_1717, %parallel_loop3A_1720 : i32
        %parallel_loop3A_1722 = arith.constant 0 : i32
        %parallel_loop3A_1723 = arith.cmpi slt, %parallel_loop3A_1716, %parallel_loop3A_1722 : i32
        %parallel_loop3A_1724 = arith.xori %parallel_loop3A_1721, %parallel_loop3A_1723 : i1
        %parallel_loop3A_1725 = arith.andi %parallel_loop3A_1724, %parallel_loop3A_1719 : i1
        %parallel_loop3A_1726 = arith.addi %parallel_loop3A_1717, %parallel_loop3A_1716 : i32
        %parallel_loop3A_1727 = arith.select %parallel_loop3A_1725, %parallel_loop3A_1726, %parallel_loop3A_1717 : i32
        %parallel_loop3A_1728 = arith.constant 16 : i32
        %parallel_loop3A_1729 = arith.muli %parallel_loop3A_1727, %parallel_loop3A_1728 : i32
        %parallel_loop3A_1730 = arith.constant 16 : i32
        %parallel_loop3A_1731 = arith.muli %parallel_loop3A_1687, %parallel_loop3A_1730 : i32
        %parallel_loop3A_1732 = arith.index_cast %parallel_loop3A_1731 : i32 to index
        %parallel_loop3A_1733 = tpu.vector_load %arg10[%parallel_loop3A_1732] {strides = array<i32>} : memref<1024xf32, #tpu.memory_space<vmem>>, vector<16xf32>,
        %parallel_loop3A_1734 = arith.constant 0 : i32
        %parallel_loop3A_1735 = arith.constant 0 : i32
        %parallel_loop3A_1736 = arith.constant 0 : i32
        %parallel_loop3A_1737 = tpu.memref_slice %arg11[%scan3A_1426, %parallel_loop3A_1734, %parallel_loop3A_1735, %parallel_loop3A_1736] : memref<2x16x8x128xf32, #tpu.memory_space<vmem>> -> memref<1x16x8x128xf32, #tpu.memory_space<vmem>>
        %parallel_loop3A_1738 = tpu.memref_squeeze %parallel_loop3A_1737 : memref<1x16x8x128xf32, #tpu.memory_space<vmem>> -> memref<16x8x128xf32, #tpu.memory_space<vmem>>
        %parallel_loop3A_1739 = arith.index_cast %scan3A_1673 : i32 to index
        %parallel_loop3A_1740 = arith.index_cast %parallel_loop3A_1711 : i32 to index
        %parallel_loop3A_1741 = arith.index_cast %parallel_loop3A_1729 : i32 to index
        %parallel_loop3A_1742 = tpu.vector_load %parallel_loop3A_1738[%parallel_loop3A_1739, %parallel_loop3A_1740, %parallel_loop3A_1741] {strides = array<i32>} : memref<16x8x128xf32, #tpu.memory_space<vmem>>, vector<16xf32>,
        %parallel_loop3A_1743 = arith.constant 4.000000e-01 : f32
        %parallel_loop3A_1744 = vector.broadcast %parallel_loop3A_1743 : f32 to vector<16xf32>
        %parallel_loop3A_1745 = arith.mulf %parallel_loop3A_1744, %parallel_loop3A_1742 : vector<16xf32>
        %parallel_loop3A_1746 = arith.addf %parallel_loop3A_1733, %parallel_loop3A_1745 : vector<16xf32>
        %parallel_loop3A_1747 = arith.constant 0 : i32
        %parallel_loop3A_1748 = arith.constant 0 : i32
        %parallel_loop3A_1749 = arith.constant 0 : i32
        %parallel_loop3A_1750 = tpu.memref_slice %arg12[%scan3A_1427, %parallel_loop3A_1747, %parallel_loop3A_1748, %parallel_loop3A_1749] : memref<2x16x8x128xf32, #tpu.memory_space<vmem>> -> memref<1x16x8x128xf32, #tpu.memory_space<vmem>>
        %parallel_loop3A_1751 = tpu.memref_squeeze %parallel_loop3A_1750 : memref<1x16x8x128xf32, #tpu.memory_space<vmem>> -> memref<16x8x128xf32, #tpu.memory_space<vmem>>
        %parallel_loop3A_1752 = arith.index_cast %scan3A_1673 : i32 to index
        %parallel_loop3A_1753 = arith.index_cast %parallel_loop3A_1711 : i32 to index
        %parallel_loop3A_1754 = arith.index_cast %parallel_loop3A_1729 : i32 to index
        %parallel_loop3A_1755 = tpu.vector_load %parallel_loop3A_1751[%parallel_loop3A_1752, %parallel_loop3A_1753, %parallel_loop3A_1754] {strides = array<i32>} : memref<16x8x128xf32, #tpu.memory_space<vmem>>, vector<16xf32>,
        %parallel_loop3A_1756 = arith.mulf %select_n3A, %parallel_loop3A_1755 : vector<16xf32>
        %parallel_loop3A_1757 = arith.addf %parallel_loop3A_1746, %parallel_loop3A_1756 : vector<16xf32>
        %parallel_loop3A_1758 = arith.constant 0 : i32
        %parallel_loop3A_1759 = arith.constant 0 : i32
        %parallel_loop3A_1760 = arith.constant 0 : i32
        %parallel_loop3A_1761 = tpu.memref_slice %arg13[%scan3A_1428, %parallel_loop3A_1758, %parallel_loop3A_1759, %parallel_loop3A_1760] : memref<2x16x8x128xf32, #tpu.memory_space<vmem>> -> memref<1x16x8x128xf32, #tpu.memory_space<vmem>>
        %parallel_loop3A_1762 = tpu.memref_squeeze %parallel_loop3A_1761 : memref<1x16x8x128xf32, #tpu.memory_space<vmem>> -> memref<16x8x128xf32, #tpu.memory_space<vmem>>
        %parallel_loop3A_1763 = arith.index_cast %scan3A_1673 : i32 to index
        %parallel_loop3A_1764 = arith.index_cast %parallel_loop3A_1711 : i32 to index
        %parallel_loop3A_1765 = arith.index_cast %parallel_loop3A_1729 : i32 to index
        %parallel_loop3A_1766 = tpu.vector_load %parallel_loop3A_1762[%parallel_loop3A_1763, %parallel_loop3A_1764, %parallel_loop3A_1765] {strides = array<i32>} : memref<16x8x128xf32, #tpu.memory_space<vmem>>, vector<16xf32>,
        tpu.vector_store %parallel_loop3A_1762[%parallel_loop3A_1763, %parallel_loop3A_1764, %parallel_loop3A_1765], %parallel_loop3A_1757 {strides = array<i32>} : memref<16x8x128xf32, #tpu.memory_space<vmem>>, vector<16xf32>,
      } {sc.loop_unroll_factor = 4 : i64, sc.parallel_access}
      %scan3A_1686 = arith.constant 0 : i32
      scf.yield %scan3A_1686 : i32
    }
    %scan3A_1435 = arith.constant 16 : i32
    %add3A_1436 = arith.constant 208 : i32
    %add3A_1437 = arith.addi %mul3A_2, %add3A_1436 : i32
    %dma_start3A_1438 = arith.constant 1 : i32
    %dma_start3A_1439 = arith.constant 0 : i32
    %dma_start3A_1440 = arith.constant 0 : i32
    %dma_start3A_1441 = arith.constant 0 : i32
    %dma_start3A_1442 = tpu.memref_slice %arg13[%dma_start3A_1438, %dma_start3A_1439, %dma_start3A_1440, %dma_start3A_1441] : memref<2x16x8x128xf32, #tpu.memory_space<vmem>> -> memref<1x16x8x128xf32, #tpu.memory_space<vmem>>
    %dma_start3A_1443 = tpu.memref_squeeze %dma_start3A_1442 : memref<1x16x8x128xf32, #tpu.memory_space<vmem>> -> memref<16x8x128xf32, #tpu.memory_space<vmem>>
    %dma_start3A_1444 = arith.constant 0 : i32
    %dma_start3A_1445 = arith.constant 0 : i32
    %dma_start3A_1446 = tpu.memref_slice %arg6[%add3A_1437, %dma_start3A_1444, %dma_start3A_1445] : memref<8192x8x128xf32, #tpu.memory_space<hbm>> -> memref<16x8x128xf32, #tpu.memory_space<hbm>>
    %dma_start3A_1447 = arith.constant 0 : i32
    %dma_start3A_1448 = arith.constant 0 : i32
    %dma_start3A_1449 = tpu.memref_slice %arg6[%add3A_1437, %dma_start3A_1447, %dma_start3A_1448] : memref<8192x8x128xf32, #tpu.memory_space<hbm>> -> memref<16x8x128xf32, #tpu.memory_space<hbm>>
    %dma_start3A_1450 = arith.constant 0 : i32
    %dma_start3A_1451 = arith.constant 0 : i32
    %dma_start3A_1452 = arith.constant 0 : i32
    %dma_start3A_1453 = tpu.memref_slice %arg13[%dma_start3A_1438, %dma_start3A_1450, %dma_start3A_1451, %dma_start3A_1452] : memref<2x16x8x128xf32, #tpu.memory_space<vmem>> -> memref<1x16x8x128xf32, #tpu.memory_space<vmem>>
    %dma_start3A_1454 = tpu.memref_squeeze %dma_start3A_1453 : memref<1x16x8x128xf32, #tpu.memory_space<vmem>> -> memref<16x8x128xf32, #tpu.memory_space<vmem>>
    tpu.enqueue_dma source(%dma_start3A_1454 : memref<16x8x128xf32, #tpu.memory_space<vmem>>) target(%dma_start3A_1449 : memref<16x8x128xf32, #tpu.memory_space<hbm>>) target_semaphore(%arg17 : memref<!tpu.dma_semaphore, #tpu.memory_space<semaphore_mem>>)
    %dma_start3A_1455 = arith.constant 15 : i32
    %dma_start3A_1456 = arith.constant 1 : i32
    %dma_start3A_1457 = arith.constant 0 : i32
    %dma_start3A_1458 = arith.constant 0 : i32
    %dma_start3A_1459 = arith.constant 0 : i32
    %dma_start3A_1460 = tpu.memref_slice %arg11[%dma_start3A_1456, %dma_start3A_1457, %dma_start3A_1458, %dma_start3A_1459] : memref<2x16x8x128xf32, #tpu.memory_space<vmem>> -> memref<1x16x8x128xf32, #tpu.memory_space<vmem>>
    %dma_start3A_1461 = tpu.memref_squeeze %dma_start3A_1460 : memref<1x16x8x128xf32, #tpu.memory_space<vmem>> -> memref<16x8x128xf32, #tpu.memory_space<vmem>>
    %dma_start3A_1462 = arith.constant 0 : i32
    %dma_start3A_1463 = tpu.memref_slice %arg8[%dma_start3A_1455, %dma_start3A_1462] : memref<16x16xi32, #tpu.memory_space<vmem>> -> memref<1x16xi32, #tpu.memory_space<vmem>>
    %dma_start3A_1464 = tpu.memref_squeeze %dma_start3A_1463 : memref<1x16xi32, #tpu.memory_space<vmem>> -> memref<16xi32, #tpu.memory_space<vmem>>
    %dma_start3A_1465 = arith.constant 0 : i32
    %dma_start3A_1466 = arith.constant 0 : i32
    %dma_start3A_1467 = arith.constant 0 : i32
    %dma_start3A_1468 = tpu.memref_slice %arg4[%dma_start3A_1465, %dma_start3A_1466, %dma_start3A_1467] : memref<1000x8x128xf32, #tpu.memory_space<hbm>> -> memref<1000x8x128xf32, #tpu.memory_space<hbm>>
    tpu.enqueue_indirect_dma source(%dma_start3A_1468 : memref<1000x8x128xf32, #tpu.memory_space<hbm>>) target(%dma_start3A_1461 : memref<16x8x128xf32, #tpu.memory_space<vmem>>) offsets(%dma_start3A_1464 : memref<16xi32, #tpu.memory_space<vmem>>) semaphore(%arg15 : memref<!tpu.dma_semaphore, #tpu.memory_space<semaphore_mem>>)
    %dma_start3A_1469 = arith.constant 15 : i32
    %dma_start3A_1470 = arith.constant 1 : i32
    %dma_start3A_1471 = arith.constant 0 : i32
    %dma_start3A_1472 = arith.constant 0 : i32
    %dma_start3A_1473 = arith.constant 0 : i32
    %dma_start3A_1474 = tpu.memref_slice %arg12[%dma_start3A_1470, %dma_start3A_1471, %dma_start3A_1472, %dma_start3A_1473] : memref<2x16x8x128xf32, #tpu.memory_space<vmem>> -> memref<1x16x8x128xf32, #tpu.memory_space<vmem>>
    %dma_start3A_1475 = tpu.memref_squeeze %dma_start3A_1474 : memref<1x16x8x128xf32, #tpu.memory_space<vmem>> -> memref<16x8x128xf32, #tpu.memory_space<vmem>>
    %dma_start3A_1476 = arith.constant 0 : i32
    %dma_start3A_1477 = tpu.memref_slice %arg9[%dma_start3A_1469, %dma_start3A_1476] : memref<16x16xi32, #tpu.memory_space<vmem>> -> memref<1x16xi32, #tpu.memory_space<vmem>>
    %dma_start3A_1478 = tpu.memref_squeeze %dma_start3A_1477 : memref<1x16xi32, #tpu.memory_space<vmem>> -> memref<16xi32, #tpu.memory_space<vmem>>
    %dma_start3A_1479 = arith.constant 0 : i32
    %dma_start3A_1480 = arith.constant 0 : i32
    %dma_start3A_1481 = arith.constant 0 : i32
    %dma_start3A_1482 = tpu.memref_slice %arg5[%dma_start3A_1479, %dma_start3A_1480, %dma_start3A_1481] : memref<8192x8x128xf32, #tpu.memory_space<hbm>> -> memref<8192x8x128xf32, #tpu.memory_space<hbm>>
    tpu.enqueue_indirect_dma source(%dma_start3A_1482 : memref<8192x8x128xf32, #tpu.memory_space<hbm>>) target(%dma_start3A_1475 : memref<16x8x128xf32, #tpu.memory_space<vmem>>) offsets(%dma_start3A_1478 : memref<16xi32, #tpu.memory_space<vmem>>) semaphore(%arg15 : memref<!tpu.dma_semaphore, #tpu.memory_space<semaphore_mem>>)
    %dma_wait3A_1483 = arith.constant 14 : i32
    %dma_wait3A_1484 = arith.constant 0 : i32
    %dma_wait3A_1485 = arith.constant 0 : i32
    %dma_wait3A_1486 = arith.constant 0 : i32
    %dma_wait3A_1487 = arith.constant 0 : i32
    %dma_wait3A_1488 = tpu.memref_slice %arg11[%dma_wait3A_1484, %dma_wait3A_1485, %dma_wait3A_1486, %dma_wait3A_1487] : memref<2x16x8x128xf32, #tpu.memory_space<vmem>> -> memref<1x16x8x128xf32, #tpu.memory_space<vmem>>
    %dma_wait3A_1489 = tpu.memref_squeeze %dma_wait3A_1488 : memref<1x16x8x128xf32, #tpu.memory_space<vmem>> -> memref<16x8x128xf32, #tpu.memory_space<vmem>>
    %dma_wait3A_1490 = arith.constant 0 : i32
    %dma_wait3A_1491 = tpu.memref_slice %arg8[%dma_wait3A_1483, %dma_wait3A_1490] : memref<16x16xi32, #tpu.memory_space<vmem>> -> memref<1x16xi32, #tpu.memory_space<vmem>>
    %dma_wait3A_1492 = tpu.memref_squeeze %dma_wait3A_1491 : memref<1x16xi32, #tpu.memory_space<vmem>> -> memref<16xi32, #tpu.memory_space<vmem>>
    %dma_wait3A_1493 = arith.constant 0 : i32
    %dma_wait3A_1494 = arith.constant 0 : i32
    %dma_wait3A_1495 = arith.constant 0 : i32
    %dma_wait3A_1496 = tpu.memref_slice %arg4[%dma_wait3A_1493, %dma_wait3A_1494, %dma_wait3A_1495] : memref<1000x8x128xf32, #tpu.memory_space<hbm>> -> memref<1000x8x128xf32, #tpu.memory_space<hbm>>
    tpu.wait_indirect_dma semaphore(%arg14 : memref<!tpu.dma_semaphore, #tpu.memory_space<semaphore_mem>>) src(%dma_wait3A_1496 : memref<1000x8x128xf32, #tpu.memory_space<hbm>>) dst(%dma_wait3A_1489 : memref<16x8x128xf32, #tpu.memory_space<vmem>>)
    %dma_wait3A_1497 = arith.constant 14 : i32
    %dma_wait3A_1498 = arith.constant 0 : i32
    %dma_wait3A_1499 = arith.constant 0 : i32
    %dma_wait3A_1500 = arith.constant 0 : i32
    %dma_wait3A_1501 = arith.constant 0 : i32
    %dma_wait3A_1502 = tpu.memref_slice %arg12[%dma_wait3A_1498, %dma_wait3A_1499, %dma_wait3A_1500, %dma_wait3A_1501] : memref<2x16x8x128xf32, #tpu.memory_space<vmem>> -> memref<1x16x8x128xf32, #tpu.memory_space<vmem>>
    %dma_wait3A_1503 = tpu.memref_squeeze %dma_wait3A_1502 : memref<1x16x8x128xf32, #tpu.memory_space<vmem>> -> memref<16x8x128xf32, #tpu.memory_space<vmem>>
    %dma_wait3A_1504 = arith.constant 0 : i32
    %dma_wait3A_1505 = tpu.memref_slice %arg9[%dma_wait3A_1497, %dma_wait3A_1504] : memref<16x16xi32, #tpu.memory_space<vmem>> -> memref<1x16xi32, #tpu.memory_space<vmem>>
    %dma_wait3A_1506 = tpu.memref_squeeze %dma_wait3A_1505 : memref<1x16xi32, #tpu.memory_space<vmem>> -> memref<16xi32, #tpu.memory_space<vmem>>
    %dma_wait3A_1507 = arith.constant 0 : i32
    %dma_wait3A_1508 = arith.constant 0 : i32
    %dma_wait3A_1509 = arith.constant 0 : i32
    %dma_wait3A_1510 = tpu.memref_slice %arg5[%dma_wait3A_1507, %dma_wait3A_1508, %dma_wait3A_1509] : memref<8192x8x128xf32, #tpu.memory_space<hbm>> -> memref<8192x8x128xf32, #tpu.memory_space<hbm>>
    tpu.wait_indirect_dma semaphore(%arg14 : memref<!tpu.dma_semaphore, #tpu.memory_space<semaphore_mem>>) src(%dma_wait3A_1510 : memref<8192x8x128xf32, #tpu.memory_space<hbm>>) dst(%dma_wait3A_1503 : memref<16x8x128xf32, #tpu.memory_space<vmem>>)
    %add3A_1511 = arith.constant 192 : i32
    %add3A_1512 = arith.addi %mul3A_2, %add3A_1511 : i32
    %dma_wait3A_1513 = arith.constant 0 : i32
    %dma_wait3A_1514 = arith.constant 0 : i32
    %dma_wait3A_1515 = arith.constant 0 : i32
    %dma_wait3A_1516 = arith.constant 0 : i32
    %dma_wait3A_1517 = tpu.memref_slice %arg13[%dma_wait3A_1513, %dma_wait3A_1514, %dma_wait3A_1515, %dma_wait3A_1516] : memref<2x16x8x128xf32, #tpu.memory_space<vmem>> -> memref<1x16x8x128xf32, #tpu.memory_space<vmem>>
    %dma_wait3A_1518 = tpu.memref_squeeze %dma_wait3A_1517 : memref<1x16x8x128xf32, #tpu.memory_space<vmem>> -> memref<16x8x128xf32, #tpu.memory_space<vmem>>
    %dma_wait3A_1519 = arith.constant 0 : i32
    %dma_wait3A_1520 = arith.constant 0 : i32
    %dma_wait3A_1521 = tpu.memref_slice %arg6[%add3A_1512, %dma_wait3A_1519, %dma_wait3A_1520] : memref<8192x8x128xf32, #tpu.memory_space<hbm>> -> memref<16x8x128xf32, #tpu.memory_space<hbm>>
    %dma_wait3A_1522 = arith.constant 0 : i32
    %dma_wait3A_1523 = arith.constant 0 : i32
    %dma_wait3A_1524 = tpu.memref_slice %arg6[%add3A_1512, %dma_wait3A_1522, %dma_wait3A_1523] : memref<8192x8x128xf32, #tpu.memory_space<hbm>> -> memref<16x8x128xf32, #tpu.memory_space<hbm>>
    %dma_wait3A_1525 = arith.constant 0 : i32
    %dma_wait3A_1526 = arith.constant 0 : i32
    %dma_wait3A_1527 = arith.constant 0 : i32
    %dma_wait3A_1528 = tpu.memref_slice %arg13[%dma_wait3A_1513, %dma_wait3A_1525, %dma_wait3A_1526, %dma_wait3A_1527] : memref<2x16x8x128xf32, #tpu.memory_space<vmem>> -> memref<1x16x8x128xf32, #tpu.memory_space<vmem>>
    %dma_wait3A_1529 = tpu.memref_squeeze %dma_wait3A_1528 : memref<1x16x8x128xf32, #tpu.memory_space<vmem>> -> memref<16x8x128xf32, #tpu.memory_space<vmem>>
    tpu.wait_dma2 semaphore(%arg16 : memref<!tpu.dma_semaphore, #tpu.memory_space<semaphore_mem>>) src(%dma_wait3A_1529 : memref<16x8x128xf32, #tpu.memory_space<vmem>>) dst(%dma_wait3A_1524 : memref<16x8x128xf32, #tpu.memory_space<hbm>>)
    %scan3A_1530 = arith.constant 0 : i32
    %scan3A_1531 = arith.constant 0 : i32
    %scan3A_1532 = arith.constant 0 : i32
    %scan3A_1533 = arith.constant 0 : i32
    %scan3A_1534 = arith.constant 0 : i32
    %scan3A_1535 = arith.constant 16 : i32
    %scan3A_1536 = arith.addi %scan3A_1534, %scan3A_1535 : i32
    %scan3A_1537 = arith.constant 1 : i32
    %scan3A_1538 = scf.for %scan3A_1673 = %scan3A_1534 to %scan3A_1536 step %scan3A_1537 iter_args(%scan3A_1674 = %scan3A_1533) -> (i32)  : i32 {
      %add3A_1675 = arith.constant 224 : i32
      %add3A_1676 = arith.addi %mul3A_2, %add3A_1675 : i32
      %add3A_1677 = arith.addi %add3A_1676, %scan3A_1673 : i32
      %broadcast_in_dim3A = vector.broadcast %add3A_1677 : i32 to vector<16xi32>
      %ge3A = arith.constant 8 : i32
      %ge3A_1678 = vector.broadcast %ge3A : i32 to vector<16xi32>
      %ge3A_1679 = arith.cmpi sge, %broadcast_in_dim3A, %ge3A_1678 : vector<16xi32>
      %jit3A = arith.constant 3.000000e-01 : f32
      %jit3A_1680 = arith.constant 0.000000e+00 : f32
      %broadcast_in_dim3A_1681 = vector.broadcast %jit3A : f32 to vector<16xf32>
      %broadcast_in_dim3A_1682 = vector.broadcast %jit3A_1680 : f32 to vector<16xf32>
      %select_n3A = arith.select %ge3A_1679, %broadcast_in_dim3A_1681, %broadcast_in_dim3A_1682 : vector<16xi1>, vector<16xf32>
      %parallel_loop3A_1683 = arith.constant 0 : i32
      %parallel_loop3A_1684 = arith.constant 63 : i32
      %parallel_loop3A_1685 = arith.constant 1 : i32
      scf.for %parallel_loop3A_1687 = %parallel_loop3A_1683 to %parallel_loop3A_1684 step %parallel_loop3A_1685  : i32 {
        %parallel_loop3A_1688 = arith.constant 8 : i32
        %parallel_loop3A_1689 = arith.divsi %parallel_loop3A_1687, %parallel_loop3A_1688 : i32
        %parallel_loop3A_1690 = arith.constant 0 : i32
        %parallel_loop3A_1691 = arith.cmpi sgt, %parallel_loop3A_1687, %parallel_loop3A_1690 : i32
        %parallel_loop3A_1692 = arith.extui %parallel_loop3A_1691 : i1 to i32
        %parallel_loop3A_1693 = arith.constant 0 : i32
        %parallel_loop3A_1694 = arith.cmpi slt, %parallel_loop3A_1687, %parallel_loop3A_1693 : i32
        %parallel_loop3A_1695 = arith.extui %parallel_loop3A_1694 : i1 to i32
        %parallel_loop3A_1696 = arith.subi %parallel_loop3A_1692, %parallel_loop3A_1695 : i32
        %parallel_loop3A_1697 = arith.constant 0 : i32
        %parallel_loop3A_1698 = arith.cmpi sgt, %parallel_loop3A_1688, %parallel_loop3A_1697 : i32
        %parallel_loop3A_1699 = arith.extui %parallel_loop3A_1698 : i1 to i32
        %parallel_loop3A_1700 = arith.constant 0 : i32
        %parallel_loop3A_1701 = arith.cmpi slt, %parallel_loop3A_1688, %parallel_loop3A_1700 : i32
        %parallel_loop3A_1702 = arith.extui %parallel_loop3A_1701 : i1 to i32
        %parallel_loop3A_1703 = arith.subi %parallel_loop3A_1699, %parallel_loop3A_1702 : i32
        %parallel_loop3A_1704 = arith.cmpi ne, %parallel_loop3A_1696, %parallel_loop3A_1703 : i32
        %parallel_loop3A_1705 = arith.remsi %parallel_loop3A_1687, %parallel_loop3A_1688 : i32
        %parallel_loop3A_1706 = arith.constant 0 : i32
        %parallel_loop3A_1707 = arith.cmpi ne, %parallel_loop3A_1705, %parallel_loop3A_1706 : i32
        %parallel_loop3A_1708 = arith.andi %parallel_loop3A_1704, %parallel_loop3A_1707 : i1
        %parallel_loop3A_1709 = arith.constant 1 : i32
        %parallel_loop3A_1710 = arith.subi %parallel_loop3A_1689, %parallel_loop3A_1709 : i32
        %parallel_loop3A_1711 = arith.select %parallel_loop3A_1708, %parallel_loop3A_1710, %parallel_loop3A_1689 : i32
        %parallel_loop3A_1712 = arith.constant 8 : i32
        %parallel_loop3A_1713 = arith.constant 0 : i32
        %parallel_loop3A_1714 = arith.cmpi eq, %parallel_loop3A_1712, %parallel_loop3A_1713 : i32
        %parallel_loop3A_1715 = arith.constant 1 : i32
        %parallel_loop3A_1716 = arith.select %parallel_loop3A_1714, %parallel_loop3A_1715, %parallel_loop3A_1712 : i32
        %parallel_loop3A_1717 = arith.remsi %parallel_loop3A_1687, %parallel_loop3A_1716 : i32
        %parallel_loop3A_1718 = arith.constant 0 : i32
        %parallel_loop3A_1719 = arith.cmpi ne, %parallel_loop3A_1717, %parallel_loop3A_1718 : i32
        %parallel_loop3A_1720 = arith.constant 0 : i32
        %parallel_loop3A_1721 = arith.cmpi slt, %parallel_loop3A_1717, %parallel_loop3A_1720 : i32
        %parallel_loop3A_1722 = arith.constant 0 : i32
        %parallel_loop3A_1723 = arith.cmpi slt, %parallel_loop3A_1716, %parallel_loop3A_1722 : i32
        %parallel_loop3A_1724 = arith.xori %parallel_loop3A_1721, %parallel_loop3A_1723 : i1
        %parallel_loop3A_1725 = arith.andi %parallel_loop3A_1724, %parallel_loop3A_1719 : i1
        %parallel_loop3A_1726 = arith.addi %parallel_loop3A_1717, %parallel_loop3A_1716 : i32
        %parallel_loop3A_1727 = arith.select %parallel_loop3A_1725, %parallel_loop3A_1726, %parallel_loop3A_1717 : i32
        %parallel_loop3A_1728 = arith.constant 16 : i32
        %parallel_loop3A_1729 = arith.muli %parallel_loop3A_1727, %parallel_loop3A_1728 : i32
        %parallel_loop3A_1730 = arith.constant 16 : i32
        %parallel_loop3A_1731 = arith.muli %parallel_loop3A_1687, %parallel_loop3A_1730 : i32
        %parallel_loop3A_1732 = arith.index_cast %parallel_loop3A_1731 : i32 to index
        %parallel_loop3A_1733 = tpu.vector_load %arg10[%parallel_loop3A_1732] {strides = array<i32>} : memref<1024xf32, #tpu.memory_space<vmem>>, vector<16xf32>,
        %parallel_loop3A_1734 = arith.constant 0 : i32
        %parallel_loop3A_1735 = arith.constant 0 : i32
        %parallel_loop3A_1736 = arith.constant 0 : i32
        %parallel_loop3A_1737 = tpu.memref_slice %arg11[%scan3A_1530, %parallel_loop3A_1734, %parallel_loop3A_1735, %parallel_loop3A_1736] : memref<2x16x8x128xf32, #tpu.memory_space<vmem>> -> memref<1x16x8x128xf32, #tpu.memory_space<vmem>>
        %parallel_loop3A_1738 = tpu.memref_squeeze %parallel_loop3A_1737 : memref<1x16x8x128xf32, #tpu.memory_space<vmem>> -> memref<16x8x128xf32, #tpu.memory_space<vmem>>
        %parallel_loop3A_1739 = arith.index_cast %scan3A_1673 : i32 to index
        %parallel_loop3A_1740 = arith.index_cast %parallel_loop3A_1711 : i32 to index
        %parallel_loop3A_1741 = arith.index_cast %parallel_loop3A_1729 : i32 to index
        %parallel_loop3A_1742 = tpu.vector_load %parallel_loop3A_1738[%parallel_loop3A_1739, %parallel_loop3A_1740, %parallel_loop3A_1741] {strides = array<i32>} : memref<16x8x128xf32, #tpu.memory_space<vmem>>, vector<16xf32>,
        %parallel_loop3A_1743 = arith.constant 4.000000e-01 : f32
        %parallel_loop3A_1744 = vector.broadcast %parallel_loop3A_1743 : f32 to vector<16xf32>
        %parallel_loop3A_1745 = arith.mulf %parallel_loop3A_1744, %parallel_loop3A_1742 : vector<16xf32>
        %parallel_loop3A_1746 = arith.addf %parallel_loop3A_1733, %parallel_loop3A_1745 : vector<16xf32>
        %parallel_loop3A_1747 = arith.constant 0 : i32
        %parallel_loop3A_1748 = arith.constant 0 : i32
        %parallel_loop3A_1749 = arith.constant 0 : i32
        %parallel_loop3A_1750 = tpu.memref_slice %arg12[%scan3A_1531, %parallel_loop3A_1747, %parallel_loop3A_1748, %parallel_loop3A_1749] : memref<2x16x8x128xf32, #tpu.memory_space<vmem>> -> memref<1x16x8x128xf32, #tpu.memory_space<vmem>>
        %parallel_loop3A_1751 = tpu.memref_squeeze %parallel_loop3A_1750 : memref<1x16x8x128xf32, #tpu.memory_space<vmem>> -> memref<16x8x128xf32, #tpu.memory_space<vmem>>
        %parallel_loop3A_1752 = arith.index_cast %scan3A_1673 : i32 to index
        %parallel_loop3A_1753 = arith.index_cast %parallel_loop3A_1711 : i32 to index
        %parallel_loop3A_1754 = arith.index_cast %parallel_loop3A_1729 : i32 to index
        %parallel_loop3A_1755 = tpu.vector_load %parallel_loop3A_1751[%parallel_loop3A_1752, %parallel_loop3A_1753, %parallel_loop3A_1754] {strides = array<i32>} : memref<16x8x128xf32, #tpu.memory_space<vmem>>, vector<16xf32>,
        %parallel_loop3A_1756 = arith.mulf %select_n3A, %parallel_loop3A_1755 : vector<16xf32>
        %parallel_loop3A_1757 = arith.addf %parallel_loop3A_1746, %parallel_loop3A_1756 : vector<16xf32>
        %parallel_loop3A_1758 = arith.constant 0 : i32
        %parallel_loop3A_1759 = arith.constant 0 : i32
        %parallel_loop3A_1760 = arith.constant 0 : i32
        %parallel_loop3A_1761 = tpu.memref_slice %arg13[%scan3A_1532, %parallel_loop3A_1758, %parallel_loop3A_1759, %parallel_loop3A_1760] : memref<2x16x8x128xf32, #tpu.memory_space<vmem>> -> memref<1x16x8x128xf32, #tpu.memory_space<vmem>>
        %parallel_loop3A_1762 = tpu.memref_squeeze %parallel_loop3A_1761 : memref<1x16x8x128xf32, #tpu.memory_space<vmem>> -> memref<16x8x128xf32, #tpu.memory_space<vmem>>
        %parallel_loop3A_1763 = arith.index_cast %scan3A_1673 : i32 to index
        %parallel_loop3A_1764 = arith.index_cast %parallel_loop3A_1711 : i32 to index
        %parallel_loop3A_1765 = arith.index_cast %parallel_loop3A_1729 : i32 to index
        %parallel_loop3A_1766 = tpu.vector_load %parallel_loop3A_1762[%parallel_loop3A_1763, %parallel_loop3A_1764, %parallel_loop3A_1765] {strides = array<i32>} : memref<16x8x128xf32, #tpu.memory_space<vmem>>, vector<16xf32>,
        tpu.vector_store %parallel_loop3A_1762[%parallel_loop3A_1763, %parallel_loop3A_1764, %parallel_loop3A_1765], %parallel_loop3A_1757 {strides = array<i32>} : memref<16x8x128xf32, #tpu.memory_space<vmem>>, vector<16xf32>,
      } {sc.loop_unroll_factor = 4 : i64, sc.parallel_access}
      %scan3A_1686 = arith.constant 0 : i32
      scf.yield %scan3A_1686 : i32
    }
    %scan3A_1539 = arith.constant 16 : i32
    %add3A_1540 = arith.constant 224 : i32
    %add3A_1541 = arith.addi %mul3A_2, %add3A_1540 : i32
    %dma_start3A_1542 = arith.constant 0 : i32
    %dma_start3A_1543 = arith.constant 0 : i32
    %dma_start3A_1544 = arith.constant 0 : i32
    %dma_start3A_1545 = arith.constant 0 : i32
    %dma_start3A_1546 = tpu.memref_slice %arg13[%dma_start3A_1542, %dma_start3A_1543, %dma_start3A_1544, %dma_start3A_1545] : memref<2x16x8x128xf32, #tpu.memory_space<vmem>> -> memref<1x16x8x128xf32, #tpu.memory_space<vmem>>
    %dma_start3A_1547 = tpu.memref_squeeze %dma_start3A_1546 : memref<1x16x8x128xf32, #tpu.memory_space<vmem>> -> memref<16x8x128xf32, #tpu.memory_space<vmem>>
    %dma_start3A_1548 = arith.constant 0 : i32
    %dma_start3A_1549 = arith.constant 0 : i32
    %dma_start3A_1550 = tpu.memref_slice %arg6[%add3A_1541, %dma_start3A_1548, %dma_start3A_1549] : memref<8192x8x128xf32, #tpu.memory_space<hbm>> -> memref<16x8x128xf32, #tpu.memory_space<hbm>>
    %dma_start3A_1551 = arith.constant 0 : i32
    %dma_start3A_1552 = arith.constant 0 : i32
    %dma_start3A_1553 = tpu.memref_slice %arg6[%add3A_1541, %dma_start3A_1551, %dma_start3A_1552] : memref<8192x8x128xf32, #tpu.memory_space<hbm>> -> memref<16x8x128xf32, #tpu.memory_space<hbm>>
    %dma_start3A_1554 = arith.constant 0 : i32
    %dma_start3A_1555 = arith.constant 0 : i32
    %dma_start3A_1556 = arith.constant 0 : i32
    %dma_start3A_1557 = tpu.memref_slice %arg13[%dma_start3A_1542, %dma_start3A_1554, %dma_start3A_1555, %dma_start3A_1556] : memref<2x16x8x128xf32, #tpu.memory_space<vmem>> -> memref<1x16x8x128xf32, #tpu.memory_space<vmem>>
    %dma_start3A_1558 = tpu.memref_squeeze %dma_start3A_1557 : memref<1x16x8x128xf32, #tpu.memory_space<vmem>> -> memref<16x8x128xf32, #tpu.memory_space<vmem>>
    tpu.enqueue_dma source(%dma_start3A_1558 : memref<16x8x128xf32, #tpu.memory_space<vmem>>) target(%dma_start3A_1553 : memref<16x8x128xf32, #tpu.memory_space<hbm>>) target_semaphore(%arg16 : memref<!tpu.dma_semaphore, #tpu.memory_space<semaphore_mem>>)
    %dma_wait3A_1559 = arith.constant 15 : i32
    %dma_wait3A_1560 = arith.constant 1 : i32
    %dma_wait3A_1561 = arith.constant 0 : i32
    %dma_wait3A_1562 = arith.constant 0 : i32
    %dma_wait3A_1563 = arith.constant 0 : i32
    %dma_wait3A_1564 = tpu.memref_slice %arg11[%dma_wait3A_1560, %dma_wait3A_1561, %dma_wait3A_1562, %dma_wait3A_1563] : memref<2x16x8x128xf32, #tpu.memory_space<vmem>> -> memref<1x16x8x128xf32, #tpu.memory_space<vmem>>
    %dma_wait3A_1565 = tpu.memref_squeeze %dma_wait3A_1564 : memref<1x16x8x128xf32, #tpu.memory_space<vmem>> -> memref<16x8x128xf32, #tpu.memory_space<vmem>>
    %dma_wait3A_1566 = arith.constant 0 : i32
    %dma_wait3A_1567 = tpu.memref_slice %arg8[%dma_wait3A_1559, %dma_wait3A_1566] : memref<16x16xi32, #tpu.memory_space<vmem>> -> memref<1x16xi32, #tpu.memory_space<vmem>>
    %dma_wait3A_1568 = tpu.memref_squeeze %dma_wait3A_1567 : memref<1x16xi32, #tpu.memory_space<vmem>> -> memref<16xi32, #tpu.memory_space<vmem>>
    %dma_wait3A_1569 = arith.constant 0 : i32
    %dma_wait3A_1570 = arith.constant 0 : i32
    %dma_wait3A_1571 = arith.constant 0 : i32
    %dma_wait3A_1572 = tpu.memref_slice %arg4[%dma_wait3A_1569, %dma_wait3A_1570, %dma_wait3A_1571] : memref<1000x8x128xf32, #tpu.memory_space<hbm>> -> memref<1000x8x128xf32, #tpu.memory_space<hbm>>
    tpu.wait_indirect_dma semaphore(%arg15 : memref<!tpu.dma_semaphore, #tpu.memory_space<semaphore_mem>>) src(%dma_wait3A_1572 : memref<1000x8x128xf32, #tpu.memory_space<hbm>>) dst(%dma_wait3A_1565 : memref<16x8x128xf32, #tpu.memory_space<vmem>>)
    %dma_wait3A_1573 = arith.constant 15 : i32
    %dma_wait3A_1574 = arith.constant 1 : i32
    %dma_wait3A_1575 = arith.constant 0 : i32
    %dma_wait3A_1576 = arith.constant 0 : i32
    %dma_wait3A_1577 = arith.constant 0 : i32
    %dma_wait3A_1578 = tpu.memref_slice %arg12[%dma_wait3A_1574, %dma_wait3A_1575, %dma_wait3A_1576, %dma_wait3A_1577] : memref<2x16x8x128xf32, #tpu.memory_space<vmem>> -> memref<1x16x8x128xf32, #tpu.memory_space<vmem>>
    %dma_wait3A_1579 = tpu.memref_squeeze %dma_wait3A_1578 : memref<1x16x8x128xf32, #tpu.memory_space<vmem>> -> memref<16x8x128xf32, #tpu.memory_space<vmem>>
    %dma_wait3A_1580 = arith.constant 0 : i32
    %dma_wait3A_1581 = tpu.memref_slice %arg9[%dma_wait3A_1573, %dma_wait3A_1580] : memref<16x16xi32, #tpu.memory_space<vmem>> -> memref<1x16xi32, #tpu.memory_space<vmem>>
    %dma_wait3A_1582 = tpu.memref_squeeze %dma_wait3A_1581 : memref<1x16xi32, #tpu.memory_space<vmem>> -> memref<16xi32, #tpu.memory_space<vmem>>
    %dma_wait3A_1583 = arith.constant 0 : i32
    %dma_wait3A_1584 = arith.constant 0 : i32
    %dma_wait3A_1585 = arith.constant 0 : i32
    %dma_wait3A_1586 = tpu.memref_slice %arg5[%dma_wait3A_1583, %dma_wait3A_1584, %dma_wait3A_1585] : memref<8192x8x128xf32, #tpu.memory_space<hbm>> -> memref<8192x8x128xf32, #tpu.memory_space<hbm>>
    tpu.wait_indirect_dma semaphore(%arg15 : memref<!tpu.dma_semaphore, #tpu.memory_space<semaphore_mem>>) src(%dma_wait3A_1586 : memref<8192x8x128xf32, #tpu.memory_space<hbm>>) dst(%dma_wait3A_1579 : memref<16x8x128xf32, #tpu.memory_space<vmem>>)
    %add3A_1587 = arith.constant 208 : i32
    %add3A_1588 = arith.addi %mul3A_2, %add3A_1587 : i32
    %dma_wait3A_1589 = arith.constant 1 : i32
    %dma_wait3A_1590 = arith.constant 0 : i32
    %dma_wait3A_1591 = arith.constant 0 : i32
    %dma_wait3A_1592 = arith.constant 0 : i32
    %dma_wait3A_1593 = tpu.memref_slice %arg13[%dma_wait3A_1589, %dma_wait3A_1590, %dma_wait3A_1591, %dma_wait3A_1592] : memref<2x16x8x128xf32, #tpu.memory_space<vmem>> -> memref<1x16x8x128xf32, #tpu.memory_space<vmem>>
    %dma_wait3A_1594 = tpu.memref_squeeze %dma_wait3A_1593 : memref<1x16x8x128xf32, #tpu.memory_space<vmem>> -> memref<16x8x128xf32, #tpu.memory_space<vmem>>
    %dma_wait3A_1595 = arith.constant 0 : i32
    %dma_wait3A_1596 = arith.constant 0 : i32
    %dma_wait3A_1597 = tpu.memref_slice %arg6[%add3A_1588, %dma_wait3A_1595, %dma_wait3A_1596] : memref<8192x8x128xf32, #tpu.memory_space<hbm>> -> memref<16x8x128xf32, #tpu.memory_space<hbm>>
    %dma_wait3A_1598 = arith.constant 0 : i32
    %dma_wait3A_1599 = arith.constant 0 : i32
    %dma_wait3A_1600 = tpu.memref_slice %arg6[%add3A_1588, %dma_wait3A_1598, %dma_wait3A_1599] : memref<8192x8x128xf32, #tpu.memory_space<hbm>> -> memref<16x8x128xf32, #tpu.memory_space<hbm>>
    %dma_wait3A_1601 = arith.constant 0 : i32
    %dma_wait3A_1602 = arith.constant 0 : i32
    %dma_wait3A_1603 = arith.constant 0 : i32
    %dma_wait3A_1604 = tpu.memref_slice %arg13[%dma_wait3A_1589, %dma_wait3A_1601, %dma_wait3A_1602, %dma_wait3A_1603] : memref<2x16x8x128xf32, #tpu.memory_space<vmem>> -> memref<1x16x8x128xf32, #tpu.memory_space<vmem>>
    %dma_wait3A_1605 = tpu.memref_squeeze %dma_wait3A_1604 : memref<1x16x8x128xf32, #tpu.memory_space<vmem>> -> memref<16x8x128xf32, #tpu.memory_space<vmem>>
    tpu.wait_dma2 semaphore(%arg17 : memref<!tpu.dma_semaphore, #tpu.memory_space<semaphore_mem>>) src(%dma_wait3A_1605 : memref<16x8x128xf32, #tpu.memory_space<vmem>>) dst(%dma_wait3A_1600 : memref<16x8x128xf32, #tpu.memory_space<hbm>>)
    %scan3A_1606 = arith.constant 1 : i32
    %scan3A_1607 = arith.constant 1 : i32
    %scan3A_1608 = arith.constant 1 : i32
    %scan3A_1609 = arith.constant 0 : i32
    %scan3A_1610 = arith.constant 0 : i32
    %scan3A_1611 = arith.constant 16 : i32
    %scan3A_1612 = arith.addi %scan3A_1610, %scan3A_1611 : i32
    %scan3A_1613 = arith.constant 1 : i32
    %scan3A_1614 = scf.for %scan3A_1673 = %scan3A_1610 to %scan3A_1612 step %scan3A_1613 iter_args(%scan3A_1674 = %scan3A_1609) -> (i32)  : i32 {
      %add3A_1675 = arith.constant 240 : i32
      %add3A_1676 = arith.addi %mul3A_2, %add3A_1675 : i32
      %add3A_1677 = arith.addi %add3A_1676, %scan3A_1673 : i32
      %broadcast_in_dim3A = vector.broadcast %add3A_1677 : i32 to vector<16xi32>
      %ge3A = arith.constant 8 : i32
      %ge3A_1678 = vector.broadcast %ge3A : i32 to vector<16xi32>
      %ge3A_1679 = arith.cmpi sge, %broadcast_in_dim3A, %ge3A_1678 : vector<16xi32>
      %jit3A = arith.constant 3.000000e-01 : f32
      %jit3A_1680 = arith.constant 0.000000e+00 : f32
      %broadcast_in_dim3A_1681 = vector.broadcast %jit3A : f32 to vector<16xf32>
      %broadcast_in_dim3A_1682 = vector.broadcast %jit3A_1680 : f32 to vector<16xf32>
      %select_n3A = arith.select %ge3A_1679, %broadcast_in_dim3A_1681, %broadcast_in_dim3A_1682 : vector<16xi1>, vector<16xf32>
      %parallel_loop3A_1683 = arith.constant 0 : i32
      %parallel_loop3A_1684 = arith.constant 63 : i32
      %parallel_loop3A_1685 = arith.constant 1 : i32
      scf.for %parallel_loop3A_1687 = %parallel_loop3A_1683 to %parallel_loop3A_1684 step %parallel_loop3A_1685  : i32 {
        %parallel_loop3A_1688 = arith.constant 8 : i32
        %parallel_loop3A_1689 = arith.divsi %parallel_loop3A_1687, %parallel_loop3A_1688 : i32
        %parallel_loop3A_1690 = arith.constant 0 : i32
        %parallel_loop3A_1691 = arith.cmpi sgt, %parallel_loop3A_1687, %parallel_loop3A_1690 : i32
        %parallel_loop3A_1692 = arith.extui %parallel_loop3A_1691 : i1 to i32
        %parallel_loop3A_1693 = arith.constant 0 : i32
        %parallel_loop3A_1694 = arith.cmpi slt, %parallel_loop3A_1687, %parallel_loop3A_1693 : i32
        %parallel_loop3A_1695 = arith.extui %parallel_loop3A_1694 : i1 to i32
        %parallel_loop3A_1696 = arith.subi %parallel_loop3A_1692, %parallel_loop3A_1695 : i32
        %parallel_loop3A_1697 = arith.constant 0 : i32
        %parallel_loop3A_1698 = arith.cmpi sgt, %parallel_loop3A_1688, %parallel_loop3A_1697 : i32
        %parallel_loop3A_1699 = arith.extui %parallel_loop3A_1698 : i1 to i32
        %parallel_loop3A_1700 = arith.constant 0 : i32
        %parallel_loop3A_1701 = arith.cmpi slt, %parallel_loop3A_1688, %parallel_loop3A_1700 : i32
        %parallel_loop3A_1702 = arith.extui %parallel_loop3A_1701 : i1 to i32
        %parallel_loop3A_1703 = arith.subi %parallel_loop3A_1699, %parallel_loop3A_1702 : i32
        %parallel_loop3A_1704 = arith.cmpi ne, %parallel_loop3A_1696, %parallel_loop3A_1703 : i32
        %parallel_loop3A_1705 = arith.remsi %parallel_loop3A_1687, %parallel_loop3A_1688 : i32
        %parallel_loop3A_1706 = arith.constant 0 : i32
        %parallel_loop3A_1707 = arith.cmpi ne, %parallel_loop3A_1705, %parallel_loop3A_1706 : i32
        %parallel_loop3A_1708 = arith.andi %parallel_loop3A_1704, %parallel_loop3A_1707 : i1
        %parallel_loop3A_1709 = arith.constant 1 : i32
        %parallel_loop3A_1710 = arith.subi %parallel_loop3A_1689, %parallel_loop3A_1709 : i32
        %parallel_loop3A_1711 = arith.select %parallel_loop3A_1708, %parallel_loop3A_1710, %parallel_loop3A_1689 : i32
        %parallel_loop3A_1712 = arith.constant 8 : i32
        %parallel_loop3A_1713 = arith.constant 0 : i32
        %parallel_loop3A_1714 = arith.cmpi eq, %parallel_loop3A_1712, %parallel_loop3A_1713 : i32
        %parallel_loop3A_1715 = arith.constant 1 : i32
        %parallel_loop3A_1716 = arith.select %parallel_loop3A_1714, %parallel_loop3A_1715, %parallel_loop3A_1712 : i32
        %parallel_loop3A_1717 = arith.remsi %parallel_loop3A_1687, %parallel_loop3A_1716 : i32
        %parallel_loop3A_1718 = arith.constant 0 : i32
        %parallel_loop3A_1719 = arith.cmpi ne, %parallel_loop3A_1717, %parallel_loop3A_1718 : i32
        %parallel_loop3A_1720 = arith.constant 0 : i32
        %parallel_loop3A_1721 = arith.cmpi slt, %parallel_loop3A_1717, %parallel_loop3A_1720 : i32
        %parallel_loop3A_1722 = arith.constant 0 : i32
        %parallel_loop3A_1723 = arith.cmpi slt, %parallel_loop3A_1716, %parallel_loop3A_1722 : i32
        %parallel_loop3A_1724 = arith.xori %parallel_loop3A_1721, %parallel_loop3A_1723 : i1
        %parallel_loop3A_1725 = arith.andi %parallel_loop3A_1724, %parallel_loop3A_1719 : i1
        %parallel_loop3A_1726 = arith.addi %parallel_loop3A_1717, %parallel_loop3A_1716 : i32
        %parallel_loop3A_1727 = arith.select %parallel_loop3A_1725, %parallel_loop3A_1726, %parallel_loop3A_1717 : i32
        %parallel_loop3A_1728 = arith.constant 16 : i32
        %parallel_loop3A_1729 = arith.muli %parallel_loop3A_1727, %parallel_loop3A_1728 : i32
        %parallel_loop3A_1730 = arith.constant 16 : i32
        %parallel_loop3A_1731 = arith.muli %parallel_loop3A_1687, %parallel_loop3A_1730 : i32
        %parallel_loop3A_1732 = arith.index_cast %parallel_loop3A_1731 : i32 to index
        %parallel_loop3A_1733 = tpu.vector_load %arg10[%parallel_loop3A_1732] {strides = array<i32>} : memref<1024xf32, #tpu.memory_space<vmem>>, vector<16xf32>,
        %parallel_loop3A_1734 = arith.constant 0 : i32
        %parallel_loop3A_1735 = arith.constant 0 : i32
        %parallel_loop3A_1736 = arith.constant 0 : i32
        %parallel_loop3A_1737 = tpu.memref_slice %arg11[%scan3A_1606, %parallel_loop3A_1734, %parallel_loop3A_1735, %parallel_loop3A_1736] : memref<2x16x8x128xf32, #tpu.memory_space<vmem>> -> memref<1x16x8x128xf32, #tpu.memory_space<vmem>>
        %parallel_loop3A_1738 = tpu.memref_squeeze %parallel_loop3A_1737 : memref<1x16x8x128xf32, #tpu.memory_space<vmem>> -> memref<16x8x128xf32, #tpu.memory_space<vmem>>
        %parallel_loop3A_1739 = arith.index_cast %scan3A_1673 : i32 to index
        %parallel_loop3A_1740 = arith.index_cast %parallel_loop3A_1711 : i32 to index
        %parallel_loop3A_1741 = arith.index_cast %parallel_loop3A_1729 : i32 to index
        %parallel_loop3A_1742 = tpu.vector_load %parallel_loop3A_1738[%parallel_loop3A_1739, %parallel_loop3A_1740, %parallel_loop3A_1741] {strides = array<i32>} : memref<16x8x128xf32, #tpu.memory_space<vmem>>, vector<16xf32>,
        %parallel_loop3A_1743 = arith.constant 4.000000e-01 : f32
        %parallel_loop3A_1744 = vector.broadcast %parallel_loop3A_1743 : f32 to vector<16xf32>
        %parallel_loop3A_1745 = arith.mulf %parallel_loop3A_1744, %parallel_loop3A_1742 : vector<16xf32>
        %parallel_loop3A_1746 = arith.addf %parallel_loop3A_1733, %parallel_loop3A_1745 : vector<16xf32>
        %parallel_loop3A_1747 = arith.constant 0 : i32
        %parallel_loop3A_1748 = arith.constant 0 : i32
        %parallel_loop3A_1749 = arith.constant 0 : i32
        %parallel_loop3A_1750 = tpu.memref_slice %arg12[%scan3A_1607, %parallel_loop3A_1747, %parallel_loop3A_1748, %parallel_loop3A_1749] : memref<2x16x8x128xf32, #tpu.memory_space<vmem>> -> memref<1x16x8x128xf32, #tpu.memory_space<vmem>>
        %parallel_loop3A_1751 = tpu.memref_squeeze %parallel_loop3A_1750 : memref<1x16x8x128xf32, #tpu.memory_space<vmem>> -> memref<16x8x128xf32, #tpu.memory_space<vmem>>
        %parallel_loop3A_1752 = arith.index_cast %scan3A_1673 : i32 to index
        %parallel_loop3A_1753 = arith.index_cast %parallel_loop3A_1711 : i32 to index
        %parallel_loop3A_1754 = arith.index_cast %parallel_loop3A_1729 : i32 to index
        %parallel_loop3A_1755 = tpu.vector_load %parallel_loop3A_1751[%parallel_loop3A_1752, %parallel_loop3A_1753, %parallel_loop3A_1754] {strides = array<i32>} : memref<16x8x128xf32, #tpu.memory_space<vmem>>, vector<16xf32>,
        %parallel_loop3A_1756 = arith.mulf %select_n3A, %parallel_loop3A_1755 : vector<16xf32>
        %parallel_loop3A_1757 = arith.addf %parallel_loop3A_1746, %parallel_loop3A_1756 : vector<16xf32>
        %parallel_loop3A_1758 = arith.constant 0 : i32
        %parallel_loop3A_1759 = arith.constant 0 : i32
        %parallel_loop3A_1760 = arith.constant 0 : i32
        %parallel_loop3A_1761 = tpu.memref_slice %arg13[%scan3A_1608, %parallel_loop3A_1758, %parallel_loop3A_1759, %parallel_loop3A_1760] : memref<2x16x8x128xf32, #tpu.memory_space<vmem>> -> memref<1x16x8x128xf32, #tpu.memory_space<vmem>>
        %parallel_loop3A_1762 = tpu.memref_squeeze %parallel_loop3A_1761 : memref<1x16x8x128xf32, #tpu.memory_space<vmem>> -> memref<16x8x128xf32, #tpu.memory_space<vmem>>
        %parallel_loop3A_1763 = arith.index_cast %scan3A_1673 : i32 to index
        %parallel_loop3A_1764 = arith.index_cast %parallel_loop3A_1711 : i32 to index
        %parallel_loop3A_1765 = arith.index_cast %parallel_loop3A_1729 : i32 to index
        %parallel_loop3A_1766 = tpu.vector_load %parallel_loop3A_1762[%parallel_loop3A_1763, %parallel_loop3A_1764, %parallel_loop3A_1765] {strides = array<i32>} : memref<16x8x128xf32, #tpu.memory_space<vmem>>, vector<16xf32>,
        tpu.vector_store %parallel_loop3A_1762[%parallel_loop3A_1763, %parallel_loop3A_1764, %parallel_loop3A_1765], %parallel_loop3A_1757 {strides = array<i32>} : memref<16x8x128xf32, #tpu.memory_space<vmem>>, vector<16xf32>,
      } {sc.loop_unroll_factor = 4 : i64, sc.parallel_access}
      %scan3A_1686 = arith.constant 0 : i32
      scf.yield %scan3A_1686 : i32
    }
    %scan3A_1615 = arith.constant 16 : i32
    %add3A_1616 = arith.constant 240 : i32
    %add3A_1617 = arith.addi %mul3A_2, %add3A_1616 : i32
    %dma_start3A_1618 = arith.constant 1 : i32
    %dma_start3A_1619 = arith.constant 0 : i32
    %dma_start3A_1620 = arith.constant 0 : i32
    %dma_start3A_1621 = arith.constant 0 : i32
    %dma_start3A_1622 = tpu.memref_slice %arg13[%dma_start3A_1618, %dma_start3A_1619, %dma_start3A_1620, %dma_start3A_1621] : memref<2x16x8x128xf32, #tpu.memory_space<vmem>> -> memref<1x16x8x128xf32, #tpu.memory_space<vmem>>
    %dma_start3A_1623 = tpu.memref_squeeze %dma_start3A_1622 : memref<1x16x8x128xf32, #tpu.memory_space<vmem>> -> memref<16x8x128xf32, #tpu.memory_space<vmem>>
    %dma_start3A_1624 = arith.constant 0 : i32
    %dma_start3A_1625 = arith.constant 0 : i32
    %dma_start3A_1626 = tpu.memref_slice %arg6[%add3A_1617, %dma_start3A_1624, %dma_start3A_1625] : memref<8192x8x128xf32, #tpu.memory_space<hbm>> -> memref<16x8x128xf32, #tpu.memory_space<hbm>>
    %dma_start3A_1627 = arith.constant 0 : i32
    %dma_start3A_1628 = arith.constant 0 : i32
    %dma_start3A_1629 = tpu.memref_slice %arg6[%add3A_1617, %dma_start3A_1627, %dma_start3A_1628] : memref<8192x8x128xf32, #tpu.memory_space<hbm>> -> memref<16x8x128xf32, #tpu.memory_space<hbm>>
    %dma_start3A_1630 = arith.constant 0 : i32
    %dma_start3A_1631 = arith.constant 0 : i32
    %dma_start3A_1632 = arith.constant 0 : i32
    %dma_start3A_1633 = tpu.memref_slice %arg13[%dma_start3A_1618, %dma_start3A_1630, %dma_start3A_1631, %dma_start3A_1632] : memref<2x16x8x128xf32, #tpu.memory_space<vmem>> -> memref<1x16x8x128xf32, #tpu.memory_space<vmem>>
    %dma_start3A_1634 = tpu.memref_squeeze %dma_start3A_1633 : memref<1x16x8x128xf32, #tpu.memory_space<vmem>> -> memref<16x8x128xf32, #tpu.memory_space<vmem>>
    tpu.enqueue_dma source(%dma_start3A_1634 : memref<16x8x128xf32, #tpu.memory_space<vmem>>) target(%dma_start3A_1629 : memref<16x8x128xf32, #tpu.memory_space<hbm>>) target_semaphore(%arg17 : memref<!tpu.dma_semaphore, #tpu.memory_space<semaphore_mem>>)
    %add3A_1635 = arith.constant 224 : i32
    %add3A_1636 = arith.addi %mul3A_2, %add3A_1635 : i32
    %dma_wait3A_1637 = arith.constant 0 : i32
    %dma_wait3A_1638 = arith.constant 0 : i32
    %dma_wait3A_1639 = arith.constant 0 : i32
    %dma_wait3A_1640 = arith.constant 0 : i32
    %dma_wait3A_1641 = tpu.memref_slice %arg13[%dma_wait3A_1637, %dma_wait3A_1638, %dma_wait3A_1639, %dma_wait3A_1640] : memref<2x16x8x128xf32, #tpu.memory_space<vmem>> -> memref<1x16x8x128xf32, #tpu.memory_space<vmem>>
    %dma_wait3A_1642 = tpu.memref_squeeze %dma_wait3A_1641 : memref<1x16x8x128xf32, #tpu.memory_space<vmem>> -> memref<16x8x128xf32, #tpu.memory_space<vmem>>
    %dma_wait3A_1643 = arith.constant 0 : i32
    %dma_wait3A_1644 = arith.constant 0 : i32
    %dma_wait3A_1645 = tpu.memref_slice %arg6[%add3A_1636, %dma_wait3A_1643, %dma_wait3A_1644] : memref<8192x8x128xf32, #tpu.memory_space<hbm>> -> memref<16x8x128xf32, #tpu.memory_space<hbm>>
    %dma_wait3A_1646 = arith.constant 0 : i32
    %dma_wait3A_1647 = arith.constant 0 : i32
    %dma_wait3A_1648 = tpu.memref_slice %arg6[%add3A_1636, %dma_wait3A_1646, %dma_wait3A_1647] : memref<8192x8x128xf32, #tpu.memory_space<hbm>> -> memref<16x8x128xf32, #tpu.memory_space<hbm>>
    %dma_wait3A_1649 = arith.constant 0 : i32
    %dma_wait3A_1650 = arith.constant 0 : i32
    %dma_wait3A_1651 = arith.constant 0 : i32
    %dma_wait3A_1652 = tpu.memref_slice %arg13[%dma_wait3A_1637, %dma_wait3A_1649, %dma_wait3A_1650, %dma_wait3A_1651] : memref<2x16x8x128xf32, #tpu.memory_space<vmem>> -> memref<1x16x8x128xf32, #tpu.memory_space<vmem>>
    %dma_wait3A_1653 = tpu.memref_squeeze %dma_wait3A_1652 : memref<1x16x8x128xf32, #tpu.memory_space<vmem>> -> memref<16x8x128xf32, #tpu.memory_space<vmem>>
    tpu.wait_dma2 semaphore(%arg16 : memref<!tpu.dma_semaphore, #tpu.memory_space<semaphore_mem>>) src(%dma_wait3A_1653 : memref<16x8x128xf32, #tpu.memory_space<vmem>>) dst(%dma_wait3A_1648 : memref<16x8x128xf32, #tpu.memory_space<hbm>>)
    %add3A_1654 = arith.constant 240 : i32
    %add3A_1655 = arith.addi %mul3A_2, %add3A_1654 : i32
    %dma_wait3A_1656 = arith.constant 1 : i32
    %dma_wait3A_1657 = arith.constant 0 : i32
    %dma_wait3A_1658 = arith.constant 0 : i32
    %dma_wait3A_1659 = arith.constant 0 : i32
    %dma_wait3A_1660 = tpu.memref_slice %arg13[%dma_wait3A_1656, %dma_wait3A_1657, %dma_wait3A_1658, %dma_wait3A_1659] : memref<2x16x8x128xf32, #tpu.memory_space<vmem>> -> memref<1x16x8x128xf32, #tpu.memory_space<vmem>>
    %dma_wait3A_1661 = tpu.memref_squeeze %dma_wait3A_1660 : memref<1x16x8x128xf32, #tpu.memory_space<vmem>> -> memref<16x8x128xf32, #tpu.memory_space<vmem>>
    %dma_wait3A_1662 = arith.constant 0 : i32
    %dma_wait3A_1663 = arith.constant 0 : i32
    %dma_wait3A_1664 = tpu.memref_slice %arg6[%add3A_1655, %dma_wait3A_1662, %dma_wait3A_1663] : memref<8192x8x128xf32, #tpu.memory_space<hbm>> -> memref<16x8x128xf32, #tpu.memory_space<hbm>>
    %dma_wait3A_1665 = arith.constant 0 : i32
    %dma_wait3A_1666 = arith.constant 0 : i32
    %dma_wait3A_1667 = tpu.memref_slice %arg6[%add3A_1655, %dma_wait3A_1665, %dma_wait3A_1666] : memref<8192x8x128xf32, #tpu.memory_space<hbm>> -> memref<16x8x128xf32, #tpu.memory_space<hbm>>
    %dma_wait3A_1668 = arith.constant 0 : i32
    %dma_wait3A_1669 = arith.constant 0 : i32
    %dma_wait3A_1670 = arith.constant 0 : i32
    %dma_wait3A_1671 = tpu.memref_slice %arg13[%dma_wait3A_1656, %dma_wait3A_1668, %dma_wait3A_1669, %dma_wait3A_1670] : memref<2x16x8x128xf32, #tpu.memory_space<vmem>> -> memref<1x16x8x128xf32, #tpu.memory_space<vmem>>
    %dma_wait3A_1672 = tpu.memref_squeeze %dma_wait3A_1671 : memref<1x16x8x128xf32, #tpu.memory_space<vmem>> -> memref<16x8x128xf32, #tpu.memory_space<vmem>>
    tpu.wait_dma2 semaphore(%arg17 : memref<!tpu.dma_semaphore, #tpu.memory_space<semaphore_mem>>) src(%dma_wait3A_1672 : memref<16x8x128xf32, #tpu.memory_space<vmem>>) dst(%dma_wait3A_1667 : memref<16x8x128xf32, #tpu.memory_space<hbm>>)
    return
  }
}

module attributes {stable_mosaic.version = 14 : i64} {
  func.func @_tc_epilogue(%arg0: i32, %arg1: memref<1024x8x128xf32, #tpu.memory_space<vmem>>, %arg2: memref<256x4x1000xf32, #tpu.memory_space<vmem>>) attributes {dimension_semantics = [#tpu.dimension_semantics<arbitrary>], iteration_bounds = array<i64: 8>, scalar_prefetch = 0 : i64, scratch_operands = 0 : i64, tpu.core_type = #tpu.core_type<tc>, window_params = [{transform_indices = @transform_0, window_bounds = array<i64: 1024, 8, 128>}, {transform_indices = @transform_1, window_bounds = array<i64: 256, 4, 1000>}]} {
    %get3A = arith.constant 0 : index
    %get3A_0 = arith.constant 0 : index
    %get3A_1 = arith.constant 0 : index
    %get3A_2 = vector.load %arg1[%get3A, %get3A_0, %get3A_1] : memref<1024x8x128xf32, #tpu.memory_space<vmem>>, vector<1024x8x128xf32>
    %iota3A = tpu.iota {dimensions = array<i32: 1>} : vector<1024x8x128xi32>
    %iota3A_3 = tpu.iota {dimensions = array<i32: 2>} : vector<1024x8x128xi32>
    %mul3A = arith.constant 128 : i32
    %mul3A_4 = vector.broadcast %mul3A : i32 to vector<1024x8x128xi32>
    %mul3A_5 = arith.muli %iota3A, %mul3A_4 : vector<1024x8x128xi32>
    %add3A = arith.addi %mul3A_5, %iota3A_3 : vector<1024x8x128xi32>
    %lt3A = arith.constant 1000 : i32
    %lt3A_6 = vector.broadcast %lt3A : i32 to vector<1024x8x128xi32>
    %lt3A_7 = arith.cmpi slt, %add3A, %lt3A_6 : vector<1024x8x128xi32>
    %jit3A = arith.constant 0.000000e+00 : f32
    %broadcast_in_dim3A = vector.broadcast %jit3A : f32 to vector<1024x8x128xf32>
    %select_n3A = arith.select %lt3A_7, %get3A_2, %broadcast_in_dim3A : vector<1024x8x128xi1>, vector<1024x8x128xf32>
    %reduce_sum3A = arith.constant dense<0.000000e+00> : vector<1024xf32>
    %reduce_sum3A_8 = vector.multi_reduction <add>, %select_n3A, %reduce_sum3A [1, 2] : vector<1024x8x128xf32> to vector<1024xf32>
    %broadcast_in_dim3A_9 = vector.shape_cast %reduce_sum3A_8 : vector<1024xf32> to vector<1024x1x1xf32>
    %add3A_10 = arith.constant 1.000000e-10 : f32
    %add3A_11 = vector.broadcast %add3A_10 : f32 to vector<1024x1x1xf32>
    %add3A_12 = arith.addf %broadcast_in_dim3A_9, %add3A_11 : vector<1024x1x1xf32>
    %div3A = vector.broadcast %add3A_12 : vector<1024x1x1xf32> to vector<1024x8x128xf32>
    %div3A_13 = arith.divf %select_n3A, %div3A : vector<1024x8x128xf32>
    %add3A_14 = arith.constant 1.000000e-10 : f32
    %add3A_15 = vector.broadcast %add3A_14 : f32 to vector<1024x8x128xf32>
    %add3A_16 = arith.addf %add3A_15, %div3A_13 : vector<1024x8x128xf32>
    %log3A = math.log %add3A_16 : vector<1024x8x128xf32>
    %reshape3A = vector.shape_cast %log3A : vector<1024x8x128xf32> to vector<1024x1024xf32>
    %slice3A = vector.extract_strided_slice %reshape3A {offsets = [0, 0], sizes = [1024, 1000], strides = [1, 1]} : vector<1024x1024xf32> to vector<1024x1000xf32>
    %reshape3A_17 = vector.shape_cast %slice3A : vector<1024x1000xf32> to vector<256x4x1000xf32>
    %swap3A = arith.constant 0 : index
    %swap3A_18 = arith.constant 0 : index
    %swap3A_19 = arith.constant 0 : index
    %swap3A_20 = vector.load %arg2[%swap3A, %swap3A_18, %swap3A_19] : memref<256x4x1000xf32, #tpu.memory_space<vmem>>, vector<256x4x1000xf32>
    tpu.vector_store %arg2[%swap3A, %swap3A_18, %swap3A_19], %reshape3A_17 {strides = array<i32>} : memref<256x4x1000xf32, #tpu.memory_space<vmem>>, vector<256x4x1000xf32>,
    return
  }
  func.func @transform_0(%arg0: i32) -> (i32, i32, i32) {
    %c0_i32 = arith.constant 0 : i32
    %c0_i32_0 = arith.constant 0 : i32
    %c0_i32_1 = arith.constant 0 : i32
    return %arg0, %c0_i32, %c0_i32_0 : i32, i32, i32
  }
  func.func @transform_1(%arg0: i32) -> (i32, i32, i32) {
    %c0_i32 = arith.constant 0 : i32
    %c0_i32_0 = arith.constant 0 : i32
    %c0_i32_1 = arith.constant 0 : i32
    return %arg0, %c0_i32, %c0_i32_0 : i32, i32, i32
  }
}

</mosaic_0001>

<sc_bundles>
// kernel: kernel.4.cloned.1.call-start
scs
__scs_entry_jumppad:
0x0: {  	(pc) =	sbr.rel $0x88, $3  }
0x1: {  	(tag) =	ssettag $0x0;
	lr =	simm.s32 $0x1  }
0x2: {  	[smem:$0x3F9D] =	sst lr;
	_ =	strace $0xD0000000  }
0x3: {  	_ = 	snop  }
0x4: {  	_ = 	snop  }
0x5: {  	_ = 	snop  }
0x6: {  	_ = 	snop  }
0x7: {  	_ = 	snop  }
__scs_overlays_trampoline_lowered:
0x8: {  	[smem:$0x3FAC] =	sst s0  }
0x9: {  	[smem:$0x3FAD] =	sst s1  }
0xa: {  	[smem:$0x3FAE] =	sst s2  }
0xb: {  	[smem:$0x3FAF] =	sst s3  }
0xc: {  	[smem:$0x3FB0] =	sst s4  }
0xd: {  	[smem:$0x3FB1] =	sst s5  }
0xe: {  	[smem:$0x3FB2] =	sst s6  }
0xf: {  	[smem:$0x3FB3] =	sst s7  }
0x10: {  	[smem:$0x3FB4] =	sst s8  }
0x11: {  	[smem:$0x3FB5] =	sst s9;
	s0 =	simm.s32 @!p0 $0x0  }
0x12: {  	s1 =	sld [smem:$0x3F9B];
	s0 =	simm.s32 @p0 $0x1  }
0x13: {  	[smem:$0x3FB6] =	sst s0;
	s0 =	simm.s32 @!p1 $0x0  }
0x14: {  	s2 =	sld [smem:$0x3F9A];
	s0 =	simm.s32 @p1 $0x1  }
0x15: {  	[smem:$0x3FB7] =	sst s0;
	s0 =	simm.s32 @!p2 $0x0  }
0x16: {  	s3 =	sld [smem:$0x3FDB];
	s0 =	simm.s32 @p2 $0x1  }
0x17: {  	s4 =	simm.s32 $0x1BF5;
	[smem:$0x3FB9] =	sst s0  }
0x18: {  	s0 =	sld [smem:$0x3F9C];
	_ =	swait.ge [sflag:s4], $0x0  }
0x19: {  	s7 =	sld [smem:$0x3F9D]  }
0x1a: {  	s8 =	sadd.s32 $0xFFFFE003, lr  }
0x1b: {  	s9 =	sadd.s32 $0xFFFFFEF7, lr;
	s5 =	simm.s32 $0xFFFFFFFF;
	p2 =	slt.u32 s8, $0xFFFFF086  }
0x1c: {  	p1 =	slt.u32 s9, $0xF7A;
	s5 =	simm.s32 @!p2 $0x0  }
0x1d: {  	s5 =	simm.s32 @p1 $0x1;
	p0 =	seq.s32 s7, s2  }
0x1e: {  	s7 =	smul.u32 @!p0 $0xF7A, s2;
	p2 =	seq.s32 @!p0 s5, $0x0  }
0x1f: {  	s9 =	smul.u32 $0xF7A, s1;
	s8 =	simm.s32 @!p0 $0x1BF5;
	p2 =	por !p2, p0  }
0x20: {  	[sflag:s8] =	ssyncset.s32 @!p0 $0xFFFFF086;
	s6 =	sadd.s32 @!p0 s3, s7;
	s7 =	simm.s32 @!p0 $0x108  }
0x21: {  	s3 =	sadd.s32 s3, s9;
	s6 =	sadd.s32 @!p0 $0x88, s6;
	s7 =	simm.s32 @p2 $0x1082  }
0x22: {  	[simem:s7], [sflag:s8] =	dma.local @!p0 [hbm:s6], $0xF7A  }
0x23: {  	s9 =	sor.u32 $0xD0000000, s2;
	s6 =	simm.s32 $0x108;
	_ =	swait.ge @!p0 [sflag:s8], $0x0  }
0x24: {  	s3 =	sadd.s32 $0x88, s3;
	s6 =	simm.s32 @!p1 $0x1082;
	[sflag:s4] =	ssyncset.s32 $0xFFFFF086  }
0x25: {  	[simem:s6], [sflag:s4] =	dma.local [hbm:s3], $0xF7A  }
0x26: {  	[smem:$0x3F9D] =	sst s1;
	(tag) =	ssettag s2;
	_ =	strace s9  }
0x27: {  	s1 =	sld [smem:$0x3FAD]  }
0x28: {  	s2 =	sld [smem:$0x3FAE]  }
0x29: {  	s4 =	sld [smem:$0x3FB0]  }
0x2a: {  	p0 =	seq.s32 s5, $0x0;
	s5 =	sld [smem:$0x3FB1]  }
0x2b: {  	s6 =	sld [smem:$0x3FB2]  }
0x2c: {  	s7 =	sld [smem:$0x3FB3]  }
0x2d: {  	s3 =	simm.s32 $0x108;
	s8 =	sld [smem:$0x3FB4]  }
0x2e: {  	s3 =	simm.s32 @!p0 $0x1082;
	s9 =	sld [smem:$0x3FB5]  }
0x2f: {  	lr =	sadd.s32 s0, s3;
	s0 =	sld [smem:$0x3FAC]  }
0x30: {  	s3 =	sld [smem:$0x3FAF]  }
0x31: {  	[smem:$0x3FB8] =	sst s10  }
0x32: {  	s10 =	sld [smem:$0x3FB6];
	_ =	sdelay $0x3  }
0x33: {  	p0 =	seq.s32 s10, $0x1;
	s10 =	sld [smem:$0x3FB8];
	_ =	sdelay $0x3  }
0x34: {  	[smem:$0x3FB8] =	sst s10  }
0x35: {  	s10 =	sld [smem:$0x3FB7];
	_ =	sdelay $0x3  }
0x36: {  	p1 =	seq.s32 s10, $0x1;
	s10 =	sld [smem:$0x3FB8];
	_ =	sdelay $0x3  }
0x37: {  	[smem:$0x3FB8] =	sst s10  }
0x38: {  	s10 =	sld [smem:$0x3FB9]  }
0x39: {  	_ = 	snop;
	(pc) =	sbr.ind lr, $3  }
0x3a: {  	_ = 	snop  }
0x3b: {  	_ = 	snop  }
0x3c: {  	p2 =	seq.s32 s10, $0x1;
	s10 =	sld [smem:$0x3FB8]  }
0x3d: {  	_ =	shalt  }
0x3e: {  	_ =	shalt  }
0x3f: {  	_ =	shalt  }
0x40: {  	_ =	shalt  }
0x41: {  	_ =	shalt  }
0x42: {  	_ =	shalt  }
0x43: {  	_ =	shalt  }
0x44: {  	_ =	shalt  }
0x45: {  	_ =	shalt  }
0x46: {  	_ =	shalt  }
0x47: {  	_ =	shalt  }
0x48: {  	_ =	shalt  }
0x49: {  	_ =	shalt  }
0x4a: {  	_ =	shalt  }
0x4b: {  	_ =	shalt  }
0x4c: {  	_ =	shalt  }
0x4d: {  	_ =	shalt  }
0x4e: {  	_ =	shalt  }
0x4f: {  	_ =	shalt  }
0x50: {  	_ =	shalt  }
0x51: {  	_ =	shalt  }
0x52: {  	_ =	shalt  }
0x53: {  	_ =	shalt  }
0x54: {  	_ =	shalt  }
0x55: {  	_ =	shalt  }
0x56: {  	_ =	shalt  }
0x57: {  	_ =	shalt  }
0x58: {  	_ =	shalt  }
0x59: {  	_ =	shalt  }
0x5a: {  	_ =	shalt  }
0x5b: {  	_ =	shalt  }
0x5c: {  	_ =	shalt  }
0x5d: {  	_ =	shalt  }
0x5e: {  	_ =	shalt  }
0x5f: {  	_ =	shalt  }
0x60: {  	_ =	shalt  }
0x61: {  	_ =	shalt  }
0x62: {  	_ =	shalt  }
0x63: {  	_ =	shalt  }
0x64: {  	_ =	shalt  }
0x65: {  	_ =	shalt  }
0x66: {  	_ =	shalt  }
0x67: {  	_ =	shalt  }
0x68: {  	_ =	shalt  }
0x69: {  	_ =	shalt  }
0x6a: {  	_ =	shalt  }
0x6b: {  	_ =	shalt  }
0x6c: {  	_ =	shalt  }
0x6d: {  	_ =	shalt  }
0x6e: {  	_ =	shalt  }
0x6f: {  	_ =	shalt  }
0x70: {  	_ =	shalt  }
0x71: {  	_ =	shalt  }
0x72: {  	_ =	shalt  }
0x73: {  	_ =	shalt  }
0x74: {  	_ =	shalt  }
0x75: {  	_ =	shalt  }
0x76: {  	_ =	shalt  }
0x77: {  	_ =	shalt  }
0x78: {  	_ =	shalt  }
0x79: {  	_ =	shalt  }
0x7a: {  	_ =	shalt  }
0x7b: {  	_ =	shalt  }
0x7c: {  	_ =	shalt  }
0x7d: {  	_ =	shalt  }
0x7e: {  	_ =	shalt  }
0x7f: {  	_ =	shalt  }
0x80: {  	_ =	shalt  }
0x81: {  	_ =	shalt  }
0x82: {  	_ =	shalt  }
0x83: {  	_ =	shalt  }
0x84: {  	_ =	shalt  }
0x85: {  	_ =	shalt  }
0x86: {  	_ =	shalt  }
0x87: {  	_ =	shalt  }
.Lfunc_end0:
.L_simem_size_0:
called_computation.1_lowered:
.L_overlay_start_0:
0x88: {  	s2 =	sld [smem:$0x3FD9]  }
0x89: {  	s3 =	sld [smem:$0x3FFE];
	_ =	sdelay $0x1  }
0x8a: {  	s1 =	srdreg.scid  }
0x8b: {  	s0 =	sand.u32 $0x1, s1  }
0x8c: {  	s17 =	sshll.u32 s0, $0xA;
	s2 =	sadd.s32 s3, s2  }
0x8d: {  	s2 =	sadd.s32 s2, s17  }
0x8e: {  	[smem:$0x3FC4] =	sst s2  }
0x8f: {  	_ = 	snop  }
0x90: {  	s2 =	sld [smem:$0x3FC8]  }
0x91: {  	s18 =	sld [smem:$0x3FD0];
	(tm) =	ssettm $0x1  }
0x92: {  	s4 =	sld [smem:$0x3FFB];
	_ =	sdelay $0x3  }
0x93: {  	_ =	strace s4  }
0x94: {  	s4 =	sld [smem:$0x3FFC];
	_ =	sdelay $0x3  }
0x95: {  	_ =	strace s4  }
0x96: {  	s4 =	sld [smem:$0x3FFD];
	_ =	sdelay $0x3  }
0x97: {  	_ =	strace s4  }
0x98: {  	_ =	strace $0x8FFFFFFF  }
0x99: {  	s19 =	sld [smem:$0x3FDB];
	_ =	sdelay $0x1  }
0x9a: {  	s5 =	simm.s32 $_scs_section_size  }
0x9b: {  	s6 =	simm.s32 $_size__tile_overlayer_lowered;
	s7 =	simm.s32 $_tile_overlayer_lowered  }
0x9c: {  	s22 =	simm.s32 $0x1BFF;
	s21 =	sshll.u32 s7, $0x1;
	s4 =	sadd.s32 s5, s19  }
0x9d: {  	s8 =	simm.s32 $0x0;
	s20 =	sshll.u32 s6, $0x1;
	s6 =	sadd.s32 s21, s4  }
0x9e: {  	[timem:s8], [sflag:s22] =	dma.local [hbm:s6], s20  }
0x9f: {  	_ =	swait.ge [sflag:s22], s20  }
0xa0: {  	s5 =	ssub.s32 $0x0, s20;
	[sflag:s22] =	ssyncset.done $0x0  }
0xa1: {  	[sflag:s22] =	ssyncadd.s32 s5;
	_ =	sdelay $0x1  }
0xa2: {  	s23 =	simm.s32 $0x1B8B  }
0xa3: {  	_ =	swait.ge [sflag:s23], $0x1  }
0xa4: {  	[sflag:s23] =	ssyncset.done $0x0  }
0xa5: {  	s25 =	simm.s32 $0x1B8E;
	s24 =	sld [smem:$0x3FFE];
	[sflag:s23] =	ssyncadd.s32 $0xFFFFFFFF  }
0xa6: {  	s26 =	simm.s32 $execute0_lowered;
	[smem:$0x3FD2] =	sst s25  }
0xa7: {  	s6 =	sshll.u32 s26, $0x1;
	_ =	strace $0x80000049;
	[dreg:$0x1] =	wrdreg $0xFFFFFFFF  }
0xa8: {  	s28 =	simm.s32 $_size_execute0_lowered;
	s4 =	sadd.s32 s4, s6;
	[dreg:$0x0] =	wrdreg $0x0  }
0xa9: {  	s6 =	sshll.u32 s28, $0x1;
	[dreg:$0x2] =	wrdreg s4  }
0xaa: {  	[dreg:$0x3] =	wrdreg s6  }
0xab: {  	[dreg:$0x4] =	wrdreg $0xC0  }
0xac: {  	_ =	task [dreg:s8], $0x5FFFF  }
0xad: {  	[dreg:$0x1] =	wrdreg $0xFFFFFFFF  }
0xae: {  	[dreg:$0x0] =	wrdreg $0x60  }
0xaf: {  	[dreg:$0x2] =	wrdreg s24  }
0xb0: {  	[dreg:$0x3] =	wrdreg s2  }
0xb1: {  	[dreg:$0x4] =	wrdreg s18  }
0xb2: {  	[dreg:$0x5] =	wrdreg $0x9  }
0xb3: {  	_ =	task.clear_ibuf [dreg:s8], $0x6FFFF;
	_ =	strace $0x90000049  }
0xb4: {  	s29 =	simm.s32 $0x9;
	_ =	strace $0x8000004B  }
0xb5: {  	_ =	swait.ge [sflag:s29], $0x1  }
0xb6: {  	[sflag:s29] =	ssyncadd.s32 $0xFFFFFFFF  }
0xb7: {  	_ =	strace $0x9000004B  }
0xb8: {  	_ =	sfence  }
0xb9: {  	s30 =	sld [smem:$0x0];
	_ =	sdelay $0x2  }
0xba: {  	s31 =	sshll.u32 s1, $0xD;
	s1 =	sshrl.u32 s1, $0x2  }
0xbb: {  	s3 =	sand.u32 $0x4000, s31;
	s1 =	sadd.s32 s1, s30  }
0xbc: {  	s0 =	sor.u32 s3, s0;
	s1 =	sshll.u32 s1, $0x11  }
0xbd: {  	s0 =	sor.u32 s1, s0  }
0xbe: {  	s0 =	sadd.s32 $0x8F2B, s0  }
0xbf: {  	[sflag:s0] =	ssyncadd.remote.s32 $0x1  }
0xc0: {  	_ =	sfence.sel $0xFFFF  }
0xc1: {  	[dreg:$0x0] =	wrdreg $0xFFFFFFFF;
	(pc) =	sbr.abs _section_cstart, $3  }
0xc2: {  	[dreg:$0x1] =	wrdreg $0xFFFFFFFF  }
0xc3: {  	_ =	task.clear_ibuf [dreg:s8], $0x2FFFF;
	_ =	strace $0x9FFFFFFF  }
0xc4: {  	(tm) =	ssettm $0x7FFFFFFF  }
0xc5: {  	_ =	shalt  }
tec
execute0_lowered:
.L_overlay_start_1:
0x0: {  	(tag) =	ssettag $0x1  }
0x1: {  	s0 =	rddreg [dreg:$0x0]  }
0x2: {  	s1 =	srdreg.scid;
	s7 =	simm.s32 $0x0;
	s4 =	stileid.u32  }
0x3: {  	s1 =	sand.u32 $0x1, s1;
	[smem:$0x7FF] =	sst s7;
	s2 =	sshll.u32 s4, $0x9  }
0x4: {  	s26 =	sadd.s32 $0x200C00, s0;
	s6 =	sadd.s32 $0x100C00, s0;
	s3 =	sshll.u32 s1, $0x8  }
0x5: {  	_ =	strace $0x8000004A;
	[dreg:$0x4] =	wrdreg s26;
	s5 =	sor.u32 s3, s2  }
0x6: {  	s29 =	ssub.s32 $0x2, s1;
	[dreg:$0x5] =	wrdreg s6;
	s25 =	sor.u32 $0x10, s5  }
0x7: {  	s30 =	sshrl.u32 s29, $0x1;
	s26 =	sor.u32 $0x20, s5;
	[dreg:$0x17] =	wrdreg s25  }
0x8: {  	s2 =	ssub.s32 s29, s30;
	s29 =	sor.u32 $0x40, s5;
	[dreg:$0x18] =	wrdreg s26  }
0x9: {  	s30 =	sor.u32 $0x50, s5;
	[dreg:$0x1a] =	wrdreg s29  }
0xa: {  	s28 =	sshll.u32 s5, $0x7;
	s23 =	smax.u32 s2, $0x1;
	[dreg:$0x1b] =	wrdreg s30  }
0xb: {  	s0 =	sadd.s32 s28, s0;
	s28 =	sor.u32 $0x30, s5;
	[dreg:$0x16] =	wrdreg s23  }
0xc: {  	s31 =	sadd.s32 $0xC00, s0;
	[dreg:$0x19] =	wrdreg s28  }
0xd: {  	s6 =	sadd.s32 $0x1400, s0;
	[dreg:$0x6] =	wrdreg s31  }
0xe: {  	s8 =	sadd.s32 $0x1C00, s0;
	[dreg:$0x7] =	wrdreg s6  }
0xf: {  	s9 =	sadd.s32 $0x2400, s0;
	[dreg:$0x8] =	wrdreg s8  }
0x10: {  	s10 =	sadd.s32 $0x2C00, s0;
	[dreg:$0x9] =	wrdreg s9  }
0x11: {  	s11 =	sadd.s32 $0x3400, s0;
	[dreg:$0xa] =	wrdreg s10  }
0x12: {  	s12 =	sadd.s32 $0x3C00, s0;
	[dreg:$0xb] =	wrdreg s11  }
0x13: {  	s13 =	sadd.s32 $0x4400, s0;
	[dreg:$0xc] =	wrdreg s12  }
0x14: {  	s14 =	sadd.s32 $0x4C00, s0;
	[dreg:$0xd] =	wrdreg s13  }
0x15: {  	s15 =	sadd.s32 $0x5400, s0;
	[dreg:$0xe] =	wrdreg s14  }
0x16: {  	s18 =	sshll.u32 s4, $0xB;
	s16 =	sadd.s32 $0x5C00, s0;
	[dreg:$0xf] =	wrdreg s15  }
0x17: {  	s1 =	sshll.u32 s1, $0xA;
	s17 =	sadd.s32 $0x6400, s0;
	[dreg:$0x10] =	wrdreg s16  }
0x18: {  	s1 =	sor.u32 s1, s18;
	s19 =	sadd.s32 $0x6C00, s0;
	[dreg:$0x11] =	wrdreg s17  }
0x19: {  	s22 =	sor.u32 $0x10, s1;
	s20 =	sadd.s32 $0x7400, s0;
	[dreg:$0x12] =	wrdreg s19  }
0x1a: {  	s24 =	sshrl.u32 s22, $0x2;
	s21 =	sadd.s32 $0x7C00, s0;
	[dreg:$0x13] =	wrdreg s20  }
0x1b: {  	s1 =	sor.u32 $0x90, s5;
	s0 =	sadd.s32 $0x8400, s0;
	v0 =	vmov s24;
	[dreg:$0x14] =	wrdreg s21  }
0x1c: {  	s2 =	sor.u32 $0x80, s5;
	[dreg:$0x15] =	wrdreg s0;
	s31 =	sor.u32 $0x60, s5  }
0x1d: {  	s0 =	sor.u32 $0x70, s5;
	s6 =	sor.u32 $0xA0, s5;
	s8 =	sor.u32 $0xB0, s5  }
0x1e: {  	s9 =	sor.u32 $0xC0, s5;
	s10 =	sor.u32 $0xD0, s5;
	s11 =	sor.u32 $0xE0, s5  }
0x1f: {  	v1 =	vimm.f32 $3.000000120e-01;
	s12 =	sor.u32 $0xF0, s5;
	s13 =	simm.s32 $0x0;
	[dreg:$0x1c] =	wrdreg s31  }
.LBB2_1:
0x20: {  	[dreg:$0x1d] =	wrdreg s13  }
0x21: {  	s3 =	rddreg [dreg:$0x4];
	s4 =	simm.s32 $0x5  }
0x22: {  	[tilespmem:s7], [sflag:$0x5] =	stream.linear.gather [hbm4b:s3+s7], $0x2008, $0x38;
	[tilespmem:$0x1A608] =	vst v63  }
0x23: {  	_ =	swait.ge [sflag:s4], $0x2008  }
0x24: {  	[sflag:s4] =	ssyncset.done $0x0  }
0x25: {  	[sflag:s4] =	ssyncadd.s32 $0xFFFFDFF8  }
0x26: {  	s31 =	simm.s32 $0x2208;
	s30 =	rddreg [dreg:$0x1]  }
0x27: {  	[tilespmem:s31], [sflag:$0x5] =	stream.linear.gather [hbm4b:s30+s7], $0x3E8, $0x38;
	[tilespmem:$0x1A608] =	vst v63  }
0x28: {  	_ =	swait.ge [sflag:s4], $0x3E8  }
0x29: {  	[sflag:s4] =	ssyncset.done $0x0  }
0x2a: {  	[sflag:s4] =	ssyncadd.s32 $0xFFFFFC18;
	s4 =	simm.s32 $0x2228  }
0x2b: {  	v2 =	vld [tilespmem:s4+$0xFFFFFFE0]  }
0x2c: {  	v4 =	vld [tilespmem:s4+$0x10]  }
0x2d: {  	v5 =	vld [tilespmem:s4+$0x0];
	_ =	sdelay $0x1  }
0x2e: {  	v6 =	vld [tilespmem:s4+$0xFFFFFFF0]  }
0x2f: {  	s3 =	simm.s32 $0x2268;
	v7 =	vmul.f32 $3.000000120e-01, v2  }
0x30: {  	v3 =	vld [tilespmem:s3+$0xFFFFFFE0];
	v8 =	vmul.f32 $3.000000120e-01, v4  }
0x31: {  	v2 =	vld [tilespmem:s3+$0x10];
	[tilespmem:s4+$0xFFFFFFE0] =	vst v7;
	v7 =	vmul.f32 $3.000000120e-01, v5  }
0x32: {  	v4 =	vld [tilespmem:s3+$0x0];
	[tilespmem:s4+$0x10] =	vst v8  }
0x33: {  	s7 =	simm.s32 $0x4;
	v6 =	vmul.f32 $3.000000120e-01, v6;
	v5 =	vld [tilespmem:s3+$0xFFFFFFF0];
	[tilespmem:s4+$0x0] =	vst v7  }
.LBB2_2:
0x34: {  	s7 =	sadd.s32 $0x4, s7  }
0x35: {  	[tilespmem:s4+$0xFFFFFFF0] =	vst v6;
	s4 =	smov.u32 s3;
	p0 =	slt.u32 s7, $0x38  }
.Ltmp0:
0x36: {  	s3 =	sadd.s32 $0x40, s3;
	v6 =	vmul.f32 $3.000000120e-01, v3;
	(pc) =	sbr.rel @p0 .LBB2_2-.Ltmp0, $4  }
0x37: {  	v3 =	vld [tilespmem:s3+$0xFFFFFFE0];
	v7 =	vmul.f32 $3.000000120e-01, v2  }
0x38: {  	v2 =	vld [tilespmem:s3+$0x10];
	[tilespmem:s4+$0xFFFFFFE0] =	vst v6;
	v8 =	vmul.f32 $3.000000120e-01, v4  }
0x39: {  	v4 =	vld [tilespmem:s3+$0x0];
	v6 =	vmul.f32 $3.000000120e-01, v5;
	[tilespmem:s4+$0x10] =	vst v7  }
0x3a: {  	v5 =	vld [tilespmem:s3+$0xFFFFFFF0];
	[tilespmem:s4+$0x0] =	vst v8  }
0x3b: {  	_ = 	snop  }
0x3c: {  	v3 =	vmul.f32 $3.000000120e-01, v3  }
0x3d: {  	[tilespmem:s4+$0xFFFFFFF0] =	vst v6;
	v2 =	vmul.f32 $3.000000120e-01, v2  }
0x3e: {  	[tilespmem:s3+$0xFFFFFFE0] =	vst v3;
	v3 =	vmul.f32 $3.000000120e-01, v4  }
0x3f: {  	v63 =	vmul.f32 $3.000000120e-01, v5;
	[tilespmem:s3+$0x10] =	vst v2  }
0x40: {  	[tilespmem:s3+$0x0] =	vst v3  }
0x41: {  	s4 =	simm.s32 $0x0;
	[tilespmem:s3+$0xFFFFFFF0] =	vst v63;
	s3 =	simm.s32 $0x0  }
.LBB2_4:
0x42: {  	s7 =	sshra.s32 s3, $0x2  }
0x43: {  	v2 =	vld [tilespmem:s7+$0x25C8];
	_ =	sdelay $0x1  }
0x44: {  	p0 =	sne.s32 s3, $0x80  }
.Ltmp1:
0x45: {  	_ = 	snop;
	(pc) =	sbr.rel @p0 .LBB2_4-.Ltmp1, $3  }
0x46: {  	_ = 	snop  }
0x47: {  	v2 =	vmul.f32 $3.000000120e-01, v2;
	_ =	sdelay $0x1  }
0x48: {  	s3 =	sadd.s32 $0x40, s3;
	[tilespmem:s7+$0x25C8] =	vst v2  }
0x49: {  	s3 =	sshra.s32 s4, $0x2;
	s4 =	sadd.s32 $0x40, s4  }
.LBB2_6:
0x4a: {  	p0 =	sne.s32 s4, $0x3C0;
	v2 =	vld.idx.msk [tilespmem:v0+s3+$0x0 ss:$0x1], $0xffff;
	_ =	sdelay $0x1  }
0x4b: {  	v3 =	vld.idx.msk [tilespmem:v0+s3+$0x4 ss:$0x1], $0xffff;
	_ =	sdelay $0x3  }
.Ltmp2:
0x4c: {  	v2 =	vmul.u32 $0x3E8, v2;
	(pc) =	sbr.rel @p0 .LBB2_6-.Ltmp2, $4  }
0x4d: {  	_ = 	snop  }
0x4e: {  	v2 =	vadd.s32 v3, v2;
	[tilespmem:s3+$0x2008] =	vst v3  }
0x4f: {  	v2 =	vand.u32 $0x1FFF, v2  }
0x50: {  	[tilespmem:s3+$0x2108] =	vst v2;
	s3 =	sshra.s32 s4, $0x2;
	s4 =	sadd.s32 $0x40, s4  }
0x51: {  	_ =	sdelay $0x3  }
0x52: {  	v2 =	vld.idx.msk [tilespmem:v0+s3+$0x0 ss:$0x1], $0xffff;
	_ =	sdelay $0x1  }
0x53: {  	v3 =	vld.idx.msk [tilespmem:v0+s3+$0x4 ss:$0x1], $0xffff;
	_ =	sdelay $0x2  }
0x54: {  	v2 =	vmul.u32 $0x3E8, v2;
	_ =	sdelay $0x1  }
0x55: {  	v2 =	vadd.s32 v3, v2  }
0x56: {  	s13 =	simm.s32 $0x2608;
	[tilespmem:s3+$0x2008] =	vst v3;
	v2 =	vand.u32 $0x1FFF, v2  }
0x57: {  	s25 =	rddreg [dreg:$0x2];
	s7 =	simm.s32 $0x10;
	s4 =	simm.s32 $0x2008;
	[tilespmem:s3+$0x2108] =	vst v2  }
0x58: {  	[tilespmem:s13], [sflag:$0x1] =	stream.indirect.gather [hbm4b:s25+s7], $0x400, s4, s7, $0xb8;
	[tilespmem:$0x1A608] =	vst v63  }
0x59: {  	s19 =	simm.s32 $0xA608;
	s26 =	rddreg [dreg:$0x5];
	s14 =	simm.s32 $0x2108  }
0x5a: {  	[tilespmem:s19], [sflag:$0x1] =	stream.indirect.gather [hbm4b:s26+s7], $0x400, s14, s7, $0xb8;
	[tilespmem:$0x1A608] =	vst v63  }
0x5b: {  	s28 =	simm.s32 $0x2018;
	s15 =	simm.s32 $0x6608  }
0x5c: {  	[tilespmem:s15], [sflag:$0x2] =	stream.indirect.gather [hbm4b:s25+s7], $0x400, s28, s7, $0xb8;
	[tilespmem:$0x1A608] =	vst v63  }
0x5d: {  	s29 =	simm.s32 $0x2118;
	s30 =	simm.s32 $0xE608;
	s31 =	simm.s32 $0x1  }
0x5e: {  	[tilespmem:s30], [sflag:$0x2] =	stream.indirect.gather [hbm4b:s26+s7], $0x400, s29, s7, $0xb8;
	[tilespmem:$0x1A608] =	vst v63  }
0x5f: {  	_ =	swait.ge [sflag:s31], $0x4000  }
0x60: {  	[sflag:s31] =	ssyncset.done $0x0  }
0x61: {  	[sflag:s31] =	ssyncadd.s32 $0xFFFFC000  }
0x62: {  	s20 =	simm.s32 $0x0;
	_ =	swait.ge [sflag:s31], $0x4000  }
0x63: {  	s16 =	simm.s32 $0x29C8;
	s18 =	simm.s32 $0xA9C8;
	[sflag:s31] =	ssyncset.done $0x0  }
0x64: {  	s22 =	simm.s32 $0x129C8;
	s14 =	simm.s32 $0x12608;
	[sflag:s31] =	ssyncadd.s32 $0xFFFFC000  }
.LBB2_8:
0x65: {  	v5 =	vld [tilespmem:s19+$0x0]  }
0x66: {  	v6 =	vld [tilespmem:s13+$0x0];
	s21 =	simm.s32 $0x2228  }
0x67: {  	s3 =	simm.s32 $0x20;
	v7 =	vld [tilespmem:s21+$0x0]  }
0x68: {  	s4 =	sshll.u32 s20, $0xA;
	s7 =	simm.s32 $0x0;
	s3 =	sand.u32 $0x60, s3;
	v12 =	vld [tilespmem:s21+$0xFFFFFFF0]  }
0x69: {  	s15 =	simm.s32 $0x10;
	s7 =	sand.u32 $0x380, s7;
	v13 =	vld [tilespmem:s21+$0x10];
	s3 =	sor.u32 s3, s4  }
0x6a: {  	s25 =	simm.s32 $0x30;
	s15 =	sand.u32 $0x50, s15;
	v14 =	vld [tilespmem:s21+$0xFFFFFFE0];
	s17 =	sor.u32 s7, s3  }
0x6b: {  	s15 =	sor.u32 s15, s4;
	s3 =	sand.u32 $0x70, s25;
	v2 =	vld [tilespmem:s17+$0x2608]  }
0x6c: {  	s15 =	sor.u32 s7, s15;
	s3 =	sor.u32 s3, s4;
	v8 =	vld [tilespmem:s17+$0xA608]  }
0x6d: {  	v4 =	vld [tilespmem:s15+$0x2608];
	s25 =	sor.u32 s7, s3  }
0x6e: {  	v9 =	vld [tilespmem:s25+$0x2608]  }
0x6f: {  	s26 =	sor.u32 s5, s20;
	s28 =	simm.s32 $0x60;
	s29 =	simm.s32 $0x40;
	v10 =	vld [tilespmem:s15+$0xA608]  }
0x70: {  	p0 =	sgt.s32 s26, $0x7;
	s26 =	sadd.s32 $0x40, s19;
	s3 =	sand.u32 $0x60, s28;
	v11 =	vld [tilespmem:s25+$0xA608]  }
0x71: {  	s21 =	sand.u32 $0x380, s29;
	v3 =	vld [tilespmem:s26+$0x0];
	s7 =	simm.s32 $0x2268;
	s3 =	sor.u32 s3, s4;
	v15 =	vmul.f32 $4.000000060e-01, v2  }
0x72: {  	s30 =	simm.s32 $0x50;
	v61 =	vld [tilespmem:s7+$0x0];
	s3 =	sor.u32 s21, s3;
	v2 =	vpsel !p0, $0x0, v1;
	v16 =	vmul.f32 $4.000000060e-01, v4  }
0x73: {  	s23 =	simm.s32 $0x70;
	s24 =	sand.u32 $0x50, s30;
	v60 =	vld [tilespmem:s3+$0x2608];
	v8 =	vmul.f32 v8, v2;
	v7 =	vadd.f32 v15, v7;
	v9 =	vmul.f32 $4.000000060e-01, v9  }
0x74: {  	s29 =	sand.u32 $0x70, s23;
	s24 =	sor.u32 s24, s4;
	s28 =	sadd.s32 $0x40, s13;
	v6 =	vmul.f32 $4.000000060e-01, v6;
	v62 =	vld [tilespmem:s3+$0xA608];
	v10 =	vmul.f32 v10, v2;
	v12 =	vadd.f32 v16, v12  }
0x75: {  	s31 =	sor.u32 s29, s4;
	s23 =	sor.u32 s21, s24;
	v4 =	vld [tilespmem:s28+$0x0];
	v11 =	vmul.f32 v11, v2;
	v8 =	vadd.f32 v8, v7;
	v9 =	vadd.f32 v9, v13  }
0x76: {  	s24 =	sor.u32 s21, s31;
	v6 =	vadd.f32 v6, v14;
	v63 =	vmul.f32 v5, v2;
	v10 =	vadd.f32 v10, v12;
	v7 =	vld [tilespmem:s23+$0x2608]  }
0x77: {  	v5 =	vld [tilespmem:s24+$0x2608];
	[tilespmem:s17+$0x12608] =	vst v8;
	v9 =	vadd.f32 v11, v9  }
0x78: {  	v11 =	vadd.f32 v63, v6;
	[tilespmem:s15+$0x12608] =	vst v10;
	v8 =	vld [tilespmem:s23+$0xA608];
	v10 =	vmul.f32 $4.000000060e-01, v60  }
0x79: {  	s26 =	sadd.s32 $0x40, s26;
	s21 =	simm.s32 $0xB0;
	v6 =	vld [tilespmem:s24+$0xA608];
	[tilespmem:s25+$0x12608] =	vst v9  }
0x7a: {  	s17 =	simm.s32 $0x4;
	s15 =	smov.u32 s14;
	[tilespmem:s14+$0x0] =	vst v11;
	v9 =	vld [tilespmem:s7+$0xFFFFFFF0];
	v10 =	vadd.f32 v10, v61;
	v11 =	vmul.f32 v62, v2;
	s25 =	sadd.s32 $0x40, s28  }
.LBB2_9:
0x7b: {  	s28 =	sadd.s32 $0xFFFFFFE0, s21;
	s29 =	sadd.s32 $0xFFFFFFF0, s21;
	s17 =	sadd.s32 $0x4, s17;
	v7 =	vmul.f32 $4.000000060e-01, v7;
	v12 =	vld [tilespmem:s7+$0x10]  }
0x7c: {  	s30 =	sadd.s32 $0xFFFFFFD0, s21;
	s29 =	sand.u32 $0x60, s29;
	p0 =	slt.u32 s17, $0x38;
	v13 =	vld [tilespmem:s7+$0xFFFFFFE0];
	v10 =	vadd.f32 v11, v10;
	v5 =	vmul.f32 $4.000000060e-01, v5  }
0x7d: {  	s30 =	sand.u32 $0x380, s30;
	s28 =	sand.u32 $0x50, s28;
	v11 =	vld [tilespmem:s26+$0x0];
	s29 =	sor.u32 s29, s4;
	v8 =	vmul.f32 v8, v2  }
0x7e: {  	s31 =	sand.u32 $0x70, s21;
	s28 =	sor.u32 s28, s4;
	v14 =	vld [tilespmem:s25+$0x0];
	[tilespmem:s3+$0x12608] =	vst v10;
	s3 =	sor.u32 s30, s29;
	v6 =	vmul.f32 v6, v2  }
0x7f: {  	v4 =	vmul.f32 $4.000000060e-01, v4;
	s7 =	sadd.s32 $0x40, s7;
	s28 =	sor.u32 s30, s28;
	s29 =	sor.u32 s31, s4;
	v10 =	vld [tilespmem:s3+$0x2608];
	v7 =	vadd.f32 v7, v9  }
0x80: {  	s29 =	sor.u32 s30, s29;
	v15 =	vld [tilespmem:s7+$0x0];
	v5 =	vadd.f32 v5, v12  }
0x81: {  	v9 =	vmul.f32 v3, v2;
	v12 =	vld [tilespmem:s3+$0xA608];
	v13 =	vadd.f32 v4, v13;
	v8 =	vadd.f32 v8, v7  }
.Ltmp3:
0x82: {  	v7 =	vld [tilespmem:s28+$0x2608];
	v6 =	vadd.f32 v6, v5;
	v3 =	vmov v11;
	(pc) =	sbr.rel @p0 .LBB2_9-.Ltmp3, $4  }
0x83: {  	v5 =	vld [tilespmem:s29+$0x2608];
	v9 =	vadd.f32 v9, v13;
	[tilespmem:s23+$0x12608] =	vst v8;
	v4 =	vmov v14;
	s23 =	smov.u32 s28  }
0x84: {  	s15 =	sadd.s32 $0x40, s15;
	v8 =	vld [tilespmem:s23+$0xA608];
	v10 =	vmul.f32 $4.000000060e-01, v10;
	[tilespmem:s24+$0x12608] =	vst v6;
	s24 =	smov.u32 s29  }
0x85: {  	s28 =	simm.s32 $0x0;
	v6 =	vld [tilespmem:s24+$0xA608];
	[tilespmem:s15+$0x0] =	vst v9  }
0x86: {  	s21 =	sadd.s32 $0x40, s21;
	s26 =	sadd.s32 $0x40, s26;
	s25 =	sadd.s32 $0x40, s25;
	v9 =	vld [tilespmem:s7+$0xFFFFFFF0];
	v10 =	vadd.f32 v10, v15;
	v11 =	vmul.f32 v12, v2  }
0x87: {  	v12 =	vld [tilespmem:s7+$0x10]  }
0x88: {  	v13 =	vld [tilespmem:s7+$0xFFFFFFE0]  }
0x89: {  	v7 =	vmul.f32 $4.000000060e-01, v7  }
0x8a: {  	v5 =	vmul.f32 $4.000000060e-01, v5  }
0x8b: {  	v4 =	vmul.f32 $4.000000060e-01, v4;
	v8 =	vmul.f32 v8, v2;
	v7 =	vadd.f32 v7, v9  }
0x8c: {  	v63 =	vadd.f32 v11, v10;
	v6 =	vmul.f32 v6, v2;
	v5 =	vadd.f32 v5, v12  }
0x8d: {  	v3 =	vmul.f32 v3, v2;
	v4 =	vadd.f32 v4, v13;
	v7 =	vadd.f32 v8, v7  }
0x8e: {  	[tilespmem:s3+$0x12608] =	vst v63;
	v5 =	vadd.f32 v6, v5  }
0x8f: {  	v3 =	vadd.f32 v3, v4;
	[tilespmem:s23+$0x12608] =	vst v7  }
0x90: {  	s31 =	sadd.s32 $0x40, s15;
	[tilespmem:s24+$0x12608] =	vst v5  }
0x91: {  	[tilespmem:s31+$0x0] =	vst v3  }
.LBB2_11:
0x92: {  	s3 =	sshra.s32 s28, $0x2  }
0x93: {  	s4 =	sadd.s32 s3, s16  }
0x94: {  	v3 =	vld [tilespmem:s4+$0x0]  }
0x95: {  	v4 =	vld [tilespmem:s3+$0x25C8];
	s31 =	sadd.s32 s3, s18  }
0x96: {  	v5 =	vld [tilespmem:s31+$0x0];
	_ =	sdelay $0x2  }
0x97: {  	v3 =	vmul.f32 $4.000000060e-01, v3  }
0x98: {  	p0 =	sne.s32 s28, $0x80  }
.Ltmp4:
0x99: {  	v63 =	vmul.f32 v5, v2;
	v3 =	vadd.f32 v3, v4;
	(pc) =	sbr.rel @p0 .LBB2_11-.Ltmp4, $4  }
0x9a: {  	_ = 	snop  }
0x9b: {  	v3 =	vadd.f32 v63, v3  }
0x9c: {  	s3 =	sadd.s32 s3, s22  }
0x9d: {  	s28 =	sadd.s32 $0x40, s28;
	[tilespmem:s3+$0x0] =	vst v3  }
0x9e: {  	s20 =	sadd.s32 $0x1, s20  }
0x9f: {  	p0 =	sne.s32 s20, $0x10  }
.Ltmp5:
0xa0: {  	_ = 	snop;
	(pc) =	sbr.rel @p0 .LBB2_8-.Ltmp5, $3  }
0xa1: {  	_ =	sdelay $0x1  }
0xa2: {  	s13 =	sadd.s32 $0x400, s13;
	s19 =	sadd.s32 $0x400, s19;
	s14 =	sadd.s32 $0x400, s14  }
0xa3: {  	s16 =	sadd.s32 $0x400, s16;
	s18 =	sadd.s32 $0x400, s18;
	s22 =	sadd.s32 $0x400, s22  }
0xa4: {  	s13 =	simm.s32 $0x0;
	s3 =	rddreg [dreg:$0x6]  }
0xa5: {  	s4 =	simm.s32 $0x12608;
	s25 =	rddreg [dreg:$0x2];
	s26 =	simm.s32 $0x10  }
0xa6: {  	[hbm4b:s3+s13] =	stream.linear.scatter [tilespmem:s4], [sflag:$0x3], $0x4000, $0x38;
	[tilespmem:$0x1A608] =	vst v63  }
0xa7: {  	s7 =	simm.s32 $0x2028;
	s14 =	simm.s32 $0x2608;
	s28 =	rddreg [dreg:$0x5]  }
0xa8: {  	[tilespmem:s14], [sflag:$0x1] =	stream.indirect.gather [hbm4b:s25+s26], $0x400, s7, s26, $0xb8;
	[tilespmem:$0x1A608] =	vst v63  }
0xa9: {  	s29 =	simm.s32 $0x2128;
	s30 =	simm.s32 $0xA608;
	s31 =	simm.s32 $0x2  }
0xaa: {  	[tilespmem:s30], [sflag:$0x1] =	stream.indirect.gather [hbm4b:s28+s26], $0x400, s29, s26, $0xb8;
	[tilespmem:$0x1A608] =	vst v63  }
0xab: {  	_ =	swait.ge [sflag:s31], $0x4000  }
0xac: {  	[sflag:s31] =	ssyncset.done $0x0  }
0xad: {  	[sflag:s31] =	ssyncadd.s32 $0xFFFFC000  }
0xae: {  	s19 =	simm.s32 $0x6608;
	s20 =	simm.s32 $0xE608;
	_ =	swait.ge [sflag:s31], $0x4000  }
0xaf: {  	s15 =	simm.s32 $0x16608;
	s16 =	simm.s32 $0x69C8;
	[sflag:s31] =	ssyncset.done $0x0  }
0xb0: {  	s18 =	simm.s32 $0xE9C8;
	s22 =	simm.s32 $0x169C8;
	[sflag:s31] =	ssyncadd.s32 $0xFFFFC000  }
.LBB2_14:
0xb1: {  	v5 =	vld [tilespmem:s20+$0x0]  }
0xb2: {  	v6 =	vld [tilespmem:s19+$0x0];
	s21 =	simm.s32 $0x2228  }
0xb3: {  	s3 =	simm.s32 $0x20;
	v7 =	vld [tilespmem:s21+$0x0]  }
0xb4: {  	s4 =	sshll.u32 s13, $0xA;
	s7 =	simm.s32 $0x0;
	s3 =	sand.u32 $0x60, s3;
	v12 =	vld [tilespmem:s21+$0xFFFFFFF0]  }
0xb5: {  	s14 =	simm.s32 $0x10;
	s7 =	sand.u32 $0x380, s7;
	v13 =	vld [tilespmem:s21+$0x10];
	s3 =	sor.u32 s3, s4  }
0xb6: {  	s25 =	simm.s32 $0x30;
	s14 =	sand.u32 $0x50, s14;
	v14 =	vld [tilespmem:s21+$0xFFFFFFE0];
	s17 =	sor.u32 s7, s3  }
0xb7: {  	s14 =	sor.u32 s14, s4;
	s3 =	sand.u32 $0x70, s25;
	v2 =	vld [tilespmem:s17+$0x6608]  }
0xb8: {  	s14 =	sor.u32 s7, s14;
	s3 =	sor.u32 s3, s4;
	v8 =	vld [tilespmem:s17+$0xE608]  }
0xb9: {  	v4 =	vld [tilespmem:s14+$0x6608];
	s25 =	sor.u32 s7, s3  }
0xba: {  	s26 =	rddreg [dreg:$0x17];
	v9 =	vld [tilespmem:s25+$0x6608]  }
0xbb: {  	s28 =	simm.s32 $0x60;
	s29 =	simm.s32 $0x40;
	v10 =	vld [tilespmem:s14+$0xE608];
	s3 =	sor.u32 s26, s13  }
0xbc: {  	s26 =	sadd.s32 $0x40, s20;
	v11 =	vld [tilespmem:s25+$0xE608];
	p0 =	sgt.s32 s3, $0x7;
	s3 =	sand.u32 $0x60, s28  }
0xbd: {  	s21 =	sand.u32 $0x380, s29;
	s7 =	simm.s32 $0x2268;
	v3 =	vld [tilespmem:s26+$0x0];
	s3 =	sor.u32 s3, s4;
	v15 =	vmul.f32 $4.000000060e-01, v2  }
0xbe: {  	s30 =	simm.s32 $0x50;
	v61 =	vld [tilespmem:s7+$0x0];
	s3 =	sor.u32 s21, s3;
	v2 =	vpsel !p0, $0x0, v1;
	v16 =	vmul.f32 $4.000000060e-01, v4  }
0xbf: {  	s23 =	simm.s32 $0x70;
	s24 =	sand.u32 $0x50, s30;
	s28 =	sadd.s32 $0x40, s19;
	v60 =	vld [tilespmem:s3+$0x6608];
	v8 =	vmul.f32 v8, v2;
	v7 =	vadd.f32 v15, v7;
	v9 =	vmul.f32 $4.000000060e-01, v9  }
0xc0: {  	s29 =	sand.u32 $0x70, s23;
	s24 =	sor.u32 s24, s4;
	v6 =	vmul.f32 $4.000000060e-01, v6;
	v4 =	vld [tilespmem:s28+$0x0];
	v10 =	vmul.f32 v10, v2;
	v12 =	vadd.f32 v16, v12  }
0xc1: {  	s31 =	sor.u32 s29, s4;
	s23 =	sor.u32 s21, s24;
	v62 =	vld [tilespmem:s3+$0xE608];
	v11 =	vmul.f32 v11, v2;
	v8 =	vadd.f32 v8, v7;
	v9 =	vadd.f32 v9, v13  }
0xc2: {  	s24 =	sor.u32 s21, s31;
	v6 =	vadd.f32 v6, v14;
	v63 =	vmul.f32 v5, v2;
	v10 =	vadd.f32 v10, v12;
	v7 =	vld [tilespmem:s23+$0x6608]  }
0xc3: {  	v5 =	vld [tilespmem:s24+$0x6608];
	[tilespmem:s17+$0x16608] =	vst v8;
	v9 =	vadd.f32 v11, v9  }
0xc4: {  	v11 =	vadd.f32 v63, v6;
	[tilespmem:s14+$0x16608] =	vst v10;
	v8 =	vld [tilespmem:s23+$0xE608];
	v10 =	vmul.f32 $4.000000060e-01, v60  }
0xc5: {  	s26 =	sadd.s32 $0x40, s26;
	s21 =	simm.s32 $0xB0;
	v6 =	vld [tilespmem:s24+$0xE608];
	[tilespmem:s25+$0x16608] =	vst v9  }
0xc6: {  	s17 =	simm.s32 $0x4;
	s14 =	smov.u32 s15;
	[tilespmem:s15+$0x0] =	vst v11;
	v9 =	vld [tilespmem:s7+$0xFFFFFFF0];
	v10 =	vadd.f32 v10, v61;
	v11 =	vmul.f32 v62, v2;
	s25 =	sadd.s32 $0x40, s28  }
.LBB2_15:
0xc7: {  	s28 =	sadd.s32 $0xFFFFFFE0, s21;
	s29 =	sadd.s32 $0xFFFFFFF0, s21;
	s17 =	sadd.s32 $0x4, s17;
	v7 =	vmul.f32 $4.000000060e-01, v7;
	v12 =	vld [tilespmem:s7+$0x10]  }
0xc8: {  	s30 =	sadd.s32 $0xFFFFFFD0, s21;
	s29 =	sand.u32 $0x60, s29;
	p0 =	slt.u32 s17, $0x38;
	v13 =	vld [tilespmem:s7+$0xFFFFFFE0];
	v10 =	vadd.f32 v11, v10;
	v5 =	vmul.f32 $4.000000060e-01, v5  }
0xc9: {  	s30 =	sand.u32 $0x380, s30;
	s28 =	sand.u32 $0x50, s28;
	v11 =	vld [tilespmem:s26+$0x0];
	s29 =	sor.u32 s29, s4;
	v8 =	vmul.f32 v8, v2  }
0xca: {  	s31 =	sand.u32 $0x70, s21;
	s28 =	sor.u32 s28, s4;
	v14 =	vld [tilespmem:s25+$0x0];
	[tilespmem:s3+$0x16608] =	vst v10;
	s3 =	sor.u32 s30, s29;
	v6 =	vmul.f32 v6, v2  }
0xcb: {  	v4 =	vmul.f32 $4.000000060e-01, v4;
	s7 =	sadd.s32 $0x40, s7;
	s28 =	sor.u32 s30, s28;
	s29 =	sor.u32 s31, s4;
	v10 =	vld [tilespmem:s3+$0x6608];
	v7 =	vadd.f32 v7, v9  }
0xcc: {  	s29 =	sor.u32 s30, s29;
	v15 =	vld [tilespmem:s7+$0x0];
	v5 =	vadd.f32 v5, v12  }
0xcd: {  	v9 =	vmul.f32 v3, v2;
	v12 =	vld [tilespmem:s3+$0xE608];
	v13 =	vadd.f32 v4, v13;
	v8 =	vadd.f32 v8, v7  }
.Ltmp6:
0xce: {  	v7 =	vld [tilespmem:s28+$0x6608];
	v6 =	vadd.f32 v6, v5;
	v3 =	vmov v11;
	(pc) =	sbr.rel @p0 .LBB2_15-.Ltmp6, $4  }
0xcf: {  	v5 =	vld [tilespmem:s29+$0x6608];
	v9 =	vadd.f32 v9, v13;
	[tilespmem:s23+$0x16608] =	vst v8;
	v4 =	vmov v14;
	s23 =	smov.u32 s28  }
0xd0: {  	s14 =	sadd.s32 $0x40, s14;
	v8 =	vld [tilespmem:s23+$0xE608];
	v10 =	vmul.f32 $4.000000060e-01, v10;
	[tilespmem:s24+$0x16608] =	vst v6;
	s24 =	smov.u32 s29  }
0xd1: {  	s28 =	simm.s32 $0x0;
	v6 =	vld [tilespmem:s24+$0xE608];
	[tilespmem:s14+$0x0] =	vst v9  }
0xd2: {  	s21 =	sadd.s32 $0x40, s21;
	s26 =	sadd.s32 $0x40, s26;
	s25 =	sadd.s32 $0x40, s25;
	v9 =	vld [tilespmem:s7+$0xFFFFFFF0];
	v10 =	vadd.f32 v10, v15;
	v11 =	vmul.f32 v12, v2  }
0xd3: {  	v12 =	vld [tilespmem:s7+$0x10]  }
0xd4: {  	v13 =	vld [tilespmem:s7+$0xFFFFFFE0]  }
0xd5: {  	v7 =	vmul.f32 $4.000000060e-01, v7  }
0xd6: {  	v5 =	vmul.f32 $4.000000060e-01, v5  }
0xd7: {  	v4 =	vmul.f32 $4.000000060e-01, v4;
	v8 =	vmul.f32 v8, v2;
	v7 =	vadd.f32 v7, v9  }
0xd8: {  	v63 =	vadd.f32 v11, v10;
	v6 =	vmul.f32 v6, v2;
	v5 =	vadd.f32 v5, v12  }
0xd9: {  	v3 =	vmul.f32 v3, v2;
	v4 =	vadd.f32 v4, v13;
	v7 =	vadd.f32 v8, v7  }
0xda: {  	[tilespmem:s3+$0x16608] =	vst v63;
	v5 =	vadd.f32 v6, v5  }
0xdb: {  	v3 =	vadd.f32 v3, v4;
	[tilespmem:s23+$0x16608] =	vst v7  }
0xdc: {  	s31 =	sadd.s32 $0x40, s14;
	[tilespmem:s24+$0x16608] =	vst v5  }
0xdd: {  	[tilespmem:s31+$0x0] =	vst v3  }
.LBB2_17:
0xde: {  	s3 =	sshra.s32 s28, $0x2  }
0xdf: {  	s4 =	sadd.s32 s3, s16  }
0xe0: {  	v3 =	vld [tilespmem:s4+$0x0]  }
0xe1: {  	v4 =	vld [tilespmem:s3+$0x25C8];
	s31 =	sadd.s32 s3, s18  }
0xe2: {  	v5 =	vld [tilespmem:s31+$0x0];
	_ =	sdelay $0x2  }
0xe3: {  	v3 =	vmul.f32 $4.000000060e-01, v3  }
0xe4: {  	p0 =	sne.s32 s28, $0x80  }
.Ltmp7:
0xe5: {  	v63 =	vmul.f32 v5, v2;
	v3 =	vadd.f32 v3, v4;
	(pc) =	sbr.rel @p0 .LBB2_17-.Ltmp7, $4  }
0xe6: {  	_ = 	snop  }
0xe7: {  	v3 =	vadd.f32 v63, v3  }
0xe8: {  	s3 =	sadd.s32 s3, s22  }
0xe9: {  	s28 =	sadd.s32 $0x40, s28;
	[tilespmem:s3+$0x0] =	vst v3  }
0xea: {  	s13 =	sadd.s32 $0x1, s13  }
0xeb: {  	p0 =	sne.s32 s13, $0x10  }
.Ltmp8:
0xec: {  	_ = 	snop;
	(pc) =	sbr.rel @p0 .LBB2_14-.Ltmp8, $3  }
0xed: {  	_ =	sdelay $0x1  }
0xee: {  	s19 =	sadd.s32 $0x400, s19;
	s20 =	sadd.s32 $0x400, s20;
	s15 =	sadd.s32 $0x400, s15  }
0xef: {  	s16 =	sadd.s32 $0x400, s16;
	s18 =	sadd.s32 $0x400, s18;
	s22 =	sadd.s32 $0x400, s22  }
0xf0: {  	s13 =	simm.s32 $0x0;
	s3 =	rddreg [dreg:$0x7]  }
0xf1: {  	s4 =	simm.s32 $0x16608;
	s24 =	rddreg [dreg:$0x2];
	s25 =	simm.s32 $0x10  }
0xf2: {  	[hbm4b:s3+s13] =	stream.linear.scatter [tilespmem:s4], [sflag:$0x4], $0x4000, $0x38;
	[tilespmem:$0x1A608] =	vst v63  }
0xf3: {  	s7 =	simm.s32 $0x6608;
	s14 =	simm.s32 $0x2038;
	s26 =	rddreg [dreg:$0x5]  }
0xf4: {  	[tilespmem:s7], [sflag:$0x2] =	stream.indirect.gather [hbm4b:s24+s25], $0x400, s14, s25, $0xb8;
	[tilespmem:$0x1A608] =	vst v63  }
0xf5: {  	s28 =	simm.s32 $0xE608;
	s29 =	simm.s32 $0x2138;
	s30 =	simm.s32 $0x1  }
0xf6: {  	[tilespmem:s28], [sflag:$0x2] =	stream.indirect.gather [hbm4b:s26+s25], $0x400, s29, s25, $0xb8;
	[tilespmem:$0x1A608] =	vst v63  }
0xf7: {  	_ =	swait.ge [sflag:s30], $0x4000  }
0xf8: {  	[sflag:s30] =	ssyncset.done $0x0  }
0xf9: {  	[sflag:s30] =	ssyncadd.s32 $0xFFFFC000  }
0xfa: {  	_ =	swait.ge [sflag:s30], $0x4000  }
0xfb: {  	[sflag:s30] =	ssyncset.done $0x0  }
0xfc: {  	s31 =	simm.s32 $0x3;
	[sflag:s30] =	ssyncadd.s32 $0xFFFFC000  }
0xfd: {  	s19 =	simm.s32 $0x2608;
	s20 =	simm.s32 $0xA608;
	_ =	swait.ge [sflag:s31], $0x4000  }
0xfe: {  	s15 =	simm.s32 $0x12608;
	s16 =	simm.s32 $0x29C8;
	[sflag:s31] =	ssyncset.done $0x0  }
0xff: {  	s18 =	simm.s32 $0xA9C8;
	s22 =	simm.s32 $0x129C8;
	[sflag:s31] =	ssyncadd.s32 $0xFFFFC000  }
.LBB2_20:
0x100: {  	v5 =	vld [tilespmem:s20+$0x0]  }
0x101: {  	v6 =	vld [tilespmem:s19+$0x0];
	s21 =	simm.s32 $0x2228  }
0x102: {  	s3 =	simm.s32 $0x20;
	v7 =	vld [tilespmem:s21+$0x0]  }
0x103: {  	s4 =	sshll.u32 s13, $0xA;
	s7 =	simm.s32 $0x0;
	s3 =	sand.u32 $0x60, s3;
	v12 =	vld [tilespmem:s21+$0xFFFFFFF0]  }
0x104: {  	s14 =	simm.s32 $0x10;
	s7 =	sand.u32 $0x380, s7;
	v13 =	vld [tilespmem:s21+$0x10];
	s3 =	sor.u32 s3, s4  }
0x105: {  	s25 =	simm.s32 $0x30;
	s14 =	sand.u32 $0x50, s14;
	v14 =	vld [tilespmem:s21+$0xFFFFFFE0];
	s17 =	sor.u32 s7, s3  }
0x106: {  	s14 =	sor.u32 s14, s4;
	s3 =	sand.u32 $0x70, s25;
	v2 =	vld [tilespmem:s17+$0x2608]  }
0x107: {  	s14 =	sor.u32 s7, s14;
	s3 =	sor.u32 s3, s4;
	v8 =	vld [tilespmem:s17+$0xA608]  }
0x108: {  	v4 =	vld [tilespmem:s14+$0x2608];
	s25 =	sor.u32 s7, s3  }
0x109: {  	s26 =	rddreg [dreg:$0x18];
	v9 =	vld [tilespmem:s25+$0x2608]  }
0x10a: {  	s28 =	simm.s32 $0x60;
	s29 =	simm.s32 $0x40;
	v10 =	vld [tilespmem:s14+$0xA608];
	s3 =	sor.u32 s26, s13  }
0x10b: {  	s26 =	sadd.s32 $0x40, s20;
	v11 =	vld [tilespmem:s25+$0xA608];
	p0 =	sgt.s32 s3, $0x7;
	s3 =	sand.u32 $0x60, s28  }
0x10c: {  	s21 =	sand.u32 $0x380, s29;
	s7 =	simm.s32 $0x2268;
	v3 =	vld [tilespmem:s26+$0x0];
	s3 =	sor.u32 s3, s4;
	v15 =	vmul.f32 $4.000000060e-01, v2  }
0x10d: {  	s30 =	simm.s32 $0x50;
	v61 =	vld [tilespmem:s7+$0x0];
	s3 =	sor.u32 s21, s3;
	v2 =	vpsel !p0, $0x0, v1;
	v16 =	vmul.f32 $4.000000060e-01, v4  }
0x10e: {  	s23 =	simm.s32 $0x70;
	s24 =	sand.u32 $0x50, s30;
	s28 =	sadd.s32 $0x40, s19;
	v60 =	vld [tilespmem:s3+$0x2608];
	v8 =	vmul.f32 v8, v2;
	v7 =	vadd.f32 v15, v7;
	v9 =	vmul.f32 $4.000000060e-01, v9  }
0x10f: {  	s29 =	sand.u32 $0x70, s23;
	s24 =	sor.u32 s24, s4;
	v6 =	vmul.f32 $4.000000060e-01, v6;
	v4 =	vld [tilespmem:s28+$0x0];
	v10 =	vmul.f32 v10, v2;
	v12 =	vadd.f32 v16, v12  }
0x110: {  	s31 =	sor.u32 s29, s4;
	s23 =	sor.u32 s21, s24;
	v62 =	vld [tilespmem:s3+$0xA608];
	v11 =	vmul.f32 v11, v2;
	v8 =	vadd.f32 v8, v7;
	v9 =	vadd.f32 v9, v13  }
0x111: {  	s24 =	sor.u32 s21, s31;
	v6 =	vadd.f32 v6, v14;
	v63 =	vmul.f32 v5, v2;
	v10 =	vadd.f32 v10, v12;
	v7 =	vld [tilespmem:s23+$0x2608]  }
0x112: {  	v5 =	vld [tilespmem:s24+$0x2608];
	[tilespmem:s17+$0x12608] =	vst v8;
	v9 =	vadd.f32 v11, v9  }
0x113: {  	v11 =	vadd.f32 v63, v6;
	[tilespmem:s14+$0x12608] =	vst v10;
	v8 =	vld [tilespmem:s23+$0xA608];
	v10 =	vmul.f32 $4.000000060e-01, v60  }
0x114: {  	s26 =	sadd.s32 $0x40, s26;
	s21 =	simm.s32 $0xB0;
	v6 =	vld [tilespmem:s24+$0xA608];
	[tilespmem:s25+$0x12608] =	vst v9  }
0x115: {  	s17 =	simm.s32 $0x4;
	s14 =	smov.u32 s15;
	[tilespmem:s15+$0x0] =	vst v11;
	v9 =	vld [tilespmem:s7+$0xFFFFFFF0];
	v10 =	vadd.f32 v10, v61;
	v11 =	vmul.f32 v62, v2;
	s25 =	sadd.s32 $0x40, s28  }
.LBB2_21:
0x116: {  	s28 =	sadd.s32 $0xFFFFFFE0, s21;
	s29 =	sadd.s32 $0xFFFFFFF0, s21;
	s17 =	sadd.s32 $0x4, s17;
	v7 =	vmul.f32 $4.000000060e-01, v7;
	v12 =	vld [tilespmem:s7+$0x10]  }
0x117: {  	s30 =	sadd.s32 $0xFFFFFFD0, s21;
	s29 =	sand.u32 $0x60, s29;
	p0 =	slt.u32 s17, $0x38;
	v13 =	vld [tilespmem:s7+$0xFFFFFFE0];
	v10 =	vadd.f32 v11, v10;
	v5 =	vmul.f32 $4.000000060e-01, v5  }
0x118: {  	s30 =	sand.u32 $0x380, s30;
	s28 =	sand.u32 $0x50, s28;
	v11 =	vld [tilespmem:s26+$0x0];
	s29 =	sor.u32 s29, s4;
	v8 =	vmul.f32 v8, v2  }
0x119: {  	s31 =	sand.u32 $0x70, s21;
	s28 =	sor.u32 s28, s4;
	v14 =	vld [tilespmem:s25+$0x0];
	[tilespmem:s3+$0x12608] =	vst v10;
	s3 =	sor.u32 s30, s29;
	v6 =	vmul.f32 v6, v2  }
0x11a: {  	v4 =	vmul.f32 $4.000000060e-01, v4;
	s7 =	sadd.s32 $0x40, s7;
	s28 =	sor.u32 s30, s28;
	s29 =	sor.u32 s31, s4;
	v10 =	vld [tilespmem:s3+$0x2608];
	v7 =	vadd.f32 v7, v9  }
0x11b: {  	s29 =	sor.u32 s30, s29;
	v15 =	vld [tilespmem:s7+$0x0];
	v5 =	vadd.f32 v5, v12  }
0x11c: {  	v9 =	vmul.f32 v3, v2;
	v12 =	vld [tilespmem:s3+$0xA608];
	v13 =	vadd.f32 v4, v13;
	v8 =	vadd.f32 v8, v7  }
.Ltmp9:
0x11d: {  	v7 =	vld [tilespmem:s28+$0x2608];
	v6 =	vadd.f32 v6, v5;
	v3 =	vmov v11;
	(pc) =	sbr.rel @p0 .LBB2_21-.Ltmp9, $4  }
0x11e: {  	v5 =	vld [tilespmem:s29+$0x2608];
	v9 =	vadd.f32 v9, v13;
	[tilespmem:s23+$0x12608] =	vst v8;
	v4 =	vmov v14;
	s23 =	smov.u32 s28  }
0x11f: {  	s14 =	sadd.s32 $0x40, s14;
	v8 =	vld [tilespmem:s23+$0xA608];
	v10 =	vmul.f32 $4.000000060e-01, v10;
	[tilespmem:s24+$0x12608] =	vst v6;
	s24 =	smov.u32 s29  }
0x120: {  	s28 =	simm.s32 $0x0;
	v6 =	vld [tilespmem:s24+$0xA608];
	[tilespmem:s14+$0x0] =	vst v9  }
0x121: {  	s21 =	sadd.s32 $0x40, s21;
	s26 =	sadd.s32 $0x40, s26;
	s25 =	sadd.s32 $0x40, s25;
	v9 =	vld [tilespmem:s7+$0xFFFFFFF0];
	v10 =	vadd.f32 v10, v15;
	v11 =	vmul.f32 v12, v2  }
0x122: {  	v12 =	vld [tilespmem:s7+$0x10]  }
0x123: {  	v13 =	vld [tilespmem:s7+$0xFFFFFFE0]  }
0x124: {  	v7 =	vmul.f32 $4.000000060e-01, v7  }
0x125: {  	v5 =	vmul.f32 $4.000000060e-01, v5  }
0x126: {  	v4 =	vmul.f32 $4.000000060e-01, v4;
	v8 =	vmul.f32 v8, v2;
	v7 =	vadd.f32 v7, v9  }
0x127: {  	v63 =	vadd.f32 v11, v10;
	v6 =	vmul.f32 v6, v2;
	v5 =	vadd.f32 v5, v12  }
0x128: {  	v3 =	vmul.f32 v3, v2;
	v4 =	vadd.f32 v4, v13;
	v7 =	vadd.f32 v8, v7  }
0x129: {  	[tilespmem:s3+$0x12608] =	vst v63;
	v5 =	vadd.f32 v6, v5  }
0x12a: {  	v3 =	vadd.f32 v3, v4;
	[tilespmem:s23+$0x12608] =	vst v7  }
0x12b: {  	s31 =	sadd.s32 $0x40, s14;
	[tilespmem:s24+$0x12608] =	vst v5  }
0x12c: {  	[tilespmem:s31+$0x0] =	vst v3  }
.LBB2_23:
0x12d: {  	s3 =	sshra.s32 s28, $0x2  }
0x12e: {  	s4 =	sadd.s32 s3, s16  }
0x12f: {  	v3 =	vld [tilespmem:s4+$0x0]  }
0x130: {  	v4 =	vld [tilespmem:s3+$0x25C8];
	s31 =	sadd.s32 s3, s18  }
0x131: {  	v5 =	vld [tilespmem:s31+$0x0];
	_ =	sdelay $0x2  }
0x132: {  	v3 =	vmul.f32 $4.000000060e-01, v3  }
0x133: {  	p0 =	sne.s32 s28, $0x80  }
.Ltmp10:
0x134: {  	v63 =	vmul.f32 v5, v2;
	v3 =	vadd.f32 v3, v4;
	(pc) =	sbr.rel @p0 .LBB2_23-.Ltmp10, $4  }
0x135: {  	_ = 	snop  }
0x136: {  	v3 =	vadd.f32 v63, v3  }
0x137: {  	s3 =	sadd.s32 s3, s22  }
0x138: {  	s28 =	sadd.s32 $0x40, s28;
	[tilespmem:s3+$0x0] =	vst v3  }
0x139: {  	s13 =	sadd.s32 $0x1, s13  }
0x13a: {  	p0 =	sne.s32 s13, $0x10  }
.Ltmp11:
0x13b: {  	_ = 	snop;
	(pc) =	sbr.rel @p0 .LBB2_20-.Ltmp11, $3  }
0x13c: {  	_ =	sdelay $0x1  }
0x13d: {  	s19 =	sadd.s32 $0x400, s19;
	s20 =	sadd.s32 $0x400, s20;
	s15 =	sadd.s32 $0x400, s15  }
0x13e: {  	s16 =	sadd.s32 $0x400, s16;
	s18 =	sadd.s32 $0x400, s18;
	s22 =	sadd.s32 $0x400, s22  }
0x13f: {  	s13 =	simm.s32 $0x0;
	s3 =	rddreg [dreg:$0x8]  }
0x140: {  	s4 =	simm.s32 $0x12608;
	s24 =	rddreg [dreg:$0x2];
	s25 =	simm.s32 $0x10  }
0x141: {  	[hbm4b:s3+s13] =	stream.linear.scatter [tilespmem:s4], [sflag:$0x3], $0x4000, $0x38;
	[tilespmem:$0x1A608] =	vst v63  }
0x142: {  	s7 =	simm.s32 $0x2608;
	s14 =	simm.s32 $0x2048;
	s26 =	rddreg [dreg:$0x5]  }
0x143: {  	[tilespmem:s7], [sflag:$0x1] =	stream.indirect.gather [hbm4b:s24+s25], $0x400, s14, s25, $0xb8;
	[tilespmem:$0x1A608] =	vst v63  }
0x144: {  	s28 =	simm.s32 $0xA608;
	s29 =	simm.s32 $0x2148;
	s30 =	simm.s32 $0x2  }
0x145: {  	[tilespmem:s28], [sflag:$0x1] =	stream.indirect.gather [hbm4b:s26+s25], $0x400, s29, s25, $0xb8;
	[tilespmem:$0x1A608] =	vst v63  }
0x146: {  	_ =	swait.ge [sflag:s30], $0x4000  }
0x147: {  	[sflag:s30] =	ssyncset.done $0x0  }
0x148: {  	[sflag:s30] =	ssyncadd.s32 $0xFFFFC000  }
0x149: {  	_ =	swait.ge [sflag:s30], $0x4000  }
0x14a: {  	[sflag:s30] =	ssyncset.done $0x0  }
0x14b: {  	s31 =	simm.s32 $0x4;
	[sflag:s30] =	ssyncadd.s32 $0xFFFFC000  }
0x14c: {  	s19 =	simm.s32 $0x6608;
	s20 =	simm.s32 $0xE608;
	_ =	swait.ge [sflag:s31], $0x4000  }
0x14d: {  	s15 =	simm.s32 $0x16608;
	s16 =	simm.s32 $0x69C8;
	[sflag:s31] =	ssyncset.done $0x0  }
0x14e: {  	s18 =	simm.s32 $0xE9C8;
	s22 =	simm.s32 $0x169C8;
	[sflag:s31] =	ssyncadd.s32 $0xFFFFC000  }
.LBB2_26:
0x14f: {  	v5 =	vld [tilespmem:s20+$0x0]  }
0x150: {  	v6 =	vld [tilespmem:s19+$0x0];
	s21 =	simm.s32 $0x2228  }
0x151: {  	s3 =	simm.s32 $0x20;
	v7 =	vld [tilespmem:s21+$0x0]  }
0x152: {  	s4 =	sshll.u32 s13, $0xA;
	s7 =	simm.s32 $0x0;
	s3 =	sand.u32 $0x60, s3;
	v12 =	vld [tilespmem:s21+$0xFFFFFFF0]  }
0x153: {  	s14 =	simm.s32 $0x10;
	s7 =	sand.u32 $0x380, s7;
	v13 =	vld [tilespmem:s21+$0x10];
	s3 =	sor.u32 s3, s4  }
0x154: {  	s25 =	simm.s32 $0x30;
	s14 =	sand.u32 $0x50, s14;
	v14 =	vld [tilespmem:s21+$0xFFFFFFE0];
	s17 =	sor.u32 s7, s3  }
0x155: {  	s14 =	sor.u32 s14, s4;
	s3 =	sand.u32 $0x70, s25;
	v2 =	vld [tilespmem:s17+$0x6608]  }
0x156: {  	s14 =	sor.u32 s7, s14;
	s3 =	sor.u32 s3, s4;
	v8 =	vld [tilespmem:s17+$0xE608]  }
0x157: {  	v4 =	vld [tilespmem:s14+$0x6608];
	s25 =	sor.u32 s7, s3  }
0x158: {  	s26 =	rddreg [dreg:$0x19];
	v9 =	vld [tilespmem:s25+$0x6608]  }
0x159: {  	s28 =	simm.s32 $0x60;
	s29 =	simm.s32 $0x40;
	v10 =	vld [tilespmem:s14+$0xE608];
	s3 =	sor.u32 s26, s13  }
0x15a: {  	s26 =	sadd.s32 $0x40, s20;
	v11 =	vld [tilespmem:s25+$0xE608];
	p0 =	sgt.s32 s3, $0x7;
	s3 =	sand.u32 $0x60, s28  }
0x15b: {  	s21 =	sand.u32 $0x380, s29;
	s7 =	simm.s32 $0x2268;
	v3 =	vld [tilespmem:s26+$0x0];
	s3 =	sor.u32 s3, s4;
	v15 =	vmul.f32 $4.000000060e-01, v2  }
0x15c: {  	s30 =	simm.s32 $0x50;
	v61 =	vld [tilespmem:s7+$0x0];
	s3 =	sor.u32 s21, s3;
	v2 =	vpsel !p0, $0x0, v1;
	v16 =	vmul.f32 $4.000000060e-01, v4  }
0x15d: {  	s23 =	simm.s32 $0x70;
	s24 =	sand.u32 $0x50, s30;
	s28 =	sadd.s32 $0x40, s19;
	v60 =	vld [tilespmem:s3+$0x6608];
	v8 =	vmul.f32 v8, v2;
	v7 =	vadd.f32 v15, v7;
	v9 =	vmul.f32 $4.000000060e-01, v9  }
0x15e: {  	s29 =	sand.u32 $0x70, s23;
	s24 =	sor.u32 s24, s4;
	v6 =	vmul.f32 $4.000000060e-01, v6;
	v4 =	vld [tilespmem:s28+$0x0];
	v10 =	vmul.f32 v10, v2;
	v12 =	vadd.f32 v16, v12  }
0x15f: {  	s31 =	sor.u32 s29, s4;
	s23 =	sor.u32 s21, s24;
	v62 =	vld [tilespmem:s3+$0xE608];
	v11 =	vmul.f32 v11, v2;
	v8 =	vadd.f32 v8, v7;
	v9 =	vadd.f32 v9, v13  }
0x160: {  	s24 =	sor.u32 s21, s31;
	v6 =	vadd.f32 v6, v14;
	v63 =	vmul.f32 v5, v2;
	v10 =	vadd.f32 v10, v12;
	v7 =	vld [tilespmem:s23+$0x6608]  }
0x161: {  	v5 =	vld [tilespmem:s24+$0x6608];
	[tilespmem:s17+$0x16608] =	vst v8;
	v9 =	vadd.f32 v11, v9  }
0x162: {  	v11 =	vadd.f32 v63, v6;
	[tilespmem:s14+$0x16608] =	vst v10;
	v8 =	vld [tilespmem:s23+$0xE608];
	v10 =	vmul.f32 $4.000000060e-01, v60  }
0x163: {  	s26 =	sadd.s32 $0x40, s26;
	s21 =	simm.s32 $0xB0;
	v6 =	vld [tilespmem:s24+$0xE608];
	[tilespmem:s25+$0x16608] =	vst v9  }
0x164: {  	s17 =	simm.s32 $0x4;
	s14 =	smov.u32 s15;
	[tilespmem:s15+$0x0] =	vst v11;
	v9 =	vld [tilespmem:s7+$0xFFFFFFF0];
	v10 =	vadd.f32 v10, v61;
	v11 =	vmul.f32 v62, v2;
	s25 =	sadd.s32 $0x40, s28  }
.LBB2_27:
0x165: {  	s28 =	sadd.s32 $0xFFFFFFE0, s21;
	s29 =	sadd.s32 $0xFFFFFFF0, s21;
	s17 =	sadd.s32 $0x4, s17;
	v7 =	vmul.f32 $4.000000060e-01, v7;
	v12 =	vld [tilespmem:s7+$0x10]  }
0x166: {  	s30 =	sadd.s32 $0xFFFFFFD0, s21;
	s29 =	sand.u32 $0x60, s29;
	p0 =	slt.u32 s17, $0x38;
	v13 =	vld [tilespmem:s7+$0xFFFFFFE0];
	v10 =	vadd.f32 v11, v10;
	v5 =	vmul.f32 $4.000000060e-01, v5  }
0x167: {  	s30 =	sand.u32 $0x380, s30;
	s28 =	sand.u32 $0x50, s28;
	v11 =	vld [tilespmem:s26+$0x0];
	s29 =	sor.u32 s29, s4;
	v8 =	vmul.f32 v8, v2  }
0x168: {  	s31 =	sand.u32 $0x70, s21;
	s28 =	sor.u32 s28, s4;
	v14 =	vld [tilespmem:s25+$0x0];
	[tilespmem:s3+$0x16608] =	vst v10;
	s3 =	sor.u32 s30, s29;
	v6 =	vmul.f32 v6, v2  }
0x169: {  	v4 =	vmul.f32 $4.000000060e-01, v4;
	s7 =	sadd.s32 $0x40, s7;
	s28 =	sor.u32 s30, s28;
	s29 =	sor.u32 s31, s4;
	v10 =	vld [tilespmem:s3+$0x6608];
	v7 =	vadd.f32 v7, v9  }
0x16a: {  	s29 =	sor.u32 s30, s29;
	v15 =	vld [tilespmem:s7+$0x0];
	v5 =	vadd.f32 v5, v12  }
0x16b: {  	v9 =	vmul.f32 v3, v2;
	v12 =	vld [tilespmem:s3+$0xE608];
	v13 =	vadd.f32 v4, v13;
	v8 =	vadd.f32 v8, v7  }
.Ltmp12:
0x16c: {  	v7 =	vld [tilespmem:s28+$0x6608];
	v6 =	vadd.f32 v6, v5;
	v3 =	vmov v11;
	(pc) =	sbr.rel @p0 .LBB2_27-.Ltmp12, $4  }
0x16d: {  	v5 =	vld [tilespmem:s29+$0x6608];
	v9 =	vadd.f32 v9, v13;
	[tilespmem:s23+$0x16608] =	vst v8;
	v4 =	vmov v14;
	s23 =	smov.u32 s28  }
0x16e: {  	s14 =	sadd.s32 $0x40, s14;
	v8 =	vld [tilespmem:s23+$0xE608];
	v10 =	vmul.f32 $4.000000060e-01, v10;
	[tilespmem:s24+$0x16608] =	vst v6;
	s24 =	smov.u32 s29  }
0x16f: {  	s28 =	simm.s32 $0x0;
	v6 =	vld [tilespmem:s24+$0xE608];
	[tilespmem:s14+$0x0] =	vst v9  }
0x170: {  	s21 =	sadd.s32 $0x40, s21;
	s26 =	sadd.s32 $0x40, s26;
	s25 =	sadd.s32 $0x40, s25;
	v9 =	vld [tilespmem:s7+$0xFFFFFFF0];
	v10 =	vadd.f32 v10, v15;
	v11 =	vmul.f32 v12, v2  }
0x171: {  	v12 =	vld [tilespmem:s7+$0x10]  }
0x172: {  	v13 =	vld [tilespmem:s7+$0xFFFFFFE0]  }
0x173: {  	v7 =	vmul.f32 $4.000000060e-01, v7  }
0x174: {  	v5 =	vmul.f32 $4.000000060e-01, v5  }
0x175: {  	v4 =	vmul.f32 $4.000000060e-01, v4;
	v8 =	vmul.f32 v8, v2;
	v7 =	vadd.f32 v7, v9  }
0x176: {  	v63 =	vadd.f32 v11, v10;
	v6 =	vmul.f32 v6, v2;
	v5 =	vadd.f32 v5, v12  }
0x177: {  	v3 =	vmul.f32 v3, v2;
	v4 =	vadd.f32 v4, v13;
	v7 =	vadd.f32 v8, v7  }
0x178: {  	[tilespmem:s3+$0x16608] =	vst v63;
	v5 =	vadd.f32 v6, v5  }
0x179: {  	v3 =	vadd.f32 v3, v4;
	[tilespmem:s23+$0x16608] =	vst v7  }
0x17a: {  	s31 =	sadd.s32 $0x40, s14;
	[tilespmem:s24+$0x16608] =	vst v5  }
0x17b: {  	[tilespmem:s31+$0x0] =	vst v3  }
.LBB2_29:
0x17c: {  	s3 =	sshra.s32 s28, $0x2  }
0x17d: {  	s4 =	sadd.s32 s3, s16  }
0x17e: {  	v3 =	vld [tilespmem:s4+$0x0]  }
0x17f: {  	v4 =	vld [tilespmem:s3+$0x25C8];
	s31 =	sadd.s32 s3, s18  }
0x180: {  	v5 =	vld [tilespmem:s31+$0x0];
	_ =	sdelay $0x2  }
0x181: {  	v3 =	vmul.f32 $4.000000060e-01, v3  }
0x182: {  	p0 =	sne.s32 s28, $0x80  }
.Ltmp13:
0x183: {  	v63 =	vmul.f32 v5, v2;
	v3 =	vadd.f32 v3, v4;
	(pc) =	sbr.rel @p0 .LBB2_29-.Ltmp13, $4  }
0x184: {  	_ = 	snop  }
0x185: {  	v3 =	vadd.f32 v63, v3  }
0x186: {  	s3 =	sadd.s32 s3, s22  }
0x187: {  	s28 =	sadd.s32 $0x40, s28;
	[tilespmem:s3+$0x0] =	vst v3  }
0x188: {  	s13 =	sadd.s32 $0x1, s13  }
0x189: {  	p0 =	sne.s32 s13, $0x10  }
.Ltmp14:
0x18a: {  	_ = 	snop;
	(pc) =	sbr.rel @p0 .LBB2_26-.Ltmp14, $3  }
0x18b: {  	_ =	sdelay $0x1  }
0x18c: {  	s19 =	sadd.s32 $0x400, s19;
	s20 =	sadd.s32 $0x400, s20;
	s15 =	sadd.s32 $0x400, s15  }
0x18d: {  	s16 =	sadd.s32 $0x400, s16;
	s18 =	sadd.s32 $0x400, s18;
	s22 =	sadd.s32 $0x400, s22  }
0x18e: {  	s13 =	simm.s32 $0x0;
	s3 =	rddreg [dreg:$0x9]  }
0x18f: {  	s4 =	simm.s32 $0x16608;
	s24 =	rddreg [dreg:$0x2];
	s25 =	simm.s32 $0x10  }
0x190: {  	[hbm4b:s3+s13] =	stream.linear.scatter [tilespmem:s4], [sflag:$0x4], $0x4000, $0x38;
	[tilespmem:$0x1A608] =	vst v63  }
0x191: {  	s7 =	simm.s32 $0x6608;
	s14 =	simm.s32 $0x2058;
	s26 =	rddreg [dreg:$0x5]  }
0x192: {  	[tilespmem:s7], [sflag:$0x2] =	stream.indirect.gather [hbm4b:s24+s25], $0x400, s14, s25, $0xb8;
	[tilespmem:$0x1A608] =	vst v63  }
0x193: {  	s28 =	simm.s32 $0xE608;
	s29 =	simm.s32 $0x2158;
	s30 =	simm.s32 $0x1  }
0x194: {  	[tilespmem:s28], [sflag:$0x2] =	stream.indirect.gather [hbm4b:s26+s25], $0x400, s29, s25, $0xb8;
	[tilespmem:$0x1A608] =	vst v63  }
0x195: {  	_ =	swait.ge [sflag:s30], $0x4000  }
0x196: {  	[sflag:s30] =	ssyncset.done $0x0  }
0x197: {  	[sflag:s30] =	ssyncadd.s32 $0xFFFFC000  }
0x198: {  	_ =	swait.ge [sflag:s30], $0x4000  }
0x199: {  	[sflag:s30] =	ssyncset.done $0x0  }
0x19a: {  	s31 =	simm.s32 $0x3;
	[sflag:s30] =	ssyncadd.s32 $0xFFFFC000  }
0x19b: {  	s19 =	simm.s32 $0x2608;
	s20 =	simm.s32 $0xA608;
	_ =	swait.ge [sflag:s31], $0x4000  }
0x19c: {  	s15 =	simm.s32 $0x12608;
	s16 =	simm.s32 $0x29C8;
	[sflag:s31] =	ssyncset.done $0x0  }
0x19d: {  	s18 =	simm.s32 $0xA9C8;
	s22 =	simm.s32 $0x129C8;
	[sflag:s31] =	ssyncadd.s32 $0xFFFFC000  }
.LBB2_32:
0x19e: {  	v5 =	vld [tilespmem:s20+$0x0]  }
0x19f: {  	v6 =	vld [tilespmem:s19+$0x0];
	s21 =	simm.s32 $0x2228  }
0x1a0: {  	s3 =	simm.s32 $0x20;
	v7 =	vld [tilespmem:s21+$0x0]  }
0x1a1: {  	s4 =	sshll.u32 s13, $0xA;
	s7 =	simm.s32 $0x0;
	s3 =	sand.u32 $0x60, s3;
	v12 =	vld [tilespmem:s21+$0xFFFFFFF0]  }
0x1a2: {  	s14 =	simm.s32 $0x10;
	s7 =	sand.u32 $0x380, s7;
	v13 =	vld [tilespmem:s21+$0x10];
	s3 =	sor.u32 s3, s4  }
0x1a3: {  	s25 =	simm.s32 $0x30;
	s14 =	sand.u32 $0x50, s14;
	v14 =	vld [tilespmem:s21+$0xFFFFFFE0];
	s17 =	sor.u32 s7, s3  }
0x1a4: {  	s14 =	sor.u32 s14, s4;
	s3 =	sand.u32 $0x70, s25;
	v2 =	vld [tilespmem:s17+$0x2608]  }
0x1a5: {  	s14 =	sor.u32 s7, s14;
	s3 =	sor.u32 s3, s4;
	v8 =	vld [tilespmem:s17+$0xA608]  }
0x1a6: {  	v4 =	vld [tilespmem:s14+$0x2608];
	s25 =	sor.u32 s7, s3  }
0x1a7: {  	s26 =	rddreg [dreg:$0x1a];
	v9 =	vld [tilespmem:s25+$0x2608]  }
0x1a8: {  	s28 =	simm.s32 $0x60;
	s29 =	simm.s32 $0x40;
	v10 =	vld [tilespmem:s14+$0xA608];
	s3 =	sor.u32 s26, s13  }
0x1a9: {  	s26 =	sadd.s32 $0x40, s20;
	v11 =	vld [tilespmem:s25+$0xA608];
	p0 =	sgt.s32 s3, $0x7;
	s3 =	sand.u32 $0x60, s28  }
0x1aa: {  	s21 =	sand.u32 $0x380, s29;
	s7 =	simm.s32 $0x2268;
	v3 =	vld [tilespmem:s26+$0x0];
	s3 =	sor.u32 s3, s4;
	v15 =	vmul.f32 $4.000000060e-01, v2  }
0x1ab: {  	s30 =	simm.s32 $0x50;
	v61 =	vld [tilespmem:s7+$0x0];
	s3 =	sor.u32 s21, s3;
	v2 =	vpsel !p0, $0x0, v1;
	v16 =	vmul.f32 $4.000000060e-01, v4  }
0x1ac: {  	s23 =	simm.s32 $0x70;
	s24 =	sand.u32 $0x50, s30;
	s28 =	sadd.s32 $0x40, s19;
	v60 =	vld [tilespmem:s3+$0x2608];
	v8 =	vmul.f32 v8, v2;
	v7 =	vadd.f32 v15, v7;
	v9 =	vmul.f32 $4.000000060e-01, v9  }
0x1ad: {  	s29 =	sand.u32 $0x70, s23;
	s24 =	sor.u32 s24, s4;
	v6 =	vmul.f32 $4.000000060e-01, v6;
	v4 =	vld [tilespmem:s28+$0x0];
	v10 =	vmul.f32 v10, v2;
	v12 =	vadd.f32 v16, v12  }
0x1ae: {  	s31 =	sor.u32 s29, s4;
	s23 =	sor.u32 s21, s24;
	v62 =	vld [tilespmem:s3+$0xA608];
	v11 =	vmul.f32 v11, v2;
	v8 =	vadd.f32 v8, v7;
	v9 =	vadd.f32 v9, v13  }
0x1af: {  	s24 =	sor.u32 s21, s31;
	v6 =	vadd.f32 v6, v14;
	v63 =	vmul.f32 v5, v2;
	v10 =	vadd.f32 v10, v12;
	v7 =	vld [tilespmem:s23+$0x2608]  }
0x1b0: {  	v5 =	vld [tilespmem:s24+$0x2608];
	[tilespmem:s17+$0x12608] =	vst v8;
	v9 =	vadd.f32 v11, v9  }
0x1b1: {  	v11 =	vadd.f32 v63, v6;
	[tilespmem:s14+$0x12608] =	vst v10;
	v8 =	vld [tilespmem:s23+$0xA608];
	v10 =	vmul.f32 $4.000000060e-01, v60  }
0x1b2: {  	s26 =	sadd.s32 $0x40, s26;
	s21 =	simm.s32 $0xB0;
	v6 =	vld [tilespmem:s24+$0xA608];
	[tilespmem:s25+$0x12608] =	vst v9  }
0x1b3: {  	s17 =	simm.s32 $0x4;
	s14 =	smov.u32 s15;
	[tilespmem:s15+$0x0] =	vst v11;
	v9 =	vld [tilespmem:s7+$0xFFFFFFF0];
	v10 =	vadd.f32 v10, v61;
	v11 =	vmul.f32 v62, v2;
	s25 =	sadd.s32 $0x40, s28  }
.LBB2_33:
0x1b4: {  	s28 =	sadd.s32 $0xFFFFFFE0, s21;
	s29 =	sadd.s32 $0xFFFFFFF0, s21;
	s17 =	sadd.s32 $0x4, s17;
	v7 =	vmul.f32 $4.000000060e-01, v7;
	v12 =	vld [tilespmem:s7+$0x10]  }
0x1b5: {  	s30 =	sadd.s32 $0xFFFFFFD0, s21;
	s29 =	sand.u32 $0x60, s29;
	p0 =	slt.u32 s17, $0x38;
	v13 =	vld [tilespmem:s7+$0xFFFFFFE0];
	v10 =	vadd.f32 v11, v10;
	v5 =	vmul.f32 $4.000000060e-01, v5  }
0x1b6: {  	s30 =	sand.u32 $0x380, s30;
	s28 =	sand.u32 $0x50, s28;
	v11 =	vld [tilespmem:s26+$0x0];
	s29 =	sor.u32 s29, s4;
	v8 =	vmul.f32 v8, v2  }
0x1b7: {  	s31 =	sand.u32 $0x70, s21;
	s28 =	sor.u32 s28, s4;
	v14 =	vld [tilespmem:s25+$0x0];
	[tilespmem:s3+$0x12608] =	vst v10;
	s3 =	sor.u32 s30, s29;
	v6 =	vmul.f32 v6, v2  }
0x1b8: {  	v4 =	vmul.f32 $4.000000060e-01, v4;
	s7 =	sadd.s32 $0x40, s7;
	s28 =	sor.u32 s30, s28;
	s29 =	sor.u32 s31, s4;
	v10 =	vld [tilespmem:s3+$0x2608];
	v7 =	vadd.f32 v7, v9  }
0x1b9: {  	s29 =	sor.u32 s30, s29;
	v15 =	vld [tilespmem:s7+$0x0];
	v5 =	vadd.f32 v5, v12  }
0x1ba: {  	v9 =	vmul.f32 v3, v2;
	v12 =	vld [tilespmem:s3+$0xA608];
	v13 =	vadd.f32 v4, v13;
	v8 =	vadd.f32 v8, v7  }
.Ltmp15:
0x1bb: {  	v7 =	vld [tilespmem:s28+$0x2608];
	v6 =	vadd.f32 v6, v5;
	v3 =	vmov v11;
	(pc) =	sbr.rel @p0 .LBB2_33-.Ltmp15, $4  }
0x1bc: {  	v5 =	vld [tilespmem:s29+$0x2608];
	v9 =	vadd.f32 v9, v13;
	[tilespmem:s23+$0x12608] =	vst v8;
	v4 =	vmov v14;
	s23 =	smov.u32 s28  }
0x1bd: {  	s14 =	sadd.s32 $0x40, s14;
	v8 =	vld [tilespmem:s23+$0xA608];
	v10 =	vmul.f32 $4.000000060e-01, v10;
	[tilespmem:s24+$0x12608] =	vst v6;
	s24 =	smov.u32 s29  }
0x1be: {  	s28 =	simm.s32 $0x0;
	v6 =	vld [tilespmem:s24+$0xA608];
	[tilespmem:s14+$0x0] =	vst v9  }
0x1bf: {  	s21 =	sadd.s32 $0x40, s21;
	s26 =	sadd.s32 $0x40, s26;
	s25 =	sadd.s32 $0x40, s25;
	v9 =	vld [tilespmem:s7+$0xFFFFFFF0];
	v10 =	vadd.f32 v10, v15;
	v11 =	vmul.f32 v12, v2  }
0x1c0: {  	v12 =	vld [tilespmem:s7+$0x10]  }
0x1c1: {  	v13 =	vld [tilespmem:s7+$0xFFFFFFE0]  }
0x1c2: {  	v7 =	vmul.f32 $4.000000060e-01, v7  }
0x1c3: {  	v5 =	vmul.f32 $4.000000060e-01, v5  }
0x1c4: {  	v4 =	vmul.f32 $4.000000060e-01, v4;
	v8 =	vmul.f32 v8, v2;
	v7 =	vadd.f32 v7, v9  }
0x1c5: {  	v63 =	vadd.f32 v11, v10;
	v6 =	vmul.f32 v6, v2;
	v5 =	vadd.f32 v5, v12  }
0x1c6: {  	v3 =	vmul.f32 v3, v2;
	v4 =	vadd.f32 v4, v13;
	v7 =	vadd.f32 v8, v7  }
0x1c7: {  	[tilespmem:s3+$0x12608] =	vst v63;
	v5 =	vadd.f32 v6, v5  }
0x1c8: {  	v3 =	vadd.f32 v3, v4;
	[tilespmem:s23+$0x12608] =	vst v7  }
0x1c9: {  	s31 =	sadd.s32 $0x40, s14;
	[tilespmem:s24+$0x12608] =	vst v5  }
0x1ca: {  	[tilespmem:s31+$0x0] =	vst v3  }
.LBB2_35:
0x1cb: {  	s3 =	sshra.s32 s28, $0x2  }
0x1cc: {  	s4 =	sadd.s32 s3, s16  }
0x1cd: {  	v3 =	vld [tilespmem:s4+$0x0]  }
0x1ce: {  	v4 =	vld [tilespmem:s3+$0x25C8];
	s31 =	sadd.s32 s3, s18  }
0x1cf: {  	v5 =	vld [tilespmem:s31+$0x0];
	_ =	sdelay $0x2  }
0x1d0: {  	v3 =	vmul.f32 $4.000000060e-01, v3  }
0x1d1: {  	p0 =	sne.s32 s28, $0x80  }
.Ltmp16:
0x1d2: {  	v63 =	vmul.f32 v5, v2;
	v3 =	vadd.f32 v3, v4;
	(pc) =	sbr.rel @p0 .LBB2_35-.Ltmp16, $4  }
0x1d3: {  	_ = 	snop  }
0x1d4: {  	v3 =	vadd.f32 v63, v3  }
0x1d5: {  	s3 =	sadd.s32 s3, s22  }
0x1d6: {  	s28 =	sadd.s32 $0x40, s28;
	[tilespmem:s3+$0x0] =	vst v3  }
0x1d7: {  	s13 =	sadd.s32 $0x1, s13  }
0x1d8: {  	p0 =	sne.s32 s13, $0x10  }
.Ltmp17:
0x1d9: {  	_ = 	snop;
	(pc) =	sbr.rel @p0 .LBB2_32-.Ltmp17, $3  }
0x1da: {  	_ =	sdelay $0x1  }
0x1db: {  	s19 =	sadd.s32 $0x400, s19;
	s20 =	sadd.s32 $0x400, s20;
	s15 =	sadd.s32 $0x400, s15  }
0x1dc: {  	s16 =	sadd.s32 $0x400, s16;
	s18 =	sadd.s32 $0x400, s18;
	s22 =	sadd.s32 $0x400, s22  }
0x1dd: {  	s13 =	simm.s32 $0x0;
	s3 =	rddreg [dreg:$0xa]  }
0x1de: {  	s4 =	simm.s32 $0x12608;
	s24 =	rddreg [dreg:$0x2];
	s25 =	simm.s32 $0x10  }
0x1df: {  	[hbm4b:s3+s13] =	stream.linear.scatter [tilespmem:s4], [sflag:$0x3], $0x4000, $0x38;
	[tilespmem:$0x1A608] =	vst v63  }
0x1e0: {  	s7 =	simm.s32 $0x2608;
	s14 =	simm.s32 $0x2068;
	s26 =	rddreg [dreg:$0x5]  }
0x1e1: {  	[tilespmem:s7], [sflag:$0x1] =	stream.indirect.gather [hbm4b:s24+s25], $0x400, s14, s25, $0xb8;
	[tilespmem:$0x1A608] =	vst v63  }
0x1e2: {  	s28 =	simm.s32 $0xA608;
	s29 =	simm.s32 $0x2168;
	s30 =	simm.s32 $0x2  }
0x1e3: {  	[tilespmem:s28], [sflag:$0x1] =	stream.indirect.gather [hbm4b:s26+s25], $0x400, s29, s25, $0xb8;
	[tilespmem:$0x1A608] =	vst v63  }
0x1e4: {  	_ =	swait.ge [sflag:s30], $0x4000  }
0x1e5: {  	[sflag:s30] =	ssyncset.done $0x0  }
0x1e6: {  	[sflag:s30] =	ssyncadd.s32 $0xFFFFC000  }
0x1e7: {  	_ =	swait.ge [sflag:s30], $0x4000  }
0x1e8: {  	[sflag:s30] =	ssyncset.done $0x0  }
0x1e9: {  	s31 =	simm.s32 $0x4;
	[sflag:s30] =	ssyncadd.s32 $0xFFFFC000  }
0x1ea: {  	s19 =	simm.s32 $0x6608;
	s20 =	simm.s32 $0xE608;
	_ =	swait.ge [sflag:s31], $0x4000  }
0x1eb: {  	s15 =	simm.s32 $0x16608;
	s16 =	simm.s32 $0x69C8;
	[sflag:s31] =	ssyncset.done $0x0  }
0x1ec: {  	s18 =	simm.s32 $0xE9C8;
	s22 =	simm.s32 $0x169C8;
	[sflag:s31] =	ssyncadd.s32 $0xFFFFC000  }
.LBB2_38:
0x1ed: {  	v5 =	vld [tilespmem:s20+$0x0]  }
0x1ee: {  	v6 =	vld [tilespmem:s19+$0x0];
	s21 =	simm.s32 $0x2228  }
0x1ef: {  	s3 =	simm.s32 $0x20;
	v7 =	vld [tilespmem:s21+$0x0]  }
0x1f0: {  	s4 =	sshll.u32 s13, $0xA;
	s7 =	simm.s32 $0x0;
	s3 =	sand.u32 $0x60, s3;
	v12 =	vld [tilespmem:s21+$0xFFFFFFF0]  }
0x1f1: {  	s14 =	simm.s32 $0x10;
	s7 =	sand.u32 $0x380, s7;
	v13 =	vld [tilespmem:s21+$0x10];
	s3 =	sor.u32 s3, s4  }
0x1f2: {  	s25 =	simm.s32 $0x30;
	s14 =	sand.u32 $0x50, s14;
	v14 =	vld [tilespmem:s21+$0xFFFFFFE0];
	s17 =	sor.u32 s7, s3  }
0x1f3: {  	s14 =	sor.u32 s14, s4;
	s3 =	sand.u32 $0x70, s25;
	v2 =	vld [tilespmem:s17+$0x6608]  }
0x1f4: {  	s14 =	sor.u32 s7, s14;
	s3 =	sor.u32 s3, s4;
	v8 =	vld [tilespmem:s17+$0xE608]  }
0x1f5: {  	v4 =	vld [tilespmem:s14+$0x6608];
	s25 =	sor.u32 s7, s3  }
0x1f6: {  	s26 =	rddreg [dreg:$0x1b];
	v9 =	vld [tilespmem:s25+$0x6608]  }
0x1f7: {  	s28 =	simm.s32 $0x60;
	s29 =	simm.s32 $0x40;
	v10 =	vld [tilespmem:s14+$0xE608];
	s3 =	sor.u32 s26, s13  }
0x1f8: {  	s26 =	sadd.s32 $0x40, s20;
	v11 =	vld [tilespmem:s25+$0xE608];
	p0 =	sgt.s32 s3, $0x7;
	s3 =	sand.u32 $0x60, s28  }
0x1f9: {  	s21 =	sand.u32 $0x380, s29;
	s7 =	simm.s32 $0x2268;
	v3 =	vld [tilespmem:s26+$0x0];
	s3 =	sor.u32 s3, s4;
	v15 =	vmul.f32 $4.000000060e-01, v2  }
0x1fa: {  	s30 =	simm.s32 $0x50;
	v61 =	vld [tilespmem:s7+$0x0];
	s3 =	sor.u32 s21, s3;
	v2 =	vpsel !p0, $0x0, v1;
	v16 =	vmul.f32 $4.000000060e-01, v4  }
0x1fb: {  	s23 =	simm.s32 $0x70;
	s24 =	sand.u32 $0x50, s30;
	s28 =	sadd.s32 $0x40, s19;
	v60 =	vld [tilespmem:s3+$0x6608];
	v8 =	vmul.f32 v8, v2;
	v7 =	vadd.f32 v15, v7;
	v9 =	vmul.f32 $4.000000060e-01, v9  }
0x1fc: {  	s29 =	sand.u32 $0x70, s23;
	s24 =	sor.u32 s24, s4;
	v6 =	vmul.f32 $4.000000060e-01, v6;
	v4 =	vld [tilespmem:s28+$0x0];
	v10 =	vmul.f32 v10, v2;
	v12 =	vadd.f32 v16, v12  }
0x1fd: {  	s31 =	sor.u32 s29, s4;
	s23 =	sor.u32 s21, s24;
	v62 =	vld [tilespmem:s3+$0xE608];
	v11 =	vmul.f32 v11, v2;
	v8 =	vadd.f32 v8, v7;
	v9 =	vadd.f32 v9, v13  }
0x1fe: {  	s24 =	sor.u32 s21, s31;
	v6 =	vadd.f32 v6, v14;
	v63 =	vmul.f32 v5, v2;
	v10 =	vadd.f32 v10, v12;
	v7 =	vld [tilespmem:s23+$0x6608]  }
0x1ff: {  	v5 =	vld [tilespmem:s24+$0x6608];
	[tilespmem:s17+$0x16608] =	vst v8;
	v9 =	vadd.f32 v11, v9  }
0x200: {  	v11 =	vadd.f32 v63, v6;
	[tilespmem:s14+$0x16608] =	vst v10;
	v8 =	vld [tilespmem:s23+$0xE608];
	v10 =	vmul.f32 $4.000000060e-01, v60  }
0x201: {  	s26 =	sadd.s32 $0x40, s26;
	s21 =	simm.s32 $0xB0;
	v6 =	vld [tilespmem:s24+$0xE608];
	[tilespmem:s25+$0x16608] =	vst v9  }
0x202: {  	s17 =	simm.s32 $0x4;
	s14 =	smov.u32 s15;
	[tilespmem:s15+$0x0] =	vst v11;
	v9 =	vld [tilespmem:s7+$0xFFFFFFF0];
	v10 =	vadd.f32 v10, v61;
	v11 =	vmul.f32 v62, v2;
	s25 =	sadd.s32 $0x40, s28  }
.LBB2_39:
0x203: {  	s28 =	sadd.s32 $0xFFFFFFE0, s21;
	s29 =	sadd.s32 $0xFFFFFFF0, s21;
	s17 =	sadd.s32 $0x4, s17;
	v7 =	vmul.f32 $4.000000060e-01, v7;
	v12 =	vld [tilespmem:s7+$0x10]  }
0x204: {  	s30 =	sadd.s32 $0xFFFFFFD0, s21;
	s29 =	sand.u32 $0x60, s29;
	p0 =	slt.u32 s17, $0x38;
	v13 =	vld [tilespmem:s7+$0xFFFFFFE0];
	v10 =	vadd.f32 v11, v10;
	v5 =	vmul.f32 $4.000000060e-01, v5  }
0x205: {  	s30 =	sand.u32 $0x380, s30;
	s28 =	sand.u32 $0x50, s28;
	v11 =	vld [tilespmem:s26+$0x0];
	s29 =	sor.u32 s29, s4;
	v8 =	vmul.f32 v8, v2  }
0x206: {  	s31 =	sand.u32 $0x70, s21;
	s28 =	sor.u32 s28, s4;
	v14 =	vld [tilespmem:s25+$0x0];
	[tilespmem:s3+$0x16608] =	vst v10;
	s3 =	sor.u32 s30, s29;
	v6 =	vmul.f32 v6, v2  }
0x207: {  	v4 =	vmul.f32 $4.000000060e-01, v4;
	s7 =	sadd.s32 $0x40, s7;
	s28 =	sor.u32 s30, s28;
	s29 =	sor.u32 s31, s4;
	v10 =	vld [tilespmem:s3+$0x6608];
	v7 =	vadd.f32 v7, v9  }
0x208: {  	s29 =	sor.u32 s30, s29;
	v15 =	vld [tilespmem:s7+$0x0];
	v5 =	vadd.f32 v5, v12  }
0x209: {  	v9 =	vmul.f32 v3, v2;
	v12 =	vld [tilespmem:s3+$0xE608];
	v13 =	vadd.f32 v4, v13;
	v8 =	vadd.f32 v8, v7  }
.Ltmp18:
0x20a: {  	v7 =	vld [tilespmem:s28+$0x6608];
	v6 =	vadd.f32 v6, v5;
	v3 =	vmov v11;
	(pc) =	sbr.rel @p0 .LBB2_39-.Ltmp18, $4  }
0x20b: {  	v5 =	vld [tilespmem:s29+$0x6608];
	v9 =	vadd.f32 v9, v13;
	[tilespmem:s23+$0x16608] =	vst v8;
	v4 =	vmov v14;
	s23 =	smov.u32 s28  }
0x20c: {  	s14 =	sadd.s32 $0x40, s14;
	v8 =	vld [tilespmem:s23+$0xE608];
	v10 =	vmul.f32 $4.000000060e-01, v10;
	[tilespmem:s24+$0x16608] =	vst v6;
	s24 =	smov.u32 s29  }
0x20d: {  	s28 =	simm.s32 $0x0;
	v6 =	vld [tilespmem:s24+$0xE608];
	[tilespmem:s14+$0x0] =	vst v9  }
0x20e: {  	s21 =	sadd.s32 $0x40, s21;
	s26 =	sadd.s32 $0x40, s26;
	s25 =	sadd.s32 $0x40, s25;
	v9 =	vld [tilespmem:s7+$0xFFFFFFF0];
	v10 =	vadd.f32 v10, v15;
	v11 =	vmul.f32 v12, v2  }
0x20f: {  	v12 =	vld [tilespmem:s7+$0x10]  }
0x210: {  	v13 =	vld [tilespmem:s7+$0xFFFFFFE0]  }
0x211: {  	v7 =	vmul.f32 $4.000000060e-01, v7  }
0x212: {  	v5 =	vmul.f32 $4.000000060e-01, v5  }
0x213: {  	v4 =	vmul.f32 $4.000000060e-01, v4;
	v8 =	vmul.f32 v8, v2;
	v7 =	vadd.f32 v7, v9  }
0x214: {  	v63 =	vadd.f32 v11, v10;
	v6 =	vmul.f32 v6, v2;
	v5 =	vadd.f32 v5, v12  }
0x215: {  	v3 =	vmul.f32 v3, v2;
	v4 =	vadd.f32 v4, v13;
	v7 =	vadd.f32 v8, v7  }
0x216: {  	[tilespmem:s3+$0x16608] =	vst v63;
	v5 =	vadd.f32 v6, v5  }
0x217: {  	v3 =	vadd.f32 v3, v4;
	[tilespmem:s23+$0x16608] =	vst v7  }
0x218: {  	s31 =	sadd.s32 $0x40, s14;
	[tilespmem:s24+$0x16608] =	vst v5  }
0x219: {  	[tilespmem:s31+$0x0] =	vst v3  }
.LBB2_41:
0x21a: {  	s3 =	sshra.s32 s28, $0x2  }
0x21b: {  	s4 =	sadd.s32 s3, s16  }
0x21c: {  	v3 =	vld [tilespmem:s4+$0x0]  }
0x21d: {  	v4 =	vld [tilespmem:s3+$0x25C8];
	s31 =	sadd.s32 s3, s18  }
0x21e: {  	v5 =	vld [tilespmem:s31+$0x0];
	_ =	sdelay $0x2  }
0x21f: {  	v3 =	vmul.f32 $4.000000060e-01, v3  }
0x220: {  	p0 =	sne.s32 s28, $0x80  }
.Ltmp19:
0x221: {  	v63 =	vmul.f32 v5, v2;
	v3 =	vadd.f32 v3, v4;
	(pc) =	sbr.rel @p0 .LBB2_41-.Ltmp19, $4  }
0x222: {  	_ = 	snop  }
0x223: {  	v3 =	vadd.f32 v63, v3  }
0x224: {  	s3 =	sadd.s32 s3, s22  }
0x225: {  	s28 =	sadd.s32 $0x40, s28;
	[tilespmem:s3+$0x0] =	vst v3  }
0x226: {  	s13 =	sadd.s32 $0x1, s13  }
0x227: {  	p0 =	sne.s32 s13, $0x10  }
.Ltmp20:
0x228: {  	_ = 	snop;
	(pc) =	sbr.rel @p0 .LBB2_38-.Ltmp20, $3  }
0x229: {  	_ =	sdelay $0x1  }
0x22a: {  	s19 =	sadd.s32 $0x400, s19;
	s20 =	sadd.s32 $0x400, s20;
	s15 =	sadd.s32 $0x400, s15  }
0x22b: {  	s16 =	sadd.s32 $0x400, s16;
	s18 =	sadd.s32 $0x400, s18;
	s22 =	sadd.s32 $0x400, s22  }
0x22c: {  	s13 =	simm.s32 $0x0;
	s3 =	rddreg [dreg:$0xb]  }
0x22d: {  	s4 =	simm.s32 $0x16608;
	s24 =	rddreg [dreg:$0x2];
	s25 =	simm.s32 $0x10  }
0x22e: {  	[hbm4b:s3+s13] =	stream.linear.scatter [tilespmem:s4], [sflag:$0x4], $0x4000, $0x38;
	[tilespmem:$0x1A608] =	vst v63  }
0x22f: {  	s7 =	simm.s32 $0x6608;
	s14 =	simm.s32 $0x2078;
	s26 =	rddreg [dreg:$0x5]  }
0x230: {  	[tilespmem:s7], [sflag:$0x2] =	stream.indirect.gather [hbm4b:s24+s25], $0x400, s14, s25, $0xb8;
	[tilespmem:$0x1A608] =	vst v63  }
0x231: {  	s28 =	simm.s32 $0xE608;
	s29 =	simm.s32 $0x2178;
	s30 =	simm.s32 $0x1  }
0x232: {  	[tilespmem:s28], [sflag:$0x2] =	stream.indirect.gather [hbm4b:s26+s25], $0x400, s29, s25, $0xb8;
	[tilespmem:$0x1A608] =	vst v63  }
0x233: {  	_ =	swait.ge [sflag:s30], $0x4000  }
0x234: {  	[sflag:s30] =	ssyncset.done $0x0  }
0x235: {  	[sflag:s30] =	ssyncadd.s32 $0xFFFFC000  }
0x236: {  	_ =	swait.ge [sflag:s30], $0x4000  }
0x237: {  	[sflag:s30] =	ssyncset.done $0x0  }
0x238: {  	s31 =	simm.s32 $0x3;
	[sflag:s30] =	ssyncadd.s32 $0xFFFFC000  }
0x239: {  	s19 =	simm.s32 $0x2608;
	s20 =	simm.s32 $0xA608;
	_ =	swait.ge [sflag:s31], $0x4000  }
0x23a: {  	s15 =	simm.s32 $0x12608;
	s16 =	simm.s32 $0x29C8;
	[sflag:s31] =	ssyncset.done $0x0  }
0x23b: {  	s18 =	simm.s32 $0xA9C8;
	s22 =	simm.s32 $0x129C8;
	[sflag:s31] =	ssyncadd.s32 $0xFFFFC000  }
.LBB2_44:
0x23c: {  	v5 =	vld [tilespmem:s20+$0x0]  }
0x23d: {  	v6 =	vld [tilespmem:s19+$0x0];
	s21 =	simm.s32 $0x2228  }
0x23e: {  	s3 =	simm.s32 $0x20;
	v7 =	vld [tilespmem:s21+$0x0]  }
0x23f: {  	s4 =	sshll.u32 s13, $0xA;
	s7 =	simm.s32 $0x0;
	s3 =	sand.u32 $0x60, s3;
	v12 =	vld [tilespmem:s21+$0xFFFFFFF0]  }
0x240: {  	s14 =	simm.s32 $0x10;
	s7 =	sand.u32 $0x380, s7;
	v13 =	vld [tilespmem:s21+$0x10];
	s3 =	sor.u32 s3, s4  }
0x241: {  	s25 =	simm.s32 $0x30;
	s14 =	sand.u32 $0x50, s14;
	v14 =	vld [tilespmem:s21+$0xFFFFFFE0];
	s17 =	sor.u32 s7, s3  }
0x242: {  	s14 =	sor.u32 s14, s4;
	s3 =	sand.u32 $0x70, s25;
	v2 =	vld [tilespmem:s17+$0x2608]  }
0x243: {  	s14 =	sor.u32 s7, s14;
	s3 =	sor.u32 s3, s4;
	v8 =	vld [tilespmem:s17+$0xA608]  }
0x244: {  	v4 =	vld [tilespmem:s14+$0x2608];
	s25 =	sor.u32 s7, s3  }
0x245: {  	s26 =	rddreg [dreg:$0x1c];
	v9 =	vld [tilespmem:s25+$0x2608]  }
0x246: {  	s28 =	simm.s32 $0x60;
	s29 =	simm.s32 $0x40;
	v10 =	vld [tilespmem:s14+$0xA608];
	s3 =	sor.u32 s26, s13  }
0x247: {  	s26 =	sadd.s32 $0x40, s20;
	v11 =	vld [tilespmem:s25+$0xA608];
	p0 =	sgt.s32 s3, $0x7;
	s3 =	sand.u32 $0x60, s28  }
0x248: {  	s21 =	sand.u32 $0x380, s29;
	s7 =	simm.s32 $0x2268;
	v3 =	vld [tilespmem:s26+$0x0];
	s3 =	sor.u32 s3, s4;
	v15 =	vmul.f32 $4.000000060e-01, v2  }
0x249: {  	s30 =	simm.s32 $0x50;
	v61 =	vld [tilespmem:s7+$0x0];
	s3 =	sor.u32 s21, s3;
	v2 =	vpsel !p0, $0x0, v1;
	v16 =	vmul.f32 $4.000000060e-01, v4  }
0x24a: {  	s23 =	simm.s32 $0x70;
	s24 =	sand.u32 $0x50, s30;
	s28 =	sadd.s32 $0x40, s19;
	v60 =	vld [tilespmem:s3+$0x2608];
	v8 =	vmul.f32 v8, v2;
	v7 =	vadd.f32 v15, v7;
	v9 =	vmul.f32 $4.000000060e-01, v9  }
0x24b: {  	s29 =	sand.u32 $0x70, s23;
	s24 =	sor.u32 s24, s4;
	v6 =	vmul.f32 $4.000000060e-01, v6;
	v4 =	vld [tilespmem:s28+$0x0];
	v10 =	vmul.f32 v10, v2;
	v12 =	vadd.f32 v16, v12  }
0x24c: {  	s31 =	sor.u32 s29, s4;
	s23 =	sor.u32 s21, s24;
	v62 =	vld [tilespmem:s3+$0xA608];
	v11 =	vmul.f32 v11, v2;
	v8 =	vadd.f32 v8, v7;
	v9 =	vadd.f32 v9, v13  }
0x24d: {  	s24 =	sor.u32 s21, s31;
	v6 =	vadd.f32 v6, v14;
	v63 =	vmul.f32 v5, v2;
	v10 =	vadd.f32 v10, v12;
	v7 =	vld [tilespmem:s23+$0x2608]  }
0x24e: {  	v5 =	vld [tilespmem:s24+$0x2608];
	[tilespmem:s17+$0x12608] =	vst v8;
	v9 =	vadd.f32 v11, v9  }
0x24f: {  	v11 =	vadd.f32 v63, v6;
	[tilespmem:s14+$0x12608] =	vst v10;
	v8 =	vld [tilespmem:s23+$0xA608];
	v10 =	vmul.f32 $4.000000060e-01, v60  }
0x250: {  	s26 =	sadd.s32 $0x40, s26;
	s21 =	simm.s32 $0xB0;
	v6 =	vld [tilespmem:s24+$0xA608];
	[tilespmem:s25+$0x12608] =	vst v9  }
0x251: {  	s17 =	simm.s32 $0x4;
	s14 =	smov.u32 s15;
	[tilespmem:s15+$0x0] =	vst v11;
	v9 =	vld [tilespmem:s7+$0xFFFFFFF0];
	v10 =	vadd.f32 v10, v61;
	v11 =	vmul.f32 v62, v2;
	s25 =	sadd.s32 $0x40, s28  }
.LBB2_45:
0x252: {  	s28 =	sadd.s32 $0xFFFFFFE0, s21;
	s29 =	sadd.s32 $0xFFFFFFF0, s21;
	s17 =	sadd.s32 $0x4, s17;
	v7 =	vmul.f32 $4.000000060e-01, v7;
	v12 =	vld [tilespmem:s7+$0x10]  }
0x253: {  	s30 =	sadd.s32 $0xFFFFFFD0, s21;
	s29 =	sand.u32 $0x60, s29;
	p0 =	slt.u32 s17, $0x38;
	v13 =	vld [tilespmem:s7+$0xFFFFFFE0];
	v10 =	vadd.f32 v11, v10;
	v5 =	vmul.f32 $4.000000060e-01, v5  }
0x254: {  	s30 =	sand.u32 $0x380, s30;
	s28 =	sand.u32 $0x50, s28;
	v11 =	vld [tilespmem:s26+$0x0];
	s29 =	sor.u32 s29, s4;
	v8 =	vmul.f32 v8, v2  }
0x255: {  	s31 =	sand.u32 $0x70, s21;
	s28 =	sor.u32 s28, s4;
	v14 =	vld [tilespmem:s25+$0x0];
	[tilespmem:s3+$0x12608] =	vst v10;
	s3 =	sor.u32 s30, s29;
	v6 =	vmul.f32 v6, v2  }
0x256: {  	v4 =	vmul.f32 $4.000000060e-01, v4;
	s7 =	sadd.s32 $0x40, s7;
	s28 =	sor.u32 s30, s28;
	s29 =	sor.u32 s31, s4;
	v10 =	vld [tilespmem:s3+$0x2608];
	v7 =	vadd.f32 v7, v9  }
0x257: {  	s29 =	sor.u32 s30, s29;
	v15 =	vld [tilespmem:s7+$0x0];
	v5 =	vadd.f32 v5, v12  }
0x258: {  	v9 =	vmul.f32 v3, v2;
	v12 =	vld [tilespmem:s3+$0xA608];
	v13 =	vadd.f32 v4, v13;
	v8 =	vadd.f32 v8, v7  }
.Ltmp21:
0x259: {  	v7 =	vld [tilespmem:s28+$0x2608];
	v6 =	vadd.f32 v6, v5;
	v3 =	vmov v11;
	(pc) =	sbr.rel @p0 .LBB2_45-.Ltmp21, $4  }
0x25a: {  	v5 =	vld [tilespmem:s29+$0x2608];
	v9 =	vadd.f32 v9, v13;
	[tilespmem:s23+$0x12608] =	vst v8;
	v4 =	vmov v14;
	s23 =	smov.u32 s28  }
0x25b: {  	s14 =	sadd.s32 $0x40, s14;
	v8 =	vld [tilespmem:s23+$0xA608];
	v10 =	vmul.f32 $4.000000060e-01, v10;
	[tilespmem:s24+$0x12608] =	vst v6;
	s24 =	smov.u32 s29  }
0x25c: {  	s28 =	simm.s32 $0x0;
	v6 =	vld [tilespmem:s24+$0xA608];
	[tilespmem:s14+$0x0] =	vst v9  }
0x25d: {  	s21 =	sadd.s32 $0x40, s21;
	s26 =	sadd.s32 $0x40, s26;
	s25 =	sadd.s32 $0x40, s25;
	v9 =	vld [tilespmem:s7+$0xFFFFFFF0];
	v10 =	vadd.f32 v10, v15;
	v11 =	vmul.f32 v12, v2  }
0x25e: {  	v12 =	vld [tilespmem:s7+$0x10]  }
0x25f: {  	v13 =	vld [tilespmem:s7+$0xFFFFFFE0]  }
0x260: {  	v7 =	vmul.f32 $4.000000060e-01, v7  }
0x261: {  	v5 =	vmul.f32 $4.000000060e-01, v5  }
0x262: {  	v4 =	vmul.f32 $4.000000060e-01, v4;
	v8 =	vmul.f32 v8, v2;
	v7 =	vadd.f32 v7, v9  }
0x263: {  	v63 =	vadd.f32 v11, v10;
	v6 =	vmul.f32 v6, v2;
	v5 =	vadd.f32 v5, v12  }
0x264: {  	v3 =	vmul.f32 v3, v2;
	v4 =	vadd.f32 v4, v13;
	v7 =	vadd.f32 v8, v7  }
0x265: {  	[tilespmem:s3+$0x12608] =	vst v63;
	v5 =	vadd.f32 v6, v5  }
0x266: {  	v3 =	vadd.f32 v3, v4;
	[tilespmem:s23+$0x12608] =	vst v7  }
0x267: {  	s31 =	sadd.s32 $0x40, s14;
	[tilespmem:s24+$0x12608] =	vst v5  }
0x268: {  	[tilespmem:s31+$0x0] =	vst v3  }
.LBB2_47:
0x269: {  	s3 =	sshra.s32 s28, $0x2  }
0x26a: {  	s4 =	sadd.s32 s3, s16  }
0x26b: {  	v3 =	vld [tilespmem:s4+$0x0]  }
0x26c: {  	v4 =	vld [tilespmem:s3+$0x25C8];
	s31 =	sadd.s32 s3, s18  }
0x26d: {  	v5 =	vld [tilespmem:s31+$0x0];
	_ =	sdelay $0x2  }
0x26e: {  	v3 =	vmul.f32 $4.000000060e-01, v3  }
0x26f: {  	p0 =	sne.s32 s28, $0x80  }
.Ltmp22:
0x270: {  	v63 =	vmul.f32 v5, v2;
	v3 =	vadd.f32 v3, v4;
	(pc) =	sbr.rel @p0 .LBB2_47-.Ltmp22, $4  }
0x271: {  	_ = 	snop  }
0x272: {  	v3 =	vadd.f32 v63, v3  }
0x273: {  	s3 =	sadd.s32 s3, s22  }
0x274: {  	s28 =	sadd.s32 $0x40, s28;
	[tilespmem:s3+$0x0] =	vst v3  }
0x275: {  	s13 =	sadd.s32 $0x1, s13  }
0x276: {  	p0 =	sne.s32 s13, $0x10  }
.Ltmp23:
0x277: {  	_ = 	snop;
	(pc) =	sbr.rel @p0 .LBB2_44-.Ltmp23, $3  }
0x278: {  	_ =	sdelay $0x1  }
0x279: {  	s19 =	sadd.s32 $0x400, s19;
	s20 =	sadd.s32 $0x400, s20;
	s15 =	sadd.s32 $0x400, s15  }
0x27a: {  	s16 =	sadd.s32 $0x400, s16;
	s18 =	sadd.s32 $0x400, s18;
	s22 =	sadd.s32 $0x400, s22  }
0x27b: {  	s13 =	simm.s32 $0x0;
	s3 =	rddreg [dreg:$0xc]  }
0x27c: {  	s4 =	simm.s32 $0x12608;
	s24 =	rddreg [dreg:$0x2];
	s25 =	simm.s32 $0x10  }
0x27d: {  	[hbm4b:s3+s13] =	stream.linear.scatter [tilespmem:s4], [sflag:$0x3], $0x4000, $0x38;
	[tilespmem:$0x1A608] =	vst v63  }
0x27e: {  	s7 =	simm.s32 $0x2608;
	s14 =	simm.s32 $0x2088;
	s26 =	rddreg [dreg:$0x5]  }
0x27f: {  	[tilespmem:s7], [sflag:$0x1] =	stream.indirect.gather [hbm4b:s24+s25], $0x400, s14, s25, $0xb8;
	[tilespmem:$0x1A608] =	vst v63  }
0x280: {  	s28 =	simm.s32 $0xA608;
	s29 =	simm.s32 $0x2188;
	s30 =	simm.s32 $0x2  }
0x281: {  	[tilespmem:s28], [sflag:$0x1] =	stream.indirect.gather [hbm4b:s26+s25], $0x400, s29, s25, $0xb8;
	[tilespmem:$0x1A608] =	vst v63  }
0x282: {  	_ =	swait.ge [sflag:s30], $0x4000  }
0x283: {  	[sflag:s30] =	ssyncset.done $0x0  }
0x284: {  	[sflag:s30] =	ssyncadd.s32 $0xFFFFC000  }
0x285: {  	_ =	swait.ge [sflag:s30], $0x4000  }
0x286: {  	[sflag:s30] =	ssyncset.done $0x0  }
0x287: {  	s31 =	simm.s32 $0x4;
	[sflag:s30] =	ssyncadd.s32 $0xFFFFC000  }
0x288: {  	s19 =	simm.s32 $0x6608;
	s20 =	simm.s32 $0xE608;
	_ =	swait.ge [sflag:s31], $0x4000  }
0x289: {  	s15 =	simm.s32 $0x16608;
	s16 =	simm.s32 $0x69C8;
	[sflag:s31] =	ssyncset.done $0x0  }
0x28a: {  	s18 =	simm.s32 $0xE9C8;
	s22 =	simm.s32 $0x169C8;
	[sflag:s31] =	ssyncadd.s32 $0xFFFFC000  }
.LBB2_50:
0x28b: {  	v5 =	vld [tilespmem:s20+$0x0]  }
0x28c: {  	v6 =	vld [tilespmem:s19+$0x0];
	s21 =	simm.s32 $0x2228  }
0x28d: {  	s3 =	simm.s32 $0x20;
	v7 =	vld [tilespmem:s21+$0x0]  }
0x28e: {  	s4 =	sshll.u32 s13, $0xA;
	s7 =	simm.s32 $0x0;
	s3 =	sand.u32 $0x60, s3;
	v12 =	vld [tilespmem:s21+$0xFFFFFFF0]  }
0x28f: {  	s14 =	simm.s32 $0x10;
	s7 =	sand.u32 $0x380, s7;
	v13 =	vld [tilespmem:s21+$0x10];
	s3 =	sor.u32 s3, s4  }
0x290: {  	s25 =	simm.s32 $0x30;
	s14 =	sand.u32 $0x50, s14;
	v14 =	vld [tilespmem:s21+$0xFFFFFFE0];
	s17 =	sor.u32 s7, s3  }
0x291: {  	s14 =	sor.u32 s14, s4;
	s3 =	sand.u32 $0x70, s25;
	v2 =	vld [tilespmem:s17+$0x6608]  }
0x292: {  	s14 =	sor.u32 s7, s14;
	s3 =	sor.u32 s3, s4;
	v8 =	vld [tilespmem:s17+$0xE608]  }
0x293: {  	v4 =	vld [tilespmem:s14+$0x6608];
	s25 =	sor.u32 s7, s3  }
0x294: {  	v9 =	vld [tilespmem:s25+$0x6608]  }
0x295: {  	s26 =	sor.u32 s0, s13;
	s28 =	simm.s32 $0x60;
	s29 =	simm.s32 $0x40;
	v10 =	vld [tilespmem:s14+$0xE608]  }
0x296: {  	p0 =	sgt.s32 s26, $0x7;
	s26 =	sadd.s32 $0x40, s20;
	s3 =	sand.u32 $0x60, s28;
	v11 =	vld [tilespmem:s25+$0xE608]  }
0x297: {  	s21 =	sand.u32 $0x380, s29;
	v3 =	vld [tilespmem:s26+$0x0];
	s7 =	simm.s32 $0x2268;
	s3 =	sor.u32 s3, s4;
	v15 =	vmul.f32 $4.000000060e-01, v2  }
0x298: {  	s30 =	simm.s32 $0x50;
	v61 =	vld [tilespmem:s7+$0x0];
	s3 =	sor.u32 s21, s3;
	v2 =	vpsel !p0, $0x0, v1;
	v16 =	vmul.f32 $4.000000060e-01, v4  }
0x299: {  	s23 =	simm.s32 $0x70;
	s24 =	sand.u32 $0x50, s30;
	v60 =	vld [tilespmem:s3+$0x6608];
	v8 =	vmul.f32 v8, v2;
	v7 =	vadd.f32 v15, v7;
	v9 =	vmul.f32 $4.000000060e-01, v9  }
0x29a: {  	s29 =	sand.u32 $0x70, s23;
	s24 =	sor.u32 s24, s4;
	s28 =	sadd.s32 $0x40, s19;
	v6 =	vmul.f32 $4.000000060e-01, v6;
	v62 =	vld [tilespmem:s3+$0xE608];
	v10 =	vmul.f32 v10, v2;
	v12 =	vadd.f32 v16, v12  }
0x29b: {  	s31 =	sor.u32 s29, s4;
	s23 =	sor.u32 s21, s24;
	v4 =	vld [tilespmem:s28+$0x0];
	v11 =	vmul.f32 v11, v2;
	v8 =	vadd.f32 v8, v7;
	v9 =	vadd.f32 v9, v13  }
0x29c: {  	s24 =	sor.u32 s21, s31;
	v6 =	vadd.f32 v6, v14;
	v63 =	vmul.f32 v5, v2;
	v10 =	vadd.f32 v10, v12;
	v7 =	vld [tilespmem:s23+$0x6608]  }
0x29d: {  	v5 =	vld [tilespmem:s24+$0x6608];
	[tilespmem:s17+$0x16608] =	vst v8;
	v9 =	vadd.f32 v11, v9  }
0x29e: {  	v11 =	vadd.f32 v63, v6;
	[tilespmem:s14+$0x16608] =	vst v10;
	v8 =	vld [tilespmem:s23+$0xE608];
	v10 =	vmul.f32 $4.000000060e-01, v60  }
0x29f: {  	s26 =	sadd.s32 $0x40, s26;
	s21 =	simm.s32 $0xB0;
	v6 =	vld [tilespmem:s24+$0xE608];
	[tilespmem:s25+$0x16608] =	vst v9  }
0x2a0: {  	s17 =	simm.s32 $0x4;
	s14 =	smov.u32 s15;
	[tilespmem:s15+$0x0] =	vst v11;
	v9 =	vld [tilespmem:s7+$0xFFFFFFF0];
	v10 =	vadd.f32 v10, v61;
	v11 =	vmul.f32 v62, v2;
	s25 =	sadd.s32 $0x40, s28  }
.LBB2_51:
0x2a1: {  	s28 =	sadd.s32 $0xFFFFFFE0, s21;
	s29 =	sadd.s32 $0xFFFFFFF0, s21;
	s17 =	sadd.s32 $0x4, s17;
	v7 =	vmul.f32 $4.000000060e-01, v7;
	v12 =	vld [tilespmem:s7+$0x10]  }
0x2a2: {  	s30 =	sadd.s32 $0xFFFFFFD0, s21;
	s29 =	sand.u32 $0x60, s29;
	p0 =	slt.u32 s17, $0x38;
	v13 =	vld [tilespmem:s7+$0xFFFFFFE0];
	v10 =	vadd.f32 v11, v10;
	v5 =	vmul.f32 $4.000000060e-01, v5  }
0x2a3: {  	s30 =	sand.u32 $0x380, s30;
	s28 =	sand.u32 $0x50, s28;
	v11 =	vld [tilespmem:s26+$0x0];
	s29 =	sor.u32 s29, s4;
	v8 =	vmul.f32 v8, v2  }
0x2a4: {  	s31 =	sand.u32 $0x70, s21;
	s28 =	sor.u32 s28, s4;
	v14 =	vld [tilespmem:s25+$0x0];
	[tilespmem:s3+$0x16608] =	vst v10;
	s3 =	sor.u32 s30, s29;
	v6 =	vmul.f32 v6, v2  }
0x2a5: {  	v4 =	vmul.f32 $4.000000060e-01, v4;
	s7 =	sadd.s32 $0x40, s7;
	s28 =	sor.u32 s30, s28;
	s29 =	sor.u32 s31, s4;
	v10 =	vld [tilespmem:s3+$0x6608];
	v7 =	vadd.f32 v7, v9  }
0x2a6: {  	s29 =	sor.u32 s30, s29;
	v15 =	vld [tilespmem:s7+$0x0];
	v5 =	vadd.f32 v5, v12  }
0x2a7: {  	v9 =	vmul.f32 v3, v2;
	v12 =	vld [tilespmem:s3+$0xE608];
	v13 =	vadd.f32 v4, v13;
	v8 =	vadd.f32 v8, v7  }
.Ltmp24:
0x2a8: {  	v7 =	vld [tilespmem:s28+$0x6608];
	v6 =	vadd.f32 v6, v5;
	v3 =	vmov v11;
	(pc) =	sbr.rel @p0 .LBB2_51-.Ltmp24, $4  }
0x2a9: {  	v5 =	vld [tilespmem:s29+$0x6608];
	v9 =	vadd.f32 v9, v13;
	[tilespmem:s23+$0x16608] =	vst v8;
	v4 =	vmov v14;
	s23 =	smov.u32 s28  }
0x2aa: {  	s14 =	sadd.s32 $0x40, s14;
	v8 =	vld [tilespmem:s23+$0xE608];
	v10 =	vmul.f32 $4.000000060e-01, v10;
	[tilespmem:s24+$0x16608] =	vst v6;
	s24 =	smov.u32 s29  }
0x2ab: {  	s28 =	simm.s32 $0x0;
	v6 =	vld [tilespmem:s24+$0xE608];
	[tilespmem:s14+$0x0] =	vst v9  }
0x2ac: {  	s21 =	sadd.s32 $0x40, s21;
	s26 =	sadd.s32 $0x40, s26;
	s25 =	sadd.s32 $0x40, s25;
	v9 =	vld [tilespmem:s7+$0xFFFFFFF0];
	v10 =	vadd.f32 v10, v15;
	v11 =	vmul.f32 v12, v2  }
0x2ad: {  	v12 =	vld [tilespmem:s7+$0x10]  }
0x2ae: {  	v13 =	vld [tilespmem:s7+$0xFFFFFFE0]  }
0x2af: {  	v7 =	vmul.f32 $4.000000060e-01, v7  }
0x2b0: {  	v5 =	vmul.f32 $4.000000060e-01, v5  }
0x2b1: {  	v4 =	vmul.f32 $4.000000060e-01, v4;
	v8 =	vmul.f32 v8, v2;
	v7 =	vadd.f32 v7, v9  }
0x2b2: {  	v63 =	vadd.f32 v11, v10;
	v6 =	vmul.f32 v6, v2;
	v5 =	vadd.f32 v5, v12  }
0x2b3: {  	v3 =	vmul.f32 v3, v2;
	v4 =	vadd.f32 v4, v13;
	v7 =	vadd.f32 v8, v7  }
0x2b4: {  	[tilespmem:s3+$0x16608] =	vst v63;
	v5 =	vadd.f32 v6, v5  }
0x2b5: {  	v3 =	vadd.f32 v3, v4;
	[tilespmem:s23+$0x16608] =	vst v7  }
0x2b6: {  	s31 =	sadd.s32 $0x40, s14;
	[tilespmem:s24+$0x16608] =	vst v5  }
0x2b7: {  	[tilespmem:s31+$0x0] =	vst v3  }
.LBB2_53:
0x2b8: {  	s3 =	sshra.s32 s28, $0x2  }
0x2b9: {  	s4 =	sadd.s32 s3, s16  }
0x2ba: {  	v3 =	vld [tilespmem:s4+$0x0]  }
0x2bb: {  	v4 =	vld [tilespmem:s3+$0x25C8];
	s31 =	sadd.s32 s3, s18  }
0x2bc: {  	v5 =	vld [tilespmem:s31+$0x0];
	_ =	sdelay $0x2  }
0x2bd: {  	v3 =	vmul.f32 $4.000000060e-01, v3  }
0x2be: {  	p0 =	sne.s32 s28, $0x80  }
.Ltmp25:
0x2bf: {  	v63 =	vmul.f32 v5, v2;
	v3 =	vadd.f32 v3, v4;
	(pc) =	sbr.rel @p0 .LBB2_53-.Ltmp25, $4  }
0x2c0: {  	_ = 	snop  }
0x2c1: {  	v3 =	vadd.f32 v63, v3  }
0x2c2: {  	s3 =	sadd.s32 s3, s22  }
0x2c3: {  	s28 =	sadd.s32 $0x40, s28;
	[tilespmem:s3+$0x0] =	vst v3  }
0x2c4: {  	s13 =	sadd.s32 $0x1, s13  }
0x2c5: {  	p0 =	sne.s32 s13, $0x10  }
.Ltmp26:
0x2c6: {  	_ = 	snop;
	(pc) =	sbr.rel @p0 .LBB2_50-.Ltmp26, $3  }
0x2c7: {  	_ =	sdelay $0x1  }
0x2c8: {  	s19 =	sadd.s32 $0x400, s19;
	s20 =	sadd.s32 $0x400, s20;
	s15 =	sadd.s32 $0x400, s15  }
0x2c9: {  	s16 =	sadd.s32 $0x400, s16;
	s18 =	sadd.s32 $0x400, s18;
	s22 =	sadd.s32 $0x400, s22  }
0x2ca: {  	s13 =	simm.s32 $0x0;
	s3 =	rddreg [dreg:$0xd]  }
0x2cb: {  	s4 =	simm.s32 $0x16608;
	s24 =	rddreg [dreg:$0x2];
	s25 =	simm.s32 $0x10  }
0x2cc: {  	[hbm4b:s3+s13] =	stream.linear.scatter [tilespmem:s4], [sflag:$0x4], $0x4000, $0x38;
	[tilespmem:$0x1A608] =	vst v63  }
0x2cd: {  	s7 =	simm.s32 $0x6608;
	s14 =	simm.s32 $0x2098;
	s26 =	rddreg [dreg:$0x5]  }
0x2ce: {  	[tilespmem:s7], [sflag:$0x2] =	stream.indirect.gather [hbm4b:s24+s25], $0x400, s14, s25, $0xb8;
	[tilespmem:$0x1A608] =	vst v63  }
0x2cf: {  	s28 =	simm.s32 $0xE608;
	s29 =	simm.s32 $0x2198;
	s30 =	simm.s32 $0x1  }
0x2d0: {  	[tilespmem:s28], [sflag:$0x2] =	stream.indirect.gather [hbm4b:s26+s25], $0x400, s29, s25, $0xb8;
	[tilespmem:$0x1A608] =	vst v63  }
0x2d1: {  	_ =	swait.ge [sflag:s30], $0x4000  }
0x2d2: {  	[sflag:s30] =	ssyncset.done $0x0  }
0x2d3: {  	[sflag:s30] =	ssyncadd.s32 $0xFFFFC000  }
0x2d4: {  	_ =	swait.ge [sflag:s30], $0x4000  }
0x2d5: {  	[sflag:s30] =	ssyncset.done $0x0  }
0x2d6: {  	s31 =	simm.s32 $0x3;
	[sflag:s30] =	ssyncadd.s32 $0xFFFFC000  }
0x2d7: {  	s19 =	simm.s32 $0x2608;
	s20 =	simm.s32 $0xA608;
	_ =	swait.ge [sflag:s31], $0x4000  }
0x2d8: {  	s15 =	simm.s32 $0x12608;
	s16 =	simm.s32 $0x29C8;
	[sflag:s31] =	ssyncset.done $0x0  }
0x2d9: {  	s18 =	simm.s32 $0xA9C8;
	s22 =	simm.s32 $0x129C8;
	[sflag:s31] =	ssyncadd.s32 $0xFFFFC000  }
.LBB2_56:
0x2da: {  	v5 =	vld [tilespmem:s20+$0x0]  }
0x2db: {  	v6 =	vld [tilespmem:s19+$0x0];
	s21 =	simm.s32 $0x2228  }
0x2dc: {  	s3 =	simm.s32 $0x20;
	v7 =	vld [tilespmem:s21+$0x0]  }
0x2dd: {  	s4 =	sshll.u32 s13, $0xA;
	s7 =	simm.s32 $0x0;
	s3 =	sand.u32 $0x60, s3;
	v12 =	vld [tilespmem:s21+$0xFFFFFFF0]  }
0x2de: {  	s14 =	simm.s32 $0x10;
	s7 =	sand.u32 $0x380, s7;
	v13 =	vld [tilespmem:s21+$0x10];
	s3 =	sor.u32 s3, s4  }
0x2df: {  	s25 =	simm.s32 $0x30;
	s14 =	sand.u32 $0x50, s14;
	v14 =	vld [tilespmem:s21+$0xFFFFFFE0];
	s17 =	sor.u32 s7, s3  }
0x2e0: {  	s14 =	sor.u32 s14, s4;
	s3 =	sand.u32 $0x70, s25;
	v2 =	vld [tilespmem:s17+$0x2608]  }
0x2e1: {  	s14 =	sor.u32 s7, s14;
	s3 =	sor.u32 s3, s4;
	v8 =	vld [tilespmem:s17+$0xA608]  }
0x2e2: {  	v4 =	vld [tilespmem:s14+$0x2608];
	s25 =	sor.u32 s7, s3  }
0x2e3: {  	v9 =	vld [tilespmem:s25+$0x2608]  }
0x2e4: {  	s26 =	sor.u32 s2, s13;
	s28 =	simm.s32 $0x60;
	s29 =	simm.s32 $0x40;
	v10 =	vld [tilespmem:s14+$0xA608]  }
0x2e5: {  	p0 =	sgt.s32 s26, $0x7;
	s26 =	sadd.s32 $0x40, s20;
	s3 =	sand.u32 $0x60, s28;
	v11 =	vld [tilespmem:s25+$0xA608]  }
0x2e6: {  	s21 =	sand.u32 $0x380, s29;
	v3 =	vld [tilespmem:s26+$0x0];
	s7 =	simm.s32 $0x2268;
	s3 =	sor.u32 s3, s4;
	v15 =	vmul.f32 $4.000000060e-01, v2  }
0x2e7: {  	s30 =	simm.s32 $0x50;
	v61 =	vld [tilespmem:s7+$0x0];
	s3 =	sor.u32 s21, s3;
	v2 =	vpsel !p0, $0x0, v1;
	v16 =	vmul.f32 $4.000000060e-01, v4  }
0x2e8: {  	s23 =	simm.s32 $0x70;
	s24 =	sand.u32 $0x50, s30;
	v60 =	vld [tilespmem:s3+$0x2608];
	v8 =	vmul.f32 v8, v2;
	v7 =	vadd.f32 v15, v7;
	v9 =	vmul.f32 $4.000000060e-01, v9  }
0x2e9: {  	s29 =	sand.u32 $0x70, s23;
	s24 =	sor.u32 s24, s4;
	s28 =	sadd.s32 $0x40, s19;
	v6 =	vmul.f32 $4.000000060e-01, v6;
	v62 =	vld [tilespmem:s3+$0xA608];
	v10 =	vmul.f32 v10, v2;
	v12 =	vadd.f32 v16, v12  }
0x2ea: {  	s31 =	sor.u32 s29, s4;
	s23 =	sor.u32 s21, s24;
	v4 =	vld [tilespmem:s28+$0x0];
	v11 =	vmul.f32 v11, v2;
	v8 =	vadd.f32 v8, v7;
	v9 =	vadd.f32 v9, v13  }
0x2eb: {  	s24 =	sor.u32 s21, s31;
	v6 =	vadd.f32 v6, v14;
	v63 =	vmul.f32 v5, v2;
	v10 =	vadd.f32 v10, v12;
	v7 =	vld [tilespmem:s23+$0x2608]  }
0x2ec: {  	v5 =	vld [tilespmem:s24+$0x2608];
	[tilespmem:s17+$0x12608] =	vst v8;
	v9 =	vadd.f32 v11, v9  }
0x2ed: {  	v11 =	vadd.f32 v63, v6;
	[tilespmem:s14+$0x12608] =	vst v10;
	v8 =	vld [tilespmem:s23+$0xA608];
	v10 =	vmul.f32 $4.000000060e-01, v60  }
0x2ee: {  	s26 =	sadd.s32 $0x40, s26;
	s21 =	simm.s32 $0xB0;
	v6 =	vld [tilespmem:s24+$0xA608];
	[tilespmem:s25+$0x12608] =	vst v9  }
0x2ef: {  	s17 =	simm.s32 $0x4;
	s14 =	smov.u32 s15;
	[tilespmem:s15+$0x0] =	vst v11;
	v9 =	vld [tilespmem:s7+$0xFFFFFFF0];
	v10 =	vadd.f32 v10, v61;
	v11 =	vmul.f32 v62, v2;
	s25 =	sadd.s32 $0x40, s28  }
.LBB2_57:
0x2f0: {  	s28 =	sadd.s32 $0xFFFFFFE0, s21;
	s29 =	sadd.s32 $0xFFFFFFF0, s21;
	s17 =	sadd.s32 $0x4, s17;
	v7 =	vmul.f32 $4.000000060e-01, v7;
	v12 =	vld [tilespmem:s7+$0x10]  }
0x2f1: {  	s30 =	sadd.s32 $0xFFFFFFD0, s21;
	s29 =	sand.u32 $0x60, s29;
	p0 =	slt.u32 s17, $0x38;
	v13 =	vld [tilespmem:s7+$0xFFFFFFE0];
	v10 =	vadd.f32 v11, v10;
	v5 =	vmul.f32 $4.000000060e-01, v5  }
0x2f2: {  	s30 =	sand.u32 $0x380, s30;
	s28 =	sand.u32 $0x50, s28;
	v11 =	vld [tilespmem:s26+$0x0];
	s29 =	sor.u32 s29, s4;
	v8 =	vmul.f32 v8, v2  }
0x2f3: {  	s31 =	sand.u32 $0x70, s21;
	s28 =	sor.u32 s28, s4;
	v14 =	vld [tilespmem:s25+$0x0];
	[tilespmem:s3+$0x12608] =	vst v10;
	s3 =	sor.u32 s30, s29;
	v6 =	vmul.f32 v6, v2  }
0x2f4: {  	v4 =	vmul.f32 $4.000000060e-01, v4;
	s7 =	sadd.s32 $0x40, s7;
	s28 =	sor.u32 s30, s28;
	s29 =	sor.u32 s31, s4;
	v10 =	vld [tilespmem:s3+$0x2608];
	v7 =	vadd.f32 v7, v9  }
0x2f5: {  	s29 =	sor.u32 s30, s29;
	v15 =	vld [tilespmem:s7+$0x0];
	v5 =	vadd.f32 v5, v12  }
0x2f6: {  	v9 =	vmul.f32 v3, v2;
	v12 =	vld [tilespmem:s3+$0xA608];
	v13 =	vadd.f32 v4, v13;
	v8 =	vadd.f32 v8, v7  }
.Ltmp27:
0x2f7: {  	v7 =	vld [tilespmem:s28+$0x2608];
	v6 =	vadd.f32 v6, v5;
	v3 =	vmov v11;
	(pc) =	sbr.rel @p0 .LBB2_57-.Ltmp27, $4  }
0x2f8: {  	v5 =	vld [tilespmem:s29+$0x2608];
	v9 =	vadd.f32 v9, v13;
	[tilespmem:s23+$0x12608] =	vst v8;
	v4 =	vmov v14;
	s23 =	smov.u32 s28  }
0x2f9: {  	s14 =	sadd.s32 $0x40, s14;
	v8 =	vld [tilespmem:s23+$0xA608];
	v10 =	vmul.f32 $4.000000060e-01, v10;
	[tilespmem:s24+$0x12608] =	vst v6;
	s24 =	smov.u32 s29  }
0x2fa: {  	s28 =	simm.s32 $0x0;
	v6 =	vld [tilespmem:s24+$0xA608];
	[tilespmem:s14+$0x0] =	vst v9  }
0x2fb: {  	s21 =	sadd.s32 $0x40, s21;
	s26 =	sadd.s32 $0x40, s26;
	s25 =	sadd.s32 $0x40, s25;
	v9 =	vld [tilespmem:s7+$0xFFFFFFF0];
	v10 =	vadd.f32 v10, v15;
	v11 =	vmul.f32 v12, v2  }
0x2fc: {  	v12 =	vld [tilespmem:s7+$0x10]  }
0x2fd: {  	v13 =	vld [tilespmem:s7+$0xFFFFFFE0]  }
0x2fe: {  	v7 =	vmul.f32 $4.000000060e-01, v7  }
0x2ff: {  	v5 =	vmul.f32 $4.000000060e-01, v5  }
0x300: {  	v4 =	vmul.f32 $4.000000060e-01, v4;
	v8 =	vmul.f32 v8, v2;
	v7 =	vadd.f32 v7, v9  }
0x301: {  	v63 =	vadd.f32 v11, v10;
	v6 =	vmul.f32 v6, v2;
	v5 =	vadd.f32 v5, v12  }
0x302: {  	v3 =	vmul.f32 v3, v2;
	v4 =	vadd.f32 v4, v13;
	v7 =	vadd.f32 v8, v7  }
0x303: {  	[tilespmem:s3+$0x12608] =	vst v63;
	v5 =	vadd.f32 v6, v5  }
0x304: {  	v3 =	vadd.f32 v3, v4;
	[tilespmem:s23+$0x12608] =	vst v7  }
0x305: {  	s31 =	sadd.s32 $0x40, s14;
	[tilespmem:s24+$0x12608] =	vst v5  }
0x306: {  	[tilespmem:s31+$0x0] =	vst v3  }
.LBB2_59:
0x307: {  	s3 =	sshra.s32 s28, $0x2  }
0x308: {  	s4 =	sadd.s32 s3, s16  }
0x309: {  	v3 =	vld [tilespmem:s4+$0x0]  }
0x30a: {  	v4 =	vld [tilespmem:s3+$0x25C8];
	s31 =	sadd.s32 s3, s18  }
0x30b: {  	v5 =	vld [tilespmem:s31+$0x0];
	_ =	sdelay $0x2  }
0x30c: {  	v3 =	vmul.f32 $4.000000060e-01, v3  }
0x30d: {  	p0 =	sne.s32 s28, $0x80  }
.Ltmp28:
0x30e: {  	v63 =	vmul.f32 v5, v2;
	v3 =	vadd.f32 v3, v4;
	(pc) =	sbr.rel @p0 .LBB2_59-.Ltmp28, $4  }
0x30f: {  	_ = 	snop  }
0x310: {  	v3 =	vadd.f32 v63, v3  }
0x311: {  	s3 =	sadd.s32 s3, s22  }
0x312: {  	s28 =	sadd.s32 $0x40, s28;
	[tilespmem:s3+$0x0] =	vst v3  }
0x313: {  	s13 =	sadd.s32 $0x1, s13  }
0x314: {  	p0 =	sne.s32 s13, $0x10  }
.Ltmp29:
0x315: {  	_ = 	snop;
	(pc) =	sbr.rel @p0 .LBB2_56-.Ltmp29, $3  }
0x316: {  	_ =	sdelay $0x1  }
0x317: {  	s19 =	sadd.s32 $0x400, s19;
	s20 =	sadd.s32 $0x400, s20;
	s15 =	sadd.s32 $0x400, s15  }
0x318: {  	s16 =	sadd.s32 $0x400, s16;
	s18 =	sadd.s32 $0x400, s18;
	s22 =	sadd.s32 $0x400, s22  }
0x319: {  	s13 =	simm.s32 $0x0;
	s3 =	rddreg [dreg:$0xe]  }
0x31a: {  	s4 =	simm.s32 $0x12608;
	s24 =	rddreg [dreg:$0x2];
	s25 =	simm.s32 $0x10  }
0x31b: {  	[hbm4b:s3+s13] =	stream.linear.scatter [tilespmem:s4], [sflag:$0x3], $0x4000, $0x38;
	[tilespmem:$0x1A608] =	vst v63  }
0x31c: {  	s7 =	simm.s32 $0x2608;
	s14 =	simm.s32 $0x20A8;
	s26 =	rddreg [dreg:$0x5]  }
0x31d: {  	[tilespmem:s7], [sflag:$0x1] =	stream.indirect.gather [hbm4b:s24+s25], $0x400, s14, s25, $0xb8;
	[tilespmem:$0x1A608] =	vst v63  }
0x31e: {  	s28 =	simm.s32 $0xA608;
	s29 =	simm.s32 $0x21A8;
	s30 =	simm.s32 $0x2  }
0x31f: {  	[tilespmem:s28], [sflag:$0x1] =	stream.indirect.gather [hbm4b:s26+s25], $0x400, s29, s25, $0xb8;
	[tilespmem:$0x1A608] =	vst v63  }
0x320: {  	_ =	swait.ge [sflag:s30], $0x4000  }
0x321: {  	[sflag:s30] =	ssyncset.done $0x0  }
0x322: {  	[sflag:s30] =	ssyncadd.s32 $0xFFFFC000  }
0x323: {  	_ =	swait.ge [sflag:s30], $0x4000  }
0x324: {  	[sflag:s30] =	ssyncset.done $0x0  }
0x325: {  	s31 =	simm.s32 $0x4;
	[sflag:s30] =	ssyncadd.s32 $0xFFFFC000  }
0x326: {  	s19 =	simm.s32 $0x6608;
	s20 =	simm.s32 $0xE608;
	_ =	swait.ge [sflag:s31], $0x4000  }
0x327: {  	s15 =	simm.s32 $0x16608;
	s16 =	simm.s32 $0x69C8;
	[sflag:s31] =	ssyncset.done $0x0  }
0x328: {  	s18 =	simm.s32 $0xE9C8;
	s22 =	simm.s32 $0x169C8;
	[sflag:s31] =	ssyncadd.s32 $0xFFFFC000  }
.LBB2_62:
0x329: {  	v5 =	vld [tilespmem:s20+$0x0]  }
0x32a: {  	v6 =	vld [tilespmem:s19+$0x0];
	s21 =	simm.s32 $0x2228  }
0x32b: {  	s3 =	simm.s32 $0x20;
	v7 =	vld [tilespmem:s21+$0x0]  }
0x32c: {  	s4 =	sshll.u32 s13, $0xA;
	s7 =	simm.s32 $0x0;
	s3 =	sand.u32 $0x60, s3;
	v12 =	vld [tilespmem:s21+$0xFFFFFFF0]  }
0x32d: {  	s14 =	simm.s32 $0x10;
	s7 =	sand.u32 $0x380, s7;
	v13 =	vld [tilespmem:s21+$0x10];
	s3 =	sor.u32 s3, s4  }
0x32e: {  	s25 =	simm.s32 $0x30;
	s14 =	sand.u32 $0x50, s14;
	v14 =	vld [tilespmem:s21+$0xFFFFFFE0];
	s17 =	sor.u32 s7, s3  }
0x32f: {  	s14 =	sor.u32 s14, s4;
	s3 =	sand.u32 $0x70, s25;
	v2 =	vld [tilespmem:s17+$0x6608]  }
0x330: {  	s14 =	sor.u32 s7, s14;
	s3 =	sor.u32 s3, s4;
	v8 =	vld [tilespmem:s17+$0xE608]  }
0x331: {  	v4 =	vld [tilespmem:s14+$0x6608];
	s25 =	sor.u32 s7, s3  }
0x332: {  	v9 =	vld [tilespmem:s25+$0x6608]  }
0x333: {  	s26 =	sor.u32 s1, s13;
	s28 =	simm.s32 $0x60;
	s29 =	simm.s32 $0x40;
	v10 =	vld [tilespmem:s14+$0xE608]  }
0x334: {  	p0 =	sgt.s32 s26, $0x7;
	s26 =	sadd.s32 $0x40, s20;
	s3 =	sand.u32 $0x60, s28;
	v11 =	vld [tilespmem:s25+$0xE608]  }
0x335: {  	s21 =	sand.u32 $0x380, s29;
	v3 =	vld [tilespmem:s26+$0x0];
	s7 =	simm.s32 $0x2268;
	s3 =	sor.u32 s3, s4;
	v15 =	vmul.f32 $4.000000060e-01, v2  }
0x336: {  	s30 =	simm.s32 $0x50;
	v61 =	vld [tilespmem:s7+$0x0];
	s3 =	sor.u32 s21, s3;
	v2 =	vpsel !p0, $0x0, v1;
	v16 =	vmul.f32 $4.000000060e-01, v4  }
0x337: {  	s23 =	simm.s32 $0x70;
	s24 =	sand.u32 $0x50, s30;
	v60 =	vld [tilespmem:s3+$0x6608];
	v8 =	vmul.f32 v8, v2;
	v7 =	vadd.f32 v15, v7;
	v9 =	vmul.f32 $4.000000060e-01, v9  }
0x338: {  	s29 =	sand.u32 $0x70, s23;
	s24 =	sor.u32 s24, s4;
	s28 =	sadd.s32 $0x40, s19;
	v6 =	vmul.f32 $4.000000060e-01, v6;
	v62 =	vld [tilespmem:s3+$0xE608];
	v10 =	vmul.f32 v10, v2;
	v12 =	vadd.f32 v16, v12  }
0x339: {  	s31 =	sor.u32 s29, s4;
	s23 =	sor.u32 s21, s24;
	v4 =	vld [tilespmem:s28+$0x0];
	v11 =	vmul.f32 v11, v2;
	v8 =	vadd.f32 v8, v7;
	v9 =	vadd.f32 v9, v13  }
0x33a: {  	s24 =	sor.u32 s21, s31;
	v6 =	vadd.f32 v6, v14;
	v63 =	vmul.f32 v5, v2;
	v10 =	vadd.f32 v10, v12;
	v7 =	vld [tilespmem:s23+$0x6608]  }
0x33b: {  	v5 =	vld [tilespmem:s24+$0x6608];
	[tilespmem:s17+$0x16608] =	vst v8;
	v9 =	vadd.f32 v11, v9  }
0x33c: {  	v11 =	vadd.f32 v63, v6;
	[tilespmem:s14+$0x16608] =	vst v10;
	v8 =	vld [tilespmem:s23+$0xE608];
	v10 =	vmul.f32 $4.000000060e-01, v60  }
0x33d: {  	s26 =	sadd.s32 $0x40, s26;
	s21 =	simm.s32 $0xB0;
	v6 =	vld [tilespmem:s24+$0xE608];
	[tilespmem:s25+$0x16608] =	vst v9  }
0x33e: {  	s17 =	simm.s32 $0x4;
	s14 =	smov.u32 s15;
	[tilespmem:s15+$0x0] =	vst v11;
	v9 =	vld [tilespmem:s7+$0xFFFFFFF0];
	v10 =	vadd.f32 v10, v61;
	v11 =	vmul.f32 v62, v2;
	s25 =	sadd.s32 $0x40, s28  }
.LBB2_63:
0x33f: {  	s28 =	sadd.s32 $0xFFFFFFE0, s21;
	s29 =	sadd.s32 $0xFFFFFFF0, s21;
	s17 =	sadd.s32 $0x4, s17;
	v7 =	vmul.f32 $4.000000060e-01, v7;
	v12 =	vld [tilespmem:s7+$0x10]  }
0x340: {  	s30 =	sadd.s32 $0xFFFFFFD0, s21;
	s29 =	sand.u32 $0x60, s29;
	p0 =	slt.u32 s17, $0x38;
	v13 =	vld [tilespmem:s7+$0xFFFFFFE0];
	v10 =	vadd.f32 v11, v10;
	v5 =	vmul.f32 $4.000000060e-01, v5  }
0x341: {  	s30 =	sand.u32 $0x380, s30;
	s28 =	sand.u32 $0x50, s28;
	v11 =	vld [tilespmem:s26+$0x0];
	s29 =	sor.u32 s29, s4;
	v8 =	vmul.f32 v8, v2  }
0x342: {  	s31 =	sand.u32 $0x70, s21;
	s28 =	sor.u32 s28, s4;
	v14 =	vld [tilespmem:s25+$0x0];
	[tilespmem:s3+$0x16608] =	vst v10;
	s3 =	sor.u32 s30, s29;
	v6 =	vmul.f32 v6, v2  }
0x343: {  	v4 =	vmul.f32 $4.000000060e-01, v4;
	s7 =	sadd.s32 $0x40, s7;
	s28 =	sor.u32 s30, s28;
	s29 =	sor.u32 s31, s4;
	v10 =	vld [tilespmem:s3+$0x6608];
	v7 =	vadd.f32 v7, v9  }
0x344: {  	s29 =	sor.u32 s30, s29;
	v15 =	vld [tilespmem:s7+$0x0];
	v5 =	vadd.f32 v5, v12  }
0x345: {  	v9 =	vmul.f32 v3, v2;
	v12 =	vld [tilespmem:s3+$0xE608];
	v13 =	vadd.f32 v4, v13;
	v8 =	vadd.f32 v8, v7  }
.Ltmp30:
0x346: {  	v7 =	vld [tilespmem:s28+$0x6608];
	v6 =	vadd.f32 v6, v5;
	v3 =	vmov v11;
	(pc) =	sbr.rel @p0 .LBB2_63-.Ltmp30, $4  }
0x347: {  	v5 =	vld [tilespmem:s29+$0x6608];
	v9 =	vadd.f32 v9, v13;
	[tilespmem:s23+$0x16608] =	vst v8;
	v4 =	vmov v14;
	s23 =	smov.u32 s28  }
0x348: {  	s14 =	sadd.s32 $0x40, s14;
	v8 =	vld [tilespmem:s23+$0xE608];
	v10 =	vmul.f32 $4.000000060e-01, v10;
	[tilespmem:s24+$0x16608] =	vst v6;
	s24 =	smov.u32 s29  }
0x349: {  	s28 =	simm.s32 $0x0;
	v6 =	vld [tilespmem:s24+$0xE608];
	[tilespmem:s14+$0x0] =	vst v9  }
0x34a: {  	s21 =	sadd.s32 $0x40, s21;
	s26 =	sadd.s32 $0x40, s26;
	s25 =	sadd.s32 $0x40, s25;
	v9 =	vld [tilespmem:s7+$0xFFFFFFF0];
	v10 =	vadd.f32 v10, v15;
	v11 =	vmul.f32 v12, v2  }
0x34b: {  	v12 =	vld [tilespmem:s7+$0x10]  }
0x34c: {  	v13 =	vld [tilespmem:s7+$0xFFFFFFE0]  }
0x34d: {  	v7 =	vmul.f32 $4.000000060e-01, v7  }
0x34e: {  	v5 =	vmul.f32 $4.000000060e-01, v5  }
0x34f: {  	v4 =	vmul.f32 $4.000000060e-01, v4;
	v8 =	vmul.f32 v8, v2;
	v7 =	vadd.f32 v7, v9  }
0x350: {  	v63 =	vadd.f32 v11, v10;
	v6 =	vmul.f32 v6, v2;
	v5 =	vadd.f32 v5, v12  }
0x351: {  	v3 =	vmul.f32 v3, v2;
	v4 =	vadd.f32 v4, v13;
	v7 =	vadd.f32 v8, v7  }
0x352: {  	[tilespmem:s3+$0x16608] =	vst v63;
	v5 =	vadd.f32 v6, v5  }
0x353: {  	v3 =	vadd.f32 v3, v4;
	[tilespmem:s23+$0x16608] =	vst v7  }
0x354: {  	s31 =	sadd.s32 $0x40, s14;
	[tilespmem:s24+$0x16608] =	vst v5  }
0x355: {  	[tilespmem:s31+$0x0] =	vst v3  }
.LBB2_65:
0x356: {  	s3 =	sshra.s32 s28, $0x2  }
0x357: {  	s4 =	sadd.s32 s3, s16  }
0x358: {  	v3 =	vld [tilespmem:s4+$0x0]  }
0x359: {  	v4 =	vld [tilespmem:s3+$0x25C8];
	s31 =	sadd.s32 s3, s18  }
0x35a: {  	v5 =	vld [tilespmem:s31+$0x0];
	_ =	sdelay $0x2  }
0x35b: {  	v3 =	vmul.f32 $4.000000060e-01, v3  }
0x35c: {  	p0 =	sne.s32 s28, $0x80  }
.Ltmp31:
0x35d: {  	v63 =	vmul.f32 v5, v2;
	v3 =	vadd.f32 v3, v4;
	(pc) =	sbr.rel @p0 .LBB2_65-.Ltmp31, $4  }
0x35e: {  	_ = 	snop  }
0x35f: {  	v3 =	vadd.f32 v63, v3  }
0x360: {  	s3 =	sadd.s32 s3, s22  }
0x361: {  	s28 =	sadd.s32 $0x40, s28;
	[tilespmem:s3+$0x0] =	vst v3  }
0x362: {  	s13 =	sadd.s32 $0x1, s13  }
0x363: {  	p0 =	sne.s32 s13, $0x10  }
.Ltmp32:
0x364: {  	_ = 	snop;
	(pc) =	sbr.rel @p0 .LBB2_62-.Ltmp32, $3  }
0x365: {  	_ =	sdelay $0x1  }
0x366: {  	s19 =	sadd.s32 $0x400, s19;
	s20 =	sadd.s32 $0x400, s20;
	s15 =	sadd.s32 $0x400, s15  }
0x367: {  	s16 =	sadd.s32 $0x400, s16;
	s18 =	sadd.s32 $0x400, s18;
	s22 =	sadd.s32 $0x400, s22  }
0x368: {  	s13 =	simm.s32 $0x0;
	s3 =	rddreg [dreg:$0xf]  }
0x369: {  	s4 =	simm.s32 $0x16608;
	s24 =	rddreg [dreg:$0x2];
	s25 =	simm.s32 $0x10  }
0x36a: {  	[hbm4b:s3+s13] =	stream.linear.scatter [tilespmem:s4], [sflag:$0x4], $0x4000, $0x38;
	[tilespmem:$0x1A608] =	vst v63  }
0x36b: {  	s7 =	simm.s32 $0x6608;
	s14 =	simm.s32 $0x20B8;
	s26 =	rddreg [dreg:$0x5]  }
0x36c: {  	[tilespmem:s7], [sflag:$0x2] =	stream.indirect.gather [hbm4b:s24+s25], $0x400, s14, s25, $0xb8;
	[tilespmem:$0x1A608] =	vst v63  }
0x36d: {  	s28 =	simm.s32 $0xE608;
	s29 =	simm.s32 $0x21B8;
	s30 =	simm.s32 $0x1  }
0x36e: {  	[tilespmem:s28], [sflag:$0x2] =	stream.indirect.gather [hbm4b:s26+s25], $0x400, s29, s25, $0xb8;
	[tilespmem:$0x1A608] =	vst v63  }
0x36f: {  	_ =	swait.ge [sflag:s30], $0x4000  }
0x370: {  	[sflag:s30] =	ssyncset.done $0x0  }
0x371: {  	[sflag:s30] =	ssyncadd.s32 $0xFFFFC000  }
0x372: {  	_ =	swait.ge [sflag:s30], $0x4000  }
0x373: {  	[sflag:s30] =	ssyncset.done $0x0  }
0x374: {  	s31 =	simm.s32 $0x3;
	[sflag:s30] =	ssyncadd.s32 $0xFFFFC000  }
0x375: {  	s19 =	simm.s32 $0x2608;
	s20 =	simm.s32 $0xA608;
	_ =	swait.ge [sflag:s31], $0x4000  }
0x376: {  	s15 =	simm.s32 $0x12608;
	s16 =	simm.s32 $0x29C8;
	[sflag:s31] =	ssyncset.done $0x0  }
0x377: {  	s18 =	simm.s32 $0xA9C8;
	s22 =	simm.s32 $0x129C8;
	[sflag:s31] =	ssyncadd.s32 $0xFFFFC000  }
.LBB2_68:
0x378: {  	v5 =	vld [tilespmem:s20+$0x0]  }
0x379: {  	v6 =	vld [tilespmem:s19+$0x0];
	s21 =	simm.s32 $0x2228  }
0x37a: {  	s3 =	simm.s32 $0x20;
	v7 =	vld [tilespmem:s21+$0x0]  }
0x37b: {  	s4 =	sshll.u32 s13, $0xA;
	s7 =	simm.s32 $0x0;
	s3 =	sand.u32 $0x60, s3;
	v12 =	vld [tilespmem:s21+$0xFFFFFFF0]  }
0x37c: {  	s14 =	simm.s32 $0x10;
	s7 =	sand.u32 $0x380, s7;
	v13 =	vld [tilespmem:s21+$0x10];
	s3 =	sor.u32 s3, s4  }
0x37d: {  	s25 =	simm.s32 $0x30;
	s14 =	sand.u32 $0x50, s14;
	v14 =	vld [tilespmem:s21+$0xFFFFFFE0];
	s17 =	sor.u32 s7, s3  }
0x37e: {  	s14 =	sor.u32 s14, s4;
	s3 =	sand.u32 $0x70, s25;
	v2 =	vld [tilespmem:s17+$0x2608]  }
0x37f: {  	s14 =	sor.u32 s7, s14;
	s3 =	sor.u32 s3, s4;
	v8 =	vld [tilespmem:s17+$0xA608]  }
0x380: {  	v4 =	vld [tilespmem:s14+$0x2608];
	s25 =	sor.u32 s7, s3  }
0x381: {  	v9 =	vld [tilespmem:s25+$0x2608]  }
0x382: {  	s26 =	sor.u32 s6, s13;
	s28 =	simm.s32 $0x60;
	s29 =	simm.s32 $0x40;
	v10 =	vld [tilespmem:s14+$0xA608]  }
0x383: {  	p0 =	sgt.s32 s26, $0x7;
	s26 =	sadd.s32 $0x40, s20;
	s3 =	sand.u32 $0x60, s28;
	v11 =	vld [tilespmem:s25+$0xA608]  }
0x384: {  	s21 =	sand.u32 $0x380, s29;
	v3 =	vld [tilespmem:s26+$0x0];
	s7 =	simm.s32 $0x2268;
	s3 =	sor.u32 s3, s4;
	v15 =	vmul.f32 $4.000000060e-01, v2  }
0x385: {  	s30 =	simm.s32 $0x50;
	v61 =	vld [tilespmem:s7+$0x0];
	s3 =	sor.u32 s21, s3;
	v2 =	vpsel !p0, $0x0, v1;
	v16 =	vmul.f32 $4.000000060e-01, v4  }
0x386: {  	s23 =	simm.s32 $0x70;
	s24 =	sand.u32 $0x50, s30;
	v60 =	vld [tilespmem:s3+$0x2608];
	v8 =	vmul.f32 v8, v2;
	v7 =	vadd.f32 v15, v7;
	v9 =	vmul.f32 $4.000000060e-01, v9  }
0x387: {  	s29 =	sand.u32 $0x70, s23;
	s24 =	sor.u32 s24, s4;
	s28 =	sadd.s32 $0x40, s19;
	v6 =	vmul.f32 $4.000000060e-01, v6;
	v62 =	vld [tilespmem:s3+$0xA608];
	v10 =	vmul.f32 v10, v2;
	v12 =	vadd.f32 v16, v12  }
0x388: {  	s31 =	sor.u32 s29, s4;
	s23 =	sor.u32 s21, s24;
	v4 =	vld [tilespmem:s28+$0x0];
	v11 =	vmul.f32 v11, v2;
	v8 =	vadd.f32 v8, v7;
	v9 =	vadd.f32 v9, v13  }
0x389: {  	s24 =	sor.u32 s21, s31;
	v6 =	vadd.f32 v6, v14;
	v63 =	vmul.f32 v5, v2;
	v10 =	vadd.f32 v10, v12;
	v7 =	vld [tilespmem:s23+$0x2608]  }
0x38a: {  	v5 =	vld [tilespmem:s24+$0x2608];
	[tilespmem:s17+$0x12608] =	vst v8;
	v9 =	vadd.f32 v11, v9  }
0x38b: {  	v11 =	vadd.f32 v63, v6;
	[tilespmem:s14+$0x12608] =	vst v10;
	v8 =	vld [tilespmem:s23+$0xA608];
	v10 =	vmul.f32 $4.000000060e-01, v60  }
0x38c: {  	s26 =	sadd.s32 $0x40, s26;
	s21 =	simm.s32 $0xB0;
	v6 =	vld [tilespmem:s24+$0xA608];
	[tilespmem:s25+$0x12608] =	vst v9  }
0x38d: {  	s17 =	simm.s32 $0x4;
	s14 =	smov.u32 s15;
	[tilespmem:s15+$0x0] =	vst v11;
	v9 =	vld [tilespmem:s7+$0xFFFFFFF0];
	v10 =	vadd.f32 v10, v61;
	v11 =	vmul.f32 v62, v2;
	s25 =	sadd.s32 $0x40, s28  }
.LBB2_69:
0x38e: {  	s28 =	sadd.s32 $0xFFFFFFE0, s21;
	s29 =	sadd.s32 $0xFFFFFFF0, s21;
	s17 =	sadd.s32 $0x4, s17;
	v7 =	vmul.f32 $4.000000060e-01, v7;
	v12 =	vld [tilespmem:s7+$0x10]  }
0x38f: {  	s30 =	sadd.s32 $0xFFFFFFD0, s21;
	s29 =	sand.u32 $0x60, s29;
	p0 =	slt.u32 s17, $0x38;
	v13 =	vld [tilespmem:s7+$0xFFFFFFE0];
	v10 =	vadd.f32 v11, v10;
	v5 =	vmul.f32 $4.000000060e-01, v5  }
0x390: {  	s30 =	sand.u32 $0x380, s30;
	s28 =	sand.u32 $0x50, s28;
	v11 =	vld [tilespmem:s26+$0x0];
	s29 =	sor.u32 s29, s4;
	v8 =	vmul.f32 v8, v2  }
0x391: {  	s31 =	sand.u32 $0x70, s21;
	s28 =	sor.u32 s28, s4;
	v14 =	vld [tilespmem:s25+$0x0];
	[tilespmem:s3+$0x12608] =	vst v10;
	s3 =	sor.u32 s30, s29;
	v6 =	vmul.f32 v6, v2  }
0x392: {  	v4 =	vmul.f32 $4.000000060e-01, v4;
	s7 =	sadd.s32 $0x40, s7;
	s28 =	sor.u32 s30, s28;
	s29 =	sor.u32 s31, s4;
	v10 =	vld [tilespmem:s3+$0x2608];
	v7 =	vadd.f32 v7, v9  }
0x393: {  	s29 =	sor.u32 s30, s29;
	v15 =	vld [tilespmem:s7+$0x0];
	v5 =	vadd.f32 v5, v12  }
0x394: {  	v9 =	vmul.f32 v3, v2;
	v12 =	vld [tilespmem:s3+$0xA608];
	v13 =	vadd.f32 v4, v13;
	v8 =	vadd.f32 v8, v7  }
.Ltmp33:
0x395: {  	v7 =	vld [tilespmem:s28+$0x2608];
	v6 =	vadd.f32 v6, v5;
	v3 =	vmov v11;
	(pc) =	sbr.rel @p0 .LBB2_69-.Ltmp33, $4  }
0x396: {  	v5 =	vld [tilespmem:s29+$0x2608];
	v9 =	vadd.f32 v9, v13;
	[tilespmem:s23+$0x12608] =	vst v8;
	v4 =	vmov v14;
	s23 =	smov.u32 s28  }
0x397: {  	s14 =	sadd.s32 $0x40, s14;
	v8 =	vld [tilespmem:s23+$0xA608];
	v10 =	vmul.f32 $4.000000060e-01, v10;
	[tilespmem:s24+$0x12608] =	vst v6;
	s24 =	smov.u32 s29  }
0x398: {  	s28 =	simm.s32 $0x0;
	v6 =	vld [tilespmem:s24+$0xA608];
	[tilespmem:s14+$0x0] =	vst v9  }
0x399: {  	s21 =	sadd.s32 $0x40, s21;
	s26 =	sadd.s32 $0x40, s26;
	s25 =	sadd.s32 $0x40, s25;
	v9 =	vld [tilespmem:s7+$0xFFFFFFF0];
	v10 =	vadd.f32 v10, v15;
	v11 =	vmul.f32 v12, v2  }
0x39a: {  	v12 =	vld [tilespmem:s7+$0x10]  }
0x39b: {  	v13 =	vld [tilespmem:s7+$0xFFFFFFE0]  }
0x39c: {  	v7 =	vmul.f32 $4.000000060e-01, v7  }
0x39d: {  	v5 =	vmul.f32 $4.000000060e-01, v5  }
0x39e: {  	v4 =	vmul.f32 $4.000000060e-01, v4;
	v8 =	vmul.f32 v8, v2;
	v7 =	vadd.f32 v7, v9  }
0x39f: {  	v63 =	vadd.f32 v11, v10;
	v6 =	vmul.f32 v6, v2;
	v5 =	vadd.f32 v5, v12  }
0x3a0: {  	v3 =	vmul.f32 v3, v2;
	v4 =	vadd.f32 v4, v13;
	v7 =	vadd.f32 v8, v7  }
0x3a1: {  	[tilespmem:s3+$0x12608] =	vst v63;
	v5 =	vadd.f32 v6, v5  }
0x3a2: {  	v3 =	vadd.f32 v3, v4;
	[tilespmem:s23+$0x12608] =	vst v7  }
0x3a3: {  	s31 =	sadd.s32 $0x40, s14;
	[tilespmem:s24+$0x12608] =	vst v5  }
0x3a4: {  	[tilespmem:s31+$0x0] =	vst v3  }
.LBB2_71:
0x3a5: {  	s3 =	sshra.s32 s28, $0x2  }
0x3a6: {  	s4 =	sadd.s32 s3, s16  }
0x3a7: {  	v3 =	vld [tilespmem:s4+$0x0]  }
0x3a8: {  	v4 =	vld [tilespmem:s3+$0x25C8];
	s31 =	sadd.s32 s3, s18  }
0x3a9: {  	v5 =	vld [tilespmem:s31+$0x0];
	_ =	sdelay $0x2  }
0x3aa: {  	v3 =	vmul.f32 $4.000000060e-01, v3  }
0x3ab: {  	p0 =	sne.s32 s28, $0x80  }
.Ltmp34:
0x3ac: {  	v63 =	vmul.f32 v5, v2;
	v3 =	vadd.f32 v3, v4;
	(pc) =	sbr.rel @p0 .LBB2_71-.Ltmp34, $4  }
0x3ad: {  	_ = 	snop  }
0x3ae: {  	v3 =	vadd.f32 v63, v3  }
0x3af: {  	s3 =	sadd.s32 s3, s22  }
0x3b0: {  	s28 =	sadd.s32 $0x40, s28;
	[tilespmem:s3+$0x0] =	vst v3  }
0x3b1: {  	s13 =	sadd.s32 $0x1, s13  }
0x3b2: {  	p0 =	sne.s32 s13, $0x10  }
.Ltmp35:
0x3b3: {  	_ = 	snop;
	(pc) =	sbr.rel @p0 .LBB2_68-.Ltmp35, $3  }
0x3b4: {  	_ =	sdelay $0x1  }
0x3b5: {  	s19 =	sadd.s32 $0x400, s19;
	s20 =	sadd.s32 $0x400, s20;
	s15 =	sadd.s32 $0x400, s15  }
0x3b6: {  	s16 =	sadd.s32 $0x400, s16;
	s18 =	sadd.s32 $0x400, s18;
	s22 =	sadd.s32 $0x400, s22  }
0x3b7: {  	s13 =	simm.s32 $0x0;
	s3 =	rddreg [dreg:$0x10]  }
0x3b8: {  	s4 =	simm.s32 $0x12608;
	s24 =	rddreg [dreg:$0x2];
	s25 =	simm.s32 $0x10  }
0x3b9: {  	[hbm4b:s3+s13] =	stream.linear.scatter [tilespmem:s4], [sflag:$0x3], $0x4000, $0x38;
	[tilespmem:$0x1A608] =	vst v63  }
0x3ba: {  	s7 =	simm.s32 $0x2608;
	s14 =	simm.s32 $0x20C8;
	s26 =	rddreg [dreg:$0x5]  }
0x3bb: {  	[tilespmem:s7], [sflag:$0x1] =	stream.indirect.gather [hbm4b:s24+s25], $0x400, s14, s25, $0xb8;
	[tilespmem:$0x1A608] =	vst v63  }
0x3bc: {  	s28 =	simm.s32 $0xA608;
	s29 =	simm.s32 $0x21C8;
	s30 =	simm.s32 $0x2  }
0x3bd: {  	[tilespmem:s28], [sflag:$0x1] =	stream.indirect.gather [hbm4b:s26+s25], $0x400, s29, s25, $0xb8;
	[tilespmem:$0x1A608] =	vst v63  }
0x3be: {  	_ =	swait.ge [sflag:s30], $0x4000  }
0x3bf: {  	[sflag:s30] =	ssyncset.done $0x0  }
0x3c0: {  	[sflag:s30] =	ssyncadd.s32 $0xFFFFC000  }
0x3c1: {  	_ =	swait.ge [sflag:s30], $0x4000  }
0x3c2: {  	[sflag:s30] =	ssyncset.done $0x0  }
0x3c3: {  	s31 =	simm.s32 $0x4;
	[sflag:s30] =	ssyncadd.s32 $0xFFFFC000  }
0x3c4: {  	s19 =	simm.s32 $0x6608;
	s20 =	simm.s32 $0xE608;
	_ =	swait.ge [sflag:s31], $0x4000  }
0x3c5: {  	s15 =	simm.s32 $0x16608;
	s16 =	simm.s32 $0x69C8;
	[sflag:s31] =	ssyncset.done $0x0  }
0x3c6: {  	s18 =	simm.s32 $0xE9C8;
	s22 =	simm.s32 $0x169C8;
	[sflag:s31] =	ssyncadd.s32 $0xFFFFC000  }
.LBB2_74:
0x3c7: {  	v5 =	vld [tilespmem:s20+$0x0]  }
0x3c8: {  	v6 =	vld [tilespmem:s19+$0x0];
	s21 =	simm.s32 $0x2228  }
0x3c9: {  	s3 =	simm.s32 $0x20;
	v7 =	vld [tilespmem:s21+$0x0]  }
0x3ca: {  	s4 =	sshll.u32 s13, $0xA;
	s7 =	simm.s32 $0x0;
	s3 =	sand.u32 $0x60, s3;
	v12 =	vld [tilespmem:s21+$0xFFFFFFF0]  }
0x3cb: {  	s14 =	simm.s32 $0x10;
	s7 =	sand.u32 $0x380, s7;
	v13 =	vld [tilespmem:s21+$0x10];
	s3 =	sor.u32 s3, s4  }
0x3cc: {  	s25 =	simm.s32 $0x30;
	s14 =	sand.u32 $0x50, s14;
	v14 =	vld [tilespmem:s21+$0xFFFFFFE0];
	s17 =	sor.u32 s7, s3  }
0x3cd: {  	s14 =	sor.u32 s14, s4;
	s3 =	sand.u32 $0x70, s25;
	v2 =	vld [tilespmem:s17+$0x6608]  }
0x3ce: {  	s14 =	sor.u32 s7, s14;
	s3 =	sor.u32 s3, s4;
	v8 =	vld [tilespmem:s17+$0xE608]  }
0x3cf: {  	v4 =	vld [tilespmem:s14+$0x6608];
	s25 =	sor.u32 s7, s3  }
0x3d0: {  	v9 =	vld [tilespmem:s25+$0x6608]  }
0x3d1: {  	s26 =	sor.u32 s8, s13;
	s28 =	simm.s32 $0x60;
	s29 =	simm.s32 $0x40;
	v10 =	vld [tilespmem:s14+$0xE608]  }
0x3d2: {  	p0 =	sgt.s32 s26, $0x7;
	s26 =	sadd.s32 $0x40, s20;
	s3 =	sand.u32 $0x60, s28;
	v11 =	vld [tilespmem:s25+$0xE608]  }
0x3d3: {  	s21 =	sand.u32 $0x380, s29;
	v3 =	vld [tilespmem:s26+$0x0];
	s7 =	simm.s32 $0x2268;
	s3 =	sor.u32 s3, s4;
	v15 =	vmul.f32 $4.000000060e-01, v2  }
0x3d4: {  	s30 =	simm.s32 $0x50;
	v61 =	vld [tilespmem:s7+$0x0];
	s3 =	sor.u32 s21, s3;
	v2 =	vpsel !p0, $0x0, v1;
	v16 =	vmul.f32 $4.000000060e-01, v4  }
0x3d5: {  	s23 =	simm.s32 $0x70;
	s24 =	sand.u32 $0x50, s30;
	v60 =	vld [tilespmem:s3+$0x6608];
	v8 =	vmul.f32 v8, v2;
	v7 =	vadd.f32 v15, v7;
	v9 =	vmul.f32 $4.000000060e-01, v9  }
0x3d6: {  	s29 =	sand.u32 $0x70, s23;
	s24 =	sor.u32 s24, s4;
	s28 =	sadd.s32 $0x40, s19;
	v6 =	vmul.f32 $4.000000060e-01, v6;
	v62 =	vld [tilespmem:s3+$0xE608];
	v10 =	vmul.f32 v10, v2;
	v12 =	vadd.f32 v16, v12  }
0x3d7: {  	s31 =	sor.u32 s29, s4;
	s23 =	sor.u32 s21, s24;
	v4 =	vld [tilespmem:s28+$0x0];
	v11 =	vmul.f32 v11, v2;
	v8 =	vadd.f32 v8, v7;
	v9 =	vadd.f32 v9, v13  }
0x3d8: {  	s24 =	sor.u32 s21, s31;
	v6 =	vadd.f32 v6, v14;
	v63 =	vmul.f32 v5, v2;
	v10 =	vadd.f32 v10, v12;
	v7 =	vld [tilespmem:s23+$0x6608]  }
0x3d9: {  	v5 =	vld [tilespmem:s24+$0x6608];
	[tilespmem:s17+$0x16608] =	vst v8;
	v9 =	vadd.f32 v11, v9  }
0x3da: {  	v11 =	vadd.f32 v63, v6;
	[tilespmem:s14+$0x16608] =	vst v10;
	v8 =	vld [tilespmem:s23+$0xE608];
	v10 =	vmul.f32 $4.000000060e-01, v60  }
0x3db: {  	s26 =	sadd.s32 $0x40, s26;
	s21 =	simm.s32 $0xB0;
	v6 =	vld [tilespmem:s24+$0xE608];
	[tilespmem:s25+$0x16608] =	vst v9  }
0x3dc: {  	s17 =	simm.s32 $0x4;
	s14 =	smov.u32 s15;
	[tilespmem:s15+$0x0] =	vst v11;
	v9 =	vld [tilespmem:s7+$0xFFFFFFF0];
	v10 =	vadd.f32 v10, v61;
	v11 =	vmul.f32 v62, v2;
	s25 =	sadd.s32 $0x40, s28  }
.LBB2_75:
0x3dd: {  	s28 =	sadd.s32 $0xFFFFFFE0, s21;
	s29 =	sadd.s32 $0xFFFFFFF0, s21;
	s17 =	sadd.s32 $0x4, s17;
	v7 =	vmul.f32 $4.000000060e-01, v7;
	v12 =	vld [tilespmem:s7+$0x10]  }
0x3de: {  	s30 =	sadd.s32 $0xFFFFFFD0, s21;
	s29 =	sand.u32 $0x60, s29;
	p0 =	slt.u32 s17, $0x38;
	v13 =	vld [tilespmem:s7+$0xFFFFFFE0];
	v10 =	vadd.f32 v11, v10;
	v5 =	vmul.f32 $4.000000060e-01, v5  }
0x3df: {  	s30 =	sand.u32 $0x380, s30;
	s28 =	sand.u32 $0x50, s28;
	v11 =	vld [tilespmem:s26+$0x0];
	s29 =	sor.u32 s29, s4;
	v8 =	vmul.f32 v8, v2  }
0x3e0: {  	s31 =	sand.u32 $0x70, s21;
	s28 =	sor.u32 s28, s4;
	v14 =	vld [tilespmem:s25+$0x0];
	[tilespmem:s3+$0x16608] =	vst v10;
	s3 =	sor.u32 s30, s29;
	v6 =	vmul.f32 v6, v2  }
0x3e1: {  	v4 =	vmul.f32 $4.000000060e-01, v4;
	s7 =	sadd.s32 $0x40, s7;
	s28 =	sor.u32 s30, s28;
	s29 =	sor.u32 s31, s4;
	v10 =	vld [tilespmem:s3+$0x6608];
	v7 =	vadd.f32 v7, v9  }
0x3e2: {  	s29 =	sor.u32 s30, s29;
	v15 =	vld [tilespmem:s7+$0x0];
	v5 =	vadd.f32 v5, v12  }
0x3e3: {  	v9 =	vmul.f32 v3, v2;
	v12 =	vld [tilespmem:s3+$0xE608];
	v13 =	vadd.f32 v4, v13;
	v8 =	vadd.f32 v8, v7  }
.Ltmp36:
0x3e4: {  	v7 =	vld [tilespmem:s28+$0x6608];
	v6 =	vadd.f32 v6, v5;
	v3 =	vmov v11;
	(pc) =	sbr.rel @p0 .LBB2_75-.Ltmp36, $4  }
0x3e5: {  	v5 =	vld [tilespmem:s29+$0x6608];
	v9 =	vadd.f32 v9, v13;
	[tilespmem:s23+$0x16608] =	vst v8;
	v4 =	vmov v14;
	s23 =	smov.u32 s28  }
0x3e6: {  	s14 =	sadd.s32 $0x40, s14;
	v8 =	vld [tilespmem:s23+$0xE608];
	v10 =	vmul.f32 $4.000000060e-01, v10;
	[tilespmem:s24+$0x16608] =	vst v6;
	s24 =	smov.u32 s29  }
0x3e7: {  	s28 =	simm.s32 $0x0;
	v6 =	vld [tilespmem:s24+$0xE608];
	[tilespmem:s14+$0x0] =	vst v9  }
0x3e8: {  	s21 =	sadd.s32 $0x40, s21;
	s26 =	sadd.s32 $0x40, s26;
	s25 =	sadd.s32 $0x40, s25;
	v9 =	vld [tilespmem:s7+$0xFFFFFFF0];
	v10 =	vadd.f32 v10, v15;
	v11 =	vmul.f32 v12, v2  }
0x3e9: {  	v12 =	vld [tilespmem:s7+$0x10]  }
0x3ea: {  	v13 =	vld [tilespmem:s7+$0xFFFFFFE0]  }
0x3eb: {  	v7 =	vmul.f32 $4.000000060e-01, v7  }
0x3ec: {  	v5 =	vmul.f32 $4.000000060e-01, v5  }
0x3ed: {  	v4 =	vmul.f32 $4.000000060e-01, v4;
	v8 =	vmul.f32 v8, v2;
	v7 =	vadd.f32 v7, v9  }
0x3ee: {  	v63 =	vadd.f32 v11, v10;
	v6 =	vmul.f32 v6, v2;
	v5 =	vadd.f32 v5, v12  }
0x3ef: {  	v3 =	vmul.f32 v3, v2;
	v4 =	vadd.f32 v4, v13;
	v7 =	vadd.f32 v8, v7  }
0x3f0: {  	[tilespmem:s3+$0x16608] =	vst v63;
	v5 =	vadd.f32 v6, v5  }
0x3f1: {  	v3 =	vadd.f32 v3, v4;
	[tilespmem:s23+$0x16608] =	vst v7  }
0x3f2: {  	s31 =	sadd.s32 $0x40, s14;
	[tilespmem:s24+$0x16608] =	vst v5  }
0x3f3: {  	[tilespmem:s31+$0x0] =	vst v3  }
.LBB2_77:
0x3f4: {  	s3 =	sshra.s32 s28, $0x2  }
0x3f5: {  	s4 =	sadd.s32 s3, s16  }
0x3f6: {  	v3 =	vld [tilespmem:s4+$0x0]  }
0x3f7: {  	v4 =	vld [tilespmem:s3+$0x25C8];
	s31 =	sadd.s32 s3, s18  }
0x3f8: {  	v5 =	vld [tilespmem:s31+$0x0];
	_ =	sdelay $0x2  }
0x3f9: {  	v3 =	vmul.f32 $4.000000060e-01, v3  }
0x3fa: {  	p0 =	sne.s32 s28, $0x80  }
.Ltmp37:
0x3fb: {  	v63 =	vmul.f32 v5, v2;
	v3 =	vadd.f32 v3, v4;
	(pc) =	sbr.rel @p0 .LBB2_77-.Ltmp37, $4  }
0x3fc: {  	_ = 	snop  }
0x3fd: {  	v3 =	vadd.f32 v63, v3  }
0x3fe: {  	s3 =	sadd.s32 s3, s22  }
0x3ff: {  	s28 =	sadd.s32 $0x40, s28;
	[tilespmem:s3+$0x0] =	vst v3  }
0x400: {  	s13 =	sadd.s32 $0x1, s13  }
0x401: {  	p0 =	sne.s32 s13, $0x10  }
.Ltmp38:
0x402: {  	_ = 	snop;
	(pc) =	sbr.rel @p0 .LBB2_74-.Ltmp38, $3  }
0x403: {  	_ =	sdelay $0x1  }
0x404: {  	s19 =	sadd.s32 $0x400, s19;
	s20 =	sadd.s32 $0x400, s20;
	s15 =	sadd.s32 $0x400, s15  }
0x405: {  	s16 =	sadd.s32 $0x400, s16;
	s18 =	sadd.s32 $0x400, s18;
	s22 =	sadd.s32 $0x400, s22  }
0x406: {  	s13 =	simm.s32 $0x0;
	s3 =	rddreg [dreg:$0x11]  }
0x407: {  	s4 =	simm.s32 $0x16608;
	s24 =	rddreg [dreg:$0x2];
	s25 =	simm.s32 $0x10  }
0x408: {  	[hbm4b:s3+s13] =	stream.linear.scatter [tilespmem:s4], [sflag:$0x4], $0x4000, $0x38;
	[tilespmem:$0x1A608] =	vst v63  }
0x409: {  	s7 =	simm.s32 $0x6608;
	s14 =	simm.s32 $0x20D8;
	s26 =	rddreg [dreg:$0x5]  }
0x40a: {  	[tilespmem:s7], [sflag:$0x2] =	stream.indirect.gather [hbm4b:s24+s25], $0x400, s14, s25, $0xb8;
	[tilespmem:$0x1A608] =	vst v63  }
0x40b: {  	s28 =	simm.s32 $0xE608;
	s29 =	simm.s32 $0x21D8;
	s30 =	simm.s32 $0x1  }
0x40c: {  	[tilespmem:s28], [sflag:$0x2] =	stream.indirect.gather [hbm4b:s26+s25], $0x400, s29, s25, $0xb8;
	[tilespmem:$0x1A608] =	vst v63  }
0x40d: {  	_ =	swait.ge [sflag:s30], $0x4000  }
0x40e: {  	[sflag:s30] =	ssyncset.done $0x0  }
0x40f: {  	[sflag:s30] =	ssyncadd.s32 $0xFFFFC000  }
0x410: {  	_ =	swait.ge [sflag:s30], $0x4000  }
0x411: {  	[sflag:s30] =	ssyncset.done $0x0  }
0x412: {  	s31 =	simm.s32 $0x3;
	[sflag:s30] =	ssyncadd.s32 $0xFFFFC000  }
0x413: {  	s19 =	simm.s32 $0x2608;
	s20 =	simm.s32 $0xA608;
	_ =	swait.ge [sflag:s31], $0x4000  }
0x414: {  	s15 =	simm.s32 $0x12608;
	s16 =	simm.s32 $0x29C8;
	[sflag:s31] =	ssyncset.done $0x0  }
0x415: {  	s18 =	simm.s32 $0xA9C8;
	s22 =	simm.s32 $0x129C8;
	[sflag:s31] =	ssyncadd.s32 $0xFFFFC000  }
.LBB2_80:
0x416: {  	v5 =	vld [tilespmem:s20+$0x0]  }
0x417: {  	v6 =	vld [tilespmem:s19+$0x0];
	s21 =	simm.s32 $0x2228  }
0x418: {  	s3 =	simm.s32 $0x20;
	v7 =	vld [tilespmem:s21+$0x0]  }
0x419: {  	s4 =	sshll.u32 s13, $0xA;
	s7 =	simm.s32 $0x0;
	s3 =	sand.u32 $0x60, s3;
	v12 =	vld [tilespmem:s21+$0xFFFFFFF0]  }
0x41a: {  	s14 =	simm.s32 $0x10;
	s7 =	sand.u32 $0x380, s7;
	v13 =	vld [tilespmem:s21+$0x10];
	s3 =	sor.u32 s3, s4  }
0x41b: {  	s25 =	simm.s32 $0x30;
	s14 =	sand.u32 $0x50, s14;
	v14 =	vld [tilespmem:s21+$0xFFFFFFE0];
	s17 =	sor.u32 s7, s3  }
0x41c: {  	s14 =	sor.u32 s14, s4;
	s3 =	sand.u32 $0x70, s25;
	v2 =	vld [tilespmem:s17+$0x2608]  }
0x41d: {  	s14 =	sor.u32 s7, s14;
	s3 =	sor.u32 s3, s4;
	v8 =	vld [tilespmem:s17+$0xA608]  }
0x41e: {  	v4 =	vld [tilespmem:s14+$0x2608];
	s25 =	sor.u32 s7, s3  }
0x41f: {  	v9 =	vld [tilespmem:s25+$0x2608]  }
0x420: {  	s26 =	sor.u32 s9, s13;
	s28 =	simm.s32 $0x60;
	s29 =	simm.s32 $0x40;
	v10 =	vld [tilespmem:s14+$0xA608]  }
0x421: {  	p0 =	sgt.s32 s26, $0x7;
	s26 =	sadd.s32 $0x40, s20;
	s3 =	sand.u32 $0x60, s28;
	v11 =	vld [tilespmem:s25+$0xA608]  }
0x422: {  	s21 =	sand.u32 $0x380, s29;
	v3 =	vld [tilespmem:s26+$0x0];
	s7 =	simm.s32 $0x2268;
	s3 =	sor.u32 s3, s4;
	v15 =	vmul.f32 $4.000000060e-01, v2  }
0x423: {  	s30 =	simm.s32 $0x50;
	v61 =	vld [tilespmem:s7+$0x0];
	s3 =	sor.u32 s21, s3;
	v2 =	vpsel !p0, $0x0, v1;
	v16 =	vmul.f32 $4.000000060e-01, v4  }
0x424: {  	s23 =	simm.s32 $0x70;
	s24 =	sand.u32 $0x50, s30;
	v60 =	vld [tilespmem:s3+$0x2608];
	v8 =	vmul.f32 v8, v2;
	v7 =	vadd.f32 v15, v7;
	v9 =	vmul.f32 $4.000000060e-01, v9  }
0x425: {  	s29 =	sand.u32 $0x70, s23;
	s24 =	sor.u32 s24, s4;
	s28 =	sadd.s32 $0x40, s19;
	v6 =	vmul.f32 $4.000000060e-01, v6;
	v62 =	vld [tilespmem:s3+$0xA608];
	v10 =	vmul.f32 v10, v2;
	v12 =	vadd.f32 v16, v12  }
0x426: {  	s31 =	sor.u32 s29, s4;
	s23 =	sor.u32 s21, s24;
	v4 =	vld [tilespmem:s28+$0x0];
	v11 =	vmul.f32 v11, v2;
	v8 =	vadd.f32 v8, v7;
	v9 =	vadd.f32 v9, v13  }
0x427: {  	s24 =	sor.u32 s21, s31;
	v6 =	vadd.f32 v6, v14;
	v63 =	vmul.f32 v5, v2;
	v10 =	vadd.f32 v10, v12;
	v7 =	vld [tilespmem:s23+$0x2608]  }
0x428: {  	v5 =	vld [tilespmem:s24+$0x2608];
	[tilespmem:s17+$0x12608] =	vst v8;
	v9 =	vadd.f32 v11, v9  }
0x429: {  	v11 =	vadd.f32 v63, v6;
	[tilespmem:s14+$0x12608] =	vst v10;
	v8 =	vld [tilespmem:s23+$0xA608];
	v10 =	vmul.f32 $4.000000060e-01, v60  }
0x42a: {  	s26 =	sadd.s32 $0x40, s26;
	s21 =	simm.s32 $0xB0;
	v6 =	vld [tilespmem:s24+$0xA608];
	[tilespmem:s25+$0x12608] =	vst v9  }
0x42b: {  	s17 =	simm.s32 $0x4;
	s14 =	smov.u32 s15;
	[tilespmem:s15+$0x0] =	vst v11;
	v9 =	vld [tilespmem:s7+$0xFFFFFFF0];
	v10 =	vadd.f32 v10, v61;
	v11 =	vmul.f32 v62, v2;
	s25 =	sadd.s32 $0x40, s28  }
.LBB2_81:
0x42c: {  	s28 =	sadd.s32 $0xFFFFFFE0, s21;
	s29 =	sadd.s32 $0xFFFFFFF0, s21;
	s17 =	sadd.s32 $0x4, s17;
	v7 =	vmul.f32 $4.000000060e-01, v7;
	v12 =	vld [tilespmem:s7+$0x10]  }
0x42d: {  	s30 =	sadd.s32 $0xFFFFFFD0, s21;
	s29 =	sand.u32 $0x60, s29;
	p0 =	slt.u32 s17, $0x38;
	v13 =	vld [tilespmem:s7+$0xFFFFFFE0];
	v10 =	vadd.f32 v11, v10;
	v5 =	vmul.f32 $4.000000060e-01, v5  }
0x42e: {  	s30 =	sand.u32 $0x380, s30;
	s28 =	sand.u32 $0x50, s28;
	v11 =	vld [tilespmem:s26+$0x0];
	s29 =	sor.u32 s29, s4;
	v8 =	vmul.f32 v8, v2  }
0x42f: {  	s31 =	sand.u32 $0x70, s21;
	s28 =	sor.u32 s28, s4;
	v14 =	vld [tilespmem:s25+$0x0];
	[tilespmem:s3+$0x12608] =	vst v10;
	s3 =	sor.u32 s30, s29;
	v6 =	vmul.f32 v6, v2  }
0x430: {  	v4 =	vmul.f32 $4.000000060e-01, v4;
	s7 =	sadd.s32 $0x40, s7;
	s28 =	sor.u32 s30, s28;
	s29 =	sor.u32 s31, s4;
	v10 =	vld [tilespmem:s3+$0x2608];
	v7 =	vadd.f32 v7, v9  }
0x431: {  	s29 =	sor.u32 s30, s29;
	v15 =	vld [tilespmem:s7+$0x0];
	v5 =	vadd.f32 v5, v12  }
0x432: {  	v9 =	vmul.f32 v3, v2;
	v12 =	vld [tilespmem:s3+$0xA608];
	v13 =	vadd.f32 v4, v13;
	v8 =	vadd.f32 v8, v7  }
.Ltmp39:
0x433: {  	v7 =	vld [tilespmem:s28+$0x2608];
	v6 =	vadd.f32 v6, v5;
	v3 =	vmov v11;
	(pc) =	sbr.rel @p0 .LBB2_81-.Ltmp39, $4  }
0x434: {  	v5 =	vld [tilespmem:s29+$0x2608];
	v9 =	vadd.f32 v9, v13;
	[tilespmem:s23+$0x12608] =	vst v8;
	v4 =	vmov v14;
	s23 =	smov.u32 s28  }
0x435: {  	s14 =	sadd.s32 $0x40, s14;
	v8 =	vld [tilespmem:s23+$0xA608];
	v10 =	vmul.f32 $4.000000060e-01, v10;
	[tilespmem:s24+$0x12608] =	vst v6;
	s24 =	smov.u32 s29  }
0x436: {  	s28 =	simm.s32 $0x0;
	v6 =	vld [tilespmem:s24+$0xA608];
	[tilespmem:s14+$0x0] =	vst v9  }
0x437: {  	s21 =	sadd.s32 $0x40, s21;
	s26 =	sadd.s32 $0x40, s26;
	s25 =	sadd.s32 $0x40, s25;
	v9 =	vld [tilespmem:s7+$0xFFFFFFF0];
	v10 =	vadd.f32 v10, v15;
	v11 =	vmul.f32 v12, v2  }
0x438: {  	v12 =	vld [tilespmem:s7+$0x10]  }
0x439: {  	v13 =	vld [tilespmem:s7+$0xFFFFFFE0]  }
0x43a: {  	v7 =	vmul.f32 $4.000000060e-01, v7  }
0x43b: {  	v5 =	vmul.f32 $4.000000060e-01, v5  }
0x43c: {  	v4 =	vmul.f32 $4.000000060e-01, v4;
	v8 =	vmul.f32 v8, v2;
	v7 =	vadd.f32 v7, v9  }
0x43d: {  	v63 =	vadd.f32 v11, v10;
	v6 =	vmul.f32 v6, v2;
	v5 =	vadd.f32 v5, v12  }
0x43e: {  	v3 =	vmul.f32 v3, v2;
	v4 =	vadd.f32 v4, v13;
	v7 =	vadd.f32 v8, v7  }
0x43f: {  	[tilespmem:s3+$0x12608] =	vst v63;
	v5 =	vadd.f32 v6, v5  }
0x440: {  	v3 =	vadd.f32 v3, v4;
	[tilespmem:s23+$0x12608] =	vst v7  }
0x441: {  	s31 =	sadd.s32 $0x40, s14;
	[tilespmem:s24+$0x12608] =	vst v5  }
0x442: {  	[tilespmem:s31+$0x0] =	vst v3  }
.LBB2_83:
0x443: {  	s3 =	sshra.s32 s28, $0x2  }
0x444: {  	s4 =	sadd.s32 s3, s16  }
0x445: {  	v3 =	vld [tilespmem:s4+$0x0]  }
0x446: {  	v4 =	vld [tilespmem:s3+$0x25C8];
	s31 =	sadd.s32 s3, s18  }
0x447: {  	v5 =	vld [tilespmem:s31+$0x0];
	_ =	sdelay $0x2  }
0x448: {  	v3 =	vmul.f32 $4.000000060e-01, v3  }
0x449: {  	p0 =	sne.s32 s28, $0x80  }
.Ltmp40:
0x44a: {  	v63 =	vmul.f32 v5, v2;
	v3 =	vadd.f32 v3, v4;
	(pc) =	sbr.rel @p0 .LBB2_83-.Ltmp40, $4  }
0x44b: {  	_ = 	snop  }
0x44c: {  	v3 =	vadd.f32 v63, v3  }
0x44d: {  	s3 =	sadd.s32 s3, s22  }
0x44e: {  	s28 =	sadd.s32 $0x40, s28;
	[tilespmem:s3+$0x0] =	vst v3  }
0x44f: {  	s13 =	sadd.s32 $0x1, s13  }
0x450: {  	p0 =	sne.s32 s13, $0x10  }
.Ltmp41:
0x451: {  	_ = 	snop;
	(pc) =	sbr.rel @p0 .LBB2_80-.Ltmp41, $3  }
0x452: {  	_ =	sdelay $0x1  }
0x453: {  	s19 =	sadd.s32 $0x400, s19;
	s20 =	sadd.s32 $0x400, s20;
	s15 =	sadd.s32 $0x400, s15  }
0x454: {  	s16 =	sadd.s32 $0x400, s16;
	s18 =	sadd.s32 $0x400, s18;
	s22 =	sadd.s32 $0x400, s22  }
0x455: {  	s13 =	simm.s32 $0x0;
	s3 =	rddreg [dreg:$0x12]  }
0x456: {  	s4 =	simm.s32 $0x12608;
	s24 =	rddreg [dreg:$0x2];
	s25 =	simm.s32 $0x10  }
0x457: {  	[hbm4b:s3+s13] =	stream.linear.scatter [tilespmem:s4], [sflag:$0x3], $0x4000, $0x38;
	[tilespmem:$0x1A608] =	vst v63  }
0x458: {  	s7 =	simm.s32 $0x2608;
	s14 =	simm.s32 $0x20E8;
	s26 =	rddreg [dreg:$0x5]  }
0x459: {  	[tilespmem:s7], [sflag:$0x1] =	stream.indirect.gather [hbm4b:s24+s25], $0x400, s14, s25, $0xb8;
	[tilespmem:$0x1A608] =	vst v63  }
0x45a: {  	s28 =	simm.s32 $0xA608;
	s29 =	simm.s32 $0x21E8;
	s30 =	simm.s32 $0x2  }
0x45b: {  	[tilespmem:s28], [sflag:$0x1] =	stream.indirect.gather [hbm4b:s26+s25], $0x400, s29, s25, $0xb8;
	[tilespmem:$0x1A608] =	vst v63  }
0x45c: {  	_ =	swait.ge [sflag:s30], $0x4000  }
0x45d: {  	[sflag:s30] =	ssyncset.done $0x0  }
0x45e: {  	[sflag:s30] =	ssyncadd.s32 $0xFFFFC000  }
0x45f: {  	_ =	swait.ge [sflag:s30], $0x4000  }
0x460: {  	[sflag:s30] =	ssyncset.done $0x0  }
0x461: {  	s31 =	simm.s32 $0x4;
	[sflag:s30] =	ssyncadd.s32 $0xFFFFC000  }
0x462: {  	s19 =	simm.s32 $0x6608;
	s20 =	simm.s32 $0xE608;
	_ =	swait.ge [sflag:s31], $0x4000  }
0x463: {  	s15 =	simm.s32 $0x16608;
	s16 =	simm.s32 $0x69C8;
	[sflag:s31] =	ssyncset.done $0x0  }
0x464: {  	s18 =	simm.s32 $0xE9C8;
	s22 =	simm.s32 $0x169C8;
	[sflag:s31] =	ssyncadd.s32 $0xFFFFC000  }
.LBB2_86:
0x465: {  	v5 =	vld [tilespmem:s20+$0x0]  }
0x466: {  	v6 =	vld [tilespmem:s19+$0x0];
	s21 =	simm.s32 $0x2228  }
0x467: {  	s3 =	simm.s32 $0x20;
	v7 =	vld [tilespmem:s21+$0x0]  }
0x468: {  	s4 =	sshll.u32 s13, $0xA;
	s7 =	simm.s32 $0x0;
	s3 =	sand.u32 $0x60, s3;
	v12 =	vld [tilespmem:s21+$0xFFFFFFF0]  }
0x469: {  	s14 =	simm.s32 $0x10;
	s7 =	sand.u32 $0x380, s7;
	v13 =	vld [tilespmem:s21+$0x10];
	s3 =	sor.u32 s3, s4  }
0x46a: {  	s25 =	simm.s32 $0x30;
	s14 =	sand.u32 $0x50, s14;
	v14 =	vld [tilespmem:s21+$0xFFFFFFE0];
	s17 =	sor.u32 s7, s3  }
0x46b: {  	s14 =	sor.u32 s14, s4;
	s3 =	sand.u32 $0x70, s25;
	v2 =	vld [tilespmem:s17+$0x6608]  }
0x46c: {  	s14 =	sor.u32 s7, s14;
	s3 =	sor.u32 s3, s4;
	v8 =	vld [tilespmem:s17+$0xE608]  }
0x46d: {  	v4 =	vld [tilespmem:s14+$0x6608];
	s25 =	sor.u32 s7, s3  }
0x46e: {  	v9 =	vld [tilespmem:s25+$0x6608]  }
0x46f: {  	s26 =	sor.u32 s10, s13;
	s28 =	simm.s32 $0x60;
	s29 =	simm.s32 $0x40;
	v10 =	vld [tilespmem:s14+$0xE608]  }
0x470: {  	p0 =	sgt.s32 s26, $0x7;
	s26 =	sadd.s32 $0x40, s20;
	s3 =	sand.u32 $0x60, s28;
	v11 =	vld [tilespmem:s25+$0xE608]  }
0x471: {  	s21 =	sand.u32 $0x380, s29;
	v3 =	vld [tilespmem:s26+$0x0];
	s7 =	simm.s32 $0x2268;
	s3 =	sor.u32 s3, s4;
	v15 =	vmul.f32 $4.000000060e-01, v2  }
0x472: {  	s30 =	simm.s32 $0x50;
	v61 =	vld [tilespmem:s7+$0x0];
	s3 =	sor.u32 s21, s3;
	v2 =	vpsel !p0, $0x0, v1;
	v16 =	vmul.f32 $4.000000060e-01, v4  }
0x473: {  	s23 =	simm.s32 $0x70;
	s24 =	sand.u32 $0x50, s30;
	v60 =	vld [tilespmem:s3+$0x6608];
	v8 =	vmul.f32 v8, v2;
	v7 =	vadd.f32 v15, v7;
	v9 =	vmul.f32 $4.000000060e-01, v9  }
0x474: {  	s29 =	sand.u32 $0x70, s23;
	s24 =	sor.u32 s24, s4;
	s28 =	sadd.s32 $0x40, s19;
	v6 =	vmul.f32 $4.000000060e-01, v6;
	v62 =	vld [tilespmem:s3+$0xE608];
	v10 =	vmul.f32 v10, v2;
	v12 =	vadd.f32 v16, v12  }
0x475: {  	s31 =	sor.u32 s29, s4;
	s23 =	sor.u32 s21, s24;
	v4 =	vld [tilespmem:s28+$0x0];
	v11 =	vmul.f32 v11, v2;
	v8 =	vadd.f32 v8, v7;
	v9 =	vadd.f32 v9, v13  }
0x476: {  	s24 =	sor.u32 s21, s31;
	v6 =	vadd.f32 v6, v14;
	v63 =	vmul.f32 v5, v2;
	v10 =	vadd.f32 v10, v12;
	v7 =	vld [tilespmem:s23+$0x6608]  }
0x477: {  	v5 =	vld [tilespmem:s24+$0x6608];
	[tilespmem:s17+$0x16608] =	vst v8;
	v9 =	vadd.f32 v11, v9  }
0x478: {  	v11 =	vadd.f32 v63, v6;
	[tilespmem:s14+$0x16608] =	vst v10;
	v8 =	vld [tilespmem:s23+$0xE608];
	v10 =	vmul.f32 $4.000000060e-01, v60  }
0x479: {  	s26 =	sadd.s32 $0x40, s26;
	s21 =	simm.s32 $0xB0;
	v6 =	vld [tilespmem:s24+$0xE608];
	[tilespmem:s25+$0x16608] =	vst v9  }
0x47a: {  	s17 =	simm.s32 $0x4;
	s14 =	smov.u32 s15;
	[tilespmem:s15+$0x0] =	vst v11;
	v9 =	vld [tilespmem:s7+$0xFFFFFFF0];
	v10 =	vadd.f32 v10, v61;
	v11 =	vmul.f32 v62, v2;
	s25 =	sadd.s32 $0x40, s28  }
.LBB2_87:
0x47b: {  	s28 =	sadd.s32 $0xFFFFFFE0, s21;
	s29 =	sadd.s32 $0xFFFFFFF0, s21;
	s17 =	sadd.s32 $0x4, s17;
	v7 =	vmul.f32 $4.000000060e-01, v7;
	v12 =	vld [tilespmem:s7+$0x10]  }
0x47c: {  	s30 =	sadd.s32 $0xFFFFFFD0, s21;
	s29 =	sand.u32 $0x60, s29;
	p0 =	slt.u32 s17, $0x38;
	v13 =	vld [tilespmem:s7+$0xFFFFFFE0];
	v10 =	vadd.f32 v11, v10;
	v5 =	vmul.f32 $4.000000060e-01, v5  }
0x47d: {  	s30 =	sand.u32 $0x380, s30;
	s28 =	sand.u32 $0x50, s28;
	v11 =	vld [tilespmem:s26+$0x0];
	s29 =	sor.u32 s29, s4;
	v8 =	vmul.f32 v8, v2  }
0x47e: {  	s31 =	sand.u32 $0x70, s21;
	s28 =	sor.u32 s28, s4;
	v14 =	vld [tilespmem:s25+$0x0];
	[tilespmem:s3+$0x16608] =	vst v10;
	s3 =	sor.u32 s30, s29;
	v6 =	vmul.f32 v6, v2  }
0x47f: {  	v4 =	vmul.f32 $4.000000060e-01, v4;
	s7 =	sadd.s32 $0x40, s7;
	s28 =	sor.u32 s30, s28;
	s29 =	sor.u32 s31, s4;
	v10 =	vld [tilespmem:s3+$0x6608];
	v7 =	vadd.f32 v7, v9  }
0x480: {  	s29 =	sor.u32 s30, s29;
	v15 =	vld [tilespmem:s7+$0x0];
	v5 =	vadd.f32 v5, v12  }
0x481: {  	v9 =	vmul.f32 v3, v2;
	v12 =	vld [tilespmem:s3+$0xE608];
	v13 =	vadd.f32 v4, v13;
	v8 =	vadd.f32 v8, v7  }
.Ltmp42:
0x482: {  	v7 =	vld [tilespmem:s28+$0x6608];
	v6 =	vadd.f32 v6, v5;
	v3 =	vmov v11;
	(pc) =	sbr.rel @p0 .LBB2_87-.Ltmp42, $4  }
0x483: {  	v5 =	vld [tilespmem:s29+$0x6608];
	v9 =	vadd.f32 v9, v13;
	[tilespmem:s23+$0x16608] =	vst v8;
	v4 =	vmov v14;
	s23 =	smov.u32 s28  }
0x484: {  	s14 =	sadd.s32 $0x40, s14;
	v8 =	vld [tilespmem:s23+$0xE608];
	v10 =	vmul.f32 $4.000000060e-01, v10;
	[tilespmem:s24+$0x16608] =	vst v6;
	s24 =	smov.u32 s29  }
0x485: {  	s28 =	simm.s32 $0x0;
	v6 =	vld [tilespmem:s24+$0xE608];
	[tilespmem:s14+$0x0] =	vst v9  }
0x486: {  	s21 =	sadd.s32 $0x40, s21;
	s26 =	sadd.s32 $0x40, s26;
	s25 =	sadd.s32 $0x40, s25;
	v9 =	vld [tilespmem:s7+$0xFFFFFFF0];
	v10 =	vadd.f32 v10, v15;
	v11 =	vmul.f32 v12, v2  }
0x487: {  	v12 =	vld [tilespmem:s7+$0x10]  }
0x488: {  	v13 =	vld [tilespmem:s7+$0xFFFFFFE0]  }
0x489: {  	v7 =	vmul.f32 $4.000000060e-01, v7  }
0x48a: {  	v5 =	vmul.f32 $4.000000060e-01, v5  }
0x48b: {  	v4 =	vmul.f32 $4.000000060e-01, v4;
	v8 =	vmul.f32 v8, v2;
	v7 =	vadd.f32 v7, v9  }
0x48c: {  	v63 =	vadd.f32 v11, v10;
	v6 =	vmul.f32 v6, v2;
	v5 =	vadd.f32 v5, v12  }
0x48d: {  	v3 =	vmul.f32 v3, v2;
	v4 =	vadd.f32 v4, v13;
	v7 =	vadd.f32 v8, v7  }
0x48e: {  	[tilespmem:s3+$0x16608] =	vst v63;
	v5 =	vadd.f32 v6, v5  }
0x48f: {  	v3 =	vadd.f32 v3, v4;
	[tilespmem:s23+$0x16608] =	vst v7  }
0x490: {  	s31 =	sadd.s32 $0x40, s14;
	[tilespmem:s24+$0x16608] =	vst v5  }
0x491: {  	[tilespmem:s31+$0x0] =	vst v3  }
.LBB2_89:
0x492: {  	s3 =	sshra.s32 s28, $0x2  }
0x493: {  	s4 =	sadd.s32 s3, s16  }
0x494: {  	v3 =	vld [tilespmem:s4+$0x0]  }
0x495: {  	v4 =	vld [tilespmem:s3+$0x25C8];
	s31 =	sadd.s32 s3, s18  }
0x496: {  	v5 =	vld [tilespmem:s31+$0x0];
	_ =	sdelay $0x2  }
0x497: {  	v3 =	vmul.f32 $4.000000060e-01, v3  }
0x498: {  	p0 =	sne.s32 s28, $0x80  }
.Ltmp43:
0x499: {  	v63 =	vmul.f32 v5, v2;
	v3 =	vadd.f32 v3, v4;
	(pc) =	sbr.rel @p0 .LBB2_89-.Ltmp43, $4  }
0x49a: {  	_ = 	snop  }
0x49b: {  	v3 =	vadd.f32 v63, v3  }
0x49c: {  	s3 =	sadd.s32 s3, s22  }
0x49d: {  	s28 =	sadd.s32 $0x40, s28;
	[tilespmem:s3+$0x0] =	vst v3  }
0x49e: {  	s13 =	sadd.s32 $0x1, s13  }
0x49f: {  	p0 =	sne.s32 s13, $0x10  }
.Ltmp44:
0x4a0: {  	_ = 	snop;
	(pc) =	sbr.rel @p0 .LBB2_86-.Ltmp44, $3  }
0x4a1: {  	_ =	sdelay $0x1  }
0x4a2: {  	s19 =	sadd.s32 $0x400, s19;
	s20 =	sadd.s32 $0x400, s20;
	s15 =	sadd.s32 $0x400, s15  }
0x4a3: {  	s16 =	sadd.s32 $0x400, s16;
	s18 =	sadd.s32 $0x400, s18;
	s22 =	sadd.s32 $0x400, s22  }
0x4a4: {  	s13 =	simm.s32 $0x0;
	s3 =	rddreg [dreg:$0x13]  }
0x4a5: {  	s4 =	simm.s32 $0x16608;
	s24 =	rddreg [dreg:$0x2];
	s25 =	simm.s32 $0x10  }
0x4a6: {  	[hbm4b:s3+s13] =	stream.linear.scatter [tilespmem:s4], [sflag:$0x4], $0x4000, $0x38;
	[tilespmem:$0x1A608] =	vst v63  }
0x4a7: {  	s7 =	simm.s32 $0x6608;
	s14 =	simm.s32 $0x20F8;
	s26 =	rddreg [dreg:$0x5]  }
0x4a8: {  	[tilespmem:s7], [sflag:$0x2] =	stream.indirect.gather [hbm4b:s24+s25], $0x400, s14, s25, $0xb8;
	[tilespmem:$0x1A608] =	vst v63  }
0x4a9: {  	s28 =	simm.s32 $0xE608;
	s29 =	simm.s32 $0x21F8;
	s30 =	simm.s32 $0x1  }
0x4aa: {  	[tilespmem:s28], [sflag:$0x2] =	stream.indirect.gather [hbm4b:s26+s25], $0x400, s29, s25, $0xb8;
	[tilespmem:$0x1A608] =	vst v63  }
0x4ab: {  	_ =	swait.ge [sflag:s30], $0x4000  }
0x4ac: {  	[sflag:s30] =	ssyncset.done $0x0  }
0x4ad: {  	[sflag:s30] =	ssyncadd.s32 $0xFFFFC000  }
0x4ae: {  	_ =	swait.ge [sflag:s30], $0x4000  }
0x4af: {  	[sflag:s30] =	ssyncset.done $0x0  }
0x4b0: {  	s31 =	simm.s32 $0x3;
	[sflag:s30] =	ssyncadd.s32 $0xFFFFC000  }
0x4b1: {  	s19 =	simm.s32 $0x2608;
	s20 =	simm.s32 $0xA608;
	_ =	swait.ge [sflag:s31], $0x4000  }
0x4b2: {  	s15 =	simm.s32 $0x12608;
	s16 =	simm.s32 $0x29C8;
	[sflag:s31] =	ssyncset.done $0x0  }
0x4b3: {  	s18 =	simm.s32 $0xA9C8;
	s22 =	simm.s32 $0x129C8;
	[sflag:s31] =	ssyncadd.s32 $0xFFFFC000  }
.LBB2_92:
0x4b4: {  	v5 =	vld [tilespmem:s20+$0x0]  }
0x4b5: {  	v6 =	vld [tilespmem:s19+$0x0];
	s21 =	simm.s32 $0x2228  }
0x4b6: {  	s3 =	simm.s32 $0x20;
	v7 =	vld [tilespmem:s21+$0x0]  }
0x4b7: {  	s4 =	sshll.u32 s13, $0xA;
	s7 =	simm.s32 $0x0;
	s3 =	sand.u32 $0x60, s3;
	v12 =	vld [tilespmem:s21+$0xFFFFFFF0]  }
0x4b8: {  	s14 =	simm.s32 $0x10;
	s7 =	sand.u32 $0x380, s7;
	v13 =	vld [tilespmem:s21+$0x10];
	s3 =	sor.u32 s3, s4  }
0x4b9: {  	s25 =	simm.s32 $0x30;
	s14 =	sand.u32 $0x50, s14;
	v14 =	vld [tilespmem:s21+$0xFFFFFFE0];
	s17 =	sor.u32 s7, s3  }
0x4ba: {  	s14 =	sor.u32 s14, s4;
	s3 =	sand.u32 $0x70, s25;
	v2 =	vld [tilespmem:s17+$0x2608]  }
0x4bb: {  	s14 =	sor.u32 s7, s14;
	s3 =	sor.u32 s3, s4;
	v8 =	vld [tilespmem:s17+$0xA608]  }
0x4bc: {  	v4 =	vld [tilespmem:s14+$0x2608];
	s25 =	sor.u32 s7, s3  }
0x4bd: {  	v9 =	vld [tilespmem:s25+$0x2608]  }
0x4be: {  	s26 =	sor.u32 s11, s13;
	s28 =	simm.s32 $0x60;
	s29 =	simm.s32 $0x40;
	v10 =	vld [tilespmem:s14+$0xA608]  }
0x4bf: {  	p0 =	sgt.s32 s26, $0x7;
	s26 =	sadd.s32 $0x40, s20;
	s3 =	sand.u32 $0x60, s28;
	v11 =	vld [tilespmem:s25+$0xA608]  }
0x4c0: {  	s21 =	sand.u32 $0x380, s29;
	v3 =	vld [tilespmem:s26+$0x0];
	s7 =	simm.s32 $0x2268;
	s3 =	sor.u32 s3, s4;
	v15 =	vmul.f32 $4.000000060e-01, v2  }
0x4c1: {  	s30 =	simm.s32 $0x50;
	v61 =	vld [tilespmem:s7+$0x0];
	s3 =	sor.u32 s21, s3;
	v2 =	vpsel !p0, $0x0, v1;
	v16 =	vmul.f32 $4.000000060e-01, v4  }
0x4c2: {  	s23 =	simm.s32 $0x70;
	s24 =	sand.u32 $0x50, s30;
	v60 =	vld [tilespmem:s3+$0x2608];
	v8 =	vmul.f32 v8, v2;
	v7 =	vadd.f32 v15, v7;
	v9 =	vmul.f32 $4.000000060e-01, v9  }
0x4c3: {  	s29 =	sand.u32 $0x70, s23;
	s24 =	sor.u32 s24, s4;
	s28 =	sadd.s32 $0x40, s19;
	v6 =	vmul.f32 $4.000000060e-01, v6;
	v62 =	vld [tilespmem:s3+$0xA608];
	v10 =	vmul.f32 v10, v2;
	v12 =	vadd.f32 v16, v12  }
0x4c4: {  	s31 =	sor.u32 s29, s4;
	s23 =	sor.u32 s21, s24;
	v4 =	vld [tilespmem:s28+$0x0];
	v11 =	vmul.f32 v11, v2;
	v8 =	vadd.f32 v8, v7;
	v9 =	vadd.f32 v9, v13  }
0x4c5: {  	s24 =	sor.u32 s21, s31;
	v6 =	vadd.f32 v6, v14;
	v63 =	vmul.f32 v5, v2;
	v10 =	vadd.f32 v10, v12;
	v7 =	vld [tilespmem:s23+$0x2608]  }
0x4c6: {  	v5 =	vld [tilespmem:s24+$0x2608];
	[tilespmem:s17+$0x12608] =	vst v8;
	v9 =	vadd.f32 v11, v9  }
0x4c7: {  	v11 =	vadd.f32 v63, v6;
	[tilespmem:s14+$0x12608] =	vst v10;
	v8 =	vld [tilespmem:s23+$0xA608];
	v10 =	vmul.f32 $4.000000060e-01, v60  }
0x4c8: {  	s26 =	sadd.s32 $0x40, s26;
	s21 =	simm.s32 $0xB0;
	v6 =	vld [tilespmem:s24+$0xA608];
	[tilespmem:s25+$0x12608] =	vst v9  }
0x4c9: {  	s17 =	simm.s32 $0x4;
	s14 =	smov.u32 s15;
	[tilespmem:s15+$0x0] =	vst v11;
	v9 =	vld [tilespmem:s7+$0xFFFFFFF0];
	v10 =	vadd.f32 v10, v61;
	v11 =	vmul.f32 v62, v2;
	s25 =	sadd.s32 $0x40, s28  }
.LBB2_93:
0x4ca: {  	s28 =	sadd.s32 $0xFFFFFFE0, s21;
	s29 =	sadd.s32 $0xFFFFFFF0, s21;
	s17 =	sadd.s32 $0x4, s17;
	v7 =	vmul.f32 $4.000000060e-01, v7;
	v12 =	vld [tilespmem:s7+$0x10]  }
0x4cb: {  	s30 =	sadd.s32 $0xFFFFFFD0, s21;
	s29 =	sand.u32 $0x60, s29;
	p0 =	slt.u32 s17, $0x38;
	v13 =	vld [tilespmem:s7+$0xFFFFFFE0];
	v10 =	vadd.f32 v11, v10;
	v5 =	vmul.f32 $4.000000060e-01, v5  }
0x4cc: {  	s30 =	sand.u32 $0x380, s30;
	s28 =	sand.u32 $0x50, s28;
	v11 =	vld [tilespmem:s26+$0x0];
	s29 =	sor.u32 s29, s4;
	v8 =	vmul.f32 v8, v2  }
0x4cd: {  	s31 =	sand.u32 $0x70, s21;
	s28 =	sor.u32 s28, s4;
	v14 =	vld [tilespmem:s25+$0x0];
	[tilespmem:s3+$0x12608] =	vst v10;
	s3 =	sor.u32 s30, s29;
	v6 =	vmul.f32 v6, v2  }
0x4ce: {  	v4 =	vmul.f32 $4.000000060e-01, v4;
	s7 =	sadd.s32 $0x40, s7;
	s28 =	sor.u32 s30, s28;
	s29 =	sor.u32 s31, s4;
	v10 =	vld [tilespmem:s3+$0x2608];
	v7 =	vadd.f32 v7, v9  }
0x4cf: {  	s29 =	sor.u32 s30, s29;
	v15 =	vld [tilespmem:s7+$0x0];
	v5 =	vadd.f32 v5, v12  }
0x4d0: {  	v9 =	vmul.f32 v3, v2;
	v12 =	vld [tilespmem:s3+$0xA608];
	v13 =	vadd.f32 v4, v13;
	v8 =	vadd.f32 v8, v7  }
.Ltmp45:
0x4d1: {  	v7 =	vld [tilespmem:s28+$0x2608];
	v6 =	vadd.f32 v6, v5;
	v3 =	vmov v11;
	(pc) =	sbr.rel @p0 .LBB2_93-.Ltmp45, $4  }
0x4d2: {  	v5 =	vld [tilespmem:s29+$0x2608];
	v9 =	vadd.f32 v9, v13;
	[tilespmem:s23+$0x12608] =	vst v8;
	v4 =	vmov v14;
	s23 =	smov.u32 s28  }
0x4d3: {  	s14 =	sadd.s32 $0x40, s14;
	v8 =	vld [tilespmem:s23+$0xA608];
	v10 =	vmul.f32 $4.000000060e-01, v10;
	[tilespmem:s24+$0x12608] =	vst v6;
	s24 =	smov.u32 s29  }
0x4d4: {  	s28 =	simm.s32 $0x0;
	v6 =	vld [tilespmem:s24+$0xA608];
	[tilespmem:s14+$0x0] =	vst v9  }
0x4d5: {  	s21 =	sadd.s32 $0x40, s21;
	s26 =	sadd.s32 $0x40, s26;
	s25 =	sadd.s32 $0x40, s25;
	v9 =	vld [tilespmem:s7+$0xFFFFFFF0];
	v10 =	vadd.f32 v10, v15;
	v11 =	vmul.f32 v12, v2  }
0x4d6: {  	v12 =	vld [tilespmem:s7+$0x10]  }
0x4d7: {  	v13 =	vld [tilespmem:s7+$0xFFFFFFE0]  }
0x4d8: {  	v7 =	vmul.f32 $4.000000060e-01, v7  }
0x4d9: {  	v5 =	vmul.f32 $4.000000060e-01, v5  }
0x4da: {  	v4 =	vmul.f32 $4.000000060e-01, v4;
	v8 =	vmul.f32 v8, v2;
	v7 =	vadd.f32 v7, v9  }
0x4db: {  	v63 =	vadd.f32 v11, v10;
	v6 =	vmul.f32 v6, v2;
	v5 =	vadd.f32 v5, v12  }
0x4dc: {  	v3 =	vmul.f32 v3, v2;
	v4 =	vadd.f32 v4, v13;
	v7 =	vadd.f32 v8, v7  }
0x4dd: {  	[tilespmem:s3+$0x12608] =	vst v63;
	v5 =	vadd.f32 v6, v5  }
0x4de: {  	v3 =	vadd.f32 v3, v4;
	[tilespmem:s23+$0x12608] =	vst v7  }
0x4df: {  	s31 =	sadd.s32 $0x40, s14;
	[tilespmem:s24+$0x12608] =	vst v5  }
0x4e0: {  	[tilespmem:s31+$0x0] =	vst v3  }
.LBB2_95:
0x4e1: {  	s3 =	sshra.s32 s28, $0x2  }
0x4e2: {  	s4 =	sadd.s32 s3, s16  }
0x4e3: {  	v3 =	vld [tilespmem:s4+$0x0]  }
0x4e4: {  	v4 =	vld [tilespmem:s3+$0x25C8];
	s31 =	sadd.s32 s3, s18  }
0x4e5: {  	v5 =	vld [tilespmem:s31+$0x0];
	_ =	sdelay $0x2  }
0x4e6: {  	v3 =	vmul.f32 $4.000000060e-01, v3  }
0x4e7: {  	p0 =	sne.s32 s28, $0x80  }
.Ltmp46:
0x4e8: {  	v63 =	vmul.f32 v5, v2;
	v3 =	vadd.f32 v3, v4;
	(pc) =	sbr.rel @p0 .LBB2_95-.Ltmp46, $4  }
0x4e9: {  	_ = 	snop  }
0x4ea: {  	v3 =	vadd.f32 v63, v3  }
0x4eb: {  	s3 =	sadd.s32 s3, s22  }
0x4ec: {  	s28 =	sadd.s32 $0x40, s28;
	[tilespmem:s3+$0x0] =	vst v3  }
0x4ed: {  	s13 =	sadd.s32 $0x1, s13  }
0x4ee: {  	p0 =	sne.s32 s13, $0x10  }
.Ltmp47:
0x4ef: {  	_ = 	snop;
	(pc) =	sbr.rel @p0 .LBB2_92-.Ltmp47, $3  }
0x4f0: {  	_ =	sdelay $0x1  }
0x4f1: {  	s19 =	sadd.s32 $0x400, s19;
	s20 =	sadd.s32 $0x400, s20;
	s15 =	sadd.s32 $0x400, s15  }
0x4f2: {  	s16 =	sadd.s32 $0x400, s16;
	s18 =	sadd.s32 $0x400, s18;
	s22 =	sadd.s32 $0x400, s22  }
0x4f3: {  	s13 =	simm.s32 $0x0  }
0x4f4: {  	s3 =	rddreg [dreg:$0x14];
	s4 =	simm.s32 $0x12608;
	s30 =	simm.s32 $0x2  }
0x4f5: {  	[hbm4b:s3+s13] =	stream.linear.scatter [tilespmem:s4], [sflag:$0x3], $0x4000, $0x38;
	[tilespmem:$0x1A608] =	vst v63  }
0x4f6: {  	_ =	swait.ge [sflag:s30], $0x4000  }
0x4f7: {  	[sflag:s30] =	ssyncset.done $0x0  }
0x4f8: {  	[sflag:s30] =	ssyncadd.s32 $0xFFFFC000  }
0x4f9: {  	_ =	swait.ge [sflag:s30], $0x4000  }
0x4fa: {  	[sflag:s30] =	ssyncset.done $0x0  }
0x4fb: {  	s31 =	simm.s32 $0x4;
	[sflag:s30] =	ssyncadd.s32 $0xFFFFC000  }
0x4fc: {  	s19 =	simm.s32 $0x6608;
	s20 =	simm.s32 $0xE608;
	_ =	swait.ge [sflag:s31], $0x4000  }
0x4fd: {  	s15 =	simm.s32 $0x16608;
	s16 =	simm.s32 $0x69C8;
	[sflag:s31] =	ssyncset.done $0x0  }
0x4fe: {  	s18 =	simm.s32 $0xE9C8;
	s22 =	simm.s32 $0x169C8;
	[sflag:s31] =	ssyncadd.s32 $0xFFFFC000  }
.LBB2_98:
0x4ff: {  	v5 =	vld [tilespmem:s20+$0x0]  }
0x500: {  	v6 =	vld [tilespmem:s19+$0x0];
	s21 =	simm.s32 $0x2228  }
0x501: {  	s3 =	simm.s32 $0x20;
	v7 =	vld [tilespmem:s21+$0x0]  }
0x502: {  	s4 =	sshll.u32 s13, $0xA;
	s7 =	simm.s32 $0x0;
	s3 =	sand.u32 $0x60, s3;
	v12 =	vld [tilespmem:s21+$0xFFFFFFF0]  }
0x503: {  	s14 =	simm.s32 $0x10;
	s7 =	sand.u32 $0x380, s7;
	v13 =	vld [tilespmem:s21+$0x10];
	s3 =	sor.u32 s3, s4  }
0x504: {  	s25 =	simm.s32 $0x30;
	s14 =	sand.u32 $0x50, s14;
	v14 =	vld [tilespmem:s21+$0xFFFFFFE0];
	s17 =	sor.u32 s7, s3  }
0x505: {  	s14 =	sor.u32 s14, s4;
	s3 =	sand.u32 $0x70, s25;
	v2 =	vld [tilespmem:s17+$0x6608]  }
0x506: {  	s14 =	sor.u32 s7, s14;
	s3 =	sor.u32 s3, s4;
	v8 =	vld [tilespmem:s17+$0xE608]  }
0x507: {  	v4 =	vld [tilespmem:s14+$0x6608];
	s25 =	sor.u32 s7, s3  }
0x508: {  	v9 =	vld [tilespmem:s25+$0x6608]  }
0x509: {  	s26 =	sor.u32 s12, s13;
	s28 =	simm.s32 $0x60;
	s29 =	simm.s32 $0x40;
	v10 =	vld [tilespmem:s14+$0xE608]  }
0x50a: {  	p0 =	sgt.s32 s26, $0x7;
	s26 =	sadd.s32 $0x40, s20;
	s3 =	sand.u32 $0x60, s28;
	v11 =	vld [tilespmem:s25+$0xE608]  }
0x50b: {  	s21 =	sand.u32 $0x380, s29;
	v3 =	vld [tilespmem:s26+$0x0];
	s7 =	simm.s32 $0x2268;
	s3 =	sor.u32 s3, s4;
	v15 =	vmul.f32 $4.000000060e-01, v2  }
0x50c: {  	s30 =	simm.s32 $0x50;
	v61 =	vld [tilespmem:s7+$0x0];
	s3 =	sor.u32 s21, s3;
	v2 =	vpsel !p0, $0x0, v1;
	v16 =	vmul.f32 $4.000000060e-01, v4  }
0x50d: {  	s23 =	simm.s32 $0x70;
	s24 =	sand.u32 $0x50, s30;
	v60 =	vld [tilespmem:s3+$0x6608];
	v8 =	vmul.f32 v8, v2;
	v7 =	vadd.f32 v15, v7;
	v9 =	vmul.f32 $4.000000060e-01, v9  }
0x50e: {  	s29 =	sand.u32 $0x70, s23;
	s24 =	sor.u32 s24, s4;
	s28 =	sadd.s32 $0x40, s19;
	v6 =	vmul.f32 $4.000000060e-01, v6;
	v62 =	vld [tilespmem:s3+$0xE608];
	v10 =	vmul.f32 v10, v2;
	v12 =	vadd.f32 v16, v12  }
0x50f: {  	s31 =	sor.u32 s29, s4;
	s23 =	sor.u32 s21, s24;
	v4 =	vld [tilespmem:s28+$0x0];
	v11 =	vmul.f32 v11, v2;
	v8 =	vadd.f32 v8, v7;
	v9 =	vadd.f32 v9, v13  }
0x510: {  	s24 =	sor.u32 s21, s31;
	v6 =	vadd.f32 v6, v14;
	v63 =	vmul.f32 v5, v2;
	v10 =	vadd.f32 v10, v12;
	v7 =	vld [tilespmem:s23+$0x6608]  }
0x511: {  	v5 =	vld [tilespmem:s24+$0x6608];
	[tilespmem:s17+$0x16608] =	vst v8;
	v9 =	vadd.f32 v11, v9  }
0x512: {  	v11 =	vadd.f32 v63, v6;
	[tilespmem:s14+$0x16608] =	vst v10;
	v8 =	vld [tilespmem:s23+$0xE608];
	v10 =	vmul.f32 $4.000000060e-01, v60  }
0x513: {  	s26 =	sadd.s32 $0x40, s26;
	s21 =	simm.s32 $0xB0;
	v6 =	vld [tilespmem:s24+$0xE608];
	[tilespmem:s25+$0x16608] =	vst v9  }
0x514: {  	s17 =	simm.s32 $0x4;
	s14 =	smov.u32 s15;
	[tilespmem:s15+$0x0] =	vst v11;
	v9 =	vld [tilespmem:s7+$0xFFFFFFF0];
	v10 =	vadd.f32 v10, v61;
	v11 =	vmul.f32 v62, v2;
	s25 =	sadd.s32 $0x40, s28  }
.LBB2_99:
0x515: {  	s28 =	sadd.s32 $0xFFFFFFE0, s21;
	s29 =	sadd.s32 $0xFFFFFFF0, s21;
	s17 =	sadd.s32 $0x4, s17;
	v7 =	vmul.f32 $4.000000060e-01, v7;
	v12 =	vld [tilespmem:s7+$0x10]  }
0x516: {  	s30 =	sadd.s32 $0xFFFFFFD0, s21;
	s29 =	sand.u32 $0x60, s29;
	p0 =	slt.u32 s17, $0x38;
	v13 =	vld [tilespmem:s7+$0xFFFFFFE0];
	v10 =	vadd.f32 v11, v10;
	v5 =	vmul.f32 $4.000000060e-01, v5  }
0x517: {  	s30 =	sand.u32 $0x380, s30;
	s28 =	sand.u32 $0x50, s28;
	v11 =	vld [tilespmem:s26+$0x0];
	s29 =	sor.u32 s29, s4;
	v8 =	vmul.f32 v8, v2  }
0x518: {  	s31 =	sand.u32 $0x70, s21;
	s28 =	sor.u32 s28, s4;
	v14 =	vld [tilespmem:s25+$0x0];
	[tilespmem:s3+$0x16608] =	vst v10;
	s3 =	sor.u32 s30, s29;
	v6 =	vmul.f32 v6, v2  }
0x519: {  	v4 =	vmul.f32 $4.000000060e-01, v4;
	s7 =	sadd.s32 $0x40, s7;
	s28 =	sor.u32 s30, s28;
	s29 =	sor.u32 s31, s4;
	v10 =	vld [tilespmem:s3+$0x6608];
	v7 =	vadd.f32 v7, v9  }
0x51a: {  	s29 =	sor.u32 s30, s29;
	v15 =	vld [tilespmem:s7+$0x0];
	v5 =	vadd.f32 v5, v12  }
0x51b: {  	v9 =	vmul.f32 v3, v2;
	v12 =	vld [tilespmem:s3+$0xE608];
	v13 =	vadd.f32 v4, v13;
	v8 =	vadd.f32 v8, v7  }
.Ltmp48:
0x51c: {  	v7 =	vld [tilespmem:s28+$0x6608];
	v6 =	vadd.f32 v6, v5;
	v3 =	vmov v11;
	(pc) =	sbr.rel @p0 .LBB2_99-.Ltmp48, $4  }
0x51d: {  	v5 =	vld [tilespmem:s29+$0x6608];
	v9 =	vadd.f32 v9, v13;
	[tilespmem:s23+$0x16608] =	vst v8;
	v4 =	vmov v14;
	s23 =	smov.u32 s28  }
0x51e: {  	s14 =	sadd.s32 $0x40, s14;
	v8 =	vld [tilespmem:s23+$0xE608];
	v10 =	vmul.f32 $4.000000060e-01, v10;
	[tilespmem:s24+$0x16608] =	vst v6;
	s24 =	smov.u32 s29  }
0x51f: {  	s28 =	simm.s32 $0x0;
	v6 =	vld [tilespmem:s24+$0xE608];
	[tilespmem:s14+$0x0] =	vst v9  }
0x520: {  	s21 =	sadd.s32 $0x40, s21;
	s26 =	sadd.s32 $0x40, s26;
	s25 =	sadd.s32 $0x40, s25;
	v9 =	vld [tilespmem:s7+$0xFFFFFFF0];
	v10 =	vadd.f32 v10, v15;
	v11 =	vmul.f32 v12, v2  }
0x521: {  	v12 =	vld [tilespmem:s7+$0x10]  }
0x522: {  	v13 =	vld [tilespmem:s7+$0xFFFFFFE0]  }
0x523: {  	v7 =	vmul.f32 $4.000000060e-01, v7  }
0x524: {  	v5 =	vmul.f32 $4.000000060e-01, v5  }
0x525: {  	v4 =	vmul.f32 $4.000000060e-01, v4;
	v8 =	vmul.f32 v8, v2;
	v7 =	vadd.f32 v7, v9  }
0x526: {  	v63 =	vadd.f32 v11, v10;
	v6 =	vmul.f32 v6, v2;
	v5 =	vadd.f32 v5, v12  }
0x527: {  	v3 =	vmul.f32 v3, v2;
	v4 =	vadd.f32 v4, v13;
	v7 =	vadd.f32 v8, v7  }
0x528: {  	[tilespmem:s3+$0x16608] =	vst v63;
	v5 =	vadd.f32 v6, v5  }
0x529: {  	v3 =	vadd.f32 v3, v4;
	[tilespmem:s23+$0x16608] =	vst v7  }
0x52a: {  	s31 =	sadd.s32 $0x40, s14;
	[tilespmem:s24+$0x16608] =	vst v5  }
0x52b: {  	[tilespmem:s31+$0x0] =	vst v3  }
.LBB2_101:
0x52c: {  	s3 =	sshra.s32 s28, $0x2  }
0x52d: {  	s4 =	sadd.s32 s3, s16  }
0x52e: {  	v3 =	vld [tilespmem:s4+$0x0]  }
0x52f: {  	v4 =	vld [tilespmem:s3+$0x25C8];
	s31 =	sadd.s32 s3, s18  }
0x530: {  	v5 =	vld [tilespmem:s31+$0x0];
	_ =	sdelay $0x2  }
0x531: {  	v3 =	vmul.f32 $4.000000060e-01, v3  }
0x532: {  	p0 =	sne.s32 s28, $0x80  }
.Ltmp49:
0x533: {  	v63 =	vmul.f32 v5, v2;
	v3 =	vadd.f32 v3, v4;
	(pc) =	sbr.rel @p0 .LBB2_101-.Ltmp49, $4  }
0x534: {  	_ = 	snop  }
0x535: {  	v3 =	vadd.f32 v63, v3  }
0x536: {  	s3 =	sadd.s32 s3, s22  }
0x537: {  	s28 =	sadd.s32 $0x40, s28;
	[tilespmem:s3+$0x0] =	vst v3  }
0x538: {  	s13 =	sadd.s32 $0x1, s13  }
0x539: {  	p0 =	sne.s32 s13, $0x10  }
.Ltmp50:
0x53a: {  	_ = 	snop;
	(pc) =	sbr.rel @p0 .LBB2_98-.Ltmp50, $3  }
0x53b: {  	_ =	sdelay $0x1  }
0x53c: {  	s19 =	sadd.s32 $0x400, s19;
	s20 =	sadd.s32 $0x400, s20;
	s15 =	sadd.s32 $0x400, s15  }
0x53d: {  	s16 =	sadd.s32 $0x400, s16;
	s18 =	sadd.s32 $0x400, s18;
	s22 =	sadd.s32 $0x400, s22  }
0x53e: {  	s7 =	simm.s32 $0x0  }
0x53f: {  	s3 =	rddreg [dreg:$0x15];
	s4 =	simm.s32 $0x16608;
	s29 =	simm.s32 $0x3  }
0x540: {  	[hbm4b:s3+s7] =	stream.linear.scatter [tilespmem:s4], [sflag:$0x4], $0x4000, $0x38;
	[tilespmem:$0x1A608] =	vst v63  }
0x541: {  	_ =	swait.ge [sflag:s29], $0x4000  }
0x542: {  	[sflag:s29] =	ssyncset.done $0x0  }
0x543: {  	s30 =	simm.s32 $0x4;
	[sflag:s29] =	ssyncadd.s32 $0xFFFFC000  }
0x544: {  	_ =	swait.ge [sflag:s30], $0x4000  }
0x545: {  	s13 =	rddreg [dreg:$0x1d]  }
0x546: {  	s31 =	rddreg [dreg:$0x16];
	s13 =	sadd.s32 $0x1, s13  }
0x547: {  	p0 =	sne.s32 s13, s31  }
.Ltmp51:
0x548: {  	_ = 	snop;
	(pc) =	sbr.rel @p0 .LBB2_1-.Ltmp51, $3  }
0x549: {  	_ =	sdelay $0x1  }
0x54a: {  	[sflag:s30] =	ssyncset.done $0x0  }
0x54b: {  	[sflag:s30] =	ssyncadd.s32 $0xFFFFC000  }
0x54c: {  	_ =	sfence.sel $0x180000  }
0x54d: {  	[bflag:$0x0] =	sbarrier.arrive $0xFFFF  }
0x54e: {  	_ =	strace $0x9000004A  }
0x54f: {  	s0 =	stileid.u32;
	[bflag:$0x2] =	sbarrier.arrive $0xFFFF  }
0x550: {  	p0 =	sne.s32 s0, $0x0;
	s0 =	rddreg [dreg:$0x3]  }
0x551: {  	s0 =	sadd.s32 @!p0 $0x100000, s0  }
0x552: {  	[sflag:s0] =	ssyncadd.tile.s32 @!p0 $0x1;
	_ =	shalt  }
.Lfunc_end2:
_tile_overlayer_lowered:
.L_overlay_start_2:
0x553: {  	(tag) =	ssettag $0x2  }
0x554: {  	s0 =	rddreg [dreg:$0x0];
	s2 =	stileid.u32  }
0x555: {  	s1 =	rddreg [dreg:$0x1];
	p0 =	sne.s32 s2, $0x0  }
0x556: {  	s3 =	rddreg [dreg:$0x2];
	[bflag:$0x3] =	sbarrier.arrive $0xFFFF;
	s2 =	simm.s32 @!p0 $0x1C05  }
0x557: {  	[timem:s3], [sflag:s2] =	dma.local @!p0 [hbm:s0], s1  }
0x558: {  	s0 =	simm.s32 @!p0 $0x5  }
0x559: {  	_ =	swait.ge @!p0 [sflag:s0], s1  }
0x55a: {  	s1 =	ssub.s32 @!p0 $0x0, s1;
	[sflag:s0] =	ssyncset.done @!p0 $0x0  }
0x55b: {  	[sflag:s0] =	ssyncadd.s32 @!p0 s1  }
0x55c: {  	[bflag:$0x3] =	sbarrier.arrive $0xFFFF  }
0x55d: {  	_ =	shalt  }

// kernel: sparse-core-data-format-call.cloned.1.call-start
scs
called_computation_lowered:
.L_overlay_start_0:
0x0: {  	s1 =	sld [smem:$0x3FD9]  }
0x1: {  	s2 =	sld [smem:$0x3FFE];
	_ =	sdelay $0x1  }
0x2: {  	s3 =	srdreg.scid  }
0x3: {  	s0 =	sand.u32 $0x1, s3  }
0x4: {  	s17 =	sshll.u32 s0, $0xA;
	s1 =	sadd.s32 s2, s1  }
0x5: {  	s1 =	sadd.s32 s1, s17  }
0x6: {  	[smem:$0x3FC4] =	sst s1  }
0x7: {  	_ = 	snop  }
0x8: {  	(tm) =	ssettm $0x1  }
0x9: {  	s18 =	sld [smem:$0x3FFB];
	_ =	sdelay $0x3  }
0xa: {  	_ =	strace s18  }
0xb: {  	s1 =	sld [smem:$0x3FFC];
	_ =	sdelay $0x3  }
0xc: {  	_ =	strace s1  }
0xd: {  	s1 =	sld [smem:$0x3FFD];
	_ =	sdelay $0x3  }
0xe: {  	_ =	strace s1  }
0xf: {  	_ =	strace $0x8FFFFFFF  }
0x10: {  	s19 =	sld [smem:$0x3FDB];
	_ =	sdelay $0x1  }
0x11: {  	s20 =	simm.s32 $_scs_section_size  }
0x12: {  	s4 =	simm.s32 $_size__tile_overlayer_lowered;
	s5 =	simm.s32 $_tile_overlayer_lowered  }
0x13: {  	s23 =	simm.s32 $0x1BFF;
	s22 =	sshll.u32 s5, $0x1;
	s1 =	sadd.s32 s20, s19  }
0x14: {  	s6 =	simm.s32 $0x0;
	s21 =	sshll.u32 s4, $0x1;
	s4 =	sadd.s32 s22, s1  }
0x15: {  	[timem:s6], [sflag:s23] =	dma.local [hbm:s4], s21  }
0x16: {  	_ =	swait.ge [sflag:s23], s21  }
0x17: {  	s2 =	ssub.s32 $0x0, s21;
	[sflag:s23] =	ssyncset.done $0x0  }
0x18: {  	[sflag:s23] =	ssyncadd.s32 s2;
	_ =	sdelay $0x1  }
0x19: {  	s24 =	simm.s32 $0x1B8B  }
0x1a: {  	_ =	swait.ge [sflag:s24], $0x1  }
0x1b: {  	[sflag:s24] =	ssyncset.done $0x0  }
0x1c: {  	s26 =	simm.s32 $0x1B8E;
	s25 =	sld [smem:$0x3FFE];
	[sflag:s24] =	ssyncadd.s32 $0xFFFFFFFF  }
0x1d: {  	s27 =	simm.s32 $execute0_lowered;
	[smem:$0x3FD2] =	sst s26  }
0x1e: {  	s4 =	sshll.u32 s27, $0x1;
	_ =	strace $0x80000046;
	[dreg:$0x1] =	wrdreg $0xFFFFFFFF  }
0x1f: {  	s28 =	simm.s32 $_size_execute0_lowered;
	s1 =	sadd.s32 s1, s4;
	[dreg:$0x0] =	wrdreg $0x0  }
0x20: {  	s4 =	sshll.u32 s28, $0x1;
	[dreg:$0x2] =	wrdreg s1  }
0x21: {  	[dreg:$0x3] =	wrdreg s4  }
0x22: {  	[dreg:$0x4] =	wrdreg $0xC0  }
0x23: {  	_ =	task [dreg:s6], $0x5FFFF  }
0x24: {  	[dreg:$0x1] =	wrdreg $0xFFFFFFFF  }
0x25: {  	[dreg:$0x0] =	wrdreg $0x60  }
0x26: {  	[dreg:$0x2] =	wrdreg s25  }
0x27: {  	[dreg:$0x3] =	wrdreg $0x9  }
0x28: {  	_ =	task.clear_ibuf [dreg:s6], $0x4FFFF;
	_ =	strace $0x90000046  }
0x29: {  	s29 =	simm.s32 $0x9;
	_ =	strace $0x80000048  }
0x2a: {  	_ =	swait.ge [sflag:s29], $0x1  }
0x2b: {  	[sflag:s29] =	ssyncadd.s32 $0xFFFFFFFF  }
0x2c: {  	_ =	strace $0x90000048  }
0x2d: {  	_ =	sfence  }
0x2e: {  	s30 =	sld [smem:$0x0];
	_ =	sdelay $0x2  }
0x2f: {  	s31 =	sshll.u32 s3, $0xD;
	s3 =	sshrl.u32 s3, $0x2  }
0x30: {  	s2 =	sand.u32 $0x4000, s31;
	s1 =	sadd.s32 s3, s30  }
0x31: {  	s0 =	sor.u32 s2, s0;
	s1 =	sshll.u32 s1, $0x11  }
0x32: {  	s0 =	sor.u32 s1, s0  }
0x33: {  	s0 =	sadd.s32 $0x8F2B, s0  }
0x34: {  	[sflag:s0] =	ssyncadd.remote.s32 $0x1  }
0x35: {  	_ =	sfence.sel $0xFFFF  }
0x36: {  	[dreg:$0x0] =	wrdreg $0xFFFFFFFF;
	(pc) =	sbr.abs _section_cstart, $3  }
0x37: {  	[dreg:$0x1] =	wrdreg $0xFFFFFFFF  }
0x38: {  	_ =	task.clear_ibuf [dreg:s6], $0x2FFFF;
	_ =	strace $0x9FFFFFFF  }
0x39: {  	(tm) =	ssettm $0x7FFFFFFF  }
tec
execute0_lowered:
.L_overlay_start_1:
0x0: {  	(tag) =	ssettag $0x1  }
0x1: {  	s0 =	stileid.u32  }
0x2: {  	s1 =	srdreg.scid;
	s4 =	rddreg [dreg:$0x0];
	s8 =	simm.s32 $0x1  }
0x3: {  	s9 =	simm.s32 $0x2;
	s15 =	simm.s32 $0x0;
	s14 =	simm.s32 $0x0  }
0x4: {  	s16 =	simm.s32 $0x0;
	s2 =	sshll.u32 s0, $0x4;
	s1 =	sshll.u32 s1, $0x8  }
0x5: {  	s11 =	simm.s32 $0x0;
	s13 =	simm.s32 $0x0;
	s2 =	sor.u32 s2, s1  }
0x6: {  	s3 =	sadd.s32 $0xC00, s4;
	s4 =	sadd.s32 $0x100C00, s4;
	s2 =	sand.u32 $0x180, s2  }
0x7: {  	s5 =	sand.u32 $0x7, s0;
	s1 =	rddreg [dreg:$0x1];
	s7 =	ssub.s32 $0x2000, s2  }
.Ltmp0:
0x8: {  	_ =	strace $0x80000047;
	s6 =	sand.u32 $0x180, s7;
	(pc) =	sbr.rel .LBB1_1-.Ltmp0, $4  }
0x9: {  	s12 =	smov.u32 s5;
	s10 =	smov.u32 s2;
	p0 =	sne.s32 s6, $0x0  }
0xa: {  	s7 =	sshrl.u32 s7, $0x9;
	s6 =	simm.s32 $0x1;
	s8 =	simm.s32 @!p0 $0x0  }
0xb: {  	[sflag:s6] =	ssyncpa.u1 $0x0;
	p0 =	por $0x0, $0x0;
	s7 =	sadd.s32 s8, s7  }
0xc: {  	[sflag:s9] =	ssyncpa.u1 $0x0;
	s9 =	simm.s32 $0x400;
	s8 =	sadd.s32 $0x1, s7  }
.LBB1_4:
0xd: {  	v5 =	vld [tilespmem:s20+$0xFFFFFFD0];
	[tilespmem:s19+$0x2040 ss:$0x81] =	vst.msk $0xffff, v1  }
0xe: {  	v58 =	vld [tilespmem:s20+$0xFFFFFFE0];
	[tilespmem:s19+$0x2850 ss:$0x81] =	vst.msk $0xffff, v2  }
0xf: {  	s21 =	sshra.s32 s21, $0x2;
	v59 =	vld [tilespmem:s20+$0xFFFFFFF0];
	[tilespmem:s19+$0x3060 ss:$0x81] =	vst.msk $0xffff, v3  }
0x10: {  	v60 =	vld [tilespmem:s20+$0x0];
	[tilespmem:s19+$0x0 ss:$0x81] =	vst.msk $0xffff, v0;
	s18 =	sadd.s32 s21, s18  }
0x11: {  	v61 =	vld [tilespmem:s20+$0x10];
	[tilespmem:s18+$0x3870 ss:$0x81] =	vst.msk $0xffff, v4  }
0x12: {  	v62 =	vld [tilespmem:s20+$0x20];
	[tilespmem:s18+$0x810 ss:$0x81] =	vst.msk $0xffff, v5  }
0x13: {  	v63 =	vld [tilespmem:s20+$0xFFFFFFC0];
	[tilespmem:s18+$0x1020 ss:$0x81] =	vst.msk $0xffff, v58  }
0x14: {  	s16 =	sshll.u32 s16, $0x4;
	[tilespmem:s18+$0x1830 ss:$0x81] =	vst.msk $0xffff, v59  }
0x15: {  	s15 =	sshll.u32 s15, $0x7;
	s16 =	sand.u32 $0x70, s16;
	[tilespmem:s18+$0x2040 ss:$0x81] =	vst.msk $0xffff, v60  }
0x16: {  	s30 =	sshrl.u32 s14, $0x3;
	s31 =	sand.u32 $0x7, s14;
	s16 =	sadd.s32 s4, s16;
	[tilespmem:s18+$0x2850 ss:$0x81] =	vst.msk $0xffff, v61  }
0x17: {  	s19 =	sand.u32 $0xF, s30;
	s14 =	sshll.u32 s31, $0x12;
	s15 =	sadd.s32 s15, s16;
	[tilespmem:s18+$0x3060 ss:$0x81] =	vst.msk $0xffff, v62  }
0x18: {  	s14 =	sor.u32 $0x80, s14;
	s15 =	sadd.s32 s19, s15;
	[tilespmem:s18+$0x0 ss:$0x81] =	vst.msk $0xffff, v63  }
0x19: {  	[hbm4b:s15+s14] =	stream.strided.scatter [tilespmem:s17], [sflag:$0x2], $0x4000, s9, s14, $0x20;
	[tilespmem:$0x10100] =	vst v63  }
.LBB1_5:
0x1a: {  	s17 =	sadd.s32 $0x200, s10  }
0x1b: {  	s14 =	sadd.s32 $0x80, s11;
	s18 =	smov.u32 s11;
	p2 =	sgt.s32 s17, $0x1FFF  }
0x1c: {  	s18 =	smov.u32 @p2 s14  }
0x1d: {  	s20 =	smov.u32 s12;
	s14 =	sadd.s32 $0x8, s12;
	p3 =	sgt.s32 s18, $0x7F  }
0x1e: {  	s20 =	smov.u32 @p3 s14  }
0x1f: {  	s17 =	smov.u32 @p2 s2;
	p2 =	sgt.s32 s20, $0x7  }
0x20: {  	p1 =	slt.u32 s13, $0x2;
	s20 =	smov.u32 @p2 s5;
	p2 =	sne.s32 s13, s8  }
.Ltmp1:
0x21: {  	s19 =	simm.s32 @!p1 $0x2;
	(pc) =	sbr.rel @!p2 .LBB1_6-.Ltmp1, $4  }
0x22: {  	s15 =	smov.u32 s10;
	s16 =	smov.u32 s12;
	_ =	swait.ge @!p1 [sflag:s19], $0x4000  }
0x23: {  	p0 =	por !p0, !p0;
	[sflag:s19] =	ssyncset.done @!p1 $0x0;
	s10 =	smov.u32 s17  }
0x24: {  	s18 =	simm.s32 @p3 $0x0;
	s14 =	smov.u32 s11;
	[sflag:s19] =	ssyncadd.s32 @!p1 $0xFFFFC000  }
0x25: {  	s11 =	smov.u32 s18;
	s13 =	sadd.s32 $0x1, s13;
	s12 =	smov.u32 s20  }
.LBB1_1:
0x26: {  	p1 =	sge.u32 s13, s7;
	s31 =	sadd.s32 $0xFFFFFFFF, s13  }
0x27: {  	s17 =	sxor.u32 @!p1 $0xFFFFFFFF, s13;
	s18 =	sand.u32 @!p1 $0x78, s10;
	s19 =	sshll.u32 @!p1 s11, $0xD  }
0x28: {  	s20 =	sshll.u32 @!p1 s11, $0x7;
	s21 =	sshll.u32 @!p1 s10, $0x3;
	s17 =	sshll.u32 @!p1 s17, $0xE  }
0x29: {  	s19 =	sand.u32 @!p1 $0xF0000, s19;
	s20 =	sand.u32 @!p1 $0x380, s20;
	s17 =	sand.u32 @!p1 $0x4000, s17  }
0x2a: {  	s19 =	sadd.s32 @!p1 s19, s21;
	s21 =	sand.u32 @!p1 $0x1C00, s21;
	s18 =	sor.u32 @!p1 s20, s18  }
0x2b: {  	s20 =	sshll.u32 @!p1 s12, $0x11;
	s18 =	sor.u32 @!p1 s21, s18;
	s19 =	sshrl.u32 @!p1 s19, $0x3  }
0x2c: {  	s20 =	sadd.s32 @!p1 s3, s20;
	s21 =	sand.u32 @!p1 $0x7, s10;
	s19 =	sand.u32 @!p1 $0x1FC00, s19  }
0x2d: {  	s18 =	sshrl.u32 @!p1 s18, $0x3;
	s19 =	sadd.s32 @!p1 s19, s20;
	s20 =	sshll.u32 @!p1 s21, $0x12  }
0x2e: {  	s18 =	sadd.s32 @!p1 s18, s19;
	s19 =	sor.u32 @!p1 $0x400, s20;
	s20 =	simm.s32 @!p1 $0x10000  }
0x2f: {  	[tilespmem:s17], [sflag:$0x1] =	stream.strided.gather @!p1 [hbm4b:s18+s19], $0x4000, s20, s19, $0x38;
	[tilespmem:$0x10100] =	vst v63  }
0x30: {  	p1 =	sge.u32 s31, s7  }
.Ltmp2:
0x31: {  	_ = 	snop;
	(pc) =	sbr.rel @p1 .LBB1_5-.Ltmp2, $1  }
0x32: {  	_ =	sdelay $0x3  }
0x33: {  	s17 =	simm.s32 $0x1  }
0x34: {  	_ =	swait.ge [sflag:s6], $0x4000;
	s17 =	simm.s32 @!p0 $0x0  }
0x35: {  	[sflag:s6] =	ssyncset.done $0x0;
	s18 =	sshll.u32 s17, $0xE  }
0x36: {  	[sflag:s6] =	ssyncadd.s32 $0xFFFFC000;
	s20 =	sor.u32 $0x40, s18  }
0x37: {  	s17 =	smul.u32 $0x10200, s17;
	v0 =	vld [tilespmem:s20+$0x30]  }
0x38: {  	v3 =	vld [tilespmem:s20+$0xFFFFFFD0]  }
0x39: {  	s17 =	sshrl.u32 s17, $0x2;
	v4 =	vld [tilespmem:s20+$0xFFFFFFE0]  }
0x3a: {  	v5 =	vld [tilespmem:s20+$0xFFFFFFF0];
	s18 =	sor.u32 $0x8000, s17  }
0x3b: {  	s31 =	sand.u32 $0x1, s13;
	v1 =	vld [tilespmem:s20+$0x0];
	s19 =	sadd.s32 $0x0, s18  }
0x3c: {  	v2 =	vld [tilespmem:s20+$0x10];
	s17 =	smul.u32 $0x10200, s31;
	[tilespmem:s19+$0x3870 ss:$0x81] =	vst.msk $0xffff, v0  }
0x3d: {  	[tilespmem:s19+$0x810 ss:$0x81] =	vst.msk $0xffff, v3;
	v3 =	vld [tilespmem:s20+$0x20]  }
0x3e: {  	s17 =	sshrl.u32 s17, $0x2;
	v0 =	vld [tilespmem:s20+$0xFFFFFFC0];
	[tilespmem:s19+$0x1020 ss:$0x81] =	vst.msk $0xffff, v4;
	s20 =	sadd.s32 $0x80, s20  }
0x3f: {  	s21 =	simm.s32 $0x4;
	s22 =	simm.s32 $0x8;
	s17 =	sor.u32 $0x8000, s17;
	[tilespmem:s19+$0x1830 ss:$0x81] =	vst.msk $0xffff, v5;
	v4 =	vld [tilespmem:s20+$0x30]  }
.LBB1_3:
0x40: {  	p1 =	sne.s32 s22, $0x1FC;
	v5 =	vld [tilespmem:s20+$0xFFFFFFD0];
	[tilespmem:s19+$0x2040 ss:$0x81] =	vst.msk $0xffff, v1  }
0x41: {  	v6 =	vld [tilespmem:s20+$0xFFFFFFE0];
	[tilespmem:s19+$0x2850 ss:$0x81] =	vst.msk $0xffff, v2  }
0x42: {  	s23 =	sshra.s32 s21, $0x2;
	s21 =	smov.u32 s22;
	v7 =	vld [tilespmem:s20+$0xFFFFFFF0];
	[tilespmem:s19+$0x3060 ss:$0x81] =	vst.msk $0xffff, v3  }
.Ltmp3:
0x43: {  	v1 =	vld [tilespmem:s20+$0x0];
	[tilespmem:s19+$0x0 ss:$0x81] =	vst.msk $0xffff, v0;
	s19 =	sadd.s32 s23, s18;
	(pc) =	sbr.rel @p1 .LBB1_3-.Ltmp3, $4  }
0x44: {  	v2 =	vld [tilespmem:s20+$0x10];
	[tilespmem:s19+$0x3870 ss:$0x81] =	vst.msk $0xffff, v4  }
0x45: {  	[tilespmem:s19+$0x810 ss:$0x81] =	vst.msk $0xffff, v5;
	v3 =	vld [tilespmem:s20+$0x20]  }
0x46: {  	v0 =	vld [tilespmem:s20+$0xFFFFFFC0];
	[tilespmem:s19+$0x1020 ss:$0x81] =	vst.msk $0xffff, v6;
	s20 =	sadd.s32 $0x80, s20  }
0x47: {  	s22 =	sadd.s32 $0x4, s22;
	v4 =	vld [tilespmem:s20+$0x30];
	[tilespmem:s19+$0x1830 ss:$0x81] =	vst.msk $0xffff, v7  }
.Ltmp4:
0x48: {  	_ = 	snop;
	(pc) =	sbr.rel .LBB1_4-.Ltmp4, $1  }
0x49: {  	_ =	sdelay $0x3  }
.LBB1_6:
0x4a: {  	_ =	sfence.sel $0x180000  }
0x4b: {  	s2 =	simm.s32 $0x1;
	[bflag:$0x0] =	sbarrier.arrive $0xFFFF  }
0x4c: {  	s31 =	simm.s32 $0x2;
	[sflag:s2] =	ssyncpa.u1 $0x1  }
0x4d: {  	[sflag:s31] =	ssyncpa.u1 $0x1  }
0x4e: {  	p0 =	sne.s32 s0, $0x0;
	_ =	strace $0x90000047  }
0x4f: {  	s0 =	sadd.s32 @!p0 $0x100000, s1;
	[bflag:$0x2] =	sbarrier.arrive $0xFFFF  }
0x50: {  	[sflag:s0] =	ssyncadd.tile.s32 @!p0 $0x1;
	_ =	shalt  }
.Lfunc_end1:
_tile_overlayer_lowered:
.L_overlay_start_2:
0x51: {  	(tag) =	ssettag $0x2  }
0x52: {  	s0 =	rddreg [dreg:$0x0];
	s2 =	stileid.u32  }
0x53: {  	s1 =	rddreg [dreg:$0x1];
	p0 =	sne.s32 s2, $0x0  }
0x54: {  	s3 =	rddreg [dreg:$0x2];
	[bflag:$0x3] =	sbarrier.arrive $0xFFFF;
	s2 =	simm.s32 @!p0 $0x1C01  }
0x55: {  	[timem:s3], [sflag:s2] =	dma.local @!p0 [hbm:s0], s1  }
0x56: {  	s0 =	simm.s32 @!p0 $0x1  }
0x57: {  	_ =	swait.ge @!p0 [sflag:s0], s1  }
0x58: {  	s1 =	ssub.s32 @!p0 $0x0, s1;
	[sflag:s0] =	ssyncset.done @!p0 $0x0  }
0x59: {  	[sflag:s0] =	ssyncadd.s32 @!p0 s1  }
0x5a: {  	[bflag:$0x3] =	sbarrier.arrive $0xFFFF  }
0x5b: {  	_ =	shalt  }

</sc_bundles>
